<compile_context>
chip_gen: v7x
topology: tpu7x:2x2x1
jax: 0.10.2.dev20260603
libtpu: 0.0.44.dev20260713+nightly
codegen_flags: <defaults>
</compile_context>

<pallas_src>
import functools

import jax
import jax.numpy as jnp
from jax import lax
from jax.experimental import pallas as pl
from jax.experimental.pallas import tpu as pltpu
from jax.experimental.pallas import tpu_sc as plsc

B = 1024
N = 100000
H = 200
HP = 208
K = 20
L = 16
C = 20000
NC = N // C
U = 10
STEP = L * U
ITERS = C // STEP
CAP = 256
NEG_INF = float("-inf")
BIGI = 2 ** 30

_info = plsc.get_sparse_core_info()
NCORES = _info.num_cores
NSUB = _info.num_subcores
NW = NCORES * NSUB
ROWS_PW = B // NW
TOTAL_CHUNKS = ROWS_PW * NC


def _body(scores_hbm, hist_hbm, outv_hbm, outi_hbm,
          chunks, histv, bufv, bufi, stagev, stagei, sem):
    wid = lax.axis_index("s") * NCORES + lax.axis_index("c")
    region = wid * (ROWS_PW * N)
    iota = lax.iota(jnp.int32, L)
    ninf_v = jnp.full((L,), NEG_INF, jnp.float32)
    bigi_v = jnp.full((L,), BIGI, jnp.int32)

    def start_chunk(flat):
        off = region + flat * C
        par = lax.rem(flat, 2)
        pltpu.make_async_copy(scores_hbm.at[pl.ds(off, C)],
                              chunks.at[pl.ds(par * C, C)], sem).start()

    def wait_chunk(flat, par):
        off = region + flat * C
        pltpu.make_async_copy(scores_hbm.at[pl.ds(off, C)],
                              chunks.at[pl.ds(par * C, C)], sem).wait()

    def select_topk(cnt):
        nv = (cnt + (L - 1)) // L

        def ext_body(t, carry):
            vlo, vhi, ilo, ihi, _ = carry

            def scan_vreg(i, bc):
                bv, bi = bc
                pos = i * L + iota
                v = bufv[pl.ds(i * L, L)]
                ci = bufi[pl.ds(i * L, L)]
                valid = pos < cnt
                v = jnp.where(valid, v, ninf_v)
                ci = jnp.where(valid, ci, bigi_v)
                better = (v > bv) | ((v == bv) & (ci < bi))
                return jnp.where(better, v, bv), jnp.where(better, ci, bi)

            bv, bi = lax.fori_loop(0, nv, scan_vreg, (ninf_v, bigi_v))
            mv = jnp.max(bv)
            mi = jnp.min(jnp.where(bv == mv, bi, bigi_v))

            def rm_body(i, tok):
                v = bufv[pl.ds(i * L, L)]
                ci = bufi[pl.ds(i * L, L)]
                sel = (v == mv) & (ci == mi)
                bufv[pl.ds(i * L, L)] = jnp.where(sel, ninf_v, v)
                return tok

            lax.fori_loop(0, nv, rm_body, jnp.int32(0))

            mvv = jnp.full((L,), mv)
            miv = jnp.full((L,), mi)
            lsel = iota == lax.rem(t, L)
            lo = t < L
            vlo = jnp.where(lsel & lo, mvv, vlo)
            ilo = jnp.where(lsel & lo, miv, ilo)
            vhi = jnp.where(lsel & jnp.logical_not(lo), mvv, vhi)
            ihi = jnp.where(lsel & jnp.logical_not(lo), miv, ihi)
            return vlo, vhi, ilo, ihi, mv

        init = (ninf_v, ninf_v, bigi_v, bigi_v, jnp.float32(NEG_INF))
        return lax.fori_loop(0, K, ext_body, init)

    def compact(cnt):
        vlo, vhi, ilo, ihi, kth = select_topk(cnt)
        bufv[pl.ds(0, L)] = vlo
        bufv[pl.ds(L, L)] = vhi
        bufi[pl.ds(0, L)] = ilo
        bufi[pl.ds(L, L)] = ihi
        return jnp.full((L,), kth), kth, jnp.int32(2 * L)

    def hist_scatter(cbase, par):
        for h in range(HP // L):
            hv = histv[pl.ds(h * L, L)]
            col = hv - 1
            m = (hv > 0) & (col >= cbase) & (col < cbase + C)
            lidx = jnp.where(m, col - cbase + par * C, par * C)
            plsc.store_scatter(chunks, [lidx], ninf_v, mask=m)

    def make_scan_step(cbase, par):
        def scan_step(i, tc):
            thresh, thresh_s, cnt = tc
            base = par * C + i * STEP
            vs = [chunks[pl.ds(base + j * L, L)] for j in range(U)]
            mx = list(vs)
            while len(mx) > 1:
                mx = [jnp.maximum(mx[t], mx[t + 1])
                      for t in range(0, len(mx) - 1, 2)] + (
                          [mx[-1]] if len(mx) % 2 else [])
            mx_s = jnp.max(mx[0])

            def do_insert(tc):
                thresh, thresh_s, cnt = tc
                for j in range(U):
                    v = chunks[pl.ds(base + j * L, L)]
                    m = v >= thresh
                    mi32 = m.astype(jnp.int32)
                    col = (cbase + i * STEP + j * L) + iota
                    pos = cnt + jnp.cumsum(mi32) - mi32
                    plsc.store_scatter(bufv, [pos], v, mask=m)
                    plsc.store_scatter(bufi, [pos], col, mask=m)
                    cnt = cnt + jnp.sum(mi32)
                    thresh, thresh_s, cnt = lax.cond(
                        cnt > CAP - L, compact,
                        lambda c, t=thresh, ts=thresh_s: (t, ts, c), cnt)
                return thresh, thresh_s, cnt

            return lax.cond(mx_s >= thresh_s, do_insert, lambda tc: tc,
                            (thresh, thresh_s, cnt))

        return scan_step

    def row_body(r, tok):
        rowg = wid * ROWS_PW + r
        pltpu.sync_copy(hist_hbm.at[pl.ds(rowg * HP, HP)], histv)

        def chunk_body(c, tc):
            flat = r * NC + c
            par = lax.rem(flat, 2)
            wait_chunk(flat, par)

            @pl.when(flat + 1 < TOTAL_CHUNKS)
            def _():
                start_chunk(flat + 1)

            cbase = c * C
            hist_scatter(cbase, par)
            return lax.fori_loop(0, ITERS, make_scan_step(cbase, par), tc)

        _, _, cnt = lax.fori_loop(0, NC, chunk_body,
                                  (jnp.full((L,), NEG_INF, jnp.float32),
                                   jnp.float32(NEG_INF), jnp.int32(0)))
        vlo, vhi, ilo, ihi, _ = select_topk(cnt)
        stagev[pl.ds(r * 32, L)] = vlo
        stagev[pl.ds(r * 32 + L, L)] = vhi
        stagei[pl.ds(r * 32, L)] = ilo + 1
        stagei[pl.ds(r * 32 + L, L)] = ihi + 1
        return tok

    start_chunk(jnp.int32(0))
    lax.fori_loop(0, ROWS_PW, row_body, jnp.int32(0))
    pltpu.sync_copy(stagev, outv_hbm.at[pl.ds(wid * (ROWS_PW * 32),
                                              ROWS_PW * 32)])
    pltpu.sync_copy(stagei, outi_hbm.at[pl.ds(wid * (ROWS_PW * 32),
                                              ROWS_PW * 32)])


@jax.jit
def _sc_topk(scores_flat, hist_flat):
    mesh = plsc.VectorSubcoreMesh(core_axis_name="c", subcore_axis_name="s")
    f = functools.partial(
        pl.kernel,
        mesh=mesh,
        compiler_params=pltpu.CompilerParams(needs_layout_passes=False),
        out_type=[jax.ShapeDtypeStruct((B * 32,), jnp.float32),
                  jax.ShapeDtypeStruct((B * 32,), jnp.int32)],
        scratch_types=[
            pltpu.VMEM((2 * C,), jnp.float32),
            pltpu.VMEM((HP,), jnp.int32),
            pltpu.VMEM((CAP,), jnp.float32),
            pltpu.VMEM((CAP,), jnp.int32),
            pltpu.VMEM((ROWS_PW * 32,), jnp.float32),
            pltpu.VMEM((ROWS_PW * 32,), jnp.int32),
            pltpu.SemaphoreType.DMA,
        ],
    )(_body)
    return f(scores_flat, hist_flat)


def kernel(scores, history, k):
    del k
    hist_p = jnp.pad(history, ((0, 0), (0, HP - H))).reshape(-1)
    vals32, items32 = _sc_topk(scores.reshape(-1), hist_p)
    vals = vals32.reshape(B, 32)[:, :K]
    items = items32.reshape(B, 32)[:, :K]
    return vals, items

# --- scband reference (transcript-rebuilt; emitter-appended) ---
"""Pipeline reference for scband-irsnn-11166914969709 (READ-ONLY COPY).

The authoritative reference and input builder live on the scoring server;
editing this copy changes nothing except your own understanding.
"""

import jax, jax.numpy as jnp
import numpy as np


def setup_inputs(seed: int = 0) -> dict:
    key = jax.random.key(seed)
    k1, k2 = jax.random.split(key)
    B, N, H = 1024, 100000, 200
    scores = jax.random.normal(k1, (B, N), dtype=jnp.float32)
    # history holds item ids in [0, N); 0 is PAD (never masked since item ids are 1..N)
    history = jax.random.randint(k2, (B, H), 0, N, dtype=jnp.int32)
    return {"scores": scores, "history": history, "k": 20}


def reference(scores, history, k):
    # Faithful vectorization of IRSNN ranking core:
    #   prob_dist.sort(descending) -> indices+1 -> _delete_item_in_history -> take top_k
    # Sorting descending, deleting history ids, then taking the first k is equivalent to
    # masking history item scores to -inf and taking top_k (same relative order preserved).
    B, N = scores.shape
    valid = history > 0                      # PAD_ID = 0 is not a real item
    idx = jnp.where(valid, history - 1, N)   # item id -> column index; invalid -> out of range
    row = jnp.arange(B)[:, None]
    mask = jnp.zeros((B, N), dtype=bool).at[row, idx].set(True, mode='drop')
    masked = jnp.where(mask, -jnp.inf, scores)
    k_static = 20
    vals, inds = jax.lax.top_k(masked, k_static)
    top_k_items = inds + 1 + 0 * jnp.asarray(k, dtype=inds.dtype)
    return vals, top_k_items

if __name__ == "__main__":
    import jax
    _d = setup_inputs()
    print(jax.jit(kernel)(*tuple(_d.values())))

</pallas_src>

<mosaic_0001>
#map = affine_map<(d0, d1) -> (0)>
module attributes {stable_mosaic.version = 14 : i64} {
  func.func @_body(%arg0: i32, %arg1: i32, %arg2: memref<102400000xf32, #tpu.memory_space<hbm>>, %arg3: memref<212992xi32, #tpu.memory_space<hbm>>, %arg4: memref<32768xf32, #tpu.memory_space<hbm>>, %arg5: memref<32768xi32, #tpu.memory_space<hbm>>, %arg6: memref<40000xf32, #tpu.memory_space<vmem>>, %arg7: memref<208xi32, #tpu.memory_space<vmem>>, %arg8: memref<256xf32, #tpu.memory_space<vmem>>, %arg9: memref<256xi32, #tpu.memory_space<vmem>>, %arg10: memref<1024xf32, #tpu.memory_space<vmem>>, %arg11: memref<1024xi32, #tpu.memory_space<vmem>>, %arg12: memref<!tpu.dma_semaphore, #tpu.memory_space<semaphore_mem>>) attributes {dimension_semantics = [#tpu.dimension_semantics<core_parallel>, #tpu.dimension_semantics<subcore_parallel>], iteration_bounds = array<i64: 2, 16>, scalar_prefetch = 0 : i64, scratch_operands = 7 : i64, tpu.core_type = #tpu.core_type<sc_vector_subcore>, window_params = [{transform_indices = #map}, {transform_indices = #map}, {transform_indices = #map}, {transform_indices = #map}]} {
    %mul3A = arith.constant 2 : i32
    %mul3A_0 = arith.muli %arg1, %mul3A : i32
    %add3A = arith.addi %mul3A_0, %arg0 : i32
    %mul3A_1 = arith.constant 3200000 : i32
    %mul3A_2 = arith.muli %add3A, %mul3A_1 : i32
    %iota3A = tpu.iota {dimensions = array<i32: 0>} : vector<16xi32>
    %broadcast_in_dim3A = arith.constant 0xFF800000 : f32
    %broadcast_in_dim3A_3 = vector.broadcast %broadcast_in_dim3A : f32 to vector<16xf32>
    %broadcast_in_dim3A_4 = arith.constant 1073741824 : i32
    %broadcast_in_dim3A_5 = vector.broadcast %broadcast_in_dim3A_4 : i32 to vector<16xi32>
    %mul3A_6 = arith.constant 0 : i32
    %mul3A_7 = arith.constant 20000 : i32
    %mul3A_8 = arith.muli %mul3A_6, %mul3A_7 : i32
    %add3A_9 = arith.addi %mul3A_2, %mul3A_8 : i32
    %rem3A = arith.constant 0 : i32
    %rem3A_10 = arith.constant 2 : i32
    %rem3A_11 = arith.remsi %rem3A, %rem3A_10 : i32
    %mul3A_12 = arith.constant 20000 : i32
    %mul3A_13 = arith.muli %rem3A_11, %mul3A_12 : i32
    %dma_start3A = tpu.memref_slice %arg6[%mul3A_13] : memref<40000xf32, #tpu.memory_space<vmem>> -> memref<20000xf32, #tpu.memory_space<vmem>>
    %dma_start3A_14 = tpu.memref_slice %arg2[%add3A_9] : memref<102400000xf32, #tpu.memory_space<hbm>> -> memref<20000xf32, #tpu.memory_space<hbm>>
    %dma_start3A_15 = tpu.memref_slice %arg6[%mul3A_13] : memref<40000xf32, #tpu.memory_space<vmem>> -> memref<20000xf32, #tpu.memory_space<vmem>>
    %dma_start3A_16 = tpu.memref_slice %arg2[%add3A_9] : memref<102400000xf32, #tpu.memory_space<hbm>> -> memref<20000xf32, #tpu.memory_space<hbm>>
    tpu.enqueue_dma source(%dma_start3A_16 : memref<20000xf32, #tpu.memory_space<hbm>>) target(%dma_start3A_15 : memref<20000xf32, #tpu.memory_space<vmem>>) target_semaphore(%arg12 : memref<!tpu.dma_semaphore, #tpu.memory_space<semaphore_mem>>)
    %scan3A = arith.constant 0 : i32
    %scan3A_17 = arith.constant 0 : i32
    %scan3A_18 = arith.constant 32 : i32
    %scan3A_19 = arith.addi %scan3A_17, %scan3A_18 : i32
    %scan3A_20 = arith.constant 1 : i32
    scf.for %scan3A_26 = %scan3A_17 to %scan3A_19 step %scan3A_20  : i32 {
      %mul3A_27 = arith.constant 32 : i32
      %mul3A_28 = arith.muli %add3A, %mul3A_27 : i32
      %add3A_29 = arith.addi %mul3A_28, %scan3A_26 : i32
      %mul3A_30 = arith.constant 208 : i32
      %mul3A_31 = arith.muli %add3A_29, %mul3A_30 : i32
      "tpu.region"() ({
        %run_scoped3A = tpu.sem_alloc : memref<!tpu.dma_semaphore, #tpu.memory_space<semaphore_mem>>
        %dma_start3A_93 = tpu.memref_slice %arg3[%mul3A_31] : memref<212992xi32, #tpu.memory_space<hbm>> -> memref<208xi32, #tpu.memory_space<hbm>>
        %dma_start3A_94 = tpu.memref_slice %arg3[%mul3A_31] : memref<212992xi32, #tpu.memory_space<hbm>> -> memref<208xi32, #tpu.memory_space<hbm>>
        tpu.enqueue_dma source(%dma_start3A_94 : memref<208xi32, #tpu.memory_space<hbm>>) target(%arg7 : memref<208xi32, #tpu.memory_space<vmem>>) target_semaphore(%run_scoped3A : memref<!tpu.dma_semaphore, #tpu.memory_space<semaphore_mem>>)
        %dma_wait3A = tpu.memref_slice %arg3[%mul3A_31] : memref<212992xi32, #tpu.memory_space<hbm>> -> memref<208xi32, #tpu.memory_space<hbm>>
        %dma_wait3A_95 = tpu.memref_slice %arg3[%mul3A_31] : memref<212992xi32, #tpu.memory_space<hbm>> -> memref<208xi32, #tpu.memory_space<hbm>>
        tpu.wait_dma2 semaphore(%run_scoped3A : memref<!tpu.dma_semaphore, #tpu.memory_space<semaphore_mem>>) src(%dma_wait3A_95 : memref<208xi32, #tpu.memory_space<hbm>>) dst(%arg7 : memref<208xi32, #tpu.memory_space<vmem>>)
        tpu.yield
      }) : () -> ()
      %broadcast_in_dim3A_32 = arith.constant 0xFF800000 : f32
      %broadcast_in_dim3A_33 = vector.broadcast %broadcast_in_dim3A_32 : f32 to vector<16xf32>
      %scan3A_34 = arith.constant 0xFF800000 : f32
      %scan3A_35 = arith.constant 0 : i32
      %scan3A_36 = arith.constant 0 : i32
      %scan3A_37 = arith.constant 5 : i32
      %scan3A_38 = arith.addi %scan3A_36, %scan3A_37 : i32
      %scan3A_39 = arith.constant 1 : i32
      %scan3A_40:3 = scf.for %scan3A_93 = %scan3A_36 to %scan3A_38 step %scan3A_39 iter_args(%scan3A_94 = %broadcast_in_dim3A_33, %scan3A_95 = %scan3A_34, %scan3A_96 = %scan3A_35) -> (vector<16xf32>, f32, i32)  : i32 {
        %mul3A_97 = arith.constant 5 : i32
        %mul3A_98 = arith.muli %scan3A_26, %mul3A_97 : i32
        %add3A_99 = arith.addi %mul3A_98, %scan3A_93 : i32
        %rem3A_100 = arith.constant 2 : i32
        %rem3A_101 = arith.remsi %add3A_99, %rem3A_100 : i32
        %mul3A_102 = arith.constant 20000 : i32
        %mul3A_103 = arith.muli %add3A_99, %mul3A_102 : i32
        %add3A_104 = arith.addi %mul3A_2, %mul3A_103 : i32
        %mul3A_105 = arith.constant 20000 : i32
        %mul3A_106 = arith.muli %rem3A_101, %mul3A_105 : i32
        %dma_wait3A = tpu.memref_slice %arg6[%mul3A_106] : memref<40000xf32, #tpu.memory_space<vmem>> -> memref<20000xf32, #tpu.memory_space<vmem>>
        %dma_wait3A_107 = tpu.memref_slice %arg2[%add3A_104] : memref<102400000xf32, #tpu.memory_space<hbm>> -> memref<20000xf32, #tpu.memory_space<hbm>>
        %dma_wait3A_108 = tpu.memref_slice %arg6[%mul3A_106] : memref<40000xf32, #tpu.memory_space<vmem>> -> memref<20000xf32, #tpu.memory_space<vmem>>
        %dma_wait3A_109 = tpu.memref_slice %arg2[%add3A_104] : memref<102400000xf32, #tpu.memory_space<hbm>> -> memref<20000xf32, #tpu.memory_space<hbm>>
        tpu.wait_dma2 semaphore(%arg12 : memref<!tpu.dma_semaphore, #tpu.memory_space<semaphore_mem>>) src(%dma_wait3A_109 : memref<20000xf32, #tpu.memory_space<hbm>>) dst(%dma_wait3A_108 : memref<20000xf32, #tpu.memory_space<vmem>>)
        %add3A_110 = arith.constant 1 : i32
        %add3A_111 = arith.addi %add3A_99, %add3A_110 : i32
        %lt3A = arith.constant 160 : i32
        %lt3A_112 = arith.cmpi slt, %add3A_111, %lt3A : i32
        %convert_element_type3A = arith.extui %lt3A_112 : i1 to i32
        %cond3A = arith.constant 0 : i32
        %cond3A_113 = arith.cmpi ne, %convert_element_type3A, %cond3A : i32
        scf.if %cond3A_113 {
          %add3A_457 = arith.constant 1 : i32
          %add3A_458 = arith.addi %add3A_99, %add3A_457 : i32
          %mul3A_459 = arith.constant 20000 : i32
          %mul3A_460 = arith.muli %add3A_458, %mul3A_459 : i32
          %add3A_461 = arith.addi %mul3A_2, %mul3A_460 : i32
          %rem3A_462 = arith.constant 2 : i32
          %rem3A_463 = arith.remsi %add3A_458, %rem3A_462 : i32
          %mul3A_464 = arith.constant 20000 : i32
          %mul3A_465 = arith.muli %rem3A_463, %mul3A_464 : i32
          %dma_start3A_466 = tpu.memref_slice %arg6[%mul3A_465] : memref<40000xf32, #tpu.memory_space<vmem>> -> memref<20000xf32, #tpu.memory_space<vmem>>
          %dma_start3A_467 = tpu.memref_slice %arg2[%add3A_461] : memref<102400000xf32, #tpu.memory_space<hbm>> -> memref<20000xf32, #tpu.memory_space<hbm>>
          %dma_start3A_468 = tpu.memref_slice %arg6[%mul3A_465] : memref<40000xf32, #tpu.memory_space<vmem>> -> memref<20000xf32, #tpu.memory_space<vmem>>
          %dma_start3A_469 = tpu.memref_slice %arg2[%add3A_461] : memref<102400000xf32, #tpu.memory_space<hbm>> -> memref<20000xf32, #tpu.memory_space<hbm>>
          tpu.enqueue_dma source(%dma_start3A_469 : memref<20000xf32, #tpu.memory_space<hbm>>) target(%dma_start3A_468 : memref<20000xf32, #tpu.memory_space<vmem>>) target_semaphore(%arg12 : memref<!tpu.dma_semaphore, #tpu.memory_space<semaphore_mem>>)
        } else {
        }
        %mul3A_114 = arith.constant 20000 : i32
        %mul3A_115 = arith.muli %scan3A_93, %mul3A_114 : i32
        %get3A = arith.constant 0 : index
        %get3A_116 = tpu.vector_load %arg7[%get3A] {strides = array<i32>} : memref<208xi32, #tpu.memory_space<vmem>>, vector<16xi32>,
        %sub3A_117 = arith.constant 1 : i32
        %sub3A_118 = vector.broadcast %sub3A_117 : i32 to vector<16xi32>
        %sub3A_119 = arith.subi %get3A_116, %sub3A_118 : vector<16xi32>
        %gt3A = arith.constant 0 : i32
        %gt3A_120 = vector.broadcast %gt3A : i32 to vector<16xi32>
        %gt3A_121 = arith.cmpi sgt, %get3A_116, %gt3A_120 : vector<16xi32>
        %ge3A = vector.broadcast %mul3A_115 : i32 to vector<16xi32>
        %ge3A_122 = arith.cmpi sge, %sub3A_119, %ge3A : vector<16xi32>
        %and3A_123 = arith.andi %gt3A_121, %ge3A_122 : vector<16xi1>
        %add3A_124 = arith.constant 20000 : i32
        %add3A_125 = arith.addi %mul3A_115, %add3A_124 : i32
        %lt3A_126 = vector.broadcast %add3A_125 : i32 to vector<16xi32>
        %lt3A_127 = arith.cmpi slt, %sub3A_119, %lt3A_126 : vector<16xi32>
        %and3A_128 = arith.andi %and3A_123, %lt3A_127 : vector<16xi1>
        %sub3A_129 = vector.broadcast %mul3A_115 : i32 to vector<16xi32>
        %sub3A_130 = arith.subi %sub3A_119, %sub3A_129 : vector<16xi32>
        %mul3A_131 = arith.constant 20000 : i32
        %mul3A_132 = arith.muli %rem3A_101, %mul3A_131 : i32
        %add3A_133 = vector.broadcast %mul3A_132 : i32 to vector<16xi32>
        %add3A_134 = arith.addi %sub3A_130, %add3A_133 : vector<16xi32>
        %mul3A_135 = arith.constant 20000 : i32
        %mul3A_136 = arith.muli %rem3A_101, %mul3A_135 : i32
        %broadcast_in_dim3A_137 = vector.broadcast %mul3A_136 : i32 to vector<16xi32>
        %select_n3A_138 = arith.select %and3A_128, %add3A_134, %broadcast_in_dim3A_137 : vector<16xi1>, vector<16xi32>
        tpu.vector_store_idx %arg6[%select_n3A_138], %broadcast_in_dim3A_3 masked %and3A_128 : memref<40000xf32, #tpu.memory_space<vmem>>[vector<16xi32>], vector<16xf32>, vector<16xi1>
        %get3A_139 = arith.constant 16 : index
        %get3A_140 = tpu.vector_load %arg7[%get3A_139] {strides = array<i32>} : memref<208xi32, #tpu.memory_space<vmem>>, vector<16xi32>,
        %sub3A_141 = arith.constant 1 : i32
        %sub3A_142 = vector.broadcast %sub3A_141 : i32 to vector<16xi32>
        %sub3A_143 = arith.subi %get3A_140, %sub3A_142 : vector<16xi32>
        %gt3A_144 = arith.constant 0 : i32
        %gt3A_145 = vector.broadcast %gt3A_144 : i32 to vector<16xi32>
        %gt3A_146 = arith.cmpi sgt, %get3A_140, %gt3A_145 : vector<16xi32>
        %ge3A_147 = vector.broadcast %mul3A_115 : i32 to vector<16xi32>
        %ge3A_148 = arith.cmpi sge, %sub3A_143, %ge3A_147 : vector<16xi32>
        %and3A_149 = arith.andi %gt3A_146, %ge3A_148 : vector<16xi1>
        %add3A_150 = arith.constant 20000 : i32
        %add3A_151 = arith.addi %mul3A_115, %add3A_150 : i32
        %lt3A_152 = vector.broadcast %add3A_151 : i32 to vector<16xi32>
        %lt3A_153 = arith.cmpi slt, %sub3A_143, %lt3A_152 : vector<16xi32>
        %and3A_154 = arith.andi %and3A_149, %lt3A_153 : vector<16xi1>
        %sub3A_155 = vector.broadcast %mul3A_115 : i32 to vector<16xi32>
        %sub3A_156 = arith.subi %sub3A_143, %sub3A_155 : vector<16xi32>
        %mul3A_157 = arith.constant 20000 : i32
        %mul3A_158 = arith.muli %rem3A_101, %mul3A_157 : i32
        %add3A_159 = vector.broadcast %mul3A_158 : i32 to vector<16xi32>
        %add3A_160 = arith.addi %sub3A_156, %add3A_159 : vector<16xi32>
        %mul3A_161 = arith.constant 20000 : i32
        %mul3A_162 = arith.muli %rem3A_101, %mul3A_161 : i32
        %broadcast_in_dim3A_163 = vector.broadcast %mul3A_162 : i32 to vector<16xi32>
        %select_n3A_164 = arith.select %and3A_154, %add3A_160, %broadcast_in_dim3A_163 : vector<16xi1>, vector<16xi32>
        tpu.vector_store_idx %arg6[%select_n3A_164], %broadcast_in_dim3A_3 masked %and3A_154 : memref<40000xf32, #tpu.memory_space<vmem>>[vector<16xi32>], vector<16xf32>, vector<16xi1>
        %get3A_165 = arith.constant 32 : index
        %get3A_166 = tpu.vector_load %arg7[%get3A_165] {strides = array<i32>} : memref<208xi32, #tpu.memory_space<vmem>>, vector<16xi32>,
        %sub3A_167 = arith.constant 1 : i32
        %sub3A_168 = vector.broadcast %sub3A_167 : i32 to vector<16xi32>
        %sub3A_169 = arith.subi %get3A_166, %sub3A_168 : vector<16xi32>
        %gt3A_170 = arith.constant 0 : i32
        %gt3A_171 = vector.broadcast %gt3A_170 : i32 to vector<16xi32>
        %gt3A_172 = arith.cmpi sgt, %get3A_166, %gt3A_171 : vector<16xi32>
        %ge3A_173 = vector.broadcast %mul3A_115 : i32 to vector<16xi32>
        %ge3A_174 = arith.cmpi sge, %sub3A_169, %ge3A_173 : vector<16xi32>
        %and3A_175 = arith.andi %gt3A_172, %ge3A_174 : vector<16xi1>
        %add3A_176 = arith.constant 20000 : i32
        %add3A_177 = arith.addi %mul3A_115, %add3A_176 : i32
        %lt3A_178 = vector.broadcast %add3A_177 : i32 to vector<16xi32>
        %lt3A_179 = arith.cmpi slt, %sub3A_169, %lt3A_178 : vector<16xi32>
        %and3A_180 = arith.andi %and3A_175, %lt3A_179 : vector<16xi1>
        %sub3A_181 = vector.broadcast %mul3A_115 : i32 to vector<16xi32>
        %sub3A_182 = arith.subi %sub3A_169, %sub3A_181 : vector<16xi32>
        %mul3A_183 = arith.constant 20000 : i32
        %mul3A_184 = arith.muli %rem3A_101, %mul3A_183 : i32
        %add3A_185 = vector.broadcast %mul3A_184 : i32 to vector<16xi32>
        %add3A_186 = arith.addi %sub3A_182, %add3A_185 : vector<16xi32>
        %mul3A_187 = arith.constant 20000 : i32
        %mul3A_188 = arith.muli %rem3A_101, %mul3A_187 : i32
        %broadcast_in_dim3A_189 = vector.broadcast %mul3A_188 : i32 to vector<16xi32>
        %select_n3A_190 = arith.select %and3A_180, %add3A_186, %broadcast_in_dim3A_189 : vector<16xi1>, vector<16xi32>
        tpu.vector_store_idx %arg6[%select_n3A_190], %broadcast_in_dim3A_3 masked %and3A_180 : memref<40000xf32, #tpu.memory_space<vmem>>[vector<16xi32>], vector<16xf32>, vector<16xi1>
        %get3A_191 = arith.constant 48 : index
        %get3A_192 = tpu.vector_load %arg7[%get3A_191] {strides = array<i32>} : memref<208xi32, #tpu.memory_space<vmem>>, vector<16xi32>,
        %sub3A_193 = arith.constant 1 : i32
        %sub3A_194 = vector.broadcast %sub3A_193 : i32 to vector<16xi32>
        %sub3A_195 = arith.subi %get3A_192, %sub3A_194 : vector<16xi32>
        %gt3A_196 = arith.constant 0 : i32
        %gt3A_197 = vector.broadcast %gt3A_196 : i32 to vector<16xi32>
        %gt3A_198 = arith.cmpi sgt, %get3A_192, %gt3A_197 : vector<16xi32>
        %ge3A_199 = vector.broadcast %mul3A_115 : i32 to vector<16xi32>
        %ge3A_200 = arith.cmpi sge, %sub3A_195, %ge3A_199 : vector<16xi32>
        %and3A_201 = arith.andi %gt3A_198, %ge3A_200 : vector<16xi1>
        %add3A_202 = arith.constant 20000 : i32
        %add3A_203 = arith.addi %mul3A_115, %add3A_202 : i32
        %lt3A_204 = vector.broadcast %add3A_203 : i32 to vector<16xi32>
        %lt3A_205 = arith.cmpi slt, %sub3A_195, %lt3A_204 : vector<16xi32>
        %and3A_206 = arith.andi %and3A_201, %lt3A_205 : vector<16xi1>
        %sub3A_207 = vector.broadcast %mul3A_115 : i32 to vector<16xi32>
        %sub3A_208 = arith.subi %sub3A_195, %sub3A_207 : vector<16xi32>
        %mul3A_209 = arith.constant 20000 : i32
        %mul3A_210 = arith.muli %rem3A_101, %mul3A_209 : i32
        %add3A_211 = vector.broadcast %mul3A_210 : i32 to vector<16xi32>
        %add3A_212 = arith.addi %sub3A_208, %add3A_211 : vector<16xi32>
        %mul3A_213 = arith.constant 20000 : i32
        %mul3A_214 = arith.muli %rem3A_101, %mul3A_213 : i32
        %broadcast_in_dim3A_215 = vector.broadcast %mul3A_214 : i32 to vector<16xi32>
        %select_n3A_216 = arith.select %and3A_206, %add3A_212, %broadcast_in_dim3A_215 : vector<16xi1>, vector<16xi32>
        tpu.vector_store_idx %arg6[%select_n3A_216], %broadcast_in_dim3A_3 masked %and3A_206 : memref<40000xf32, #tpu.memory_space<vmem>>[vector<16xi32>], vector<16xf32>, vector<16xi1>
        %get3A_217 = arith.constant 64 : index
        %get3A_218 = tpu.vector_load %arg7[%get3A_217] {strides = array<i32>} : memref<208xi32, #tpu.memory_space<vmem>>, vector<16xi32>,
        %sub3A_219 = arith.constant 1 : i32
        %sub3A_220 = vector.broadcast %sub3A_219 : i32 to vector<16xi32>
        %sub3A_221 = arith.subi %get3A_218, %sub3A_220 : vector<16xi32>
        %gt3A_222 = arith.constant 0 : i32
        %gt3A_223 = vector.broadcast %gt3A_222 : i32 to vector<16xi32>
        %gt3A_224 = arith.cmpi sgt, %get3A_218, %gt3A_223 : vector<16xi32>
        %ge3A_225 = vector.broadcast %mul3A_115 : i32 to vector<16xi32>
        %ge3A_226 = arith.cmpi sge, %sub3A_221, %ge3A_225 : vector<16xi32>
        %and3A_227 = arith.andi %gt3A_224, %ge3A_226 : vector<16xi1>
        %add3A_228 = arith.constant 20000 : i32
        %add3A_229 = arith.addi %mul3A_115, %add3A_228 : i32
        %lt3A_230 = vector.broadcast %add3A_229 : i32 to vector<16xi32>
        %lt3A_231 = arith.cmpi slt, %sub3A_221, %lt3A_230 : vector<16xi32>
        %and3A_232 = arith.andi %and3A_227, %lt3A_231 : vector<16xi1>
        %sub3A_233 = vector.broadcast %mul3A_115 : i32 to vector<16xi32>
        %sub3A_234 = arith.subi %sub3A_221, %sub3A_233 : vector<16xi32>
        %mul3A_235 = arith.constant 20000 : i32
        %mul3A_236 = arith.muli %rem3A_101, %mul3A_235 : i32
        %add3A_237 = vector.broadcast %mul3A_236 : i32 to vector<16xi32>
        %add3A_238 = arith.addi %sub3A_234, %add3A_237 : vector<16xi32>
        %mul3A_239 = arith.constant 20000 : i32
        %mul3A_240 = arith.muli %rem3A_101, %mul3A_239 : i32
        %broadcast_in_dim3A_241 = vector.broadcast %mul3A_240 : i32 to vector<16xi32>
        %select_n3A_242 = arith.select %and3A_232, %add3A_238, %broadcast_in_dim3A_241 : vector<16xi1>, vector<16xi32>
        tpu.vector_store_idx %arg6[%select_n3A_242], %broadcast_in_dim3A_3 masked %and3A_232 : memref<40000xf32, #tpu.memory_space<vmem>>[vector<16xi32>], vector<16xf32>, vector<16xi1>
        %get3A_243 = arith.constant 80 : index
        %get3A_244 = tpu.vector_load %arg7[%get3A_243] {strides = array<i32>} : memref<208xi32, #tpu.memory_space<vmem>>, vector<16xi32>,
        %sub3A_245 = arith.constant 1 : i32
        %sub3A_246 = vector.broadcast %sub3A_245 : i32 to vector<16xi32>
        %sub3A_247 = arith.subi %get3A_244, %sub3A_246 : vector<16xi32>
        %gt3A_248 = arith.constant 0 : i32
        %gt3A_249 = vector.broadcast %gt3A_248 : i32 to vector<16xi32>
        %gt3A_250 = arith.cmpi sgt, %get3A_244, %gt3A_249 : vector<16xi32>
        %ge3A_251 = vector.broadcast %mul3A_115 : i32 to vector<16xi32>
        %ge3A_252 = arith.cmpi sge, %sub3A_247, %ge3A_251 : vector<16xi32>
        %and3A_253 = arith.andi %gt3A_250, %ge3A_252 : vector<16xi1>
        %add3A_254 = arith.constant 20000 : i32
        %add3A_255 = arith.addi %mul3A_115, %add3A_254 : i32
        %lt3A_256 = vector.broadcast %add3A_255 : i32 to vector<16xi32>
        %lt3A_257 = arith.cmpi slt, %sub3A_247, %lt3A_256 : vector<16xi32>
        %and3A_258 = arith.andi %and3A_253, %lt3A_257 : vector<16xi1>
        %sub3A_259 = vector.broadcast %mul3A_115 : i32 to vector<16xi32>
        %sub3A_260 = arith.subi %sub3A_247, %sub3A_259 : vector<16xi32>
        %mul3A_261 = arith.constant 20000 : i32
        %mul3A_262 = arith.muli %rem3A_101, %mul3A_261 : i32
        %add3A_263 = vector.broadcast %mul3A_262 : i32 to vector<16xi32>
        %add3A_264 = arith.addi %sub3A_260, %add3A_263 : vector<16xi32>
        %mul3A_265 = arith.constant 20000 : i32
        %mul3A_266 = arith.muli %rem3A_101, %mul3A_265 : i32
        %broadcast_in_dim3A_267 = vector.broadcast %mul3A_266 : i32 to vector<16xi32>
        %select_n3A_268 = arith.select %and3A_258, %add3A_264, %broadcast_in_dim3A_267 : vector<16xi1>, vector<16xi32>
        tpu.vector_store_idx %arg6[%select_n3A_268], %broadcast_in_dim3A_3 masked %and3A_258 : memref<40000xf32, #tpu.memory_space<vmem>>[vector<16xi32>], vector<16xf32>, vector<16xi1>
        %get3A_269 = arith.constant 96 : index
        %get3A_270 = tpu.vector_load %arg7[%get3A_269] {strides = array<i32>} : memref<208xi32, #tpu.memory_space<vmem>>, vector<16xi32>,
        %sub3A_271 = arith.constant 1 : i32
        %sub3A_272 = vector.broadcast %sub3A_271 : i32 to vector<16xi32>
        %sub3A_273 = arith.subi %get3A_270, %sub3A_272 : vector<16xi32>
        %gt3A_274 = arith.constant 0 : i32
        %gt3A_275 = vector.broadcast %gt3A_274 : i32 to vector<16xi32>
        %gt3A_276 = arith.cmpi sgt, %get3A_270, %gt3A_275 : vector<16xi32>
        %ge3A_277 = vector.broadcast %mul3A_115 : i32 to vector<16xi32>
        %ge3A_278 = arith.cmpi sge, %sub3A_273, %ge3A_277 : vector<16xi32>
        %and3A_279 = arith.andi %gt3A_276, %ge3A_278 : vector<16xi1>
        %add3A_280 = arith.constant 20000 : i32
        %add3A_281 = arith.addi %mul3A_115, %add3A_280 : i32
        %lt3A_282 = vector.broadcast %add3A_281 : i32 to vector<16xi32>
        %lt3A_283 = arith.cmpi slt, %sub3A_273, %lt3A_282 : vector<16xi32>
        %and3A_284 = arith.andi %and3A_279, %lt3A_283 : vector<16xi1>
        %sub3A_285 = vector.broadcast %mul3A_115 : i32 to vector<16xi32>
        %sub3A_286 = arith.subi %sub3A_273, %sub3A_285 : vector<16xi32>
        %mul3A_287 = arith.constant 20000 : i32
        %mul3A_288 = arith.muli %rem3A_101, %mul3A_287 : i32
        %add3A_289 = vector.broadcast %mul3A_288 : i32 to vector<16xi32>
        %add3A_290 = arith.addi %sub3A_286, %add3A_289 : vector<16xi32>
        %mul3A_291 = arith.constant 20000 : i32
        %mul3A_292 = arith.muli %rem3A_101, %mul3A_291 : i32
        %broadcast_in_dim3A_293 = vector.broadcast %mul3A_292 : i32 to vector<16xi32>
        %select_n3A_294 = arith.select %and3A_284, %add3A_290, %broadcast_in_dim3A_293 : vector<16xi1>, vector<16xi32>
        tpu.vector_store_idx %arg6[%select_n3A_294], %broadcast_in_dim3A_3 masked %and3A_284 : memref<40000xf32, #tpu.memory_space<vmem>>[vector<16xi32>], vector<16xf32>, vector<16xi1>
        %get3A_295 = arith.constant 112 : index
        %get3A_296 = tpu.vector_load %arg7[%get3A_295] {strides = array<i32>} : memref<208xi32, #tpu.memory_space<vmem>>, vector<16xi32>,
        %sub3A_297 = arith.constant 1 : i32
        %sub3A_298 = vector.broadcast %sub3A_297 : i32 to vector<16xi32>
        %sub3A_299 = arith.subi %get3A_296, %sub3A_298 : vector<16xi32>
        %gt3A_300 = arith.constant 0 : i32
        %gt3A_301 = vector.broadcast %gt3A_300 : i32 to vector<16xi32>
        %gt3A_302 = arith.cmpi sgt, %get3A_296, %gt3A_301 : vector<16xi32>
        %ge3A_303 = vector.broadcast %mul3A_115 : i32 to vector<16xi32>
        %ge3A_304 = arith.cmpi sge, %sub3A_299, %ge3A_303 : vector<16xi32>
        %and3A_305 = arith.andi %gt3A_302, %ge3A_304 : vector<16xi1>
        %add3A_306 = arith.constant 20000 : i32
        %add3A_307 = arith.addi %mul3A_115, %add3A_306 : i32
        %lt3A_308 = vector.broadcast %add3A_307 : i32 to vector<16xi32>
        %lt3A_309 = arith.cmpi slt, %sub3A_299, %lt3A_308 : vector<16xi32>
        %and3A_310 = arith.andi %and3A_305, %lt3A_309 : vector<16xi1>
        %sub3A_311 = vector.broadcast %mul3A_115 : i32 to vector<16xi32>
        %sub3A_312 = arith.subi %sub3A_299, %sub3A_311 : vector<16xi32>
        %mul3A_313 = arith.constant 20000 : i32
        %mul3A_314 = arith.muli %rem3A_101, %mul3A_313 : i32
        %add3A_315 = vector.broadcast %mul3A_314 : i32 to vector<16xi32>
        %add3A_316 = arith.addi %sub3A_312, %add3A_315 : vector<16xi32>
        %mul3A_317 = arith.constant 20000 : i32
        %mul3A_318 = arith.muli %rem3A_101, %mul3A_317 : i32
        %broadcast_in_dim3A_319 = vector.broadcast %mul3A_318 : i32 to vector<16xi32>
        %select_n3A_320 = arith.select %and3A_310, %add3A_316, %broadcast_in_dim3A_319 : vector<16xi1>, vector<16xi32>
        tpu.vector_store_idx %arg6[%select_n3A_320], %broadcast_in_dim3A_3 masked %and3A_310 : memref<40000xf32, #tpu.memory_space<vmem>>[vector<16xi32>], vector<16xf32>, vector<16xi1>
        %get3A_321 = arith.constant 128 : index
        %get3A_322 = tpu.vector_load %arg7[%get3A_321] {strides = array<i32>} : memref<208xi32, #tpu.memory_space<vmem>>, vector<16xi32>,
        %sub3A_323 = arith.constant 1 : i32
        %sub3A_324 = vector.broadcast %sub3A_323 : i32 to vector<16xi32>
        %sub3A_325 = arith.subi %get3A_322, %sub3A_324 : vector<16xi32>
        %gt3A_326 = arith.constant 0 : i32
        %gt3A_327 = vector.broadcast %gt3A_326 : i32 to vector<16xi32>
        %gt3A_328 = arith.cmpi sgt, %get3A_322, %gt3A_327 : vector<16xi32>
        %ge3A_329 = vector.broadcast %mul3A_115 : i32 to vector<16xi32>
        %ge3A_330 = arith.cmpi sge, %sub3A_325, %ge3A_329 : vector<16xi32>
        %and3A_331 = arith.andi %gt3A_328, %ge3A_330 : vector<16xi1>
        %add3A_332 = arith.constant 20000 : i32
        %add3A_333 = arith.addi %mul3A_115, %add3A_332 : i32
        %lt3A_334 = vector.broadcast %add3A_333 : i32 to vector<16xi32>
        %lt3A_335 = arith.cmpi slt, %sub3A_325, %lt3A_334 : vector<16xi32>
        %and3A_336 = arith.andi %and3A_331, %lt3A_335 : vector<16xi1>
        %sub3A_337 = vector.broadcast %mul3A_115 : i32 to vector<16xi32>
        %sub3A_338 = arith.subi %sub3A_325, %sub3A_337 : vector<16xi32>
        %mul3A_339 = arith.constant 20000 : i32
        %mul3A_340 = arith.muli %rem3A_101, %mul3A_339 : i32
        %add3A_341 = vector.broadcast %mul3A_340 : i32 to vector<16xi32>
        %add3A_342 = arith.addi %sub3A_338, %add3A_341 : vector<16xi32>
        %mul3A_343 = arith.constant 20000 : i32
        %mul3A_344 = arith.muli %rem3A_101, %mul3A_343 : i32
        %broadcast_in_dim3A_345 = vector.broadcast %mul3A_344 : i32 to vector<16xi32>
        %select_n3A_346 = arith.select %and3A_336, %add3A_342, %broadcast_in_dim3A_345 : vector<16xi1>, vector<16xi32>
        tpu.vector_store_idx %arg6[%select_n3A_346], %broadcast_in_dim3A_3 masked %and3A_336 : memref<40000xf32, #tpu.memory_space<vmem>>[vector<16xi32>], vector<16xf32>, vector<16xi1>
        %get3A_347 = arith.constant 144 : index
        %get3A_348 = tpu.vector_load %arg7[%get3A_347] {strides = array<i32>} : memref<208xi32, #tpu.memory_space<vmem>>, vector<16xi32>,
        %sub3A_349 = arith.constant 1 : i32
        %sub3A_350 = vector.broadcast %sub3A_349 : i32 to vector<16xi32>
        %sub3A_351 = arith.subi %get3A_348, %sub3A_350 : vector<16xi32>
        %gt3A_352 = arith.constant 0 : i32
        %gt3A_353 = vector.broadcast %gt3A_352 : i32 to vector<16xi32>
        %gt3A_354 = arith.cmpi sgt, %get3A_348, %gt3A_353 : vector<16xi32>
        %ge3A_355 = vector.broadcast %mul3A_115 : i32 to vector<16xi32>
        %ge3A_356 = arith.cmpi sge, %sub3A_351, %ge3A_355 : vector<16xi32>
        %and3A_357 = arith.andi %gt3A_354, %ge3A_356 : vector<16xi1>
        %add3A_358 = arith.constant 20000 : i32
        %add3A_359 = arith.addi %mul3A_115, %add3A_358 : i32
        %lt3A_360 = vector.broadcast %add3A_359 : i32 to vector<16xi32>
        %lt3A_361 = arith.cmpi slt, %sub3A_351, %lt3A_360 : vector<16xi32>
        %and3A_362 = arith.andi %and3A_357, %lt3A_361 : vector<16xi1>
        %sub3A_363 = vector.broadcast %mul3A_115 : i32 to vector<16xi32>
        %sub3A_364 = arith.subi %sub3A_351, %sub3A_363 : vector<16xi32>
        %mul3A_365 = arith.constant 20000 : i32
        %mul3A_366 = arith.muli %rem3A_101, %mul3A_365 : i32
        %add3A_367 = vector.broadcast %mul3A_366 : i32 to vector<16xi32>
        %add3A_368 = arith.addi %sub3A_364, %add3A_367 : vector<16xi32>
        %mul3A_369 = arith.constant 20000 : i32
        %mul3A_370 = arith.muli %rem3A_101, %mul3A_369 : i32
        %broadcast_in_dim3A_371 = vector.broadcast %mul3A_370 : i32 to vector<16xi32>
        %select_n3A_372 = arith.select %and3A_362, %add3A_368, %broadcast_in_dim3A_371 : vector<16xi1>, vector<16xi32>
        tpu.vector_store_idx %arg6[%select_n3A_372], %broadcast_in_dim3A_3 masked %and3A_362 : memref<40000xf32, #tpu.memory_space<vmem>>[vector<16xi32>], vector<16xf32>, vector<16xi1>
        %get3A_373 = arith.constant 160 : index
        %get3A_374 = tpu.vector_load %arg7[%get3A_373] {strides = array<i32>} : memref<208xi32, #tpu.memory_space<vmem>>, vector<16xi32>,
        %sub3A_375 = arith.constant 1 : i32
        %sub3A_376 = vector.broadcast %sub3A_375 : i32 to vector<16xi32>
        %sub3A_377 = arith.subi %get3A_374, %sub3A_376 : vector<16xi32>
        %gt3A_378 = arith.constant 0 : i32
        %gt3A_379 = vector.broadcast %gt3A_378 : i32 to vector<16xi32>
        %gt3A_380 = arith.cmpi sgt, %get3A_374, %gt3A_379 : vector<16xi32>
        %ge3A_381 = vector.broadcast %mul3A_115 : i32 to vector<16xi32>
        %ge3A_382 = arith.cmpi sge, %sub3A_377, %ge3A_381 : vector<16xi32>
        %and3A_383 = arith.andi %gt3A_380, %ge3A_382 : vector<16xi1>
        %add3A_384 = arith.constant 20000 : i32
        %add3A_385 = arith.addi %mul3A_115, %add3A_384 : i32
        %lt3A_386 = vector.broadcast %add3A_385 : i32 to vector<16xi32>
        %lt3A_387 = arith.cmpi slt, %sub3A_377, %lt3A_386 : vector<16xi32>
        %and3A_388 = arith.andi %and3A_383, %lt3A_387 : vector<16xi1>
        %sub3A_389 = vector.broadcast %mul3A_115 : i32 to vector<16xi32>
        %sub3A_390 = arith.subi %sub3A_377, %sub3A_389 : vector<16xi32>
        %mul3A_391 = arith.constant 20000 : i32
        %mul3A_392 = arith.muli %rem3A_101, %mul3A_391 : i32
        %add3A_393 = vector.broadcast %mul3A_392 : i32 to vector<16xi32>
        %add3A_394 = arith.addi %sub3A_390, %add3A_393 : vector<16xi32>
        %mul3A_395 = arith.constant 20000 : i32
        %mul3A_396 = arith.muli %rem3A_101, %mul3A_395 : i32
        %broadcast_in_dim3A_397 = vector.broadcast %mul3A_396 : i32 to vector<16xi32>
        %select_n3A_398 = arith.select %and3A_388, %add3A_394, %broadcast_in_dim3A_397 : vector<16xi1>, vector<16xi32>
        tpu.vector_store_idx %arg6[%select_n3A_398], %broadcast_in_dim3A_3 masked %and3A_388 : memref<40000xf32, #tpu.memory_space<vmem>>[vector<16xi32>], vector<16xf32>, vector<16xi1>
        %get3A_399 = arith.constant 176 : index
        %get3A_400 = tpu.vector_load %arg7[%get3A_399] {strides = array<i32>} : memref<208xi32, #tpu.memory_space<vmem>>, vector<16xi32>,
        %sub3A_401 = arith.constant 1 : i32
        %sub3A_402 = vector.broadcast %sub3A_401 : i32 to vector<16xi32>
        %sub3A_403 = arith.subi %get3A_400, %sub3A_402 : vector<16xi32>
        %gt3A_404 = arith.constant 0 : i32
        %gt3A_405 = vector.broadcast %gt3A_404 : i32 to vector<16xi32>
        %gt3A_406 = arith.cmpi sgt, %get3A_400, %gt3A_405 : vector<16xi32>
        %ge3A_407 = vector.broadcast %mul3A_115 : i32 to vector<16xi32>
        %ge3A_408 = arith.cmpi sge, %sub3A_403, %ge3A_407 : vector<16xi32>
        %and3A_409 = arith.andi %gt3A_406, %ge3A_408 : vector<16xi1>
        %add3A_410 = arith.constant 20000 : i32
        %add3A_411 = arith.addi %mul3A_115, %add3A_410 : i32
        %lt3A_412 = vector.broadcast %add3A_411 : i32 to vector<16xi32>
        %lt3A_413 = arith.cmpi slt, %sub3A_403, %lt3A_412 : vector<16xi32>
        %and3A_414 = arith.andi %and3A_409, %lt3A_413 : vector<16xi1>
        %sub3A_415 = vector.broadcast %mul3A_115 : i32 to vector<16xi32>
        %sub3A_416 = arith.subi %sub3A_403, %sub3A_415 : vector<16xi32>
        %mul3A_417 = arith.constant 20000 : i32
        %mul3A_418 = arith.muli %rem3A_101, %mul3A_417 : i32
        %add3A_419 = vector.broadcast %mul3A_418 : i32 to vector<16xi32>
        %add3A_420 = arith.addi %sub3A_416, %add3A_419 : vector<16xi32>
        %mul3A_421 = arith.constant 20000 : i32
        %mul3A_422 = arith.muli %rem3A_101, %mul3A_421 : i32
        %broadcast_in_dim3A_423 = vector.broadcast %mul3A_422 : i32 to vector<16xi32>
        %select_n3A_424 = arith.select %and3A_414, %add3A_420, %broadcast_in_dim3A_423 : vector<16xi1>, vector<16xi32>
        tpu.vector_store_idx %arg6[%select_n3A_424], %broadcast_in_dim3A_3 masked %and3A_414 : memref<40000xf32, #tpu.memory_space<vmem>>[vector<16xi32>], vector<16xf32>, vector<16xi1>
        %get3A_425 = arith.constant 192 : index
        %get3A_426 = tpu.vector_load %arg7[%get3A_425] {strides = array<i32>} : memref<208xi32, #tpu.memory_space<vmem>>, vector<16xi32>,
        %sub3A_427 = arith.constant 1 : i32
        %sub3A_428 = vector.broadcast %sub3A_427 : i32 to vector<16xi32>
        %sub3A_429 = arith.subi %get3A_426, %sub3A_428 : vector<16xi32>
        %gt3A_430 = arith.constant 0 : i32
        %gt3A_431 = vector.broadcast %gt3A_430 : i32 to vector<16xi32>
        %gt3A_432 = arith.cmpi sgt, %get3A_426, %gt3A_431 : vector<16xi32>
        %ge3A_433 = vector.broadcast %mul3A_115 : i32 to vector<16xi32>
        %ge3A_434 = arith.cmpi sge, %sub3A_429, %ge3A_433 : vector<16xi32>
        %and3A_435 = arith.andi %gt3A_432, %ge3A_434 : vector<16xi1>
        %add3A_436 = arith.constant 20000 : i32
        %add3A_437 = arith.addi %mul3A_115, %add3A_436 : i32
        %lt3A_438 = vector.broadcast %add3A_437 : i32 to vector<16xi32>
        %lt3A_439 = arith.cmpi slt, %sub3A_429, %lt3A_438 : vector<16xi32>
        %and3A_440 = arith.andi %and3A_435, %lt3A_439 : vector<16xi1>
        %sub3A_441 = vector.broadcast %mul3A_115 : i32 to vector<16xi32>
        %sub3A_442 = arith.subi %sub3A_429, %sub3A_441 : vector<16xi32>
        %mul3A_443 = arith.constant 20000 : i32
        %mul3A_444 = arith.muli %rem3A_101, %mul3A_443 : i32
        %add3A_445 = vector.broadcast %mul3A_444 : i32 to vector<16xi32>
        %add3A_446 = arith.addi %sub3A_442, %add3A_445 : vector<16xi32>
        %mul3A_447 = arith.constant 20000 : i32
        %mul3A_448 = arith.muli %rem3A_101, %mul3A_447 : i32
        %broadcast_in_dim3A_449 = vector.broadcast %mul3A_448 : i32 to vector<16xi32>
        %select_n3A_450 = arith.select %and3A_440, %add3A_446, %broadcast_in_dim3A_449 : vector<16xi1>, vector<16xi32>
        tpu.vector_store_idx %arg6[%select_n3A_450], %broadcast_in_dim3A_3 masked %and3A_440 : memref<40000xf32, #tpu.memory_space<vmem>>[vector<16xi32>], vector<16xf32>, vector<16xi1>
        %scan3A_451 = arith.constant 0 : i32
        %scan3A_452 = arith.constant 125 : i32
        %scan3A_453 = arith.addi %scan3A_451, %scan3A_452 : i32
        %scan3A_454 = arith.constant 1 : i32
        %scan3A_455:3 = scf.for %scan3A_457 = %scan3A_451 to %scan3A_453 step %scan3A_454 iter_args(%scan3A_458 = %scan3A_94, %scan3A_459 = %scan3A_95, %scan3A_460 = %scan3A_96) -> (vector<16xf32>, f32, i32)  : i32 {
          %mul3A_461 = arith.constant 20000 : i32
          %mul3A_462 = arith.muli %rem3A_101, %mul3A_461 : i32
          %mul3A_463 = arith.constant 160 : i32
          %mul3A_464 = arith.muli %scan3A_457, %mul3A_463 : i32
          %add3A_465 = arith.addi %mul3A_462, %mul3A_464 : i32
          %add3A_466 = arith.constant 0 : i32
          %add3A_467 = arith.addi %add3A_465, %add3A_466 : i32
          %get3A_468 = arith.index_cast %add3A_467 : i32 to index
          %get3A_469 = tpu.vector_load %arg6[%get3A_468] {strides = array<i32>} : memref<40000xf32, #tpu.memory_space<vmem>>, vector<16xf32>,
          %add3A_470 = arith.constant 16 : i32
          %add3A_471 = arith.addi %add3A_465, %add3A_470 : i32
          %get3A_472 = arith.index_cast %add3A_471 : i32 to index
          %get3A_473 = tpu.vector_load %arg6[%get3A_472] {strides = array<i32>} : memref<40000xf32, #tpu.memory_space<vmem>>, vector<16xf32>,
          %add3A_474 = arith.constant 32 : i32
          %add3A_475 = arith.addi %add3A_465, %add3A_474 : i32
          %get3A_476 = arith.index_cast %add3A_475 : i32 to index
          %get3A_477 = tpu.vector_load %arg6[%get3A_476] {strides = array<i32>} : memref<40000xf32, #tpu.memory_space<vmem>>, vector<16xf32>,
          %add3A_478 = arith.constant 48 : i32
          %add3A_479 = arith.addi %add3A_465, %add3A_478 : i32
          %get3A_480 = arith.index_cast %add3A_479 : i32 to index
          %get3A_481 = tpu.vector_load %arg6[%get3A_480] {strides = array<i32>} : memref<40000xf32, #tpu.memory_space<vmem>>, vector<16xf32>,
          %add3A_482 = arith.constant 64 : i32
          %add3A_483 = arith.addi %add3A_465, %add3A_482 : i32
          %get3A_484 = arith.index_cast %add3A_483 : i32 to index
          %get3A_485 = tpu.vector_load %arg6[%get3A_484] {strides = array<i32>} : memref<40000xf32, #tpu.memory_space<vmem>>, vector<16xf32>,
          %add3A_486 = arith.constant 80 : i32
          %add3A_487 = arith.addi %add3A_465, %add3A_486 : i32
          %get3A_488 = arith.index_cast %add3A_487 : i32 to index
          %get3A_489 = tpu.vector_load %arg6[%get3A_488] {strides = array<i32>} : memref<40000xf32, #tpu.memory_space<vmem>>, vector<16xf32>,
          %add3A_490 = arith.constant 96 : i32
          %add3A_491 = arith.addi %add3A_465, %add3A_490 : i32
          %get3A_492 = arith.index_cast %add3A_491 : i32 to index
          %get3A_493 = tpu.vector_load %arg6[%get3A_492] {strides = array<i32>} : memref<40000xf32, #tpu.memory_space<vmem>>, vector<16xf32>,
          %add3A_494 = arith.constant 112 : i32
          %add3A_495 = arith.addi %add3A_465, %add3A_494 : i32
          %get3A_496 = arith.index_cast %add3A_495 : i32 to index
          %get3A_497 = tpu.vector_load %arg6[%get3A_496] {strides = array<i32>} : memref<40000xf32, #tpu.memory_space<vmem>>, vector<16xf32>,
          %add3A_498 = arith.constant 128 : i32
          %add3A_499 = arith.addi %add3A_465, %add3A_498 : i32
          %get3A_500 = arith.index_cast %add3A_499 : i32 to index
          %get3A_501 = tpu.vector_load %arg6[%get3A_500] {strides = array<i32>} : memref<40000xf32, #tpu.memory_space<vmem>>, vector<16xf32>,
          %add3A_502 = arith.constant 144 : i32
          %add3A_503 = arith.addi %add3A_465, %add3A_502 : i32
          %get3A_504 = arith.index_cast %add3A_503 : i32 to index
          %get3A_505 = tpu.vector_load %arg6[%get3A_504] {strides = array<i32>} : memref<40000xf32, #tpu.memory_space<vmem>>, vector<16xf32>,
          %max3A = arith.maximumf %get3A_469, %get3A_473 : vector<16xf32>
          %max3A_506 = arith.maximumf %get3A_477, %get3A_481 : vector<16xf32>
          %max3A_507 = arith.maximumf %get3A_485, %get3A_489 : vector<16xf32>
          %max3A_508 = arith.maximumf %get3A_493, %get3A_497 : vector<16xf32>
          %max3A_509 = arith.maximumf %get3A_501, %get3A_505 : vector<16xf32>
          %max3A_510 = arith.maximumf %max3A, %max3A_506 : vector<16xf32>
          %max3A_511 = arith.maximumf %max3A_507, %max3A_508 : vector<16xf32>
          %max3A_512 = arith.maximumf %max3A_510, %max3A_511 : vector<16xf32>
          %max3A_513 = arith.maximumf %max3A_512, %max3A_509 : vector<16xf32>
          %reduce_max3A = arith.constant true
          %reduce_max3A_514 = vector.broadcast %reduce_max3A : i1 to vector<16xi1>
          %reduce_max3A_515 = tpu.scan <max>, %max3A_513 masked %reduce_max3A_514 : vector<16xf32>, vector<16xi1> -> vector<16xf32>
          %reduce_max3A_516 = vector.extract %reduce_max3A_515[15] : f32 from vector<16xf32>
          %ge3A_517 = arith.cmpf oge, %reduce_max3A_516, %scan3A_459 : f32
          %convert_element_type3A_518 = arith.extui %ge3A_517 : i1 to i32
          %cond3A_519 = arith.constant 0 : i32
          %cond3A_520 = arith.cmpi ne, %convert_element_type3A_518, %cond3A_519 : i32
          %cond3A_521:3 = scf.if %cond3A_520 -> (vector<16xf32>, f32, i32) {
            %add3A_522 = arith.constant 0 : i32
            %add3A_523 = arith.addi %add3A_465, %add3A_522 : i32
            %get3A_524 = arith.index_cast %add3A_523 : i32 to index
            %get3A_525 = tpu.vector_load %arg6[%get3A_524] {strides = array<i32>} : memref<40000xf32, #tpu.memory_space<vmem>>, vector<16xf32>,
            %ge3A_526 = arith.cmpf oge, %get3A_525, %scan3A_458 : vector<16xf32>
            %convert_element_type3A_527 = arith.extui %ge3A_526 : vector<16xi1> to vector<16xi32>
            %mul3A_528 = arith.constant 160 : i32
            %mul3A_529 = arith.muli %scan3A_457, %mul3A_528 : i32
            %add3A_530 = arith.addi %mul3A_115, %mul3A_529 : i32
            %add3A_531 = arith.constant 0 : i32
            %add3A_532 = arith.addi %add3A_530, %add3A_531 : i32
            %add3A_533 = vector.broadcast %add3A_532 : i32 to vector<16xi32>
            %add3A_534 = arith.addi %add3A_533, %iota3A : vector<16xi32>
            %cumsum3A = arith.constant true
            %cumsum3A_535 = vector.broadcast %cumsum3A : i1 to vector<16xi1>
            %cumsum3A_536 = tpu.scan <sum>, %convert_element_type3A_527 masked %cumsum3A_535 : vector<16xi32>, vector<16xi1> -> vector<16xi32>
            %add3A_537 = vector.broadcast %scan3A_460 : i32 to vector<16xi32>
            %add3A_538 = arith.addi %add3A_537, %cumsum3A_536 : vector<16xi32>
            %sub3A_539 = arith.subi %add3A_538, %convert_element_type3A_527 : vector<16xi32>
            tpu.vector_store_idx %arg8[%sub3A_539], %get3A_525 masked %ge3A_526 : memref<256xf32, #tpu.memory_space<vmem>>[vector<16xi32>], vector<16xf32>, vector<16xi1>
            tpu.vector_store_idx %arg9[%sub3A_539], %add3A_534 masked %ge3A_526 : memref<256xi32, #tpu.memory_space<vmem>>[vector<16xi32>], vector<16xi32>, vector<16xi1>
            %reduce_sum3A = arith.constant true
            %reduce_sum3A_540 = vector.broadcast %reduce_sum3A : i1 to vector<16xi1>
            %reduce_sum3A_541 = tpu.scan <sum>, %convert_element_type3A_527 masked %reduce_sum3A_540 : vector<16xi32>, vector<16xi1> -> vector<16xi32>
            %reduce_sum3A_542 = vector.extract %reduce_sum3A_541[15] : i32 from vector<16xi32>
            %add3A_543 = arith.addi %scan3A_460, %reduce_sum3A_542 : i32
            %gt3A_544 = arith.constant 240 : i32
            %gt3A_545 = arith.cmpi sgt, %add3A_543, %gt3A_544 : i32
            %convert_element_type3A_546 = arith.extui %gt3A_545 : i1 to i32
            %cond3A_547 = arith.constant 0 : i32
            %cond3A_548 = arith.cmpi ne, %convert_element_type3A_546, %cond3A_547 : i32
            %cond3A_549:3 = scf.if %cond3A_548 -> (vector<16xf32>, f32, i32) {
              %add3A_820 = arith.constant 15 : i32
              %add3A_821 = arith.addi %add3A_543, %add3A_820 : i32
              %jit3A_822 = arith.constant 16 : i32
              %div3A_823 = arith.divsi %add3A_821, %jit3A_822 : i32
              %sign3A_824 = arith.constant 0 : i32
              %sign3A_825 = arith.cmpi sgt, %add3A_821, %sign3A_824 : i32
              %sign3A_826 = arith.extui %sign3A_825 : i1 to i32
              %sign3A_827 = arith.constant 0 : i32
              %sign3A_828 = arith.cmpi slt, %add3A_821, %sign3A_827 : i32
              %sign3A_829 = arith.extui %sign3A_828 : i1 to i32
              %sign3A_830 = arith.subi %sign3A_826, %sign3A_829 : i32
              %sign3A_831 = arith.constant 0 : i32
              %sign3A_832 = arith.cmpi sgt, %jit3A_822, %sign3A_831 : i32
              %sign3A_833 = arith.extui %sign3A_832 : i1 to i32
              %sign3A_834 = arith.constant 0 : i32
              %sign3A_835 = arith.cmpi slt, %jit3A_822, %sign3A_834 : i32
              %sign3A_836 = arith.extui %sign3A_835 : i1 to i32
              %sign3A_837 = arith.subi %sign3A_833, %sign3A_836 : i32
              %ne3A_838 = arith.cmpi ne, %sign3A_830, %sign3A_837 : i32
              %rem3A_839 = arith.remsi %add3A_821, %jit3A_822 : i32
              %ne3A_840 = arith.constant 0 : i32
              %ne3A_841 = arith.cmpi ne, %rem3A_839, %ne3A_840 : i32
              %and3A_842 = arith.andi %ne3A_838, %ne3A_841 : i1
              %sub3A_843 = arith.constant 1 : i32
              %sub3A_844 = arith.subi %div3A_823, %sub3A_843 : i32
              %select_n3A_845 = arith.select %and3A_842, %sub3A_844, %div3A_823 : i32
              %scan3A_846 = arith.constant 0xFF800000 : f32
              %scan3A_847 = arith.constant 0 : i32
              %scan3A_848 = arith.constant 20 : i32
              %scan3A_849 = arith.addi %scan3A_847, %scan3A_848 : i32
              %scan3A_850 = arith.constant 1 : i32
              %scan3A_851:5 = scf.for %scan3A_863 = %scan3A_847 to %scan3A_849 step %scan3A_850 iter_args(%scan3A_864 = %broadcast_in_dim3A_3, %scan3A_865 = %broadcast_in_dim3A_3, %scan3A_866 = %broadcast_in_dim3A_5, %scan3A_867 = %broadcast_in_dim3A_5, %scan3A_868 = %scan3A_846) -> (vector<16xf32>, vector<16xf32>, vector<16xi32>, vector<16xi32>, f32)  : i32 {
                %while3A = arith.constant 0 : i32
                %while3A_869 = arith.subi %select_n3A_845, %while3A : i32
                %while3A_870 = arith.addi %while3A, %while3A_869 : i32
                %while3A_871 = arith.constant 1 : i32
                %while3A_872 = arith.divsi %while3A_869, %while3A_871 : i32
                %while3A_873 = arith.muli %while3A_872, %while3A_871 : i32
                %while3A_874 = arith.addi %while3A, %while3A_873 : i32
                %while3A_875 = arith.constant 1 : i32
                %while3A_876:2 = scf.for %while3A_925 = %while3A to %while3A_874 step %while3A_875 iter_args(%while3A_926 = %broadcast_in_dim3A_3, %while3A_927 = %broadcast_in_dim3A_5) -> (vector<16xf32>, vector<16xi32>)  : i32 {
                  %mul3A_928 = arith.constant 16 : i32
                  %mul3A_929 = arith.muli %while3A_925, %mul3A_928 : i32
                  %add3A_930 = vector.broadcast %mul3A_929 : i32 to vector<16xi32>
                  %add3A_931 = arith.addi %add3A_930, %iota3A : vector<16xi32>
                  %mul3A_932 = arith.constant 16 : i32
                  %mul3A_933 = arith.muli %while3A_925, %mul3A_932 : i32
                  %get3A_934 = arith.index_cast %mul3A_933 : i32 to index
                  %get3A_935 = tpu.vector_load %arg8[%get3A_934] {strides = array<i32>} : memref<256xf32, #tpu.memory_space<vmem>>, vector<16xf32>,
                  %mul3A_936 = arith.constant 16 : i32
                  %mul3A_937 = arith.muli %while3A_925, %mul3A_936 : i32
                  %get3A_938 = arith.index_cast %mul3A_937 : i32 to index
                  %get3A_939 = tpu.vector_load %arg9[%get3A_938] {strides = array<i32>} : memref<256xi32, #tpu.memory_space<vmem>>, vector<16xi32>,
                  %lt3A_940 = vector.broadcast %add3A_543 : i32 to vector<16xi32>
                  %lt3A_941 = arith.cmpi slt, %add3A_931, %lt3A_940 : vector<16xi32>
                  %select_n3A_942 = arith.select %lt3A_941, %get3A_935, %broadcast_in_dim3A_3 : vector<16xi1>, vector<16xf32>
                  %select_n3A_943 = arith.select %lt3A_941, %get3A_939, %broadcast_in_dim3A_5 : vector<16xi1>, vector<16xi32>
                  %gt3A_944 = arith.cmpf ogt, %select_n3A_942, %while3A_926 : vector<16xf32>
                  %eq3A_945 = arith.cmpf oeq, %select_n3A_942, %while3A_926 : vector<16xf32>
                  %lt3A_946 = arith.cmpi slt, %select_n3A_943, %while3A_927 : vector<16xi32>
                  %and3A_947 = arith.andi %eq3A_945, %lt3A_946 : vector<16xi1>
                  %or3A = arith.ori %gt3A_944, %and3A_947 : vector<16xi1>
                  %select_n3A_948 = arith.select %or3A, %select_n3A_942, %while3A_926 : vector<16xi1>, vector<16xf32>
                  %select_n3A_949 = arith.select %or3A, %select_n3A_943, %while3A_927 : vector<16xi1>, vector<16xi32>
                  scf.yield %select_n3A_948, %select_n3A_949 : vector<16xf32>, vector<16xi32>
                }
                %while3A_877 = arith.constant 1 : i32
                %while3A_878:2 = scf.for %while3A_925 = %while3A_874 to %while3A_870 step %while3A_877 iter_args(%while3A_926 = %while3A_876#0, %while3A_927 = %while3A_876#1) -> (vector<16xf32>, vector<16xi32>)  : i32 {
                  %mul3A_928 = arith.constant 16 : i32
                  %mul3A_929 = arith.muli %while3A_925, %mul3A_928 : i32
                  %add3A_930 = vector.broadcast %mul3A_929 : i32 to vector<16xi32>
                  %add3A_931 = arith.addi %add3A_930, %iota3A : vector<16xi32>
                  %mul3A_932 = arith.constant 16 : i32
                  %mul3A_933 = arith.muli %while3A_925, %mul3A_932 : i32
                  %get3A_934 = arith.index_cast %mul3A_933 : i32 to index
                  %get3A_935 = tpu.vector_load %arg8[%get3A_934] {strides = array<i32>} : memref<256xf32, #tpu.memory_space<vmem>>, vector<16xf32>,
                  %mul3A_936 = arith.constant 16 : i32
                  %mul3A_937 = arith.muli %while3A_925, %mul3A_936 : i32
                  %get3A_938 = arith.index_cast %mul3A_937 : i32 to index
                  %get3A_939 = tpu.vector_load %arg9[%get3A_938] {strides = array<i32>} : memref<256xi32, #tpu.memory_space<vmem>>, vector<16xi32>,
                  %lt3A_940 = vector.broadcast %add3A_543 : i32 to vector<16xi32>
                  %lt3A_941 = arith.cmpi slt, %add3A_931, %lt3A_940 : vector<16xi32>
                  %select_n3A_942 = arith.select %lt3A_941, %get3A_935, %broadcast_in_dim3A_3 : vector<16xi1>, vector<16xf32>
                  %select_n3A_943 = arith.select %lt3A_941, %get3A_939, %broadcast_in_dim3A_5 : vector<16xi1>, vector<16xi32>
                  %gt3A_944 = arith.cmpf ogt, %select_n3A_942, %while3A_926 : vector<16xf32>
                  %eq3A_945 = arith.cmpf oeq, %select_n3A_942, %while3A_926 : vector<16xf32>
                  %lt3A_946 = arith.cmpi slt, %select_n3A_943, %while3A_927 : vector<16xi32>
                  %and3A_947 = arith.andi %eq3A_945, %lt3A_946 : vector<16xi1>
                  %or3A = arith.ori %gt3A_944, %and3A_947 : vector<16xi1>
                  %select_n3A_948 = arith.select %or3A, %select_n3A_942, %while3A_926 : vector<16xi1>, vector<16xf32>
                  %select_n3A_949 = arith.select %or3A, %select_n3A_943, %while3A_927 : vector<16xi1>, vector<16xi32>
                  scf.yield %select_n3A_948, %select_n3A_949 : vector<16xf32>, vector<16xi32>
                }
                %reduce_max3A_879 = arith.constant true
                %reduce_max3A_880 = vector.broadcast %reduce_max3A_879 : i1 to vector<16xi1>
                %reduce_max3A_881 = tpu.scan <max>, %while3A_878#0 masked %reduce_max3A_880 : vector<16xf32>, vector<16xi1> -> vector<16xf32>
                %reduce_max3A_882 = vector.extract %reduce_max3A_881[15] : f32 from vector<16xf32>
                %eq3A = vector.broadcast %reduce_max3A_882 : f32 to vector<16xf32>
                %eq3A_883 = arith.cmpf oeq, %while3A_878#0, %eq3A : vector<16xf32>
                %select_n3A_884 = arith.select %eq3A_883, %while3A_878#1, %broadcast_in_dim3A_5 : vector<16xi1>, vector<16xi32>
                %reduce_min3A = arith.constant true
                %reduce_min3A_885 = vector.broadcast %reduce_min3A : i1 to vector<16xi1>
                %reduce_min3A_886 = arith.constant -2147483648 : i32
                %reduce_min3A_887 = vector.broadcast %reduce_min3A_886 : i32 to vector<16xi32>
                %reduce_min3A_888 = arith.xori %select_n3A_884, %reduce_min3A_887 : vector<16xi32>
                %reduce_min3A_889 = tpu.scan <min>, %reduce_min3A_888 masked %reduce_min3A_885 : vector<16xi32>, vector<16xi1> -> vector<16xi32>
                %reduce_min3A_890 = arith.xori %reduce_min3A_889, %reduce_min3A_887 : vector<16xi32>
                %reduce_min3A_891 = vector.extract %reduce_min3A_890[15] : i32 from vector<16xi32>
                %while3A_892 = arith.constant 0 : i32
                %while3A_893 = arith.constant 0 : i32
                %while3A_894 = arith.subi %select_n3A_845, %while3A_893 : i32
                %while3A_895 = arith.addi %while3A_893, %while3A_894 : i32
                %while3A_896 = arith.constant 1 : i32
                %while3A_897 = arith.divsi %while3A_894, %while3A_896 : i32
                %while3A_898 = arith.muli %while3A_897, %while3A_896 : i32
                %while3A_899 = arith.addi %while3A_893, %while3A_898 : i32
                %while3A_900 = arith.constant 1 : i32
                scf.for %while3A_925 = %while3A_893 to %while3A_899 step %while3A_900  : i32 {
                  %mul3A_926 = arith.constant 16 : i32
                  %mul3A_927 = arith.muli %while3A_925, %mul3A_926 : i32
                  %get3A_928 = arith.index_cast %mul3A_927 : i32 to index
                  %get3A_929 = tpu.vector_load %arg8[%get3A_928] {strides = array<i32>} : memref<256xf32, #tpu.memory_space<vmem>>, vector<16xf32>,
                  %mul3A_930 = arith.constant 16 : i32
                  %mul3A_931 = arith.muli %while3A_925, %mul3A_930 : i32
                  %get3A_932 = arith.index_cast %mul3A_931 : i32 to index
                  %get3A_933 = tpu.vector_load %arg9[%get3A_932] {strides = array<i32>} : memref<256xi32, #tpu.memory_space<vmem>>, vector<16xi32>,
                  %eq3A_934 = vector.broadcast %reduce_max3A_882 : f32 to vector<16xf32>
                  %eq3A_935 = arith.cmpf oeq, %get3A_929, %eq3A_934 : vector<16xf32>
                  %eq3A_936 = vector.broadcast %reduce_min3A_891 : i32 to vector<16xi32>
                  %eq3A_937 = arith.cmpi eq, %get3A_933, %eq3A_936 : vector<16xi32>
                  %and3A_938 = arith.andi %eq3A_935, %eq3A_937 : vector<16xi1>
                  %select_n3A_939 = arith.select %and3A_938, %broadcast_in_dim3A_3, %get3A_929 : vector<16xi1>, vector<16xf32>
                  %mul3A_940 = arith.constant 16 : i32
                  %mul3A_941 = arith.muli %while3A_925, %mul3A_940 : i32
                  %swap3A_942 = arith.index_cast %mul3A_941 : i32 to index
                  %swap3A_943 = tpu.vector_load %arg8[%swap3A_942] {strides = array<i32>} : memref<256xf32, #tpu.memory_space<vmem>>, vector<16xf32>,
                  tpu.vector_store %arg8[%swap3A_942], %select_n3A_939 {strides = array<i32>} : memref<256xf32, #tpu.memory_space<vmem>>, vector<16xf32>,
                }
                %while3A_901 = arith.constant 1 : i32
                scf.for %while3A_925 = %while3A_899 to %while3A_895 step %while3A_901  : i32 {
                  %mul3A_926 = arith.constant 16 : i32
                  %mul3A_927 = arith.muli %while3A_925, %mul3A_926 : i32
                  %get3A_928 = arith.index_cast %mul3A_927 : i32 to index
                  %get3A_929 = tpu.vector_load %arg8[%get3A_928] {strides = array<i32>} : memref<256xf32, #tpu.memory_space<vmem>>, vector<16xf32>,
                  %mul3A_930 = arith.constant 16 : i32
                  %mul3A_931 = arith.muli %while3A_925, %mul3A_930 : i32
                  %get3A_932 = arith.index_cast %mul3A_931 : i32 to index
                  %get3A_933 = tpu.vector_load %arg9[%get3A_932] {strides = array<i32>} : memref<256xi32, #tpu.memory_space<vmem>>, vector<16xi32>,
                  %eq3A_934 = vector.broadcast %reduce_max3A_882 : f32 to vector<16xf32>
                  %eq3A_935 = arith.cmpf oeq, %get3A_929, %eq3A_934 : vector<16xf32>
                  %eq3A_936 = vector.broadcast %reduce_min3A_891 : i32 to vector<16xi32>
                  %eq3A_937 = arith.cmpi eq, %get3A_933, %eq3A_936 : vector<16xi32>
                  %and3A_938 = arith.andi %eq3A_935, %eq3A_937 : vector<16xi1>
                  %select_n3A_939 = arith.select %and3A_938, %broadcast_in_dim3A_3, %get3A_929 : vector<16xi1>, vector<16xf32>
                  %mul3A_940 = arith.constant 16 : i32
                  %mul3A_941 = arith.muli %while3A_925, %mul3A_940 : i32
                  %swap3A_942 = arith.index_cast %mul3A_941 : i32 to index
                  %swap3A_943 = tpu.vector_load %arg8[%swap3A_942] {strides = array<i32>} : memref<256xf32, #tpu.memory_space<vmem>>, vector<16xf32>,
                  tpu.vector_store %arg8[%swap3A_942], %select_n3A_939 {strides = array<i32>} : memref<256xf32, #tpu.memory_space<vmem>>, vector<16xf32>,
                }
                %broadcast_in_dim3A_902 = vector.broadcast %reduce_max3A_882 : f32 to vector<16xf32>
                %broadcast_in_dim3A_903 = vector.broadcast %reduce_min3A_891 : i32 to vector<16xi32>
                %rem3A_904 = arith.constant 16 : i32
                %rem3A_905 = arith.remsi %scan3A_863, %rem3A_904 : i32
                %eq3A_906 = vector.broadcast %rem3A_905 : i32 to vector<16xi32>
                %eq3A_907 = arith.cmpi eq, %iota3A, %eq3A_906 : vector<16xi32>
                %lt3A_908 = arith.constant 16 : i32
                %lt3A_909 = arith.cmpi slt, %scan3A_863, %lt3A_908 : i32
                %and3A_910 = vector.broadcast %lt3A_909 : i1 to vector<16xi1>
                %and3A_911 = arith.andi %eq3A_907, %and3A_910 : vector<16xi1>
                %select_n3A_912 = arith.select %and3A_911, %broadcast_in_dim3A_902, %scan3A_864 : vector<16xi1>, vector<16xf32>
                %and3A_913 = vector.broadcast %lt3A_909 : i1 to vector<16xi1>
                %and3A_914 = arith.andi %eq3A_907, %and3A_913 : vector<16xi1>
                %select_n3A_915 = arith.select %and3A_914, %broadcast_in_dim3A_903, %scan3A_866 : vector<16xi1>, vector<16xi32>
                %not3A = arith.constant true
                %not3A_916 = arith.xori %lt3A_909, %not3A : i1
                %and3A_917 = vector.broadcast %not3A_916 : i1 to vector<16xi1>
                %and3A_918 = arith.andi %eq3A_907, %and3A_917 : vector<16xi1>
                %select_n3A_919 = arith.select %and3A_918, %broadcast_in_dim3A_902, %scan3A_865 : vector<16xi1>, vector<16xf32>
                %not3A_920 = arith.constant true
                %not3A_921 = arith.xori %lt3A_909, %not3A_920 : i1
                %and3A_922 = vector.broadcast %not3A_921 : i1 to vector<16xi1>
                %and3A_923 = arith.andi %eq3A_907, %and3A_922 : vector<16xi1>
                %select_n3A_924 = arith.select %and3A_923, %broadcast_in_dim3A_903, %scan3A_867 : vector<16xi1>, vector<16xi32>
                scf.yield %select_n3A_912, %select_n3A_919, %select_n3A_915, %select_n3A_924, %reduce_max3A_882 : vector<16xf32>, vector<16xf32>, vector<16xi32>, vector<16xi32>, f32
              }
              %scan3A_852 = arith.constant 20 : i32
              %swap3A_853 = arith.constant 0 : index
              %swap3A_854 = tpu.vector_load %arg8[%swap3A_853] {strides = array<i32>} : memref<256xf32, #tpu.memory_space<vmem>>, vector<16xf32>,
              tpu.vector_store %arg8[%swap3A_853], %scan3A_851#0 {strides = array<i32>} : memref<256xf32, #tpu.memory_space<vmem>>, vector<16xf32>,
              %swap3A_855 = arith.constant 16 : index
              %swap3A_856 = tpu.vector_load %arg8[%swap3A_855] {strides = array<i32>} : memref<256xf32, #tpu.memory_space<vmem>>, vector<16xf32>,
              tpu.vector_store %arg8[%swap3A_855], %scan3A_851#1 {strides = array<i32>} : memref<256xf32, #tpu.memory_space<vmem>>, vector<16xf32>,
              %swap3A_857 = arith.constant 0 : index
              %swap3A_858 = tpu.vector_load %arg9[%swap3A_857] {strides = array<i32>} : memref<256xi32, #tpu.memory_space<vmem>>, vector<16xi32>,
              tpu.vector_store %arg9[%swap3A_857], %scan3A_851#2 {strides = array<i32>} : memref<256xi32, #tpu.memory_space<vmem>>, vector<16xi32>,
              %swap3A_859 = arith.constant 16 : index
              %swap3A_860 = tpu.vector_load %arg9[%swap3A_859] {strides = array<i32>} : memref<256xi32, #tpu.memory_space<vmem>>, vector<16xi32>,
              tpu.vector_store %arg9[%swap3A_859], %scan3A_851#3 {strides = array<i32>} : memref<256xi32, #tpu.memory_space<vmem>>, vector<16xi32>,
              %broadcast_in_dim3A_861 = vector.broadcast %scan3A_851#4 : f32 to vector<16xf32>
              %cond3A_862 = arith.constant 32 : i32
              scf.yield %broadcast_in_dim3A_861, %scan3A_851#4, %cond3A_862 : vector<16xf32>, f32, i32
            } else {
              scf.yield %scan3A_458, %scan3A_459, %add3A_543 : vector<16xf32>, f32, i32
            }
            %add3A_550 = arith.constant 16 : i32
            %add3A_551 = arith.addi %add3A_465, %add3A_550 : i32
            %get3A_552 = arith.index_cast %add3A_551 : i32 to index
            %get3A_553 = tpu.vector_load %arg6[%get3A_552] {strides = array<i32>} : memref<40000xf32, #tpu.memory_space<vmem>>, vector<16xf32>,
            %ge3A_554 = arith.cmpf oge, %get3A_553, %cond3A_549#0 : vector<16xf32>
            %convert_element_type3A_555 = arith.extui %ge3A_554 : vector<16xi1> to vector<16xi32>
            %mul3A_556 = arith.constant 160 : i32
            %mul3A_557 = arith.muli %scan3A_457, %mul3A_556 : i32
            %add3A_558 = arith.addi %mul3A_115, %mul3A_557 : i32
            %add3A_559 = arith.constant 16 : i32
            %add3A_560 = arith.addi %add3A_558, %add3A_559 : i32
            %add3A_561 = vector.broadcast %add3A_560 : i32 to vector<16xi32>
            %add3A_562 = arith.addi %add3A_561, %iota3A : vector<16xi32>
            %cumsum3A_563 = arith.constant true
            %cumsum3A_564 = vector.broadcast %cumsum3A_563 : i1 to vector<16xi1>
            %cumsum3A_565 = tpu.scan <sum>, %convert_element_type3A_555 masked %cumsum3A_564 : vector<16xi32>, vector<16xi1> -> vector<16xi32>
            %add3A_566 = vector.broadcast %cond3A_549#2 : i32 to vector<16xi32>
            %add3A_567 = arith.addi %add3A_566, %cumsum3A_565 : vector<16xi32>
            %sub3A_568 = arith.subi %add3A_567, %convert_element_type3A_555 : vector<16xi32>
            tpu.vector_store_idx %arg8[%sub3A_568], %get3A_553 masked %ge3A_554 : memref<256xf32, #tpu.memory_space<vmem>>[vector<16xi32>], vector<16xf32>, vector<16xi1>
            tpu.vector_store_idx %arg9[%sub3A_568], %add3A_562 masked %ge3A_554 : memref<256xi32, #tpu.memory_space<vmem>>[vector<16xi32>], vector<16xi32>, vector<16xi1>
            %reduce_sum3A_569 = arith.constant true
            %reduce_sum3A_570 = vector.broadcast %reduce_sum3A_569 : i1 to vector<16xi1>
            %reduce_sum3A_571 = tpu.scan <sum>, %convert_element_type3A_555 masked %reduce_sum3A_570 : vector<16xi32>, vector<16xi1> -> vector<16xi32>
            %reduce_sum3A_572 = vector.extract %reduce_sum3A_571[15] : i32 from vector<16xi32>
            %add3A_573 = arith.addi %cond3A_549#2, %reduce_sum3A_572 : i32
            %gt3A_574 = arith.constant 240 : i32
            %gt3A_575 = arith.cmpi sgt, %add3A_573, %gt3A_574 : i32
            %convert_element_type3A_576 = arith.extui %gt3A_575 : i1 to i32
            %cond3A_577 = arith.constant 0 : i32
            %cond3A_578 = arith.cmpi ne, %convert_element_type3A_576, %cond3A_577 : i32
            %cond3A_579:3 = scf.if %cond3A_578 -> (vector<16xf32>, f32, i32) {
              %add3A_820 = arith.constant 15 : i32
              %add3A_821 = arith.addi %add3A_573, %add3A_820 : i32
              %jit3A_822 = arith.constant 16 : i32
              %div3A_823 = arith.divsi %add3A_821, %jit3A_822 : i32
              %sign3A_824 = arith.constant 0 : i32
              %sign3A_825 = arith.cmpi sgt, %add3A_821, %sign3A_824 : i32
              %sign3A_826 = arith.extui %sign3A_825 : i1 to i32
              %sign3A_827 = arith.constant 0 : i32
              %sign3A_828 = arith.cmpi slt, %add3A_821, %sign3A_827 : i32
              %sign3A_829 = arith.extui %sign3A_828 : i1 to i32
              %sign3A_830 = arith.subi %sign3A_826, %sign3A_829 : i32
              %sign3A_831 = arith.constant 0 : i32
              %sign3A_832 = arith.cmpi sgt, %jit3A_822, %sign3A_831 : i32
              %sign3A_833 = arith.extui %sign3A_832 : i1 to i32
              %sign3A_834 = arith.constant 0 : i32
              %sign3A_835 = arith.cmpi slt, %jit3A_822, %sign3A_834 : i32
              %sign3A_836 = arith.extui %sign3A_835 : i1 to i32
              %sign3A_837 = arith.subi %sign3A_833, %sign3A_836 : i32
              %ne3A_838 = arith.cmpi ne, %sign3A_830, %sign3A_837 : i32
              %rem3A_839 = arith.remsi %add3A_821, %jit3A_822 : i32
              %ne3A_840 = arith.constant 0 : i32
              %ne3A_841 = arith.cmpi ne, %rem3A_839, %ne3A_840 : i32
              %and3A_842 = arith.andi %ne3A_838, %ne3A_841 : i1
              %sub3A_843 = arith.constant 1 : i32
              %sub3A_844 = arith.subi %div3A_823, %sub3A_843 : i32
              %select_n3A_845 = arith.select %and3A_842, %sub3A_844, %div3A_823 : i32
              %scan3A_846 = arith.constant 0xFF800000 : f32
              %scan3A_847 = arith.constant 0 : i32
              %scan3A_848 = arith.constant 20 : i32
              %scan3A_849 = arith.addi %scan3A_847, %scan3A_848 : i32
              %scan3A_850 = arith.constant 1 : i32
              %scan3A_851:5 = scf.for %scan3A_863 = %scan3A_847 to %scan3A_849 step %scan3A_850 iter_args(%scan3A_864 = %broadcast_in_dim3A_3, %scan3A_865 = %broadcast_in_dim3A_3, %scan3A_866 = %broadcast_in_dim3A_5, %scan3A_867 = %broadcast_in_dim3A_5, %scan3A_868 = %scan3A_846) -> (vector<16xf32>, vector<16xf32>, vector<16xi32>, vector<16xi32>, f32)  : i32 {
                %while3A = arith.constant 0 : i32
                %while3A_869 = arith.subi %select_n3A_845, %while3A : i32
                %while3A_870 = arith.addi %while3A, %while3A_869 : i32
                %while3A_871 = arith.constant 1 : i32
                %while3A_872 = arith.divsi %while3A_869, %while3A_871 : i32
                %while3A_873 = arith.muli %while3A_872, %while3A_871 : i32
                %while3A_874 = arith.addi %while3A, %while3A_873 : i32
                %while3A_875 = arith.constant 1 : i32
                %while3A_876:2 = scf.for %while3A_925 = %while3A to %while3A_874 step %while3A_875 iter_args(%while3A_926 = %broadcast_in_dim3A_3, %while3A_927 = %broadcast_in_dim3A_5) -> (vector<16xf32>, vector<16xi32>)  : i32 {
                  %mul3A_928 = arith.constant 16 : i32
                  %mul3A_929 = arith.muli %while3A_925, %mul3A_928 : i32
                  %add3A_930 = vector.broadcast %mul3A_929 : i32 to vector<16xi32>
                  %add3A_931 = arith.addi %add3A_930, %iota3A : vector<16xi32>
                  %mul3A_932 = arith.constant 16 : i32
                  %mul3A_933 = arith.muli %while3A_925, %mul3A_932 : i32
                  %get3A_934 = arith.index_cast %mul3A_933 : i32 to index
                  %get3A_935 = tpu.vector_load %arg8[%get3A_934] {strides = array<i32>} : memref<256xf32, #tpu.memory_space<vmem>>, vector<16xf32>,
                  %mul3A_936 = arith.constant 16 : i32
                  %mul3A_937 = arith.muli %while3A_925, %mul3A_936 : i32
                  %get3A_938 = arith.index_cast %mul3A_937 : i32 to index
                  %get3A_939 = tpu.vector_load %arg9[%get3A_938] {strides = array<i32>} : memref<256xi32, #tpu.memory_space<vmem>>, vector<16xi32>,
                  %lt3A_940 = vector.broadcast %add3A_573 : i32 to vector<16xi32>
                  %lt3A_941 = arith.cmpi slt, %add3A_931, %lt3A_940 : vector<16xi32>
                  %select_n3A_942 = arith.select %lt3A_941, %get3A_935, %broadcast_in_dim3A_3 : vector<16xi1>, vector<16xf32>
                  %select_n3A_943 = arith.select %lt3A_941, %get3A_939, %broadcast_in_dim3A_5 : vector<16xi1>, vector<16xi32>
                  %gt3A_944 = arith.cmpf ogt, %select_n3A_942, %while3A_926 : vector<16xf32>
                  %eq3A_945 = arith.cmpf oeq, %select_n3A_942, %while3A_926 : vector<16xf32>
                  %lt3A_946 = arith.cmpi slt, %select_n3A_943, %while3A_927 : vector<16xi32>
                  %and3A_947 = arith.andi %eq3A_945, %lt3A_946 : vector<16xi1>
                  %or3A = arith.ori %gt3A_944, %and3A_947 : vector<16xi1>
                  %select_n3A_948 = arith.select %or3A, %select_n3A_942, %while3A_926 : vector<16xi1>, vector<16xf32>
                  %select_n3A_949 = arith.select %or3A, %select_n3A_943, %while3A_927 : vector<16xi1>, vector<16xi32>
                  scf.yield %select_n3A_948, %select_n3A_949 : vector<16xf32>, vector<16xi32>
                }
                %while3A_877 = arith.constant 1 : i32
                %while3A_878:2 = scf.for %while3A_925 = %while3A_874 to %while3A_870 step %while3A_877 iter_args(%while3A_926 = %while3A_876#0, %while3A_927 = %while3A_876#1) -> (vector<16xf32>, vector<16xi32>)  : i32 {
                  %mul3A_928 = arith.constant 16 : i32
                  %mul3A_929 = arith.muli %while3A_925, %mul3A_928 : i32
                  %add3A_930 = vector.broadcast %mul3A_929 : i32 to vector<16xi32>
                  %add3A_931 = arith.addi %add3A_930, %iota3A : vector<16xi32>
                  %mul3A_932 = arith.constant 16 : i32
                  %mul3A_933 = arith.muli %while3A_925, %mul3A_932 : i32
                  %get3A_934 = arith.index_cast %mul3A_933 : i32 to index
                  %get3A_935 = tpu.vector_load %arg8[%get3A_934] {strides = array<i32>} : memref<256xf32, #tpu.memory_space<vmem>>, vector<16xf32>,
                  %mul3A_936 = arith.constant 16 : i32
                  %mul3A_937 = arith.muli %while3A_925, %mul3A_936 : i32
                  %get3A_938 = arith.index_cast %mul3A_937 : i32 to index
                  %get3A_939 = tpu.vector_load %arg9[%get3A_938] {strides = array<i32>} : memref<256xi32, #tpu.memory_space<vmem>>, vector<16xi32>,
                  %lt3A_940 = vector.broadcast %add3A_573 : i32 to vector<16xi32>
                  %lt3A_941 = arith.cmpi slt, %add3A_931, %lt3A_940 : vector<16xi32>
                  %select_n3A_942 = arith.select %lt3A_941, %get3A_935, %broadcast_in_dim3A_3 : vector<16xi1>, vector<16xf32>
                  %select_n3A_943 = arith.select %lt3A_941, %get3A_939, %broadcast_in_dim3A_5 : vector<16xi1>, vector<16xi32>
                  %gt3A_944 = arith.cmpf ogt, %select_n3A_942, %while3A_926 : vector<16xf32>
                  %eq3A_945 = arith.cmpf oeq, %select_n3A_942, %while3A_926 : vector<16xf32>
                  %lt3A_946 = arith.cmpi slt, %select_n3A_943, %while3A_927 : vector<16xi32>
                  %and3A_947 = arith.andi %eq3A_945, %lt3A_946 : vector<16xi1>
                  %or3A = arith.ori %gt3A_944, %and3A_947 : vector<16xi1>
                  %select_n3A_948 = arith.select %or3A, %select_n3A_942, %while3A_926 : vector<16xi1>, vector<16xf32>
                  %select_n3A_949 = arith.select %or3A, %select_n3A_943, %while3A_927 : vector<16xi1>, vector<16xi32>
                  scf.yield %select_n3A_948, %select_n3A_949 : vector<16xf32>, vector<16xi32>
                }
                %reduce_max3A_879 = arith.constant true
                %reduce_max3A_880 = vector.broadcast %reduce_max3A_879 : i1 to vector<16xi1>
                %reduce_max3A_881 = tpu.scan <max>, %while3A_878#0 masked %reduce_max3A_880 : vector<16xf32>, vector<16xi1> -> vector<16xf32>
                %reduce_max3A_882 = vector.extract %reduce_max3A_881[15] : f32 from vector<16xf32>
                %eq3A = vector.broadcast %reduce_max3A_882 : f32 to vector<16xf32>
                %eq3A_883 = arith.cmpf oeq, %while3A_878#0, %eq3A : vector<16xf32>
                %select_n3A_884 = arith.select %eq3A_883, %while3A_878#1, %broadcast_in_dim3A_5 : vector<16xi1>, vector<16xi32>
                %reduce_min3A = arith.constant true
                %reduce_min3A_885 = vector.broadcast %reduce_min3A : i1 to vector<16xi1>
                %reduce_min3A_886 = arith.constant -2147483648 : i32
                %reduce_min3A_887 = vector.broadcast %reduce_min3A_886 : i32 to vector<16xi32>
                %reduce_min3A_888 = arith.xori %select_n3A_884, %reduce_min3A_887 : vector<16xi32>
                %reduce_min3A_889 = tpu.scan <min>, %reduce_min3A_888 masked %reduce_min3A_885 : vector<16xi32>, vector<16xi1> -> vector<16xi32>
                %reduce_min3A_890 = arith.xori %reduce_min3A_889, %reduce_min3A_887 : vector<16xi32>
                %reduce_min3A_891 = vector.extract %reduce_min3A_890[15] : i32 from vector<16xi32>
                %while3A_892 = arith.constant 0 : i32
                %while3A_893 = arith.constant 0 : i32
                %while3A_894 = arith.subi %select_n3A_845, %while3A_893 : i32
                %while3A_895 = arith.addi %while3A_893, %while3A_894 : i32
                %while3A_896 = arith.constant 1 : i32
                %while3A_897 = arith.divsi %while3A_894, %while3A_896 : i32
                %while3A_898 = arith.muli %while3A_897, %while3A_896 : i32
                %while3A_899 = arith.addi %while3A_893, %while3A_898 : i32
                %while3A_900 = arith.constant 1 : i32
                scf.for %while3A_925 = %while3A_893 to %while3A_899 step %while3A_900  : i32 {
                  %mul3A_926 = arith.constant 16 : i32
                  %mul3A_927 = arith.muli %while3A_925, %mul3A_926 : i32
                  %get3A_928 = arith.index_cast %mul3A_927 : i32 to index
                  %get3A_929 = tpu.vector_load %arg8[%get3A_928] {strides = array<i32>} : memref<256xf32, #tpu.memory_space<vmem>>, vector<16xf32>,
                  %mul3A_930 = arith.constant 16 : i32
                  %mul3A_931 = arith.muli %while3A_925, %mul3A_930 : i32
                  %get3A_932 = arith.index_cast %mul3A_931 : i32 to index
                  %get3A_933 = tpu.vector_load %arg9[%get3A_932] {strides = array<i32>} : memref<256xi32, #tpu.memory_space<vmem>>, vector<16xi32>,
                  %eq3A_934 = vector.broadcast %reduce_max3A_882 : f32 to vector<16xf32>
                  %eq3A_935 = arith.cmpf oeq, %get3A_929, %eq3A_934 : vector<16xf32>
                  %eq3A_936 = vector.broadcast %reduce_min3A_891 : i32 to vector<16xi32>
                  %eq3A_937 = arith.cmpi eq, %get3A_933, %eq3A_936 : vector<16xi32>
                  %and3A_938 = arith.andi %eq3A_935, %eq3A_937 : vector<16xi1>
                  %select_n3A_939 = arith.select %and3A_938, %broadcast_in_dim3A_3, %get3A_929 : vector<16xi1>, vector<16xf32>
                  %mul3A_940 = arith.constant 16 : i32
                  %mul3A_941 = arith.muli %while3A_925, %mul3A_940 : i32
                  %swap3A_942 = arith.index_cast %mul3A_941 : i32 to index
                  %swap3A_943 = tpu.vector_load %arg8[%swap3A_942] {strides = array<i32>} : memref<256xf32, #tpu.memory_space<vmem>>, vector<16xf32>,
                  tpu.vector_store %arg8[%swap3A_942], %select_n3A_939 {strides = array<i32>} : memref<256xf32, #tpu.memory_space<vmem>>, vector<16xf32>,
                }
                %while3A_901 = arith.constant 1 : i32
                scf.for %while3A_925 = %while3A_899 to %while3A_895 step %while3A_901  : i32 {
                  %mul3A_926 = arith.constant 16 : i32
                  %mul3A_927 = arith.muli %while3A_925, %mul3A_926 : i32
                  %get3A_928 = arith.index_cast %mul3A_927 : i32 to index
                  %get3A_929 = tpu.vector_load %arg8[%get3A_928] {strides = array<i32>} : memref<256xf32, #tpu.memory_space<vmem>>, vector<16xf32>,
                  %mul3A_930 = arith.constant 16 : i32
                  %mul3A_931 = arith.muli %while3A_925, %mul3A_930 : i32
                  %get3A_932 = arith.index_cast %mul3A_931 : i32 to index
                  %get3A_933 = tpu.vector_load %arg9[%get3A_932] {strides = array<i32>} : memref<256xi32, #tpu.memory_space<vmem>>, vector<16xi32>,
                  %eq3A_934 = vector.broadcast %reduce_max3A_882 : f32 to vector<16xf32>
                  %eq3A_935 = arith.cmpf oeq, %get3A_929, %eq3A_934 : vector<16xf32>
                  %eq3A_936 = vector.broadcast %reduce_min3A_891 : i32 to vector<16xi32>
                  %eq3A_937 = arith.cmpi eq, %get3A_933, %eq3A_936 : vector<16xi32>
                  %and3A_938 = arith.andi %eq3A_935, %eq3A_937 : vector<16xi1>
                  %select_n3A_939 = arith.select %and3A_938, %broadcast_in_dim3A_3, %get3A_929 : vector<16xi1>, vector<16xf32>
                  %mul3A_940 = arith.constant 16 : i32
                  %mul3A_941 = arith.muli %while3A_925, %mul3A_940 : i32
                  %swap3A_942 = arith.index_cast %mul3A_941 : i32 to index
                  %swap3A_943 = tpu.vector_load %arg8[%swap3A_942] {strides = array<i32>} : memref<256xf32, #tpu.memory_space<vmem>>, vector<16xf32>,
                  tpu.vector_store %arg8[%swap3A_942], %select_n3A_939 {strides = array<i32>} : memref<256xf32, #tpu.memory_space<vmem>>, vector<16xf32>,
                }
                %broadcast_in_dim3A_902 = vector.broadcast %reduce_max3A_882 : f32 to vector<16xf32>
                %broadcast_in_dim3A_903 = vector.broadcast %reduce_min3A_891 : i32 to vector<16xi32>
                %rem3A_904 = arith.constant 16 : i32
                %rem3A_905 = arith.remsi %scan3A_863, %rem3A_904 : i32
                %eq3A_906 = vector.broadcast %rem3A_905 : i32 to vector<16xi32>
                %eq3A_907 = arith.cmpi eq, %iota3A, %eq3A_906 : vector<16xi32>
                %lt3A_908 = arith.constant 16 : i32
                %lt3A_909 = arith.cmpi slt, %scan3A_863, %lt3A_908 : i32
                %and3A_910 = vector.broadcast %lt3A_909 : i1 to vector<16xi1>
                %and3A_911 = arith.andi %eq3A_907, %and3A_910 : vector<16xi1>
                %select_n3A_912 = arith.select %and3A_911, %broadcast_in_dim3A_902, %scan3A_864 : vector<16xi1>, vector<16xf32>
                %and3A_913 = vector.broadcast %lt3A_909 : i1 to vector<16xi1>
                %and3A_914 = arith.andi %eq3A_907, %and3A_913 : vector<16xi1>
                %select_n3A_915 = arith.select %and3A_914, %broadcast_in_dim3A_903, %scan3A_866 : vector<16xi1>, vector<16xi32>
                %not3A = arith.constant true
                %not3A_916 = arith.xori %lt3A_909, %not3A : i1
                %and3A_917 = vector.broadcast %not3A_916 : i1 to vector<16xi1>
                %and3A_918 = arith.andi %eq3A_907, %and3A_917 : vector<16xi1>
                %select_n3A_919 = arith.select %and3A_918, %broadcast_in_dim3A_902, %scan3A_865 : vector<16xi1>, vector<16xf32>
                %not3A_920 = arith.constant true
                %not3A_921 = arith.xori %lt3A_909, %not3A_920 : i1
                %and3A_922 = vector.broadcast %not3A_921 : i1 to vector<16xi1>
                %and3A_923 = arith.andi %eq3A_907, %and3A_922 : vector<16xi1>
                %select_n3A_924 = arith.select %and3A_923, %broadcast_in_dim3A_903, %scan3A_867 : vector<16xi1>, vector<16xi32>
                scf.yield %select_n3A_912, %select_n3A_919, %select_n3A_915, %select_n3A_924, %reduce_max3A_882 : vector<16xf32>, vector<16xf32>, vector<16xi32>, vector<16xi32>, f32
              }
              %scan3A_852 = arith.constant 20 : i32
              %swap3A_853 = arith.constant 0 : index
              %swap3A_854 = tpu.vector_load %arg8[%swap3A_853] {strides = array<i32>} : memref<256xf32, #tpu.memory_space<vmem>>, vector<16xf32>,
              tpu.vector_store %arg8[%swap3A_853], %scan3A_851#0 {strides = array<i32>} : memref<256xf32, #tpu.memory_space<vmem>>, vector<16xf32>,
              %swap3A_855 = arith.constant 16 : index
              %swap3A_856 = tpu.vector_load %arg8[%swap3A_855] {strides = array<i32>} : memref<256xf32, #tpu.memory_space<vmem>>, vector<16xf32>,
              tpu.vector_store %arg8[%swap3A_855], %scan3A_851#1 {strides = array<i32>} : memref<256xf32, #tpu.memory_space<vmem>>, vector<16xf32>,
              %swap3A_857 = arith.constant 0 : index
              %swap3A_858 = tpu.vector_load %arg9[%swap3A_857] {strides = array<i32>} : memref<256xi32, #tpu.memory_space<vmem>>, vector<16xi32>,
              tpu.vector_store %arg9[%swap3A_857], %scan3A_851#2 {strides = array<i32>} : memref<256xi32, #tpu.memory_space<vmem>>, vector<16xi32>,
              %swap3A_859 = arith.constant 16 : index
              %swap3A_860 = tpu.vector_load %arg9[%swap3A_859] {strides = array<i32>} : memref<256xi32, #tpu.memory_space<vmem>>, vector<16xi32>,
              tpu.vector_store %arg9[%swap3A_859], %scan3A_851#3 {strides = array<i32>} : memref<256xi32, #tpu.memory_space<vmem>>, vector<16xi32>,
              %broadcast_in_dim3A_861 = vector.broadcast %scan3A_851#4 : f32 to vector<16xf32>
              %cond3A_862 = arith.constant 32 : i32
              scf.yield %broadcast_in_dim3A_861, %scan3A_851#4, %cond3A_862 : vector<16xf32>, f32, i32
            } else {
              scf.yield %cond3A_549#0, %cond3A_549#1, %add3A_573 : vector<16xf32>, f32, i32
            }
            %add3A_580 = arith.constant 32 : i32
            %add3A_581 = arith.addi %add3A_465, %add3A_580 : i32
            %get3A_582 = arith.index_cast %add3A_581 : i32 to index
            %get3A_583 = tpu.vector_load %arg6[%get3A_582] {strides = array<i32>} : memref<40000xf32, #tpu.memory_space<vmem>>, vector<16xf32>,
            %ge3A_584 = arith.cmpf oge, %get3A_583, %cond3A_579#0 : vector<16xf32>
            %convert_element_type3A_585 = arith.extui %ge3A_584 : vector<16xi1> to vector<16xi32>
            %mul3A_586 = arith.constant 160 : i32
            %mul3A_587 = arith.muli %scan3A_457, %mul3A_586 : i32
            %add3A_588 = arith.addi %mul3A_115, %mul3A_587 : i32
            %add3A_589 = arith.constant 32 : i32
            %add3A_590 = arith.addi %add3A_588, %add3A_589 : i32
            %add3A_591 = vector.broadcast %add3A_590 : i32 to vector<16xi32>
            %add3A_592 = arith.addi %add3A_591, %iota3A : vector<16xi32>
            %cumsum3A_593 = arith.constant true
            %cumsum3A_594 = vector.broadcast %cumsum3A_593 : i1 to vector<16xi1>
            %cumsum3A_595 = tpu.scan <sum>, %convert_element_type3A_585 masked %cumsum3A_594 : vector<16xi32>, vector<16xi1> -> vector<16xi32>
            %add3A_596 = vector.broadcast %cond3A_579#2 : i32 to vector<16xi32>
            %add3A_597 = arith.addi %add3A_596, %cumsum3A_595 : vector<16xi32>
            %sub3A_598 = arith.subi %add3A_597, %convert_element_type3A_585 : vector<16xi32>
            tpu.vector_store_idx %arg8[%sub3A_598], %get3A_583 masked %ge3A_584 : memref<256xf32, #tpu.memory_space<vmem>>[vector<16xi32>], vector<16xf32>, vector<16xi1>
            tpu.vector_store_idx %arg9[%sub3A_598], %add3A_592 masked %ge3A_584 : memref<256xi32, #tpu.memory_space<vmem>>[vector<16xi32>], vector<16xi32>, vector<16xi1>
            %reduce_sum3A_599 = arith.constant true
            %reduce_sum3A_600 = vector.broadcast %reduce_sum3A_599 : i1 to vector<16xi1>
            %reduce_sum3A_601 = tpu.scan <sum>, %convert_element_type3A_585 masked %reduce_sum3A_600 : vector<16xi32>, vector<16xi1> -> vector<16xi32>
            %reduce_sum3A_602 = vector.extract %reduce_sum3A_601[15] : i32 from vector<16xi32>
            %add3A_603 = arith.addi %cond3A_579#2, %reduce_sum3A_602 : i32
            %gt3A_604 = arith.constant 240 : i32
            %gt3A_605 = arith.cmpi sgt, %add3A_603, %gt3A_604 : i32
            %convert_element_type3A_606 = arith.extui %gt3A_605 : i1 to i32
            %cond3A_607 = arith.constant 0 : i32
            %cond3A_608 = arith.cmpi ne, %convert_element_type3A_606, %cond3A_607 : i32
            %cond3A_609:3 = scf.if %cond3A_608 -> (vector<16xf32>, f32, i32) {
              %add3A_820 = arith.constant 15 : i32
              %add3A_821 = arith.addi %add3A_603, %add3A_820 : i32
              %jit3A_822 = arith.constant 16 : i32
              %div3A_823 = arith.divsi %add3A_821, %jit3A_822 : i32
              %sign3A_824 = arith.constant 0 : i32
              %sign3A_825 = arith.cmpi sgt, %add3A_821, %sign3A_824 : i32
              %sign3A_826 = arith.extui %sign3A_825 : i1 to i32
              %sign3A_827 = arith.constant 0 : i32
              %sign3A_828 = arith.cmpi slt, %add3A_821, %sign3A_827 : i32
              %sign3A_829 = arith.extui %sign3A_828 : i1 to i32
              %sign3A_830 = arith.subi %sign3A_826, %sign3A_829 : i32
              %sign3A_831 = arith.constant 0 : i32
              %sign3A_832 = arith.cmpi sgt, %jit3A_822, %sign3A_831 : i32
              %sign3A_833 = arith.extui %sign3A_832 : i1 to i32
              %sign3A_834 = arith.constant 0 : i32
              %sign3A_835 = arith.cmpi slt, %jit3A_822, %sign3A_834 : i32
              %sign3A_836 = arith.extui %sign3A_835 : i1 to i32
              %sign3A_837 = arith.subi %sign3A_833, %sign3A_836 : i32
              %ne3A_838 = arith.cmpi ne, %sign3A_830, %sign3A_837 : i32
              %rem3A_839 = arith.remsi %add3A_821, %jit3A_822 : i32
              %ne3A_840 = arith.constant 0 : i32
              %ne3A_841 = arith.cmpi ne, %rem3A_839, %ne3A_840 : i32
              %and3A_842 = arith.andi %ne3A_838, %ne3A_841 : i1
              %sub3A_843 = arith.constant 1 : i32
              %sub3A_844 = arith.subi %div3A_823, %sub3A_843 : i32
              %select_n3A_845 = arith.select %and3A_842, %sub3A_844, %div3A_823 : i32
              %scan3A_846 = arith.constant 0xFF800000 : f32
              %scan3A_847 = arith.constant 0 : i32
              %scan3A_848 = arith.constant 20 : i32
              %scan3A_849 = arith.addi %scan3A_847, %scan3A_848 : i32
              %scan3A_850 = arith.constant 1 : i32
              %scan3A_851:5 = scf.for %scan3A_863 = %scan3A_847 to %scan3A_849 step %scan3A_850 iter_args(%scan3A_864 = %broadcast_in_dim3A_3, %scan3A_865 = %broadcast_in_dim3A_3, %scan3A_866 = %broadcast_in_dim3A_5, %scan3A_867 = %broadcast_in_dim3A_5, %scan3A_868 = %scan3A_846) -> (vector<16xf32>, vector<16xf32>, vector<16xi32>, vector<16xi32>, f32)  : i32 {
                %while3A = arith.constant 0 : i32
                %while3A_869 = arith.subi %select_n3A_845, %while3A : i32
                %while3A_870 = arith.addi %while3A, %while3A_869 : i32
                %while3A_871 = arith.constant 1 : i32
                %while3A_872 = arith.divsi %while3A_869, %while3A_871 : i32
                %while3A_873 = arith.muli %while3A_872, %while3A_871 : i32
                %while3A_874 = arith.addi %while3A, %while3A_873 : i32
                %while3A_875 = arith.constant 1 : i32
                %while3A_876:2 = scf.for %while3A_925 = %while3A to %while3A_874 step %while3A_875 iter_args(%while3A_926 = %broadcast_in_dim3A_3, %while3A_927 = %broadcast_in_dim3A_5) -> (vector<16xf32>, vector<16xi32>)  : i32 {
                  %mul3A_928 = arith.constant 16 : i32
                  %mul3A_929 = arith.muli %while3A_925, %mul3A_928 : i32
                  %add3A_930 = vector.broadcast %mul3A_929 : i32 to vector<16xi32>
                  %add3A_931 = arith.addi %add3A_930, %iota3A : vector<16xi32>
                  %mul3A_932 = arith.constant 16 : i32
                  %mul3A_933 = arith.muli %while3A_925, %mul3A_932 : i32
                  %get3A_934 = arith.index_cast %mul3A_933 : i32 to index
                  %get3A_935 = tpu.vector_load %arg8[%get3A_934] {strides = array<i32>} : memref<256xf32, #tpu.memory_space<vmem>>, vector<16xf32>,
                  %mul3A_936 = arith.constant 16 : i32
                  %mul3A_937 = arith.muli %while3A_925, %mul3A_936 : i32
                  %get3A_938 = arith.index_cast %mul3A_937 : i32 to index
                  %get3A_939 = tpu.vector_load %arg9[%get3A_938] {strides = array<i32>} : memref<256xi32, #tpu.memory_space<vmem>>, vector<16xi32>,
                  %lt3A_940 = vector.broadcast %add3A_603 : i32 to vector<16xi32>
                  %lt3A_941 = arith.cmpi slt, %add3A_931, %lt3A_940 : vector<16xi32>
                  %select_n3A_942 = arith.select %lt3A_941, %get3A_935, %broadcast_in_dim3A_3 : vector<16xi1>, vector<16xf32>
                  %select_n3A_943 = arith.select %lt3A_941, %get3A_939, %broadcast_in_dim3A_5 : vector<16xi1>, vector<16xi32>
                  %gt3A_944 = arith.cmpf ogt, %select_n3A_942, %while3A_926 : vector<16xf32>
                  %eq3A_945 = arith.cmpf oeq, %select_n3A_942, %while3A_926 : vector<16xf32>
                  %lt3A_946 = arith.cmpi slt, %select_n3A_943, %while3A_927 : vector<16xi32>
                  %and3A_947 = arith.andi %eq3A_945, %lt3A_946 : vector<16xi1>
                  %or3A = arith.ori %gt3A_944, %and3A_947 : vector<16xi1>
                  %select_n3A_948 = arith.select %or3A, %select_n3A_942, %while3A_926 : vector<16xi1>, vector<16xf32>
                  %select_n3A_949 = arith.select %or3A, %select_n3A_943, %while3A_927 : vector<16xi1>, vector<16xi32>
                  scf.yield %select_n3A_948, %select_n3A_949 : vector<16xf32>, vector<16xi32>
                }
                %while3A_877 = arith.constant 1 : i32
                %while3A_878:2 = scf.for %while3A_925 = %while3A_874 to %while3A_870 step %while3A_877 iter_args(%while3A_926 = %while3A_876#0, %while3A_927 = %while3A_876#1) -> (vector<16xf32>, vector<16xi32>)  : i32 {
                  %mul3A_928 = arith.constant 16 : i32
                  %mul3A_929 = arith.muli %while3A_925, %mul3A_928 : i32
                  %add3A_930 = vector.broadcast %mul3A_929 : i32 to vector<16xi32>
                  %add3A_931 = arith.addi %add3A_930, %iota3A : vector<16xi32>
                  %mul3A_932 = arith.constant 16 : i32
                  %mul3A_933 = arith.muli %while3A_925, %mul3A_932 : i32
                  %get3A_934 = arith.index_cast %mul3A_933 : i32 to index
                  %get3A_935 = tpu.vector_load %arg8[%get3A_934] {strides = array<i32>} : memref<256xf32, #tpu.memory_space<vmem>>, vector<16xf32>,
                  %mul3A_936 = arith.constant 16 : i32
                  %mul3A_937 = arith.muli %while3A_925, %mul3A_936 : i32
                  %get3A_938 = arith.index_cast %mul3A_937 : i32 to index
                  %get3A_939 = tpu.vector_load %arg9[%get3A_938] {strides = array<i32>} : memref<256xi32, #tpu.memory_space<vmem>>, vector<16xi32>,
                  %lt3A_940 = vector.broadcast %add3A_603 : i32 to vector<16xi32>
                  %lt3A_941 = arith.cmpi slt, %add3A_931, %lt3A_940 : vector<16xi32>
                  %select_n3A_942 = arith.select %lt3A_941, %get3A_935, %broadcast_in_dim3A_3 : vector<16xi1>, vector<16xf32>
                  %select_n3A_943 = arith.select %lt3A_941, %get3A_939, %broadcast_in_dim3A_5 : vector<16xi1>, vector<16xi32>
                  %gt3A_944 = arith.cmpf ogt, %select_n3A_942, %while3A_926 : vector<16xf32>
                  %eq3A_945 = arith.cmpf oeq, %select_n3A_942, %while3A_926 : vector<16xf32>
                  %lt3A_946 = arith.cmpi slt, %select_n3A_943, %while3A_927 : vector<16xi32>
                  %and3A_947 = arith.andi %eq3A_945, %lt3A_946 : vector<16xi1>
                  %or3A = arith.ori %gt3A_944, %and3A_947 : vector<16xi1>
                  %select_n3A_948 = arith.select %or3A, %select_n3A_942, %while3A_926 : vector<16xi1>, vector<16xf32>
                  %select_n3A_949 = arith.select %or3A, %select_n3A_943, %while3A_927 : vector<16xi1>, vector<16xi32>
                  scf.yield %select_n3A_948, %select_n3A_949 : vector<16xf32>, vector<16xi32>
                }
                %reduce_max3A_879 = arith.constant true
                %reduce_max3A_880 = vector.broadcast %reduce_max3A_879 : i1 to vector<16xi1>
                %reduce_max3A_881 = tpu.scan <max>, %while3A_878#0 masked %reduce_max3A_880 : vector<16xf32>, vector<16xi1> -> vector<16xf32>
                %reduce_max3A_882 = vector.extract %reduce_max3A_881[15] : f32 from vector<16xf32>
                %eq3A = vector.broadcast %reduce_max3A_882 : f32 to vector<16xf32>
                %eq3A_883 = arith.cmpf oeq, %while3A_878#0, %eq3A : vector<16xf32>
                %select_n3A_884 = arith.select %eq3A_883, %while3A_878#1, %broadcast_in_dim3A_5 : vector<16xi1>, vector<16xi32>
                %reduce_min3A = arith.constant true
                %reduce_min3A_885 = vector.broadcast %reduce_min3A : i1 to vector<16xi1>
                %reduce_min3A_886 = arith.constant -2147483648 : i32
                %reduce_min3A_887 = vector.broadcast %reduce_min3A_886 : i32 to vector<16xi32>
                %reduce_min3A_888 = arith.xori %select_n3A_884, %reduce_min3A_887 : vector<16xi32>
                %reduce_min3A_889 = tpu.scan <min>, %reduce_min3A_888 masked %reduce_min3A_885 : vector<16xi32>, vector<16xi1> -> vector<16xi32>
                %reduce_min3A_890 = arith.xori %reduce_min3A_889, %reduce_min3A_887 : vector<16xi32>
                %reduce_min3A_891 = vector.extract %reduce_min3A_890[15] : i32 from vector<16xi32>
                %while3A_892 = arith.constant 0 : i32
                %while3A_893 = arith.constant 0 : i32
                %while3A_894 = arith.subi %select_n3A_845, %while3A_893 : i32
                %while3A_895 = arith.addi %while3A_893, %while3A_894 : i32
                %while3A_896 = arith.constant 1 : i32
                %while3A_897 = arith.divsi %while3A_894, %while3A_896 : i32
                %while3A_898 = arith.muli %while3A_897, %while3A_896 : i32
                %while3A_899 = arith.addi %while3A_893, %while3A_898 : i32
                %while3A_900 = arith.constant 1 : i32
                scf.for %while3A_925 = %while3A_893 to %while3A_899 step %while3A_900  : i32 {
                  %mul3A_926 = arith.constant 16 : i32
                  %mul3A_927 = arith.muli %while3A_925, %mul3A_926 : i32
                  %get3A_928 = arith.index_cast %mul3A_927 : i32 to index
                  %get3A_929 = tpu.vector_load %arg8[%get3A_928] {strides = array<i32>} : memref<256xf32, #tpu.memory_space<vmem>>, vector<16xf32>,
                  %mul3A_930 = arith.constant 16 : i32
                  %mul3A_931 = arith.muli %while3A_925, %mul3A_930 : i32
                  %get3A_932 = arith.index_cast %mul3A_931 : i32 to index
                  %get3A_933 = tpu.vector_load %arg9[%get3A_932] {strides = array<i32>} : memref<256xi32, #tpu.memory_space<vmem>>, vector<16xi32>,
                  %eq3A_934 = vector.broadcast %reduce_max3A_882 : f32 to vector<16xf32>
                  %eq3A_935 = arith.cmpf oeq, %get3A_929, %eq3A_934 : vector<16xf32>
                  %eq3A_936 = vector.broadcast %reduce_min3A_891 : i32 to vector<16xi32>
                  %eq3A_937 = arith.cmpi eq, %get3A_933, %eq3A_936 : vector<16xi32>
                  %and3A_938 = arith.andi %eq3A_935, %eq3A_937 : vector<16xi1>
                  %select_n3A_939 = arith.select %and3A_938, %broadcast_in_dim3A_3, %get3A_929 : vector<16xi1>, vector<16xf32>
                  %mul3A_940 = arith.constant 16 : i32
                  %mul3A_941 = arith.muli %while3A_925, %mul3A_940 : i32
                  %swap3A_942 = arith.index_cast %mul3A_941 : i32 to index
                  %swap3A_943 = tpu.vector_load %arg8[%swap3A_942] {strides = array<i32>} : memref<256xf32, #tpu.memory_space<vmem>>, vector<16xf32>,
                  tpu.vector_store %arg8[%swap3A_942], %select_n3A_939 {strides = array<i32>} : memref<256xf32, #tpu.memory_space<vmem>>, vector<16xf32>,
                }
                %while3A_901 = arith.constant 1 : i32
                scf.for %while3A_925 = %while3A_899 to %while3A_895 step %while3A_901  : i32 {
                  %mul3A_926 = arith.constant 16 : i32
                  %mul3A_927 = arith.muli %while3A_925, %mul3A_926 : i32
                  %get3A_928 = arith.index_cast %mul3A_927 : i32 to index
                  %get3A_929 = tpu.vector_load %arg8[%get3A_928] {strides = array<i32>} : memref<256xf32, #tpu.memory_space<vmem>>, vector<16xf32>,
                  %mul3A_930 = arith.constant 16 : i32
                  %mul3A_931 = arith.muli %while3A_925, %mul3A_930 : i32
                  %get3A_932 = arith.index_cast %mul3A_931 : i32 to index
                  %get3A_933 = tpu.vector_load %arg9[%get3A_932] {strides = array<i32>} : memref<256xi32, #tpu.memory_space<vmem>>, vector<16xi32>,
                  %eq3A_934 = vector.broadcast %reduce_max3A_882 : f32 to vector<16xf32>
                  %eq3A_935 = arith.cmpf oeq, %get3A_929, %eq3A_934 : vector<16xf32>
                  %eq3A_936 = vector.broadcast %reduce_min3A_891 : i32 to vector<16xi32>
                  %eq3A_937 = arith.cmpi eq, %get3A_933, %eq3A_936 : vector<16xi32>
                  %and3A_938 = arith.andi %eq3A_935, %eq3A_937 : vector<16xi1>
                  %select_n3A_939 = arith.select %and3A_938, %broadcast_in_dim3A_3, %get3A_929 : vector<16xi1>, vector<16xf32>
                  %mul3A_940 = arith.constant 16 : i32
                  %mul3A_941 = arith.muli %while3A_925, %mul3A_940 : i32
                  %swap3A_942 = arith.index_cast %mul3A_941 : i32 to index
                  %swap3A_943 = tpu.vector_load %arg8[%swap3A_942] {strides = array<i32>} : memref<256xf32, #tpu.memory_space<vmem>>, vector<16xf32>,
                  tpu.vector_store %arg8[%swap3A_942], %select_n3A_939 {strides = array<i32>} : memref<256xf32, #tpu.memory_space<vmem>>, vector<16xf32>,
                }
                %broadcast_in_dim3A_902 = vector.broadcast %reduce_max3A_882 : f32 to vector<16xf32>
                %broadcast_in_dim3A_903 = vector.broadcast %reduce_min3A_891 : i32 to vector<16xi32>
                %rem3A_904 = arith.constant 16 : i32
                %rem3A_905 = arith.remsi %scan3A_863, %rem3A_904 : i32
                %eq3A_906 = vector.broadcast %rem3A_905 : i32 to vector<16xi32>
                %eq3A_907 = arith.cmpi eq, %iota3A, %eq3A_906 : vector<16xi32>
                %lt3A_908 = arith.constant 16 : i32
                %lt3A_909 = arith.cmpi slt, %scan3A_863, %lt3A_908 : i32
                %and3A_910 = vector.broadcast %lt3A_909 : i1 to vector<16xi1>
                %and3A_911 = arith.andi %eq3A_907, %and3A_910 : vector<16xi1>
                %select_n3A_912 = arith.select %and3A_911, %broadcast_in_dim3A_902, %scan3A_864 : vector<16xi1>, vector<16xf32>
                %and3A_913 = vector.broadcast %lt3A_909 : i1 to vector<16xi1>
                %and3A_914 = arith.andi %eq3A_907, %and3A_913 : vector<16xi1>
                %select_n3A_915 = arith.select %and3A_914, %broadcast_in_dim3A_903, %scan3A_866 : vector<16xi1>, vector<16xi32>
                %not3A = arith.constant true
                %not3A_916 = arith.xori %lt3A_909, %not3A : i1
                %and3A_917 = vector.broadcast %not3A_916 : i1 to vector<16xi1>
                %and3A_918 = arith.andi %eq3A_907, %and3A_917 : vector<16xi1>
                %select_n3A_919 = arith.select %and3A_918, %broadcast_in_dim3A_902, %scan3A_865 : vector<16xi1>, vector<16xf32>
                %not3A_920 = arith.constant true
                %not3A_921 = arith.xori %lt3A_909, %not3A_920 : i1
                %and3A_922 = vector.broadcast %not3A_921 : i1 to vector<16xi1>
                %and3A_923 = arith.andi %eq3A_907, %and3A_922 : vector<16xi1>
                %select_n3A_924 = arith.select %and3A_923, %broadcast_in_dim3A_903, %scan3A_867 : vector<16xi1>, vector<16xi32>
                scf.yield %select_n3A_912, %select_n3A_919, %select_n3A_915, %select_n3A_924, %reduce_max3A_882 : vector<16xf32>, vector<16xf32>, vector<16xi32>, vector<16xi32>, f32
              }
              %scan3A_852 = arith.constant 20 : i32
              %swap3A_853 = arith.constant 0 : index
              %swap3A_854 = tpu.vector_load %arg8[%swap3A_853] {strides = array<i32>} : memref<256xf32, #tpu.memory_space<vmem>>, vector<16xf32>,
              tpu.vector_store %arg8[%swap3A_853], %scan3A_851#0 {strides = array<i32>} : memref<256xf32, #tpu.memory_space<vmem>>, vector<16xf32>,
              %swap3A_855 = arith.constant 16 : index
              %swap3A_856 = tpu.vector_load %arg8[%swap3A_855] {strides = array<i32>} : memref<256xf32, #tpu.memory_space<vmem>>, vector<16xf32>,
              tpu.vector_store %arg8[%swap3A_855], %scan3A_851#1 {strides = array<i32>} : memref<256xf32, #tpu.memory_space<vmem>>, vector<16xf32>,
              %swap3A_857 = arith.constant 0 : index
              %swap3A_858 = tpu.vector_load %arg9[%swap3A_857] {strides = array<i32>} : memref<256xi32, #tpu.memory_space<vmem>>, vector<16xi32>,
              tpu.vector_store %arg9[%swap3A_857], %scan3A_851#2 {strides = array<i32>} : memref<256xi32, #tpu.memory_space<vmem>>, vector<16xi32>,
              %swap3A_859 = arith.constant 16 : index
              %swap3A_860 = tpu.vector_load %arg9[%swap3A_859] {strides = array<i32>} : memref<256xi32, #tpu.memory_space<vmem>>, vector<16xi32>,
              tpu.vector_store %arg9[%swap3A_859], %scan3A_851#3 {strides = array<i32>} : memref<256xi32, #tpu.memory_space<vmem>>, vector<16xi32>,
              %broadcast_in_dim3A_861 = vector.broadcast %scan3A_851#4 : f32 to vector<16xf32>
              %cond3A_862 = arith.constant 32 : i32
              scf.yield %broadcast_in_dim3A_861, %scan3A_851#4, %cond3A_862 : vector<16xf32>, f32, i32
            } else {
              scf.yield %cond3A_579#0, %cond3A_579#1, %add3A_603 : vector<16xf32>, f32, i32
            }
            %add3A_610 = arith.constant 48 : i32
            %add3A_611 = arith.addi %add3A_465, %add3A_610 : i32
            %get3A_612 = arith.index_cast %add3A_611 : i32 to index
            %get3A_613 = tpu.vector_load %arg6[%get3A_612] {strides = array<i32>} : memref<40000xf32, #tpu.memory_space<vmem>>, vector<16xf32>,
            %ge3A_614 = arith.cmpf oge, %get3A_613, %cond3A_609#0 : vector<16xf32>
            %convert_element_type3A_615 = arith.extui %ge3A_614 : vector<16xi1> to vector<16xi32>
            %mul3A_616 = arith.constant 160 : i32
            %mul3A_617 = arith.muli %scan3A_457, %mul3A_616 : i32
            %add3A_618 = arith.addi %mul3A_115, %mul3A_617 : i32
            %add3A_619 = arith.constant 48 : i32
            %add3A_620 = arith.addi %add3A_618, %add3A_619 : i32
            %add3A_621 = vector.broadcast %add3A_620 : i32 to vector<16xi32>
            %add3A_622 = arith.addi %add3A_621, %iota3A : vector<16xi32>
            %cumsum3A_623 = arith.constant true
            %cumsum3A_624 = vector.broadcast %cumsum3A_623 : i1 to vector<16xi1>
            %cumsum3A_625 = tpu.scan <sum>, %convert_element_type3A_615 masked %cumsum3A_624 : vector<16xi32>, vector<16xi1> -> vector<16xi32>
            %add3A_626 = vector.broadcast %cond3A_609#2 : i32 to vector<16xi32>
            %add3A_627 = arith.addi %add3A_626, %cumsum3A_625 : vector<16xi32>
            %sub3A_628 = arith.subi %add3A_627, %convert_element_type3A_615 : vector<16xi32>
            tpu.vector_store_idx %arg8[%sub3A_628], %get3A_613 masked %ge3A_614 : memref<256xf32, #tpu.memory_space<vmem>>[vector<16xi32>], vector<16xf32>, vector<16xi1>
            tpu.vector_store_idx %arg9[%sub3A_628], %add3A_622 masked %ge3A_614 : memref<256xi32, #tpu.memory_space<vmem>>[vector<16xi32>], vector<16xi32>, vector<16xi1>
            %reduce_sum3A_629 = arith.constant true
            %reduce_sum3A_630 = vector.broadcast %reduce_sum3A_629 : i1 to vector<16xi1>
            %reduce_sum3A_631 = tpu.scan <sum>, %convert_element_type3A_615 masked %reduce_sum3A_630 : vector<16xi32>, vector<16xi1> -> vector<16xi32>
            %reduce_sum3A_632 = vector.extract %reduce_sum3A_631[15] : i32 from vector<16xi32>
            %add3A_633 = arith.addi %cond3A_609#2, %reduce_sum3A_632 : i32
            %gt3A_634 = arith.constant 240 : i32
            %gt3A_635 = arith.cmpi sgt, %add3A_633, %gt3A_634 : i32
            %convert_element_type3A_636 = arith.extui %gt3A_635 : i1 to i32
            %cond3A_637 = arith.constant 0 : i32
            %cond3A_638 = arith.cmpi ne, %convert_element_type3A_636, %cond3A_637 : i32
            %cond3A_639:3 = scf.if %cond3A_638 -> (vector<16xf32>, f32, i32) {
              %add3A_820 = arith.constant 15 : i32
              %add3A_821 = arith.addi %add3A_633, %add3A_820 : i32
              %jit3A_822 = arith.constant 16 : i32
              %div3A_823 = arith.divsi %add3A_821, %jit3A_822 : i32
              %sign3A_824 = arith.constant 0 : i32
              %sign3A_825 = arith.cmpi sgt, %add3A_821, %sign3A_824 : i32
              %sign3A_826 = arith.extui %sign3A_825 : i1 to i32
              %sign3A_827 = arith.constant 0 : i32
              %sign3A_828 = arith.cmpi slt, %add3A_821, %sign3A_827 : i32
              %sign3A_829 = arith.extui %sign3A_828 : i1 to i32
              %sign3A_830 = arith.subi %sign3A_826, %sign3A_829 : i32
              %sign3A_831 = arith.constant 0 : i32
              %sign3A_832 = arith.cmpi sgt, %jit3A_822, %sign3A_831 : i32
              %sign3A_833 = arith.extui %sign3A_832 : i1 to i32
              %sign3A_834 = arith.constant 0 : i32
              %sign3A_835 = arith.cmpi slt, %jit3A_822, %sign3A_834 : i32
              %sign3A_836 = arith.extui %sign3A_835 : i1 to i32
              %sign3A_837 = arith.subi %sign3A_833, %sign3A_836 : i32
              %ne3A_838 = arith.cmpi ne, %sign3A_830, %sign3A_837 : i32
              %rem3A_839 = arith.remsi %add3A_821, %jit3A_822 : i32
              %ne3A_840 = arith.constant 0 : i32
              %ne3A_841 = arith.cmpi ne, %rem3A_839, %ne3A_840 : i32
              %and3A_842 = arith.andi %ne3A_838, %ne3A_841 : i1
              %sub3A_843 = arith.constant 1 : i32
              %sub3A_844 = arith.subi %div3A_823, %sub3A_843 : i32
              %select_n3A_845 = arith.select %and3A_842, %sub3A_844, %div3A_823 : i32
              %scan3A_846 = arith.constant 0xFF800000 : f32
              %scan3A_847 = arith.constant 0 : i32
              %scan3A_848 = arith.constant 20 : i32
              %scan3A_849 = arith.addi %scan3A_847, %scan3A_848 : i32
              %scan3A_850 = arith.constant 1 : i32
              %scan3A_851:5 = scf.for %scan3A_863 = %scan3A_847 to %scan3A_849 step %scan3A_850 iter_args(%scan3A_864 = %broadcast_in_dim3A_3, %scan3A_865 = %broadcast_in_dim3A_3, %scan3A_866 = %broadcast_in_dim3A_5, %scan3A_867 = %broadcast_in_dim3A_5, %scan3A_868 = %scan3A_846) -> (vector<16xf32>, vector<16xf32>, vector<16xi32>, vector<16xi32>, f32)  : i32 {
                %while3A = arith.constant 0 : i32
                %while3A_869 = arith.subi %select_n3A_845, %while3A : i32
                %while3A_870 = arith.addi %while3A, %while3A_869 : i32
                %while3A_871 = arith.constant 1 : i32
                %while3A_872 = arith.divsi %while3A_869, %while3A_871 : i32
                %while3A_873 = arith.muli %while3A_872, %while3A_871 : i32
                %while3A_874 = arith.addi %while3A, %while3A_873 : i32
                %while3A_875 = arith.constant 1 : i32
                %while3A_876:2 = scf.for %while3A_925 = %while3A to %while3A_874 step %while3A_875 iter_args(%while3A_926 = %broadcast_in_dim3A_3, %while3A_927 = %broadcast_in_dim3A_5) -> (vector<16xf32>, vector<16xi32>)  : i32 {
                  %mul3A_928 = arith.constant 16 : i32
                  %mul3A_929 = arith.muli %while3A_925, %mul3A_928 : i32
                  %add3A_930 = vector.broadcast %mul3A_929 : i32 to vector<16xi32>
                  %add3A_931 = arith.addi %add3A_930, %iota3A : vector<16xi32>
                  %mul3A_932 = arith.constant 16 : i32
                  %mul3A_933 = arith.muli %while3A_925, %mul3A_932 : i32
                  %get3A_934 = arith.index_cast %mul3A_933 : i32 to index
                  %get3A_935 = tpu.vector_load %arg8[%get3A_934] {strides = array<i32>} : memref<256xf32, #tpu.memory_space<vmem>>, vector<16xf32>,
                  %mul3A_936 = arith.constant 16 : i32
                  %mul3A_937 = arith.muli %while3A_925, %mul3A_936 : i32
                  %get3A_938 = arith.index_cast %mul3A_937 : i32 to index
                  %get3A_939 = tpu.vector_load %arg9[%get3A_938] {strides = array<i32>} : memref<256xi32, #tpu.memory_space<vmem>>, vector<16xi32>,
                  %lt3A_940 = vector.broadcast %add3A_633 : i32 to vector<16xi32>
                  %lt3A_941 = arith.cmpi slt, %add3A_931, %lt3A_940 : vector<16xi32>
                  %select_n3A_942 = arith.select %lt3A_941, %get3A_935, %broadcast_in_dim3A_3 : vector<16xi1>, vector<16xf32>
                  %select_n3A_943 = arith.select %lt3A_941, %get3A_939, %broadcast_in_dim3A_5 : vector<16xi1>, vector<16xi32>
                  %gt3A_944 = arith.cmpf ogt, %select_n3A_942, %while3A_926 : vector<16xf32>
                  %eq3A_945 = arith.cmpf oeq, %select_n3A_942, %while3A_926 : vector<16xf32>
                  %lt3A_946 = arith.cmpi slt, %select_n3A_943, %while3A_927 : vector<16xi32>
                  %and3A_947 = arith.andi %eq3A_945, %lt3A_946 : vector<16xi1>
                  %or3A = arith.ori %gt3A_944, %and3A_947 : vector<16xi1>
                  %select_n3A_948 = arith.select %or3A, %select_n3A_942, %while3A_926 : vector<16xi1>, vector<16xf32>
                  %select_n3A_949 = arith.select %or3A, %select_n3A_943, %while3A_927 : vector<16xi1>, vector<16xi32>
                  scf.yield %select_n3A_948, %select_n3A_949 : vector<16xf32>, vector<16xi32>
                }
                %while3A_877 = arith.constant 1 : i32
                %while3A_878:2 = scf.for %while3A_925 = %while3A_874 to %while3A_870 step %while3A_877 iter_args(%while3A_926 = %while3A_876#0, %while3A_927 = %while3A_876#1) -> (vector<16xf32>, vector<16xi32>)  : i32 {
                  %mul3A_928 = arith.constant 16 : i32
                  %mul3A_929 = arith.muli %while3A_925, %mul3A_928 : i32
                  %add3A_930 = vector.broadcast %mul3A_929 : i32 to vector<16xi32>
                  %add3A_931 = arith.addi %add3A_930, %iota3A : vector<16xi32>
                  %mul3A_932 = arith.constant 16 : i32
                  %mul3A_933 = arith.muli %while3A_925, %mul3A_932 : i32
                  %get3A_934 = arith.index_cast %mul3A_933 : i32 to index
                  %get3A_935 = tpu.vector_load %arg8[%get3A_934] {strides = array<i32>} : memref<256xf32, #tpu.memory_space<vmem>>, vector<16xf32>,
                  %mul3A_936 = arith.constant 16 : i32
                  %mul3A_937 = arith.muli %while3A_925, %mul3A_936 : i32
                  %get3A_938 = arith.index_cast %mul3A_937 : i32 to index
                  %get3A_939 = tpu.vector_load %arg9[%get3A_938] {strides = array<i32>} : memref<256xi32, #tpu.memory_space<vmem>>, vector<16xi32>,
                  %lt3A_940 = vector.broadcast %add3A_633 : i32 to vector<16xi32>
                  %lt3A_941 = arith.cmpi slt, %add3A_931, %lt3A_940 : vector<16xi32>
                  %select_n3A_942 = arith.select %lt3A_941, %get3A_935, %broadcast_in_dim3A_3 : vector<16xi1>, vector<16xf32>
                  %select_n3A_943 = arith.select %lt3A_941, %get3A_939, %broadcast_in_dim3A_5 : vector<16xi1>, vector<16xi32>
                  %gt3A_944 = arith.cmpf ogt, %select_n3A_942, %while3A_926 : vector<16xf32>
                  %eq3A_945 = arith.cmpf oeq, %select_n3A_942, %while3A_926 : vector<16xf32>
                  %lt3A_946 = arith.cmpi slt, %select_n3A_943, %while3A_927 : vector<16xi32>
                  %and3A_947 = arith.andi %eq3A_945, %lt3A_946 : vector<16xi1>
                  %or3A = arith.ori %gt3A_944, %and3A_947 : vector<16xi1>
                  %select_n3A_948 = arith.select %or3A, %select_n3A_942, %while3A_926 : vector<16xi1>, vector<16xf32>
                  %select_n3A_949 = arith.select %or3A, %select_n3A_943, %while3A_927 : vector<16xi1>, vector<16xi32>
                  scf.yield %select_n3A_948, %select_n3A_949 : vector<16xf32>, vector<16xi32>
                }
                %reduce_max3A_879 = arith.constant true
                %reduce_max3A_880 = vector.broadcast %reduce_max3A_879 : i1 to vector<16xi1>
                %reduce_max3A_881 = tpu.scan <max>, %while3A_878#0 masked %reduce_max3A_880 : vector<16xf32>, vector<16xi1> -> vector<16xf32>
                %reduce_max3A_882 = vector.extract %reduce_max3A_881[15] : f32 from vector<16xf32>
                %eq3A = vector.broadcast %reduce_max3A_882 : f32 to vector<16xf32>
                %eq3A_883 = arith.cmpf oeq, %while3A_878#0, %eq3A : vector<16xf32>
                %select_n3A_884 = arith.select %eq3A_883, %while3A_878#1, %broadcast_in_dim3A_5 : vector<16xi1>, vector<16xi32>
                %reduce_min3A = arith.constant true
                %reduce_min3A_885 = vector.broadcast %reduce_min3A : i1 to vector<16xi1>
                %reduce_min3A_886 = arith.constant -2147483648 : i32
                %reduce_min3A_887 = vector.broadcast %reduce_min3A_886 : i32 to vector<16xi32>
                %reduce_min3A_888 = arith.xori %select_n3A_884, %reduce_min3A_887 : vector<16xi32>
                %reduce_min3A_889 = tpu.scan <min>, %reduce_min3A_888 masked %reduce_min3A_885 : vector<16xi32>, vector<16xi1> -> vector<16xi32>
                %reduce_min3A_890 = arith.xori %reduce_min3A_889, %reduce_min3A_887 : vector<16xi32>
                %reduce_min3A_891 = vector.extract %reduce_min3A_890[15] : i32 from vector<16xi32>
                %while3A_892 = arith.constant 0 : i32
                %while3A_893 = arith.constant 0 : i32
                %while3A_894 = arith.subi %select_n3A_845, %while3A_893 : i32
                %while3A_895 = arith.addi %while3A_893, %while3A_894 : i32
                %while3A_896 = arith.constant 1 : i32
                %while3A_897 = arith.divsi %while3A_894, %while3A_896 : i32
                %while3A_898 = arith.muli %while3A_897, %while3A_896 : i32
                %while3A_899 = arith.addi %while3A_893, %while3A_898 : i32
                %while3A_900 = arith.constant 1 : i32
                scf.for %while3A_925 = %while3A_893 to %while3A_899 step %while3A_900  : i32 {
                  %mul3A_926 = arith.constant 16 : i32
                  %mul3A_927 = arith.muli %while3A_925, %mul3A_926 : i32
                  %get3A_928 = arith.index_cast %mul3A_927 : i32 to index
                  %get3A_929 = tpu.vector_load %arg8[%get3A_928] {strides = array<i32>} : memref<256xf32, #tpu.memory_space<vmem>>, vector<16xf32>,
                  %mul3A_930 = arith.constant 16 : i32
                  %mul3A_931 = arith.muli %while3A_925, %mul3A_930 : i32
                  %get3A_932 = arith.index_cast %mul3A_931 : i32 to index
                  %get3A_933 = tpu.vector_load %arg9[%get3A_932] {strides = array<i32>} : memref<256xi32, #tpu.memory_space<vmem>>, vector<16xi32>,
                  %eq3A_934 = vector.broadcast %reduce_max3A_882 : f32 to vector<16xf32>
                  %eq3A_935 = arith.cmpf oeq, %get3A_929, %eq3A_934 : vector<16xf32>
                  %eq3A_936 = vector.broadcast %reduce_min3A_891 : i32 to vector<16xi32>
                  %eq3A_937 = arith.cmpi eq, %get3A_933, %eq3A_936 : vector<16xi32>
                  %and3A_938 = arith.andi %eq3A_935, %eq3A_937 : vector<16xi1>
                  %select_n3A_939 = arith.select %and3A_938, %broadcast_in_dim3A_3, %get3A_929 : vector<16xi1>, vector<16xf32>
                  %mul3A_940 = arith.constant 16 : i32
                  %mul3A_941 = arith.muli %while3A_925, %mul3A_940 : i32
                  %swap3A_942 = arith.index_cast %mul3A_941 : i32 to index
                  %swap3A_943 = tpu.vector_load %arg8[%swap3A_942] {strides = array<i32>} : memref<256xf32, #tpu.memory_space<vmem>>, vector<16xf32>,
                  tpu.vector_store %arg8[%swap3A_942], %select_n3A_939 {strides = array<i32>} : memref<256xf32, #tpu.memory_space<vmem>>, vector<16xf32>,
                }
                %while3A_901 = arith.constant 1 : i32
                scf.for %while3A_925 = %while3A_899 to %while3A_895 step %while3A_901  : i32 {
                  %mul3A_926 = arith.constant 16 : i32
                  %mul3A_927 = arith.muli %while3A_925, %mul3A_926 : i32
                  %get3A_928 = arith.index_cast %mul3A_927 : i32 to index
                  %get3A_929 = tpu.vector_load %arg8[%get3A_928] {strides = array<i32>} : memref<256xf32, #tpu.memory_space<vmem>>, vector<16xf32>,
                  %mul3A_930 = arith.constant 16 : i32
                  %mul3A_931 = arith.muli %while3A_925, %mul3A_930 : i32
                  %get3A_932 = arith.index_cast %mul3A_931 : i32 to index
                  %get3A_933 = tpu.vector_load %arg9[%get3A_932] {strides = array<i32>} : memref<256xi32, #tpu.memory_space<vmem>>, vector<16xi32>,
                  %eq3A_934 = vector.broadcast %reduce_max3A_882 : f32 to vector<16xf32>
                  %eq3A_935 = arith.cmpf oeq, %get3A_929, %eq3A_934 : vector<16xf32>
                  %eq3A_936 = vector.broadcast %reduce_min3A_891 : i32 to vector<16xi32>
                  %eq3A_937 = arith.cmpi eq, %get3A_933, %eq3A_936 : vector<16xi32>
                  %and3A_938 = arith.andi %eq3A_935, %eq3A_937 : vector<16xi1>
                  %select_n3A_939 = arith.select %and3A_938, %broadcast_in_dim3A_3, %get3A_929 : vector<16xi1>, vector<16xf32>
                  %mul3A_940 = arith.constant 16 : i32
                  %mul3A_941 = arith.muli %while3A_925, %mul3A_940 : i32
                  %swap3A_942 = arith.index_cast %mul3A_941 : i32 to index
                  %swap3A_943 = tpu.vector_load %arg8[%swap3A_942] {strides = array<i32>} : memref<256xf32, #tpu.memory_space<vmem>>, vector<16xf32>,
                  tpu.vector_store %arg8[%swap3A_942], %select_n3A_939 {strides = array<i32>} : memref<256xf32, #tpu.memory_space<vmem>>, vector<16xf32>,
                }
                %broadcast_in_dim3A_902 = vector.broadcast %reduce_max3A_882 : f32 to vector<16xf32>
                %broadcast_in_dim3A_903 = vector.broadcast %reduce_min3A_891 : i32 to vector<16xi32>
                %rem3A_904 = arith.constant 16 : i32
                %rem3A_905 = arith.remsi %scan3A_863, %rem3A_904 : i32
                %eq3A_906 = vector.broadcast %rem3A_905 : i32 to vector<16xi32>
                %eq3A_907 = arith.cmpi eq, %iota3A, %eq3A_906 : vector<16xi32>
                %lt3A_908 = arith.constant 16 : i32
                %lt3A_909 = arith.cmpi slt, %scan3A_863, %lt3A_908 : i32
                %and3A_910 = vector.broadcast %lt3A_909 : i1 to vector<16xi1>
                %and3A_911 = arith.andi %eq3A_907, %and3A_910 : vector<16xi1>
                %select_n3A_912 = arith.select %and3A_911, %broadcast_in_dim3A_902, %scan3A_864 : vector<16xi1>, vector<16xf32>
                %and3A_913 = vector.broadcast %lt3A_909 : i1 to vector<16xi1>
                %and3A_914 = arith.andi %eq3A_907, %and3A_913 : vector<16xi1>
                %select_n3A_915 = arith.select %and3A_914, %broadcast_in_dim3A_903, %scan3A_866 : vector<16xi1>, vector<16xi32>
                %not3A = arith.constant true
                %not3A_916 = arith.xori %lt3A_909, %not3A : i1
                %and3A_917 = vector.broadcast %not3A_916 : i1 to vector<16xi1>
                %and3A_918 = arith.andi %eq3A_907, %and3A_917 : vector<16xi1>
                %select_n3A_919 = arith.select %and3A_918, %broadcast_in_dim3A_902, %scan3A_865 : vector<16xi1>, vector<16xf32>
                %not3A_920 = arith.constant true
                %not3A_921 = arith.xori %lt3A_909, %not3A_920 : i1
                %and3A_922 = vector.broadcast %not3A_921 : i1 to vector<16xi1>
                %and3A_923 = arith.andi %eq3A_907, %and3A_922 : vector<16xi1>
                %select_n3A_924 = arith.select %and3A_923, %broadcast_in_dim3A_903, %scan3A_867 : vector<16xi1>, vector<16xi32>
                scf.yield %select_n3A_912, %select_n3A_919, %select_n3A_915, %select_n3A_924, %reduce_max3A_882 : vector<16xf32>, vector<16xf32>, vector<16xi32>, vector<16xi32>, f32
              }
              %scan3A_852 = arith.constant 20 : i32
              %swap3A_853 = arith.constant 0 : index
              %swap3A_854 = tpu.vector_load %arg8[%swap3A_853] {strides = array<i32>} : memref<256xf32, #tpu.memory_space<vmem>>, vector<16xf32>,
              tpu.vector_store %arg8[%swap3A_853], %scan3A_851#0 {strides = array<i32>} : memref<256xf32, #tpu.memory_space<vmem>>, vector<16xf32>,
              %swap3A_855 = arith.constant 16 : index
              %swap3A_856 = tpu.vector_load %arg8[%swap3A_855] {strides = array<i32>} : memref<256xf32, #tpu.memory_space<vmem>>, vector<16xf32>,
              tpu.vector_store %arg8[%swap3A_855], %scan3A_851#1 {strides = array<i32>} : memref<256xf32, #tpu.memory_space<vmem>>, vector<16xf32>,
              %swap3A_857 = arith.constant 0 : index
              %swap3A_858 = tpu.vector_load %arg9[%swap3A_857] {strides = array<i32>} : memref<256xi32, #tpu.memory_space<vmem>>, vector<16xi32>,
              tpu.vector_store %arg9[%swap3A_857], %scan3A_851#2 {strides = array<i32>} : memref<256xi32, #tpu.memory_space<vmem>>, vector<16xi32>,
              %swap3A_859 = arith.constant 16 : index
              %swap3A_860 = tpu.vector_load %arg9[%swap3A_859] {strides = array<i32>} : memref<256xi32, #tpu.memory_space<vmem>>, vector<16xi32>,
              tpu.vector_store %arg9[%swap3A_859], %scan3A_851#3 {strides = array<i32>} : memref<256xi32, #tpu.memory_space<vmem>>, vector<16xi32>,
              %broadcast_in_dim3A_861 = vector.broadcast %scan3A_851#4 : f32 to vector<16xf32>
              %cond3A_862 = arith.constant 32 : i32
              scf.yield %broadcast_in_dim3A_861, %scan3A_851#4, %cond3A_862 : vector<16xf32>, f32, i32
            } else {
              scf.yield %cond3A_609#0, %cond3A_609#1, %add3A_633 : vector<16xf32>, f32, i32
            }
            %add3A_640 = arith.constant 64 : i32
            %add3A_641 = arith.addi %add3A_465, %add3A_640 : i32
            %get3A_642 = arith.index_cast %add3A_641 : i32 to index
            %get3A_643 = tpu.vector_load %arg6[%get3A_642] {strides = array<i32>} : memref<40000xf32, #tpu.memory_space<vmem>>, vector<16xf32>,
            %ge3A_644 = arith.cmpf oge, %get3A_643, %cond3A_639#0 : vector<16xf32>
            %convert_element_type3A_645 = arith.extui %ge3A_644 : vector<16xi1> to vector<16xi32>
            %mul3A_646 = arith.constant 160 : i32
            %mul3A_647 = arith.muli %scan3A_457, %mul3A_646 : i32
            %add3A_648 = arith.addi %mul3A_115, %mul3A_647 : i32
            %add3A_649 = arith.constant 64 : i32
            %add3A_650 = arith.addi %add3A_648, %add3A_649 : i32
            %add3A_651 = vector.broadcast %add3A_650 : i32 to vector<16xi32>
            %add3A_652 = arith.addi %add3A_651, %iota3A : vector<16xi32>
            %cumsum3A_653 = arith.constant true
            %cumsum3A_654 = vector.broadcast %cumsum3A_653 : i1 to vector<16xi1>
            %cumsum3A_655 = tpu.scan <sum>, %convert_element_type3A_645 masked %cumsum3A_654 : vector<16xi32>, vector<16xi1> -> vector<16xi32>
            %add3A_656 = vector.broadcast %cond3A_639#2 : i32 to vector<16xi32>
            %add3A_657 = arith.addi %add3A_656, %cumsum3A_655 : vector<16xi32>
            %sub3A_658 = arith.subi %add3A_657, %convert_element_type3A_645 : vector<16xi32>
            tpu.vector_store_idx %arg8[%sub3A_658], %get3A_643 masked %ge3A_644 : memref<256xf32, #tpu.memory_space<vmem>>[vector<16xi32>], vector<16xf32>, vector<16xi1>
            tpu.vector_store_idx %arg9[%sub3A_658], %add3A_652 masked %ge3A_644 : memref<256xi32, #tpu.memory_space<vmem>>[vector<16xi32>], vector<16xi32>, vector<16xi1>
            %reduce_sum3A_659 = arith.constant true
            %reduce_sum3A_660 = vector.broadcast %reduce_sum3A_659 : i1 to vector<16xi1>
            %reduce_sum3A_661 = tpu.scan <sum>, %convert_element_type3A_645 masked %reduce_sum3A_660 : vector<16xi32>, vector<16xi1> -> vector<16xi32>
            %reduce_sum3A_662 = vector.extract %reduce_sum3A_661[15] : i32 from vector<16xi32>
            %add3A_663 = arith.addi %cond3A_639#2, %reduce_sum3A_662 : i32
            %gt3A_664 = arith.constant 240 : i32
            %gt3A_665 = arith.cmpi sgt, %add3A_663, %gt3A_664 : i32
            %convert_element_type3A_666 = arith.extui %gt3A_665 : i1 to i32
            %cond3A_667 = arith.constant 0 : i32
            %cond3A_668 = arith.cmpi ne, %convert_element_type3A_666, %cond3A_667 : i32
            %cond3A_669:3 = scf.if %cond3A_668 -> (vector<16xf32>, f32, i32) {
              %add3A_820 = arith.constant 15 : i32
              %add3A_821 = arith.addi %add3A_663, %add3A_820 : i32
              %jit3A_822 = arith.constant 16 : i32
              %div3A_823 = arith.divsi %add3A_821, %jit3A_822 : i32
              %sign3A_824 = arith.constant 0 : i32
              %sign3A_825 = arith.cmpi sgt, %add3A_821, %sign3A_824 : i32
              %sign3A_826 = arith.extui %sign3A_825 : i1 to i32
              %sign3A_827 = arith.constant 0 : i32
              %sign3A_828 = arith.cmpi slt, %add3A_821, %sign3A_827 : i32
              %sign3A_829 = arith.extui %sign3A_828 : i1 to i32
              %sign3A_830 = arith.subi %sign3A_826, %sign3A_829 : i32
              %sign3A_831 = arith.constant 0 : i32
              %sign3A_832 = arith.cmpi sgt, %jit3A_822, %sign3A_831 : i32
              %sign3A_833 = arith.extui %sign3A_832 : i1 to i32
              %sign3A_834 = arith.constant 0 : i32
              %sign3A_835 = arith.cmpi slt, %jit3A_822, %sign3A_834 : i32
              %sign3A_836 = arith.extui %sign3A_835 : i1 to i32
              %sign3A_837 = arith.subi %sign3A_833, %sign3A_836 : i32
              %ne3A_838 = arith.cmpi ne, %sign3A_830, %sign3A_837 : i32
              %rem3A_839 = arith.remsi %add3A_821, %jit3A_822 : i32
              %ne3A_840 = arith.constant 0 : i32
              %ne3A_841 = arith.cmpi ne, %rem3A_839, %ne3A_840 : i32
              %and3A_842 = arith.andi %ne3A_838, %ne3A_841 : i1
              %sub3A_843 = arith.constant 1 : i32
              %sub3A_844 = arith.subi %div3A_823, %sub3A_843 : i32
              %select_n3A_845 = arith.select %and3A_842, %sub3A_844, %div3A_823 : i32
              %scan3A_846 = arith.constant 0xFF800000 : f32
              %scan3A_847 = arith.constant 0 : i32
              %scan3A_848 = arith.constant 20 : i32
              %scan3A_849 = arith.addi %scan3A_847, %scan3A_848 : i32
              %scan3A_850 = arith.constant 1 : i32
              %scan3A_851:5 = scf.for %scan3A_863 = %scan3A_847 to %scan3A_849 step %scan3A_850 iter_args(%scan3A_864 = %broadcast_in_dim3A_3, %scan3A_865 = %broadcast_in_dim3A_3, %scan3A_866 = %broadcast_in_dim3A_5, %scan3A_867 = %broadcast_in_dim3A_5, %scan3A_868 = %scan3A_846) -> (vector<16xf32>, vector<16xf32>, vector<16xi32>, vector<16xi32>, f32)  : i32 {
                %while3A = arith.constant 0 : i32
                %while3A_869 = arith.subi %select_n3A_845, %while3A : i32
                %while3A_870 = arith.addi %while3A, %while3A_869 : i32
                %while3A_871 = arith.constant 1 : i32
                %while3A_872 = arith.divsi %while3A_869, %while3A_871 : i32
                %while3A_873 = arith.muli %while3A_872, %while3A_871 : i32
                %while3A_874 = arith.addi %while3A, %while3A_873 : i32
                %while3A_875 = arith.constant 1 : i32
                %while3A_876:2 = scf.for %while3A_925 = %while3A to %while3A_874 step %while3A_875 iter_args(%while3A_926 = %broadcast_in_dim3A_3, %while3A_927 = %broadcast_in_dim3A_5) -> (vector<16xf32>, vector<16xi32>)  : i32 {
                  %mul3A_928 = arith.constant 16 : i32
                  %mul3A_929 = arith.muli %while3A_925, %mul3A_928 : i32
                  %add3A_930 = vector.broadcast %mul3A_929 : i32 to vector<16xi32>
                  %add3A_931 = arith.addi %add3A_930, %iota3A : vector<16xi32>
                  %mul3A_932 = arith.constant 16 : i32
                  %mul3A_933 = arith.muli %while3A_925, %mul3A_932 : i32
                  %get3A_934 = arith.index_cast %mul3A_933 : i32 to index
                  %get3A_935 = tpu.vector_load %arg8[%get3A_934] {strides = array<i32>} : memref<256xf32, #tpu.memory_space<vmem>>, vector<16xf32>,
                  %mul3A_936 = arith.constant 16 : i32
                  %mul3A_937 = arith.muli %while3A_925, %mul3A_936 : i32
                  %get3A_938 = arith.index_cast %mul3A_937 : i32 to index
                  %get3A_939 = tpu.vector_load %arg9[%get3A_938] {strides = array<i32>} : memref<256xi32, #tpu.memory_space<vmem>>, vector<16xi32>,
                  %lt3A_940 = vector.broadcast %add3A_663 : i32 to vector<16xi32>
                  %lt3A_941 = arith.cmpi slt, %add3A_931, %lt3A_940 : vector<16xi32>
                  %select_n3A_942 = arith.select %lt3A_941, %get3A_935, %broadcast_in_dim3A_3 : vector<16xi1>, vector<16xf32>
                  %select_n3A_943 = arith.select %lt3A_941, %get3A_939, %broadcast_in_dim3A_5 : vector<16xi1>, vector<16xi32>
                  %gt3A_944 = arith.cmpf ogt, %select_n3A_942, %while3A_926 : vector<16xf32>
                  %eq3A_945 = arith.cmpf oeq, %select_n3A_942, %while3A_926 : vector<16xf32>
                  %lt3A_946 = arith.cmpi slt, %select_n3A_943, %while3A_927 : vector<16xi32>
                  %and3A_947 = arith.andi %eq3A_945, %lt3A_946 : vector<16xi1>
                  %or3A = arith.ori %gt3A_944, %and3A_947 : vector<16xi1>
                  %select_n3A_948 = arith.select %or3A, %select_n3A_942, %while3A_926 : vector<16xi1>, vector<16xf32>
                  %select_n3A_949 = arith.select %or3A, %select_n3A_943, %while3A_927 : vector<16xi1>, vector<16xi32>
                  scf.yield %select_n3A_948, %select_n3A_949 : vector<16xf32>, vector<16xi32>
                }
                %while3A_877 = arith.constant 1 : i32
                %while3A_878:2 = scf.for %while3A_925 = %while3A_874 to %while3A_870 step %while3A_877 iter_args(%while3A_926 = %while3A_876#0, %while3A_927 = %while3A_876#1) -> (vector<16xf32>, vector<16xi32>)  : i32 {
                  %mul3A_928 = arith.constant 16 : i32
                  %mul3A_929 = arith.muli %while3A_925, %mul3A_928 : i32
                  %add3A_930 = vector.broadcast %mul3A_929 : i32 to vector<16xi32>
                  %add3A_931 = arith.addi %add3A_930, %iota3A : vector<16xi32>
                  %mul3A_932 = arith.constant 16 : i32
                  %mul3A_933 = arith.muli %while3A_925, %mul3A_932 : i32
                  %get3A_934 = arith.index_cast %mul3A_933 : i32 to index
                  %get3A_935 = tpu.vector_load %arg8[%get3A_934] {strides = array<i32>} : memref<256xf32, #tpu.memory_space<vmem>>, vector<16xf32>,
                  %mul3A_936 = arith.constant 16 : i32
                  %mul3A_937 = arith.muli %while3A_925, %mul3A_936 : i32
                  %get3A_938 = arith.index_cast %mul3A_937 : i32 to index
                  %get3A_939 = tpu.vector_load %arg9[%get3A_938] {strides = array<i32>} : memref<256xi32, #tpu.memory_space<vmem>>, vector<16xi32>,
                  %lt3A_940 = vector.broadcast %add3A_663 : i32 to vector<16xi32>
                  %lt3A_941 = arith.cmpi slt, %add3A_931, %lt3A_940 : vector<16xi32>
                  %select_n3A_942 = arith.select %lt3A_941, %get3A_935, %broadcast_in_dim3A_3 : vector<16xi1>, vector<16xf32>
                  %select_n3A_943 = arith.select %lt3A_941, %get3A_939, %broadcast_in_dim3A_5 : vector<16xi1>, vector<16xi32>
                  %gt3A_944 = arith.cmpf ogt, %select_n3A_942, %while3A_926 : vector<16xf32>
                  %eq3A_945 = arith.cmpf oeq, %select_n3A_942, %while3A_926 : vector<16xf32>
                  %lt3A_946 = arith.cmpi slt, %select_n3A_943, %while3A_927 : vector<16xi32>
                  %and3A_947 = arith.andi %eq3A_945, %lt3A_946 : vector<16xi1>
                  %or3A = arith.ori %gt3A_944, %and3A_947 : vector<16xi1>
                  %select_n3A_948 = arith.select %or3A, %select_n3A_942, %while3A_926 : vector<16xi1>, vector<16xf32>
                  %select_n3A_949 = arith.select %or3A, %select_n3A_943, %while3A_927 : vector<16xi1>, vector<16xi32>
                  scf.yield %select_n3A_948, %select_n3A_949 : vector<16xf32>, vector<16xi32>
                }
                %reduce_max3A_879 = arith.constant true
                %reduce_max3A_880 = vector.broadcast %reduce_max3A_879 : i1 to vector<16xi1>
                %reduce_max3A_881 = tpu.scan <max>, %while3A_878#0 masked %reduce_max3A_880 : vector<16xf32>, vector<16xi1> -> vector<16xf32>
                %reduce_max3A_882 = vector.extract %reduce_max3A_881[15] : f32 from vector<16xf32>
                %eq3A = vector.broadcast %reduce_max3A_882 : f32 to vector<16xf32>
                %eq3A_883 = arith.cmpf oeq, %while3A_878#0, %eq3A : vector<16xf32>
                %select_n3A_884 = arith.select %eq3A_883, %while3A_878#1, %broadcast_in_dim3A_5 : vector<16xi1>, vector<16xi32>
                %reduce_min3A = arith.constant true
                %reduce_min3A_885 = vector.broadcast %reduce_min3A : i1 to vector<16xi1>
                %reduce_min3A_886 = arith.constant -2147483648 : i32
                %reduce_min3A_887 = vector.broadcast %reduce_min3A_886 : i32 to vector<16xi32>
                %reduce_min3A_888 = arith.xori %select_n3A_884, %reduce_min3A_887 : vector<16xi32>
                %reduce_min3A_889 = tpu.scan <min>, %reduce_min3A_888 masked %reduce_min3A_885 : vector<16xi32>, vector<16xi1> -> vector<16xi32>
                %reduce_min3A_890 = arith.xori %reduce_min3A_889, %reduce_min3A_887 : vector<16xi32>
                %reduce_min3A_891 = vector.extract %reduce_min3A_890[15] : i32 from vector<16xi32>
                %while3A_892 = arith.constant 0 : i32
                %while3A_893 = arith.constant 0 : i32
                %while3A_894 = arith.subi %select_n3A_845, %while3A_893 : i32
                %while3A_895 = arith.addi %while3A_893, %while3A_894 : i32
                %while3A_896 = arith.constant 1 : i32
                %while3A_897 = arith.divsi %while3A_894, %while3A_896 : i32
                %while3A_898 = arith.muli %while3A_897, %while3A_896 : i32
                %while3A_899 = arith.addi %while3A_893, %while3A_898 : i32
                %while3A_900 = arith.constant 1 : i32
                scf.for %while3A_925 = %while3A_893 to %while3A_899 step %while3A_900  : i32 {
                  %mul3A_926 = arith.constant 16 : i32
                  %mul3A_927 = arith.muli %while3A_925, %mul3A_926 : i32
                  %get3A_928 = arith.index_cast %mul3A_927 : i32 to index
                  %get3A_929 = tpu.vector_load %arg8[%get3A_928] {strides = array<i32>} : memref<256xf32, #tpu.memory_space<vmem>>, vector<16xf32>,
                  %mul3A_930 = arith.constant 16 : i32
                  %mul3A_931 = arith.muli %while3A_925, %mul3A_930 : i32
                  %get3A_932 = arith.index_cast %mul3A_931 : i32 to index
                  %get3A_933 = tpu.vector_load %arg9[%get3A_932] {strides = array<i32>} : memref<256xi32, #tpu.memory_space<vmem>>, vector<16xi32>,
                  %eq3A_934 = vector.broadcast %reduce_max3A_882 : f32 to vector<16xf32>
                  %eq3A_935 = arith.cmpf oeq, %get3A_929, %eq3A_934 : vector<16xf32>
                  %eq3A_936 = vector.broadcast %reduce_min3A_891 : i32 to vector<16xi32>
                  %eq3A_937 = arith.cmpi eq, %get3A_933, %eq3A_936 : vector<16xi32>
                  %and3A_938 = arith.andi %eq3A_935, %eq3A_937 : vector<16xi1>
                  %select_n3A_939 = arith.select %and3A_938, %broadcast_in_dim3A_3, %get3A_929 : vector<16xi1>, vector<16xf32>
                  %mul3A_940 = arith.constant 16 : i32
                  %mul3A_941 = arith.muli %while3A_925, %mul3A_940 : i32
                  %swap3A_942 = arith.index_cast %mul3A_941 : i32 to index
                  %swap3A_943 = tpu.vector_load %arg8[%swap3A_942] {strides = array<i32>} : memref<256xf32, #tpu.memory_space<vmem>>, vector<16xf32>,
                  tpu.vector_store %arg8[%swap3A_942], %select_n3A_939 {strides = array<i32>} : memref<256xf32, #tpu.memory_space<vmem>>, vector<16xf32>,
                }
                %while3A_901 = arith.constant 1 : i32
                scf.for %while3A_925 = %while3A_899 to %while3A_895 step %while3A_901  : i32 {
                  %mul3A_926 = arith.constant 16 : i32
                  %mul3A_927 = arith.muli %while3A_925, %mul3A_926 : i32
                  %get3A_928 = arith.index_cast %mul3A_927 : i32 to index
                  %get3A_929 = tpu.vector_load %arg8[%get3A_928] {strides = array<i32>} : memref<256xf32, #tpu.memory_space<vmem>>, vector<16xf32>,
                  %mul3A_930 = arith.constant 16 : i32
                  %mul3A_931 = arith.muli %while3A_925, %mul3A_930 : i32
                  %get3A_932 = arith.index_cast %mul3A_931 : i32 to index
                  %get3A_933 = tpu.vector_load %arg9[%get3A_932] {strides = array<i32>} : memref<256xi32, #tpu.memory_space<vmem>>, vector<16xi32>,
                  %eq3A_934 = vector.broadcast %reduce_max3A_882 : f32 to vector<16xf32>
                  %eq3A_935 = arith.cmpf oeq, %get3A_929, %eq3A_934 : vector<16xf32>
                  %eq3A_936 = vector.broadcast %reduce_min3A_891 : i32 to vector<16xi32>
                  %eq3A_937 = arith.cmpi eq, %get3A_933, %eq3A_936 : vector<16xi32>
                  %and3A_938 = arith.andi %eq3A_935, %eq3A_937 : vector<16xi1>
                  %select_n3A_939 = arith.select %and3A_938, %broadcast_in_dim3A_3, %get3A_929 : vector<16xi1>, vector<16xf32>
                  %mul3A_940 = arith.constant 16 : i32
                  %mul3A_941 = arith.muli %while3A_925, %mul3A_940 : i32
                  %swap3A_942 = arith.index_cast %mul3A_941 : i32 to index
                  %swap3A_943 = tpu.vector_load %arg8[%swap3A_942] {strides = array<i32>} : memref<256xf32, #tpu.memory_space<vmem>>, vector<16xf32>,
                  tpu.vector_store %arg8[%swap3A_942], %select_n3A_939 {strides = array<i32>} : memref<256xf32, #tpu.memory_space<vmem>>, vector<16xf32>,
                }
                %broadcast_in_dim3A_902 = vector.broadcast %reduce_max3A_882 : f32 to vector<16xf32>
                %broadcast_in_dim3A_903 = vector.broadcast %reduce_min3A_891 : i32 to vector<16xi32>
                %rem3A_904 = arith.constant 16 : i32
                %rem3A_905 = arith.remsi %scan3A_863, %rem3A_904 : i32
                %eq3A_906 = vector.broadcast %rem3A_905 : i32 to vector<16xi32>
                %eq3A_907 = arith.cmpi eq, %iota3A, %eq3A_906 : vector<16xi32>
                %lt3A_908 = arith.constant 16 : i32
                %lt3A_909 = arith.cmpi slt, %scan3A_863, %lt3A_908 : i32
                %and3A_910 = vector.broadcast %lt3A_909 : i1 to vector<16xi1>
                %and3A_911 = arith.andi %eq3A_907, %and3A_910 : vector<16xi1>
                %select_n3A_912 = arith.select %and3A_911, %broadcast_in_dim3A_902, %scan3A_864 : vector<16xi1>, vector<16xf32>
                %and3A_913 = vector.broadcast %lt3A_909 : i1 to vector<16xi1>
                %and3A_914 = arith.andi %eq3A_907, %and3A_913 : vector<16xi1>
                %select_n3A_915 = arith.select %and3A_914, %broadcast_in_dim3A_903, %scan3A_866 : vector<16xi1>, vector<16xi32>
                %not3A = arith.constant true
                %not3A_916 = arith.xori %lt3A_909, %not3A : i1
                %and3A_917 = vector.broadcast %not3A_916 : i1 to vector<16xi1>
                %and3A_918 = arith.andi %eq3A_907, %and3A_917 : vector<16xi1>
                %select_n3A_919 = arith.select %and3A_918, %broadcast_in_dim3A_902, %scan3A_865 : vector<16xi1>, vector<16xf32>
                %not3A_920 = arith.constant true
                %not3A_921 = arith.xori %lt3A_909, %not3A_920 : i1
                %and3A_922 = vector.broadcast %not3A_921 : i1 to vector<16xi1>
                %and3A_923 = arith.andi %eq3A_907, %and3A_922 : vector<16xi1>
                %select_n3A_924 = arith.select %and3A_923, %broadcast_in_dim3A_903, %scan3A_867 : vector<16xi1>, vector<16xi32>
                scf.yield %select_n3A_912, %select_n3A_919, %select_n3A_915, %select_n3A_924, %reduce_max3A_882 : vector<16xf32>, vector<16xf32>, vector<16xi32>, vector<16xi32>, f32
              }
              %scan3A_852 = arith.constant 20 : i32
              %swap3A_853 = arith.constant 0 : index
              %swap3A_854 = tpu.vector_load %arg8[%swap3A_853] {strides = array<i32>} : memref<256xf32, #tpu.memory_space<vmem>>, vector<16xf32>,
              tpu.vector_store %arg8[%swap3A_853], %scan3A_851#0 {strides = array<i32>} : memref<256xf32, #tpu.memory_space<vmem>>, vector<16xf32>,
              %swap3A_855 = arith.constant 16 : index
              %swap3A_856 = tpu.vector_load %arg8[%swap3A_855] {strides = array<i32>} : memref<256xf32, #tpu.memory_space<vmem>>, vector<16xf32>,
              tpu.vector_store %arg8[%swap3A_855], %scan3A_851#1 {strides = array<i32>} : memref<256xf32, #tpu.memory_space<vmem>>, vector<16xf32>,
              %swap3A_857 = arith.constant 0 : index
              %swap3A_858 = tpu.vector_load %arg9[%swap3A_857] {strides = array<i32>} : memref<256xi32, #tpu.memory_space<vmem>>, vector<16xi32>,
              tpu.vector_store %arg9[%swap3A_857], %scan3A_851#2 {strides = array<i32>} : memref<256xi32, #tpu.memory_space<vmem>>, vector<16xi32>,
              %swap3A_859 = arith.constant 16 : index
              %swap3A_860 = tpu.vector_load %arg9[%swap3A_859] {strides = array<i32>} : memref<256xi32, #tpu.memory_space<vmem>>, vector<16xi32>,
              tpu.vector_store %arg9[%swap3A_859], %scan3A_851#3 {strides = array<i32>} : memref<256xi32, #tpu.memory_space<vmem>>, vector<16xi32>,
              %broadcast_in_dim3A_861 = vector.broadcast %scan3A_851#4 : f32 to vector<16xf32>
              %cond3A_862 = arith.constant 32 : i32
              scf.yield %broadcast_in_dim3A_861, %scan3A_851#4, %cond3A_862 : vector<16xf32>, f32, i32
            } else {
              scf.yield %cond3A_639#0, %cond3A_639#1, %add3A_663 : vector<16xf32>, f32, i32
            }
            %add3A_670 = arith.constant 80 : i32
            %add3A_671 = arith.addi %add3A_465, %add3A_670 : i32
            %get3A_672 = arith.index_cast %add3A_671 : i32 to index
            %get3A_673 = tpu.vector_load %arg6[%get3A_672] {strides = array<i32>} : memref<40000xf32, #tpu.memory_space<vmem>>, vector<16xf32>,
            %ge3A_674 = arith.cmpf oge, %get3A_673, %cond3A_669#0 : vector<16xf32>
            %convert_element_type3A_675 = arith.extui %ge3A_674 : vector<16xi1> to vector<16xi32>
            %mul3A_676 = arith.constant 160 : i32
            %mul3A_677 = arith.muli %scan3A_457, %mul3A_676 : i32
            %add3A_678 = arith.addi %mul3A_115, %mul3A_677 : i32
            %add3A_679 = arith.constant 80 : i32
            %add3A_680 = arith.addi %add3A_678, %add3A_679 : i32
            %add3A_681 = vector.broadcast %add3A_680 : i32 to vector<16xi32>
            %add3A_682 = arith.addi %add3A_681, %iota3A : vector<16xi32>
            %cumsum3A_683 = arith.constant true
            %cumsum3A_684 = vector.broadcast %cumsum3A_683 : i1 to vector<16xi1>
            %cumsum3A_685 = tpu.scan <sum>, %convert_element_type3A_675 masked %cumsum3A_684 : vector<16xi32>, vector<16xi1> -> vector<16xi32>
            %add3A_686 = vector.broadcast %cond3A_669#2 : i32 to vector<16xi32>
            %add3A_687 = arith.addi %add3A_686, %cumsum3A_685 : vector<16xi32>
            %sub3A_688 = arith.subi %add3A_687, %convert_element_type3A_675 : vector<16xi32>
            tpu.vector_store_idx %arg8[%sub3A_688], %get3A_673 masked %ge3A_674 : memref<256xf32, #tpu.memory_space<vmem>>[vector<16xi32>], vector<16xf32>, vector<16xi1>
            tpu.vector_store_idx %arg9[%sub3A_688], %add3A_682 masked %ge3A_674 : memref<256xi32, #tpu.memory_space<vmem>>[vector<16xi32>], vector<16xi32>, vector<16xi1>
            %reduce_sum3A_689 = arith.constant true
            %reduce_sum3A_690 = vector.broadcast %reduce_sum3A_689 : i1 to vector<16xi1>
            %reduce_sum3A_691 = tpu.scan <sum>, %convert_element_type3A_675 masked %reduce_sum3A_690 : vector<16xi32>, vector<16xi1> -> vector<16xi32>
            %reduce_sum3A_692 = vector.extract %reduce_sum3A_691[15] : i32 from vector<16xi32>
            %add3A_693 = arith.addi %cond3A_669#2, %reduce_sum3A_692 : i32
            %gt3A_694 = arith.constant 240 : i32
            %gt3A_695 = arith.cmpi sgt, %add3A_693, %gt3A_694 : i32
            %convert_element_type3A_696 = arith.extui %gt3A_695 : i1 to i32
            %cond3A_697 = arith.constant 0 : i32
            %cond3A_698 = arith.cmpi ne, %convert_element_type3A_696, %cond3A_697 : i32
            %cond3A_699:3 = scf.if %cond3A_698 -> (vector<16xf32>, f32, i32) {
              %add3A_820 = arith.constant 15 : i32
              %add3A_821 = arith.addi %add3A_693, %add3A_820 : i32
              %jit3A_822 = arith.constant 16 : i32
              %div3A_823 = arith.divsi %add3A_821, %jit3A_822 : i32
              %sign3A_824 = arith.constant 0 : i32
              %sign3A_825 = arith.cmpi sgt, %add3A_821, %sign3A_824 : i32
              %sign3A_826 = arith.extui %sign3A_825 : i1 to i32
              %sign3A_827 = arith.constant 0 : i32
              %sign3A_828 = arith.cmpi slt, %add3A_821, %sign3A_827 : i32
              %sign3A_829 = arith.extui %sign3A_828 : i1 to i32
              %sign3A_830 = arith.subi %sign3A_826, %sign3A_829 : i32
              %sign3A_831 = arith.constant 0 : i32
              %sign3A_832 = arith.cmpi sgt, %jit3A_822, %sign3A_831 : i32
              %sign3A_833 = arith.extui %sign3A_832 : i1 to i32
              %sign3A_834 = arith.constant 0 : i32
              %sign3A_835 = arith.cmpi slt, %jit3A_822, %sign3A_834 : i32
              %sign3A_836 = arith.extui %sign3A_835 : i1 to i32
              %sign3A_837 = arith.subi %sign3A_833, %sign3A_836 : i32
              %ne3A_838 = arith.cmpi ne, %sign3A_830, %sign3A_837 : i32
              %rem3A_839 = arith.remsi %add3A_821, %jit3A_822 : i32
              %ne3A_840 = arith.constant 0 : i32
              %ne3A_841 = arith.cmpi ne, %rem3A_839, %ne3A_840 : i32
              %and3A_842 = arith.andi %ne3A_838, %ne3A_841 : i1
              %sub3A_843 = arith.constant 1 : i32
              %sub3A_844 = arith.subi %div3A_823, %sub3A_843 : i32
              %select_n3A_845 = arith.select %and3A_842, %sub3A_844, %div3A_823 : i32
              %scan3A_846 = arith.constant 0xFF800000 : f32
              %scan3A_847 = arith.constant 0 : i32
              %scan3A_848 = arith.constant 20 : i32
              %scan3A_849 = arith.addi %scan3A_847, %scan3A_848 : i32
              %scan3A_850 = arith.constant 1 : i32
              %scan3A_851:5 = scf.for %scan3A_863 = %scan3A_847 to %scan3A_849 step %scan3A_850 iter_args(%scan3A_864 = %broadcast_in_dim3A_3, %scan3A_865 = %broadcast_in_dim3A_3, %scan3A_866 = %broadcast_in_dim3A_5, %scan3A_867 = %broadcast_in_dim3A_5, %scan3A_868 = %scan3A_846) -> (vector<16xf32>, vector<16xf32>, vector<16xi32>, vector<16xi32>, f32)  : i32 {
                %while3A = arith.constant 0 : i32
                %while3A_869 = arith.subi %select_n3A_845, %while3A : i32
                %while3A_870 = arith.addi %while3A, %while3A_869 : i32
                %while3A_871 = arith.constant 1 : i32
                %while3A_872 = arith.divsi %while3A_869, %while3A_871 : i32
                %while3A_873 = arith.muli %while3A_872, %while3A_871 : i32
                %while3A_874 = arith.addi %while3A, %while3A_873 : i32
                %while3A_875 = arith.constant 1 : i32
                %while3A_876:2 = scf.for %while3A_925 = %while3A to %while3A_874 step %while3A_875 iter_args(%while3A_926 = %broadcast_in_dim3A_3, %while3A_927 = %broadcast_in_dim3A_5) -> (vector<16xf32>, vector<16xi32>)  : i32 {
                  %mul3A_928 = arith.constant 16 : i32
                  %mul3A_929 = arith.muli %while3A_925, %mul3A_928 : i32
                  %add3A_930 = vector.broadcast %mul3A_929 : i32 to vector<16xi32>
                  %add3A_931 = arith.addi %add3A_930, %iota3A : vector<16xi32>
                  %mul3A_932 = arith.constant 16 : i32
                  %mul3A_933 = arith.muli %while3A_925, %mul3A_932 : i32
                  %get3A_934 = arith.index_cast %mul3A_933 : i32 to index
                  %get3A_935 = tpu.vector_load %arg8[%get3A_934] {strides = array<i32>} : memref<256xf32, #tpu.memory_space<vmem>>, vector<16xf32>,
                  %mul3A_936 = arith.constant 16 : i32
                  %mul3A_937 = arith.muli %while3A_925, %mul3A_936 : i32
                  %get3A_938 = arith.index_cast %mul3A_937 : i32 to index
                  %get3A_939 = tpu.vector_load %arg9[%get3A_938] {strides = array<i32>} : memref<256xi32, #tpu.memory_space<vmem>>, vector<16xi32>,
                  %lt3A_940 = vector.broadcast %add3A_693 : i32 to vector<16xi32>
                  %lt3A_941 = arith.cmpi slt, %add3A_931, %lt3A_940 : vector<16xi32>
                  %select_n3A_942 = arith.select %lt3A_941, %get3A_935, %broadcast_in_dim3A_3 : vector<16xi1>, vector<16xf32>
                  %select_n3A_943 = arith.select %lt3A_941, %get3A_939, %broadcast_in_dim3A_5 : vector<16xi1>, vector<16xi32>
                  %gt3A_944 = arith.cmpf ogt, %select_n3A_942, %while3A_926 : vector<16xf32>
                  %eq3A_945 = arith.cmpf oeq, %select_n3A_942, %while3A_926 : vector<16xf32>
                  %lt3A_946 = arith.cmpi slt, %select_n3A_943, %while3A_927 : vector<16xi32>
                  %and3A_947 = arith.andi %eq3A_945, %lt3A_946 : vector<16xi1>
                  %or3A = arith.ori %gt3A_944, %and3A_947 : vector<16xi1>
                  %select_n3A_948 = arith.select %or3A, %select_n3A_942, %while3A_926 : vector<16xi1>, vector<16xf32>
                  %select_n3A_949 = arith.select %or3A, %select_n3A_943, %while3A_927 : vector<16xi1>, vector<16xi32>
                  scf.yield %select_n3A_948, %select_n3A_949 : vector<16xf32>, vector<16xi32>
                }
                %while3A_877 = arith.constant 1 : i32
                %while3A_878:2 = scf.for %while3A_925 = %while3A_874 to %while3A_870 step %while3A_877 iter_args(%while3A_926 = %while3A_876#0, %while3A_927 = %while3A_876#1) -> (vector<16xf32>, vector<16xi32>)  : i32 {
                  %mul3A_928 = arith.constant 16 : i32
                  %mul3A_929 = arith.muli %while3A_925, %mul3A_928 : i32
                  %add3A_930 = vector.broadcast %mul3A_929 : i32 to vector<16xi32>
                  %add3A_931 = arith.addi %add3A_930, %iota3A : vector<16xi32>
                  %mul3A_932 = arith.constant 16 : i32
                  %mul3A_933 = arith.muli %while3A_925, %mul3A_932 : i32
                  %get3A_934 = arith.index_cast %mul3A_933 : i32 to index
                  %get3A_935 = tpu.vector_load %arg8[%get3A_934] {strides = array<i32>} : memref<256xf32, #tpu.memory_space<vmem>>, vector<16xf32>,
                  %mul3A_936 = arith.constant 16 : i32
                  %mul3A_937 = arith.muli %while3A_925, %mul3A_936 : i32
                  %get3A_938 = arith.index_cast %mul3A_937 : i32 to index
                  %get3A_939 = tpu.vector_load %arg9[%get3A_938] {strides = array<i32>} : memref<256xi32, #tpu.memory_space<vmem>>, vector<16xi32>,
                  %lt3A_940 = vector.broadcast %add3A_693 : i32 to vector<16xi32>
                  %lt3A_941 = arith.cmpi slt, %add3A_931, %lt3A_940 : vector<16xi32>
                  %select_n3A_942 = arith.select %lt3A_941, %get3A_935, %broadcast_in_dim3A_3 : vector<16xi1>, vector<16xf32>
                  %select_n3A_943 = arith.select %lt3A_941, %get3A_939, %broadcast_in_dim3A_5 : vector<16xi1>, vector<16xi32>
                  %gt3A_944 = arith.cmpf ogt, %select_n3A_942, %while3A_926 : vector<16xf32>
                  %eq3A_945 = arith.cmpf oeq, %select_n3A_942, %while3A_926 : vector<16xf32>
                  %lt3A_946 = arith.cmpi slt, %select_n3A_943, %while3A_927 : vector<16xi32>
                  %and3A_947 = arith.andi %eq3A_945, %lt3A_946 : vector<16xi1>
                  %or3A = arith.ori %gt3A_944, %and3A_947 : vector<16xi1>
                  %select_n3A_948 = arith.select %or3A, %select_n3A_942, %while3A_926 : vector<16xi1>, vector<16xf32>
                  %select_n3A_949 = arith.select %or3A, %select_n3A_943, %while3A_927 : vector<16xi1>, vector<16xi32>
                  scf.yield %select_n3A_948, %select_n3A_949 : vector<16xf32>, vector<16xi32>
                }
                %reduce_max3A_879 = arith.constant true
                %reduce_max3A_880 = vector.broadcast %reduce_max3A_879 : i1 to vector<16xi1>
                %reduce_max3A_881 = tpu.scan <max>, %while3A_878#0 masked %reduce_max3A_880 : vector<16xf32>, vector<16xi1> -> vector<16xf32>
                %reduce_max3A_882 = vector.extract %reduce_max3A_881[15] : f32 from vector<16xf32>
                %eq3A = vector.broadcast %reduce_max3A_882 : f32 to vector<16xf32>
                %eq3A_883 = arith.cmpf oeq, %while3A_878#0, %eq3A : vector<16xf32>
                %select_n3A_884 = arith.select %eq3A_883, %while3A_878#1, %broadcast_in_dim3A_5 : vector<16xi1>, vector<16xi32>
                %reduce_min3A = arith.constant true
                %reduce_min3A_885 = vector.broadcast %reduce_min3A : i1 to vector<16xi1>
                %reduce_min3A_886 = arith.constant -2147483648 : i32
                %reduce_min3A_887 = vector.broadcast %reduce_min3A_886 : i32 to vector<16xi32>
                %reduce_min3A_888 = arith.xori %select_n3A_884, %reduce_min3A_887 : vector<16xi32>
                %reduce_min3A_889 = tpu.scan <min>, %reduce_min3A_888 masked %reduce_min3A_885 : vector<16xi32>, vector<16xi1> -> vector<16xi32>
                %reduce_min3A_890 = arith.xori %reduce_min3A_889, %reduce_min3A_887 : vector<16xi32>
                %reduce_min3A_891 = vector.extract %reduce_min3A_890[15] : i32 from vector<16xi32>
                %while3A_892 = arith.constant 0 : i32
                %while3A_893 = arith.constant 0 : i32
                %while3A_894 = arith.subi %select_n3A_845, %while3A_893 : i32
                %while3A_895 = arith.addi %while3A_893, %while3A_894 : i32
                %while3A_896 = arith.constant 1 : i32
                %while3A_897 = arith.divsi %while3A_894, %while3A_896 : i32
                %while3A_898 = arith.muli %while3A_897, %while3A_896 : i32
                %while3A_899 = arith.addi %while3A_893, %while3A_898 : i32
                %while3A_900 = arith.constant 1 : i32
                scf.for %while3A_925 = %while3A_893 to %while3A_899 step %while3A_900  : i32 {
                  %mul3A_926 = arith.constant 16 : i32
                  %mul3A_927 = arith.muli %while3A_925, %mul3A_926 : i32
                  %get3A_928 = arith.index_cast %mul3A_927 : i32 to index
                  %get3A_929 = tpu.vector_load %arg8[%get3A_928] {strides = array<i32>} : memref<256xf32, #tpu.memory_space<vmem>>, vector<16xf32>,
                  %mul3A_930 = arith.constant 16 : i32
                  %mul3A_931 = arith.muli %while3A_925, %mul3A_930 : i32
                  %get3A_932 = arith.index_cast %mul3A_931 : i32 to index
                  %get3A_933 = tpu.vector_load %arg9[%get3A_932] {strides = array<i32>} : memref<256xi32, #tpu.memory_space<vmem>>, vector<16xi32>,
                  %eq3A_934 = vector.broadcast %reduce_max3A_882 : f32 to vector<16xf32>
                  %eq3A_935 = arith.cmpf oeq, %get3A_929, %eq3A_934 : vector<16xf32>
                  %eq3A_936 = vector.broadcast %reduce_min3A_891 : i32 to vector<16xi32>
                  %eq3A_937 = arith.cmpi eq, %get3A_933, %eq3A_936 : vector<16xi32>
                  %and3A_938 = arith.andi %eq3A_935, %eq3A_937 : vector<16xi1>
                  %select_n3A_939 = arith.select %and3A_938, %broadcast_in_dim3A_3, %get3A_929 : vector<16xi1>, vector<16xf32>
                  %mul3A_940 = arith.constant 16 : i32
                  %mul3A_941 = arith.muli %while3A_925, %mul3A_940 : i32
                  %swap3A_942 = arith.index_cast %mul3A_941 : i32 to index
                  %swap3A_943 = tpu.vector_load %arg8[%swap3A_942] {strides = array<i32>} : memref<256xf32, #tpu.memory_space<vmem>>, vector<16xf32>,
                  tpu.vector_store %arg8[%swap3A_942], %select_n3A_939 {strides = array<i32>} : memref<256xf32, #tpu.memory_space<vmem>>, vector<16xf32>,
                }
                %while3A_901 = arith.constant 1 : i32
                scf.for %while3A_925 = %while3A_899 to %while3A_895 step %while3A_901  : i32 {
                  %mul3A_926 = arith.constant 16 : i32
                  %mul3A_927 = arith.muli %while3A_925, %mul3A_926 : i32
                  %get3A_928 = arith.index_cast %mul3A_927 : i32 to index
                  %get3A_929 = tpu.vector_load %arg8[%get3A_928] {strides = array<i32>} : memref<256xf32, #tpu.memory_space<vmem>>, vector<16xf32>,
                  %mul3A_930 = arith.constant 16 : i32
                  %mul3A_931 = arith.muli %while3A_925, %mul3A_930 : i32
                  %get3A_932 = arith.index_cast %mul3A_931 : i32 to index
                  %get3A_933 = tpu.vector_load %arg9[%get3A_932] {strides = array<i32>} : memref<256xi32, #tpu.memory_space<vmem>>, vector<16xi32>,
                  %eq3A_934 = vector.broadcast %reduce_max3A_882 : f32 to vector<16xf32>
                  %eq3A_935 = arith.cmpf oeq, %get3A_929, %eq3A_934 : vector<16xf32>
                  %eq3A_936 = vector.broadcast %reduce_min3A_891 : i32 to vector<16xi32>
                  %eq3A_937 = arith.cmpi eq, %get3A_933, %eq3A_936 : vector<16xi32>
                  %and3A_938 = arith.andi %eq3A_935, %eq3A_937 : vector<16xi1>
                  %select_n3A_939 = arith.select %and3A_938, %broadcast_in_dim3A_3, %get3A_929 : vector<16xi1>, vector<16xf32>
                  %mul3A_940 = arith.constant 16 : i32
                  %mul3A_941 = arith.muli %while3A_925, %mul3A_940 : i32
                  %swap3A_942 = arith.index_cast %mul3A_941 : i32 to index
                  %swap3A_943 = tpu.vector_load %arg8[%swap3A_942] {strides = array<i32>} : memref<256xf32, #tpu.memory_space<vmem>>, vector<16xf32>,
                  tpu.vector_store %arg8[%swap3A_942], %select_n3A_939 {strides = array<i32>} : memref<256xf32, #tpu.memory_space<vmem>>, vector<16xf32>,
                }
                %broadcast_in_dim3A_902 = vector.broadcast %reduce_max3A_882 : f32 to vector<16xf32>
                %broadcast_in_dim3A_903 = vector.broadcast %reduce_min3A_891 : i32 to vector<16xi32>
                %rem3A_904 = arith.constant 16 : i32
                %rem3A_905 = arith.remsi %scan3A_863, %rem3A_904 : i32
                %eq3A_906 = vector.broadcast %rem3A_905 : i32 to vector<16xi32>
                %eq3A_907 = arith.cmpi eq, %iota3A, %eq3A_906 : vector<16xi32>
                %lt3A_908 = arith.constant 16 : i32
                %lt3A_909 = arith.cmpi slt, %scan3A_863, %lt3A_908 : i32
                %and3A_910 = vector.broadcast %lt3A_909 : i1 to vector<16xi1>
                %and3A_911 = arith.andi %eq3A_907, %and3A_910 : vector<16xi1>
                %select_n3A_912 = arith.select %and3A_911, %broadcast_in_dim3A_902, %scan3A_864 : vector<16xi1>, vector<16xf32>
                %and3A_913 = vector.broadcast %lt3A_909 : i1 to vector<16xi1>
                %and3A_914 = arith.andi %eq3A_907, %and3A_913 : vector<16xi1>
                %select_n3A_915 = arith.select %and3A_914, %broadcast_in_dim3A_903, %scan3A_866 : vector<16xi1>, vector<16xi32>
                %not3A = arith.constant true
                %not3A_916 = arith.xori %lt3A_909, %not3A : i1
                %and3A_917 = vector.broadcast %not3A_916 : i1 to vector<16xi1>
                %and3A_918 = arith.andi %eq3A_907, %and3A_917 : vector<16xi1>
                %select_n3A_919 = arith.select %and3A_918, %broadcast_in_dim3A_902, %scan3A_865 : vector<16xi1>, vector<16xf32>
                %not3A_920 = arith.constant true
                %not3A_921 = arith.xori %lt3A_909, %not3A_920 : i1
                %and3A_922 = vector.broadcast %not3A_921 : i1 to vector<16xi1>
                %and3A_923 = arith.andi %eq3A_907, %and3A_922 : vector<16xi1>
                %select_n3A_924 = arith.select %and3A_923, %broadcast_in_dim3A_903, %scan3A_867 : vector<16xi1>, vector<16xi32>
                scf.yield %select_n3A_912, %select_n3A_919, %select_n3A_915, %select_n3A_924, %reduce_max3A_882 : vector<16xf32>, vector<16xf32>, vector<16xi32>, vector<16xi32>, f32
              }
              %scan3A_852 = arith.constant 20 : i32
              %swap3A_853 = arith.constant 0 : index
              %swap3A_854 = tpu.vector_load %arg8[%swap3A_853] {strides = array<i32>} : memref<256xf32, #tpu.memory_space<vmem>>, vector<16xf32>,
              tpu.vector_store %arg8[%swap3A_853], %scan3A_851#0 {strides = array<i32>} : memref<256xf32, #tpu.memory_space<vmem>>, vector<16xf32>,
              %swap3A_855 = arith.constant 16 : index
              %swap3A_856 = tpu.vector_load %arg8[%swap3A_855] {strides = array<i32>} : memref<256xf32, #tpu.memory_space<vmem>>, vector<16xf32>,
              tpu.vector_store %arg8[%swap3A_855], %scan3A_851#1 {strides = array<i32>} : memref<256xf32, #tpu.memory_space<vmem>>, vector<16xf32>,
              %swap3A_857 = arith.constant 0 : index
              %swap3A_858 = tpu.vector_load %arg9[%swap3A_857] {strides = array<i32>} : memref<256xi32, #tpu.memory_space<vmem>>, vector<16xi32>,
              tpu.vector_store %arg9[%swap3A_857], %scan3A_851#2 {strides = array<i32>} : memref<256xi32, #tpu.memory_space<vmem>>, vector<16xi32>,
              %swap3A_859 = arith.constant 16 : index
              %swap3A_860 = tpu.vector_load %arg9[%swap3A_859] {strides = array<i32>} : memref<256xi32, #tpu.memory_space<vmem>>, vector<16xi32>,
              tpu.vector_store %arg9[%swap3A_859], %scan3A_851#3 {strides = array<i32>} : memref<256xi32, #tpu.memory_space<vmem>>, vector<16xi32>,
              %broadcast_in_dim3A_861 = vector.broadcast %scan3A_851#4 : f32 to vector<16xf32>
              %cond3A_862 = arith.constant 32 : i32
              scf.yield %broadcast_in_dim3A_861, %scan3A_851#4, %cond3A_862 : vector<16xf32>, f32, i32
            } else {
              scf.yield %cond3A_669#0, %cond3A_669#1, %add3A_693 : vector<16xf32>, f32, i32
            }
            %add3A_700 = arith.constant 96 : i32
            %add3A_701 = arith.addi %add3A_465, %add3A_700 : i32
            %get3A_702 = arith.index_cast %add3A_701 : i32 to index
            %get3A_703 = tpu.vector_load %arg6[%get3A_702] {strides = array<i32>} : memref<40000xf32, #tpu.memory_space<vmem>>, vector<16xf32>,
            %ge3A_704 = arith.cmpf oge, %get3A_703, %cond3A_699#0 : vector<16xf32>
            %convert_element_type3A_705 = arith.extui %ge3A_704 : vector<16xi1> to vector<16xi32>
            %mul3A_706 = arith.constant 160 : i32
            %mul3A_707 = arith.muli %scan3A_457, %mul3A_706 : i32
            %add3A_708 = arith.addi %mul3A_115, %mul3A_707 : i32
            %add3A_709 = arith.constant 96 : i32
            %add3A_710 = arith.addi %add3A_708, %add3A_709 : i32
            %add3A_711 = vector.broadcast %add3A_710 : i32 to vector<16xi32>
            %add3A_712 = arith.addi %add3A_711, %iota3A : vector<16xi32>
            %cumsum3A_713 = arith.constant true
            %cumsum3A_714 = vector.broadcast %cumsum3A_713 : i1 to vector<16xi1>
            %cumsum3A_715 = tpu.scan <sum>, %convert_element_type3A_705 masked %cumsum3A_714 : vector<16xi32>, vector<16xi1> -> vector<16xi32>
            %add3A_716 = vector.broadcast %cond3A_699#2 : i32 to vector<16xi32>
            %add3A_717 = arith.addi %add3A_716, %cumsum3A_715 : vector<16xi32>
            %sub3A_718 = arith.subi %add3A_717, %convert_element_type3A_705 : vector<16xi32>
            tpu.vector_store_idx %arg8[%sub3A_718], %get3A_703 masked %ge3A_704 : memref<256xf32, #tpu.memory_space<vmem>>[vector<16xi32>], vector<16xf32>, vector<16xi1>
            tpu.vector_store_idx %arg9[%sub3A_718], %add3A_712 masked %ge3A_704 : memref<256xi32, #tpu.memory_space<vmem>>[vector<16xi32>], vector<16xi32>, vector<16xi1>
            %reduce_sum3A_719 = arith.constant true
            %reduce_sum3A_720 = vector.broadcast %reduce_sum3A_719 : i1 to vector<16xi1>
            %reduce_sum3A_721 = tpu.scan <sum>, %convert_element_type3A_705 masked %reduce_sum3A_720 : vector<16xi32>, vector<16xi1> -> vector<16xi32>
            %reduce_sum3A_722 = vector.extract %reduce_sum3A_721[15] : i32 from vector<16xi32>
            %add3A_723 = arith.addi %cond3A_699#2, %reduce_sum3A_722 : i32
            %gt3A_724 = arith.constant 240 : i32
            %gt3A_725 = arith.cmpi sgt, %add3A_723, %gt3A_724 : i32
            %convert_element_type3A_726 = arith.extui %gt3A_725 : i1 to i32
            %cond3A_727 = arith.constant 0 : i32
            %cond3A_728 = arith.cmpi ne, %convert_element_type3A_726, %cond3A_727 : i32
            %cond3A_729:3 = scf.if %cond3A_728 -> (vector<16xf32>, f32, i32) {
              %add3A_820 = arith.constant 15 : i32
              %add3A_821 = arith.addi %add3A_723, %add3A_820 : i32
              %jit3A_822 = arith.constant 16 : i32
              %div3A_823 = arith.divsi %add3A_821, %jit3A_822 : i32
              %sign3A_824 = arith.constant 0 : i32
              %sign3A_825 = arith.cmpi sgt, %add3A_821, %sign3A_824 : i32
              %sign3A_826 = arith.extui %sign3A_825 : i1 to i32
              %sign3A_827 = arith.constant 0 : i32
              %sign3A_828 = arith.cmpi slt, %add3A_821, %sign3A_827 : i32
              %sign3A_829 = arith.extui %sign3A_828 : i1 to i32
              %sign3A_830 = arith.subi %sign3A_826, %sign3A_829 : i32
              %sign3A_831 = arith.constant 0 : i32
              %sign3A_832 = arith.cmpi sgt, %jit3A_822, %sign3A_831 : i32
              %sign3A_833 = arith.extui %sign3A_832 : i1 to i32
              %sign3A_834 = arith.constant 0 : i32
              %sign3A_835 = arith.cmpi slt, %jit3A_822, %sign3A_834 : i32
              %sign3A_836 = arith.extui %sign3A_835 : i1 to i32
              %sign3A_837 = arith.subi %sign3A_833, %sign3A_836 : i32
              %ne3A_838 = arith.cmpi ne, %sign3A_830, %sign3A_837 : i32
              %rem3A_839 = arith.remsi %add3A_821, %jit3A_822 : i32
              %ne3A_840 = arith.constant 0 : i32
              %ne3A_841 = arith.cmpi ne, %rem3A_839, %ne3A_840 : i32
              %and3A_842 = arith.andi %ne3A_838, %ne3A_841 : i1
              %sub3A_843 = arith.constant 1 : i32
              %sub3A_844 = arith.subi %div3A_823, %sub3A_843 : i32
              %select_n3A_845 = arith.select %and3A_842, %sub3A_844, %div3A_823 : i32
              %scan3A_846 = arith.constant 0xFF800000 : f32
              %scan3A_847 = arith.constant 0 : i32
              %scan3A_848 = arith.constant 20 : i32
              %scan3A_849 = arith.addi %scan3A_847, %scan3A_848 : i32
              %scan3A_850 = arith.constant 1 : i32
              %scan3A_851:5 = scf.for %scan3A_863 = %scan3A_847 to %scan3A_849 step %scan3A_850 iter_args(%scan3A_864 = %broadcast_in_dim3A_3, %scan3A_865 = %broadcast_in_dim3A_3, %scan3A_866 = %broadcast_in_dim3A_5, %scan3A_867 = %broadcast_in_dim3A_5, %scan3A_868 = %scan3A_846) -> (vector<16xf32>, vector<16xf32>, vector<16xi32>, vector<16xi32>, f32)  : i32 {
                %while3A = arith.constant 0 : i32
                %while3A_869 = arith.subi %select_n3A_845, %while3A : i32
                %while3A_870 = arith.addi %while3A, %while3A_869 : i32
                %while3A_871 = arith.constant 1 : i32
                %while3A_872 = arith.divsi %while3A_869, %while3A_871 : i32
                %while3A_873 = arith.muli %while3A_872, %while3A_871 : i32
                %while3A_874 = arith.addi %while3A, %while3A_873 : i32
                %while3A_875 = arith.constant 1 : i32
                %while3A_876:2 = scf.for %while3A_925 = %while3A to %while3A_874 step %while3A_875 iter_args(%while3A_926 = %broadcast_in_dim3A_3, %while3A_927 = %broadcast_in_dim3A_5) -> (vector<16xf32>, vector<16xi32>)  : i32 {
                  %mul3A_928 = arith.constant 16 : i32
                  %mul3A_929 = arith.muli %while3A_925, %mul3A_928 : i32
                  %add3A_930 = vector.broadcast %mul3A_929 : i32 to vector<16xi32>
                  %add3A_931 = arith.addi %add3A_930, %iota3A : vector<16xi32>
                  %mul3A_932 = arith.constant 16 : i32
                  %mul3A_933 = arith.muli %while3A_925, %mul3A_932 : i32
                  %get3A_934 = arith.index_cast %mul3A_933 : i32 to index
                  %get3A_935 = tpu.vector_load %arg8[%get3A_934] {strides = array<i32>} : memref<256xf32, #tpu.memory_space<vmem>>, vector<16xf32>,
                  %mul3A_936 = arith.constant 16 : i32
                  %mul3A_937 = arith.muli %while3A_925, %mul3A_936 : i32
                  %get3A_938 = arith.index_cast %mul3A_937 : i32 to index
                  %get3A_939 = tpu.vector_load %arg9[%get3A_938] {strides = array<i32>} : memref<256xi32, #tpu.memory_space<vmem>>, vector<16xi32>,
                  %lt3A_940 = vector.broadcast %add3A_723 : i32 to vector<16xi32>
                  %lt3A_941 = arith.cmpi slt, %add3A_931, %lt3A_940 : vector<16xi32>
                  %select_n3A_942 = arith.select %lt3A_941, %get3A_935, %broadcast_in_dim3A_3 : vector<16xi1>, vector<16xf32>
                  %select_n3A_943 = arith.select %lt3A_941, %get3A_939, %broadcast_in_dim3A_5 : vector<16xi1>, vector<16xi32>
                  %gt3A_944 = arith.cmpf ogt, %select_n3A_942, %while3A_926 : vector<16xf32>
                  %eq3A_945 = arith.cmpf oeq, %select_n3A_942, %while3A_926 : vector<16xf32>
                  %lt3A_946 = arith.cmpi slt, %select_n3A_943, %while3A_927 : vector<16xi32>
                  %and3A_947 = arith.andi %eq3A_945, %lt3A_946 : vector<16xi1>
                  %or3A = arith.ori %gt3A_944, %and3A_947 : vector<16xi1>
                  %select_n3A_948 = arith.select %or3A, %select_n3A_942, %while3A_926 : vector<16xi1>, vector<16xf32>
                  %select_n3A_949 = arith.select %or3A, %select_n3A_943, %while3A_927 : vector<16xi1>, vector<16xi32>
                  scf.yield %select_n3A_948, %select_n3A_949 : vector<16xf32>, vector<16xi32>
                }
                %while3A_877 = arith.constant 1 : i32
                %while3A_878:2 = scf.for %while3A_925 = %while3A_874 to %while3A_870 step %while3A_877 iter_args(%while3A_926 = %while3A_876#0, %while3A_927 = %while3A_876#1) -> (vector<16xf32>, vector<16xi32>)  : i32 {
                  %mul3A_928 = arith.constant 16 : i32
                  %mul3A_929 = arith.muli %while3A_925, %mul3A_928 : i32
                  %add3A_930 = vector.broadcast %mul3A_929 : i32 to vector<16xi32>
                  %add3A_931 = arith.addi %add3A_930, %iota3A : vector<16xi32>
                  %mul3A_932 = arith.constant 16 : i32
                  %mul3A_933 = arith.muli %while3A_925, %mul3A_932 : i32
                  %get3A_934 = arith.index_cast %mul3A_933 : i32 to index
                  %get3A_935 = tpu.vector_load %arg8[%get3A_934] {strides = array<i32>} : memref<256xf32, #tpu.memory_space<vmem>>, vector<16xf32>,
                  %mul3A_936 = arith.constant 16 : i32
                  %mul3A_937 = arith.muli %while3A_925, %mul3A_936 : i32
                  %get3A_938 = arith.index_cast %mul3A_937 : i32 to index
                  %get3A_939 = tpu.vector_load %arg9[%get3A_938] {strides = array<i32>} : memref<256xi32, #tpu.memory_space<vmem>>, vector<16xi32>,
                  %lt3A_940 = vector.broadcast %add3A_723 : i32 to vector<16xi32>
                  %lt3A_941 = arith.cmpi slt, %add3A_931, %lt3A_940 : vector<16xi32>
                  %select_n3A_942 = arith.select %lt3A_941, %get3A_935, %broadcast_in_dim3A_3 : vector<16xi1>, vector<16xf32>
                  %select_n3A_943 = arith.select %lt3A_941, %get3A_939, %broadcast_in_dim3A_5 : vector<16xi1>, vector<16xi32>
                  %gt3A_944 = arith.cmpf ogt, %select_n3A_942, %while3A_926 : vector<16xf32>
                  %eq3A_945 = arith.cmpf oeq, %select_n3A_942, %while3A_926 : vector<16xf32>
                  %lt3A_946 = arith.cmpi slt, %select_n3A_943, %while3A_927 : vector<16xi32>
                  %and3A_947 = arith.andi %eq3A_945, %lt3A_946 : vector<16xi1>
                  %or3A = arith.ori %gt3A_944, %and3A_947 : vector<16xi1>
                  %select_n3A_948 = arith.select %or3A, %select_n3A_942, %while3A_926 : vector<16xi1>, vector<16xf32>
                  %select_n3A_949 = arith.select %or3A, %select_n3A_943, %while3A_927 : vector<16xi1>, vector<16xi32>
                  scf.yield %select_n3A_948, %select_n3A_949 : vector<16xf32>, vector<16xi32>
                }
                %reduce_max3A_879 = arith.constant true
                %reduce_max3A_880 = vector.broadcast %reduce_max3A_879 : i1 to vector<16xi1>
                %reduce_max3A_881 = tpu.scan <max>, %while3A_878#0 masked %reduce_max3A_880 : vector<16xf32>, vector<16xi1> -> vector<16xf32>
                %reduce_max3A_882 = vector.extract %reduce_max3A_881[15] : f32 from vector<16xf32>
                %eq3A = vector.broadcast %reduce_max3A_882 : f32 to vector<16xf32>
                %eq3A_883 = arith.cmpf oeq, %while3A_878#0, %eq3A : vector<16xf32>
                %select_n3A_884 = arith.select %eq3A_883, %while3A_878#1, %broadcast_in_dim3A_5 : vector<16xi1>, vector<16xi32>
                %reduce_min3A = arith.constant true
                %reduce_min3A_885 = vector.broadcast %reduce_min3A : i1 to vector<16xi1>
                %reduce_min3A_886 = arith.constant -2147483648 : i32
                %reduce_min3A_887 = vector.broadcast %reduce_min3A_886 : i32 to vector<16xi32>
                %reduce_min3A_888 = arith.xori %select_n3A_884, %reduce_min3A_887 : vector<16xi32>
                %reduce_min3A_889 = tpu.scan <min>, %reduce_min3A_888 masked %reduce_min3A_885 : vector<16xi32>, vector<16xi1> -> vector<16xi32>
                %reduce_min3A_890 = arith.xori %reduce_min3A_889, %reduce_min3A_887 : vector<16xi32>
                %reduce_min3A_891 = vector.extract %reduce_min3A_890[15] : i32 from vector<16xi32>
                %while3A_892 = arith.constant 0 : i32
                %while3A_893 = arith.constant 0 : i32
                %while3A_894 = arith.subi %select_n3A_845, %while3A_893 : i32
                %while3A_895 = arith.addi %while3A_893, %while3A_894 : i32
                %while3A_896 = arith.constant 1 : i32
                %while3A_897 = arith.divsi %while3A_894, %while3A_896 : i32
                %while3A_898 = arith.muli %while3A_897, %while3A_896 : i32
                %while3A_899 = arith.addi %while3A_893, %while3A_898 : i32
                %while3A_900 = arith.constant 1 : i32
                scf.for %while3A_925 = %while3A_893 to %while3A_899 step %while3A_900  : i32 {
                  %mul3A_926 = arith.constant 16 : i32
                  %mul3A_927 = arith.muli %while3A_925, %mul3A_926 : i32
                  %get3A_928 = arith.index_cast %mul3A_927 : i32 to index
                  %get3A_929 = tpu.vector_load %arg8[%get3A_928] {strides = array<i32>} : memref<256xf32, #tpu.memory_space<vmem>>, vector<16xf32>,
                  %mul3A_930 = arith.constant 16 : i32
                  %mul3A_931 = arith.muli %while3A_925, %mul3A_930 : i32
                  %get3A_932 = arith.index_cast %mul3A_931 : i32 to index
                  %get3A_933 = tpu.vector_load %arg9[%get3A_932] {strides = array<i32>} : memref<256xi32, #tpu.memory_space<vmem>>, vector<16xi32>,
                  %eq3A_934 = vector.broadcast %reduce_max3A_882 : f32 to vector<16xf32>
                  %eq3A_935 = arith.cmpf oeq, %get3A_929, %eq3A_934 : vector<16xf32>
                  %eq3A_936 = vector.broadcast %reduce_min3A_891 : i32 to vector<16xi32>
                  %eq3A_937 = arith.cmpi eq, %get3A_933, %eq3A_936 : vector<16xi32>
                  %and3A_938 = arith.andi %eq3A_935, %eq3A_937 : vector<16xi1>
                  %select_n3A_939 = arith.select %and3A_938, %broadcast_in_dim3A_3, %get3A_929 : vector<16xi1>, vector<16xf32>
                  %mul3A_940 = arith.constant 16 : i32
                  %mul3A_941 = arith.muli %while3A_925, %mul3A_940 : i32
                  %swap3A_942 = arith.index_cast %mul3A_941 : i32 to index
                  %swap3A_943 = tpu.vector_load %arg8[%swap3A_942] {strides = array<i32>} : memref<256xf32, #tpu.memory_space<vmem>>, vector<16xf32>,
                  tpu.vector_store %arg8[%swap3A_942], %select_n3A_939 {strides = array<i32>} : memref<256xf32, #tpu.memory_space<vmem>>, vector<16xf32>,
                }
                %while3A_901 = arith.constant 1 : i32
                scf.for %while3A_925 = %while3A_899 to %while3A_895 step %while3A_901  : i32 {
                  %mul3A_926 = arith.constant 16 : i32
                  %mul3A_927 = arith.muli %while3A_925, %mul3A_926 : i32
                  %get3A_928 = arith.index_cast %mul3A_927 : i32 to index
                  %get3A_929 = tpu.vector_load %arg8[%get3A_928] {strides = array<i32>} : memref<256xf32, #tpu.memory_space<vmem>>, vector<16xf32>,
                  %mul3A_930 = arith.constant 16 : i32
                  %mul3A_931 = arith.muli %while3A_925, %mul3A_930 : i32
                  %get3A_932 = arith.index_cast %mul3A_931 : i32 to index
                  %get3A_933 = tpu.vector_load %arg9[%get3A_932] {strides = array<i32>} : memref<256xi32, #tpu.memory_space<vmem>>, vector<16xi32>,
                  %eq3A_934 = vector.broadcast %reduce_max3A_882 : f32 to vector<16xf32>
                  %eq3A_935 = arith.cmpf oeq, %get3A_929, %eq3A_934 : vector<16xf32>
                  %eq3A_936 = vector.broadcast %reduce_min3A_891 : i32 to vector<16xi32>
                  %eq3A_937 = arith.cmpi eq, %get3A_933, %eq3A_936 : vector<16xi32>
                  %and3A_938 = arith.andi %eq3A_935, %eq3A_937 : vector<16xi1>
                  %select_n3A_939 = arith.select %and3A_938, %broadcast_in_dim3A_3, %get3A_929 : vector<16xi1>, vector<16xf32>
                  %mul3A_940 = arith.constant 16 : i32
                  %mul3A_941 = arith.muli %while3A_925, %mul3A_940 : i32
                  %swap3A_942 = arith.index_cast %mul3A_941 : i32 to index
                  %swap3A_943 = tpu.vector_load %arg8[%swap3A_942] {strides = array<i32>} : memref<256xf32, #tpu.memory_space<vmem>>, vector<16xf32>,
                  tpu.vector_store %arg8[%swap3A_942], %select_n3A_939 {strides = array<i32>} : memref<256xf32, #tpu.memory_space<vmem>>, vector<16xf32>,
                }
                %broadcast_in_dim3A_902 = vector.broadcast %reduce_max3A_882 : f32 to vector<16xf32>
                %broadcast_in_dim3A_903 = vector.broadcast %reduce_min3A_891 : i32 to vector<16xi32>
                %rem3A_904 = arith.constant 16 : i32
                %rem3A_905 = arith.remsi %scan3A_863, %rem3A_904 : i32
                %eq3A_906 = vector.broadcast %rem3A_905 : i32 to vector<16xi32>
                %eq3A_907 = arith.cmpi eq, %iota3A, %eq3A_906 : vector<16xi32>
                %lt3A_908 = arith.constant 16 : i32
                %lt3A_909 = arith.cmpi slt, %scan3A_863, %lt3A_908 : i32
                %and3A_910 = vector.broadcast %lt3A_909 : i1 to vector<16xi1>
                %and3A_911 = arith.andi %eq3A_907, %and3A_910 : vector<16xi1>
                %select_n3A_912 = arith.select %and3A_911, %broadcast_in_dim3A_902, %scan3A_864 : vector<16xi1>, vector<16xf32>
                %and3A_913 = vector.broadcast %lt3A_909 : i1 to vector<16xi1>
                %and3A_914 = arith.andi %eq3A_907, %and3A_913 : vector<16xi1>
                %select_n3A_915 = arith.select %and3A_914, %broadcast_in_dim3A_903, %scan3A_866 : vector<16xi1>, vector<16xi32>
                %not3A = arith.constant true
                %not3A_916 = arith.xori %lt3A_909, %not3A : i1
                %and3A_917 = vector.broadcast %not3A_916 : i1 to vector<16xi1>
                %and3A_918 = arith.andi %eq3A_907, %and3A_917 : vector<16xi1>
                %select_n3A_919 = arith.select %and3A_918, %broadcast_in_dim3A_902, %scan3A_865 : vector<16xi1>, vector<16xf32>
                %not3A_920 = arith.constant true
                %not3A_921 = arith.xori %lt3A_909, %not3A_920 : i1
                %and3A_922 = vector.broadcast %not3A_921 : i1 to vector<16xi1>
                %and3A_923 = arith.andi %eq3A_907, %and3A_922 : vector<16xi1>
                %select_n3A_924 = arith.select %and3A_923, %broadcast_in_dim3A_903, %scan3A_867 : vector<16xi1>, vector<16xi32>
                scf.yield %select_n3A_912, %select_n3A_919, %select_n3A_915, %select_n3A_924, %reduce_max3A_882 : vector<16xf32>, vector<16xf32>, vector<16xi32>, vector<16xi32>, f32
              }
              %scan3A_852 = arith.constant 20 : i32
              %swap3A_853 = arith.constant 0 : index
              %swap3A_854 = tpu.vector_load %arg8[%swap3A_853] {strides = array<i32>} : memref<256xf32, #tpu.memory_space<vmem>>, vector<16xf32>,
              tpu.vector_store %arg8[%swap3A_853], %scan3A_851#0 {strides = array<i32>} : memref<256xf32, #tpu.memory_space<vmem>>, vector<16xf32>,
              %swap3A_855 = arith.constant 16 : index
              %swap3A_856 = tpu.vector_load %arg8[%swap3A_855] {strides = array<i32>} : memref<256xf32, #tpu.memory_space<vmem>>, vector<16xf32>,
              tpu.vector_store %arg8[%swap3A_855], %scan3A_851#1 {strides = array<i32>} : memref<256xf32, #tpu.memory_space<vmem>>, vector<16xf32>,
              %swap3A_857 = arith.constant 0 : index
              %swap3A_858 = tpu.vector_load %arg9[%swap3A_857] {strides = array<i32>} : memref<256xi32, #tpu.memory_space<vmem>>, vector<16xi32>,
              tpu.vector_store %arg9[%swap3A_857], %scan3A_851#2 {strides = array<i32>} : memref<256xi32, #tpu.memory_space<vmem>>, vector<16xi32>,
              %swap3A_859 = arith.constant 16 : index
              %swap3A_860 = tpu.vector_load %arg9[%swap3A_859] {strides = array<i32>} : memref<256xi32, #tpu.memory_space<vmem>>, vector<16xi32>,
              tpu.vector_store %arg9[%swap3A_859], %scan3A_851#3 {strides = array<i32>} : memref<256xi32, #tpu.memory_space<vmem>>, vector<16xi32>,
              %broadcast_in_dim3A_861 = vector.broadcast %scan3A_851#4 : f32 to vector<16xf32>
              %cond3A_862 = arith.constant 32 : i32
              scf.yield %broadcast_in_dim3A_861, %scan3A_851#4, %cond3A_862 : vector<16xf32>, f32, i32
            } else {
              scf.yield %cond3A_699#0, %cond3A_699#1, %add3A_723 : vector<16xf32>, f32, i32
            }
            %add3A_730 = arith.constant 112 : i32
            %add3A_731 = arith.addi %add3A_465, %add3A_730 : i32
            %get3A_732 = arith.index_cast %add3A_731 : i32 to index
            %get3A_733 = tpu.vector_load %arg6[%get3A_732] {strides = array<i32>} : memref<40000xf32, #tpu.memory_space<vmem>>, vector<16xf32>,
            %ge3A_734 = arith.cmpf oge, %get3A_733, %cond3A_729#0 : vector<16xf32>
            %convert_element_type3A_735 = arith.extui %ge3A_734 : vector<16xi1> to vector<16xi32>
            %mul3A_736 = arith.constant 160 : i32
            %mul3A_737 = arith.muli %scan3A_457, %mul3A_736 : i32
            %add3A_738 = arith.addi %mul3A_115, %mul3A_737 : i32
            %add3A_739 = arith.constant 112 : i32
            %add3A_740 = arith.addi %add3A_738, %add3A_739 : i32
            %add3A_741 = vector.broadcast %add3A_740 : i32 to vector<16xi32>
            %add3A_742 = arith.addi %add3A_741, %iota3A : vector<16xi32>
            %cumsum3A_743 = arith.constant true
            %cumsum3A_744 = vector.broadcast %cumsum3A_743 : i1 to vector<16xi1>
            %cumsum3A_745 = tpu.scan <sum>, %convert_element_type3A_735 masked %cumsum3A_744 : vector<16xi32>, vector<16xi1> -> vector<16xi32>
            %add3A_746 = vector.broadcast %cond3A_729#2 : i32 to vector<16xi32>
            %add3A_747 = arith.addi %add3A_746, %cumsum3A_745 : vector<16xi32>
            %sub3A_748 = arith.subi %add3A_747, %convert_element_type3A_735 : vector<16xi32>
            tpu.vector_store_idx %arg8[%sub3A_748], %get3A_733 masked %ge3A_734 : memref<256xf32, #tpu.memory_space<vmem>>[vector<16xi32>], vector<16xf32>, vector<16xi1>
            tpu.vector_store_idx %arg9[%sub3A_748], %add3A_742 masked %ge3A_734 : memref<256xi32, #tpu.memory_space<vmem>>[vector<16xi32>], vector<16xi32>, vector<16xi1>
            %reduce_sum3A_749 = arith.constant true
            %reduce_sum3A_750 = vector.broadcast %reduce_sum3A_749 : i1 to vector<16xi1>
            %reduce_sum3A_751 = tpu.scan <sum>, %convert_element_type3A_735 masked %reduce_sum3A_750 : vector<16xi32>, vector<16xi1> -> vector<16xi32>
            %reduce_sum3A_752 = vector.extract %reduce_sum3A_751[15] : i32 from vector<16xi32>
            %add3A_753 = arith.addi %cond3A_729#2, %reduce_sum3A_752 : i32
            %gt3A_754 = arith.constant 240 : i32
            %gt3A_755 = arith.cmpi sgt, %add3A_753, %gt3A_754 : i32
            %convert_element_type3A_756 = arith.extui %gt3A_755 : i1 to i32
            %cond3A_757 = arith.constant 0 : i32
            %cond3A_758 = arith.cmpi ne, %convert_element_type3A_756, %cond3A_757 : i32
            %cond3A_759:3 = scf.if %cond3A_758 -> (vector<16xf32>, f32, i32) {
              %add3A_820 = arith.constant 15 : i32
              %add3A_821 = arith.addi %add3A_753, %add3A_820 : i32
              %jit3A_822 = arith.constant 16 : i32
              %div3A_823 = arith.divsi %add3A_821, %jit3A_822 : i32
              %sign3A_824 = arith.constant 0 : i32
              %sign3A_825 = arith.cmpi sgt, %add3A_821, %sign3A_824 : i32
              %sign3A_826 = arith.extui %sign3A_825 : i1 to i32
              %sign3A_827 = arith.constant 0 : i32
              %sign3A_828 = arith.cmpi slt, %add3A_821, %sign3A_827 : i32
              %sign3A_829 = arith.extui %sign3A_828 : i1 to i32
              %sign3A_830 = arith.subi %sign3A_826, %sign3A_829 : i32
              %sign3A_831 = arith.constant 0 : i32
              %sign3A_832 = arith.cmpi sgt, %jit3A_822, %sign3A_831 : i32
              %sign3A_833 = arith.extui %sign3A_832 : i1 to i32
              %sign3A_834 = arith.constant 0 : i32
              %sign3A_835 = arith.cmpi slt, %jit3A_822, %sign3A_834 : i32
              %sign3A_836 = arith.extui %sign3A_835 : i1 to i32
              %sign3A_837 = arith.subi %sign3A_833, %sign3A_836 : i32
              %ne3A_838 = arith.cmpi ne, %sign3A_830, %sign3A_837 : i32
              %rem3A_839 = arith.remsi %add3A_821, %jit3A_822 : i32
              %ne3A_840 = arith.constant 0 : i32
              %ne3A_841 = arith.cmpi ne, %rem3A_839, %ne3A_840 : i32
              %and3A_842 = arith.andi %ne3A_838, %ne3A_841 : i1
              %sub3A_843 = arith.constant 1 : i32
              %sub3A_844 = arith.subi %div3A_823, %sub3A_843 : i32
              %select_n3A_845 = arith.select %and3A_842, %sub3A_844, %div3A_823 : i32
              %scan3A_846 = arith.constant 0xFF800000 : f32
              %scan3A_847 = arith.constant 0 : i32
              %scan3A_848 = arith.constant 20 : i32
              %scan3A_849 = arith.addi %scan3A_847, %scan3A_848 : i32
              %scan3A_850 = arith.constant 1 : i32
              %scan3A_851:5 = scf.for %scan3A_863 = %scan3A_847 to %scan3A_849 step %scan3A_850 iter_args(%scan3A_864 = %broadcast_in_dim3A_3, %scan3A_865 = %broadcast_in_dim3A_3, %scan3A_866 = %broadcast_in_dim3A_5, %scan3A_867 = %broadcast_in_dim3A_5, %scan3A_868 = %scan3A_846) -> (vector<16xf32>, vector<16xf32>, vector<16xi32>, vector<16xi32>, f32)  : i32 {
                %while3A = arith.constant 0 : i32
                %while3A_869 = arith.subi %select_n3A_845, %while3A : i32
                %while3A_870 = arith.addi %while3A, %while3A_869 : i32
                %while3A_871 = arith.constant 1 : i32
                %while3A_872 = arith.divsi %while3A_869, %while3A_871 : i32
                %while3A_873 = arith.muli %while3A_872, %while3A_871 : i32
                %while3A_874 = arith.addi %while3A, %while3A_873 : i32
                %while3A_875 = arith.constant 1 : i32
                %while3A_876:2 = scf.for %while3A_925 = %while3A to %while3A_874 step %while3A_875 iter_args(%while3A_926 = %broadcast_in_dim3A_3, %while3A_927 = %broadcast_in_dim3A_5) -> (vector<16xf32>, vector<16xi32>)  : i32 {
                  %mul3A_928 = arith.constant 16 : i32
                  %mul3A_929 = arith.muli %while3A_925, %mul3A_928 : i32
                  %add3A_930 = vector.broadcast %mul3A_929 : i32 to vector<16xi32>
                  %add3A_931 = arith.addi %add3A_930, %iota3A : vector<16xi32>
                  %mul3A_932 = arith.constant 16 : i32
                  %mul3A_933 = arith.muli %while3A_925, %mul3A_932 : i32
                  %get3A_934 = arith.index_cast %mul3A_933 : i32 to index
                  %get3A_935 = tpu.vector_load %arg8[%get3A_934] {strides = array<i32>} : memref<256xf32, #tpu.memory_space<vmem>>, vector<16xf32>,
                  %mul3A_936 = arith.constant 16 : i32
                  %mul3A_937 = arith.muli %while3A_925, %mul3A_936 : i32
                  %get3A_938 = arith.index_cast %mul3A_937 : i32 to index
                  %get3A_939 = tpu.vector_load %arg9[%get3A_938] {strides = array<i32>} : memref<256xi32, #tpu.memory_space<vmem>>, vector<16xi32>,
                  %lt3A_940 = vector.broadcast %add3A_753 : i32 to vector<16xi32>
                  %lt3A_941 = arith.cmpi slt, %add3A_931, %lt3A_940 : vector<16xi32>
                  %select_n3A_942 = arith.select %lt3A_941, %get3A_935, %broadcast_in_dim3A_3 : vector<16xi1>, vector<16xf32>
                  %select_n3A_943 = arith.select %lt3A_941, %get3A_939, %broadcast_in_dim3A_5 : vector<16xi1>, vector<16xi32>
                  %gt3A_944 = arith.cmpf ogt, %select_n3A_942, %while3A_926 : vector<16xf32>
                  %eq3A_945 = arith.cmpf oeq, %select_n3A_942, %while3A_926 : vector<16xf32>
                  %lt3A_946 = arith.cmpi slt, %select_n3A_943, %while3A_927 : vector<16xi32>
                  %and3A_947 = arith.andi %eq3A_945, %lt3A_946 : vector<16xi1>
                  %or3A = arith.ori %gt3A_944, %and3A_947 : vector<16xi1>
                  %select_n3A_948 = arith.select %or3A, %select_n3A_942, %while3A_926 : vector<16xi1>, vector<16xf32>
                  %select_n3A_949 = arith.select %or3A, %select_n3A_943, %while3A_927 : vector<16xi1>, vector<16xi32>
                  scf.yield %select_n3A_948, %select_n3A_949 : vector<16xf32>, vector<16xi32>
                }
                %while3A_877 = arith.constant 1 : i32
                %while3A_878:2 = scf.for %while3A_925 = %while3A_874 to %while3A_870 step %while3A_877 iter_args(%while3A_926 = %while3A_876#0, %while3A_927 = %while3A_876#1) -> (vector<16xf32>, vector<16xi32>)  : i32 {
                  %mul3A_928 = arith.constant 16 : i32
                  %mul3A_929 = arith.muli %while3A_925, %mul3A_928 : i32
                  %add3A_930 = vector.broadcast %mul3A_929 : i32 to vector<16xi32>
                  %add3A_931 = arith.addi %add3A_930, %iota3A : vector<16xi32>
                  %mul3A_932 = arith.constant 16 : i32
                  %mul3A_933 = arith.muli %while3A_925, %mul3A_932 : i32
                  %get3A_934 = arith.index_cast %mul3A_933 : i32 to index
                  %get3A_935 = tpu.vector_load %arg8[%get3A_934] {strides = array<i32>} : memref<256xf32, #tpu.memory_space<vmem>>, vector<16xf32>,
                  %mul3A_936 = arith.constant 16 : i32
                  %mul3A_937 = arith.muli %while3A_925, %mul3A_936 : i32
                  %get3A_938 = arith.index_cast %mul3A_937 : i32 to index
                  %get3A_939 = tpu.vector_load %arg9[%get3A_938] {strides = array<i32>} : memref<256xi32, #tpu.memory_space<vmem>>, vector<16xi32>,
                  %lt3A_940 = vector.broadcast %add3A_753 : i32 to vector<16xi32>
                  %lt3A_941 = arith.cmpi slt, %add3A_931, %lt3A_940 : vector<16xi32>
                  %select_n3A_942 = arith.select %lt3A_941, %get3A_935, %broadcast_in_dim3A_3 : vector<16xi1>, vector<16xf32>
                  %select_n3A_943 = arith.select %lt3A_941, %get3A_939, %broadcast_in_dim3A_5 : vector<16xi1>, vector<16xi32>
                  %gt3A_944 = arith.cmpf ogt, %select_n3A_942, %while3A_926 : vector<16xf32>
                  %eq3A_945 = arith.cmpf oeq, %select_n3A_942, %while3A_926 : vector<16xf32>
                  %lt3A_946 = arith.cmpi slt, %select_n3A_943, %while3A_927 : vector<16xi32>
                  %and3A_947 = arith.andi %eq3A_945, %lt3A_946 : vector<16xi1>
                  %or3A = arith.ori %gt3A_944, %and3A_947 : vector<16xi1>
                  %select_n3A_948 = arith.select %or3A, %select_n3A_942, %while3A_926 : vector<16xi1>, vector<16xf32>
                  %select_n3A_949 = arith.select %or3A, %select_n3A_943, %while3A_927 : vector<16xi1>, vector<16xi32>
                  scf.yield %select_n3A_948, %select_n3A_949 : vector<16xf32>, vector<16xi32>
                }
                %reduce_max3A_879 = arith.constant true
                %reduce_max3A_880 = vector.broadcast %reduce_max3A_879 : i1 to vector<16xi1>
                %reduce_max3A_881 = tpu.scan <max>, %while3A_878#0 masked %reduce_max3A_880 : vector<16xf32>, vector<16xi1> -> vector<16xf32>
                %reduce_max3A_882 = vector.extract %reduce_max3A_881[15] : f32 from vector<16xf32>
                %eq3A = vector.broadcast %reduce_max3A_882 : f32 to vector<16xf32>
                %eq3A_883 = arith.cmpf oeq, %while3A_878#0, %eq3A : vector<16xf32>
                %select_n3A_884 = arith.select %eq3A_883, %while3A_878#1, %broadcast_in_dim3A_5 : vector<16xi1>, vector<16xi32>
                %reduce_min3A = arith.constant true
                %reduce_min3A_885 = vector.broadcast %reduce_min3A : i1 to vector<16xi1>
                %reduce_min3A_886 = arith.constant -2147483648 : i32
                %reduce_min3A_887 = vector.broadcast %reduce_min3A_886 : i32 to vector<16xi32>
                %reduce_min3A_888 = arith.xori %select_n3A_884, %reduce_min3A_887 : vector<16xi32>
                %reduce_min3A_889 = tpu.scan <min>, %reduce_min3A_888 masked %reduce_min3A_885 : vector<16xi32>, vector<16xi1> -> vector<16xi32>
                %reduce_min3A_890 = arith.xori %reduce_min3A_889, %reduce_min3A_887 : vector<16xi32>
                %reduce_min3A_891 = vector.extract %reduce_min3A_890[15] : i32 from vector<16xi32>
                %while3A_892 = arith.constant 0 : i32
                %while3A_893 = arith.constant 0 : i32
                %while3A_894 = arith.subi %select_n3A_845, %while3A_893 : i32
                %while3A_895 = arith.addi %while3A_893, %while3A_894 : i32
                %while3A_896 = arith.constant 1 : i32
                %while3A_897 = arith.divsi %while3A_894, %while3A_896 : i32
                %while3A_898 = arith.muli %while3A_897, %while3A_896 : i32
                %while3A_899 = arith.addi %while3A_893, %while3A_898 : i32
                %while3A_900 = arith.constant 1 : i32
                scf.for %while3A_925 = %while3A_893 to %while3A_899 step %while3A_900  : i32 {
                  %mul3A_926 = arith.constant 16 : i32
                  %mul3A_927 = arith.muli %while3A_925, %mul3A_926 : i32
                  %get3A_928 = arith.index_cast %mul3A_927 : i32 to index
                  %get3A_929 = tpu.vector_load %arg8[%get3A_928] {strides = array<i32>} : memref<256xf32, #tpu.memory_space<vmem>>, vector<16xf32>,
                  %mul3A_930 = arith.constant 16 : i32
                  %mul3A_931 = arith.muli %while3A_925, %mul3A_930 : i32
                  %get3A_932 = arith.index_cast %mul3A_931 : i32 to index
                  %get3A_933 = tpu.vector_load %arg9[%get3A_932] {strides = array<i32>} : memref<256xi32, #tpu.memory_space<vmem>>, vector<16xi32>,
                  %eq3A_934 = vector.broadcast %reduce_max3A_882 : f32 to vector<16xf32>
                  %eq3A_935 = arith.cmpf oeq, %get3A_929, %eq3A_934 : vector<16xf32>
                  %eq3A_936 = vector.broadcast %reduce_min3A_891 : i32 to vector<16xi32>
                  %eq3A_937 = arith.cmpi eq, %get3A_933, %eq3A_936 : vector<16xi32>
                  %and3A_938 = arith.andi %eq3A_935, %eq3A_937 : vector<16xi1>
                  %select_n3A_939 = arith.select %and3A_938, %broadcast_in_dim3A_3, %get3A_929 : vector<16xi1>, vector<16xf32>
                  %mul3A_940 = arith.constant 16 : i32
                  %mul3A_941 = arith.muli %while3A_925, %mul3A_940 : i32
                  %swap3A_942 = arith.index_cast %mul3A_941 : i32 to index
                  %swap3A_943 = tpu.vector_load %arg8[%swap3A_942] {strides = array<i32>} : memref<256xf32, #tpu.memory_space<vmem>>, vector<16xf32>,
                  tpu.vector_store %arg8[%swap3A_942], %select_n3A_939 {strides = array<i32>} : memref<256xf32, #tpu.memory_space<vmem>>, vector<16xf32>,
                }
                %while3A_901 = arith.constant 1 : i32
                scf.for %while3A_925 = %while3A_899 to %while3A_895 step %while3A_901  : i32 {
                  %mul3A_926 = arith.constant 16 : i32
                  %mul3A_927 = arith.muli %while3A_925, %mul3A_926 : i32
                  %get3A_928 = arith.index_cast %mul3A_927 : i32 to index
                  %get3A_929 = tpu.vector_load %arg8[%get3A_928] {strides = array<i32>} : memref<256xf32, #tpu.memory_space<vmem>>, vector<16xf32>,
                  %mul3A_930 = arith.constant 16 : i32
                  %mul3A_931 = arith.muli %while3A_925, %mul3A_930 : i32
                  %get3A_932 = arith.index_cast %mul3A_931 : i32 to index
                  %get3A_933 = tpu.vector_load %arg9[%get3A_932] {strides = array<i32>} : memref<256xi32, #tpu.memory_space<vmem>>, vector<16xi32>,
                  %eq3A_934 = vector.broadcast %reduce_max3A_882 : f32 to vector<16xf32>
                  %eq3A_935 = arith.cmpf oeq, %get3A_929, %eq3A_934 : vector<16xf32>
                  %eq3A_936 = vector.broadcast %reduce_min3A_891 : i32 to vector<16xi32>
                  %eq3A_937 = arith.cmpi eq, %get3A_933, %eq3A_936 : vector<16xi32>
                  %and3A_938 = arith.andi %eq3A_935, %eq3A_937 : vector<16xi1>
                  %select_n3A_939 = arith.select %and3A_938, %broadcast_in_dim3A_3, %get3A_929 : vector<16xi1>, vector<16xf32>
                  %mul3A_940 = arith.constant 16 : i32
                  %mul3A_941 = arith.muli %while3A_925, %mul3A_940 : i32
                  %swap3A_942 = arith.index_cast %mul3A_941 : i32 to index
                  %swap3A_943 = tpu.vector_load %arg8[%swap3A_942] {strides = array<i32>} : memref<256xf32, #tpu.memory_space<vmem>>, vector<16xf32>,
                  tpu.vector_store %arg8[%swap3A_942], %select_n3A_939 {strides = array<i32>} : memref<256xf32, #tpu.memory_space<vmem>>, vector<16xf32>,
                }
                %broadcast_in_dim3A_902 = vector.broadcast %reduce_max3A_882 : f32 to vector<16xf32>
                %broadcast_in_dim3A_903 = vector.broadcast %reduce_min3A_891 : i32 to vector<16xi32>
                %rem3A_904 = arith.constant 16 : i32
                %rem3A_905 = arith.remsi %scan3A_863, %rem3A_904 : i32
                %eq3A_906 = vector.broadcast %rem3A_905 : i32 to vector<16xi32>
                %eq3A_907 = arith.cmpi eq, %iota3A, %eq3A_906 : vector<16xi32>
                %lt3A_908 = arith.constant 16 : i32
                %lt3A_909 = arith.cmpi slt, %scan3A_863, %lt3A_908 : i32
                %and3A_910 = vector.broadcast %lt3A_909 : i1 to vector<16xi1>
                %and3A_911 = arith.andi %eq3A_907, %and3A_910 : vector<16xi1>
                %select_n3A_912 = arith.select %and3A_911, %broadcast_in_dim3A_902, %scan3A_864 : vector<16xi1>, vector<16xf32>
                %and3A_913 = vector.broadcast %lt3A_909 : i1 to vector<16xi1>
                %and3A_914 = arith.andi %eq3A_907, %and3A_913 : vector<16xi1>
                %select_n3A_915 = arith.select %and3A_914, %broadcast_in_dim3A_903, %scan3A_866 : vector<16xi1>, vector<16xi32>
                %not3A = arith.constant true
                %not3A_916 = arith.xori %lt3A_909, %not3A : i1
                %and3A_917 = vector.broadcast %not3A_916 : i1 to vector<16xi1>
                %and3A_918 = arith.andi %eq3A_907, %and3A_917 : vector<16xi1>
                %select_n3A_919 = arith.select %and3A_918, %broadcast_in_dim3A_902, %scan3A_865 : vector<16xi1>, vector<16xf32>
                %not3A_920 = arith.constant true
                %not3A_921 = arith.xori %lt3A_909, %not3A_920 : i1
                %and3A_922 = vector.broadcast %not3A_921 : i1 to vector<16xi1>
                %and3A_923 = arith.andi %eq3A_907, %and3A_922 : vector<16xi1>
                %select_n3A_924 = arith.select %and3A_923, %broadcast_in_dim3A_903, %scan3A_867 : vector<16xi1>, vector<16xi32>
                scf.yield %select_n3A_912, %select_n3A_919, %select_n3A_915, %select_n3A_924, %reduce_max3A_882 : vector<16xf32>, vector<16xf32>, vector<16xi32>, vector<16xi32>, f32
              }
              %scan3A_852 = arith.constant 20 : i32
              %swap3A_853 = arith.constant 0 : index
              %swap3A_854 = tpu.vector_load %arg8[%swap3A_853] {strides = array<i32>} : memref<256xf32, #tpu.memory_space<vmem>>, vector<16xf32>,
              tpu.vector_store %arg8[%swap3A_853], %scan3A_851#0 {strides = array<i32>} : memref<256xf32, #tpu.memory_space<vmem>>, vector<16xf32>,
              %swap3A_855 = arith.constant 16 : index
              %swap3A_856 = tpu.vector_load %arg8[%swap3A_855] {strides = array<i32>} : memref<256xf32, #tpu.memory_space<vmem>>, vector<16xf32>,
              tpu.vector_store %arg8[%swap3A_855], %scan3A_851#1 {strides = array<i32>} : memref<256xf32, #tpu.memory_space<vmem>>, vector<16xf32>,
              %swap3A_857 = arith.constant 0 : index
              %swap3A_858 = tpu.vector_load %arg9[%swap3A_857] {strides = array<i32>} : memref<256xi32, #tpu.memory_space<vmem>>, vector<16xi32>,
              tpu.vector_store %arg9[%swap3A_857], %scan3A_851#2 {strides = array<i32>} : memref<256xi32, #tpu.memory_space<vmem>>, vector<16xi32>,
              %swap3A_859 = arith.constant 16 : index
              %swap3A_860 = tpu.vector_load %arg9[%swap3A_859] {strides = array<i32>} : memref<256xi32, #tpu.memory_space<vmem>>, vector<16xi32>,
              tpu.vector_store %arg9[%swap3A_859], %scan3A_851#3 {strides = array<i32>} : memref<256xi32, #tpu.memory_space<vmem>>, vector<16xi32>,
              %broadcast_in_dim3A_861 = vector.broadcast %scan3A_851#4 : f32 to vector<16xf32>
              %cond3A_862 = arith.constant 32 : i32
              scf.yield %broadcast_in_dim3A_861, %scan3A_851#4, %cond3A_862 : vector<16xf32>, f32, i32
            } else {
              scf.yield %cond3A_729#0, %cond3A_729#1, %add3A_753 : vector<16xf32>, f32, i32
            }
            %add3A_760 = arith.constant 128 : i32
            %add3A_761 = arith.addi %add3A_465, %add3A_760 : i32
            %get3A_762 = arith.index_cast %add3A_761 : i32 to index
            %get3A_763 = tpu.vector_load %arg6[%get3A_762] {strides = array<i32>} : memref<40000xf32, #tpu.memory_space<vmem>>, vector<16xf32>,
            %ge3A_764 = arith.cmpf oge, %get3A_763, %cond3A_759#0 : vector<16xf32>
            %convert_element_type3A_765 = arith.extui %ge3A_764 : vector<16xi1> to vector<16xi32>
            %mul3A_766 = arith.constant 160 : i32
            %mul3A_767 = arith.muli %scan3A_457, %mul3A_766 : i32
            %add3A_768 = arith.addi %mul3A_115, %mul3A_767 : i32
            %add3A_769 = arith.constant 128 : i32
            %add3A_770 = arith.addi %add3A_768, %add3A_769 : i32
            %add3A_771 = vector.broadcast %add3A_770 : i32 to vector<16xi32>
            %add3A_772 = arith.addi %add3A_771, %iota3A : vector<16xi32>
            %cumsum3A_773 = arith.constant true
            %cumsum3A_774 = vector.broadcast %cumsum3A_773 : i1 to vector<16xi1>
            %cumsum3A_775 = tpu.scan <sum>, %convert_element_type3A_765 masked %cumsum3A_774 : vector<16xi32>, vector<16xi1> -> vector<16xi32>
            %add3A_776 = vector.broadcast %cond3A_759#2 : i32 to vector<16xi32>
            %add3A_777 = arith.addi %add3A_776, %cumsum3A_775 : vector<16xi32>
            %sub3A_778 = arith.subi %add3A_777, %convert_element_type3A_765 : vector<16xi32>
            tpu.vector_store_idx %arg8[%sub3A_778], %get3A_763 masked %ge3A_764 : memref<256xf32, #tpu.memory_space<vmem>>[vector<16xi32>], vector<16xf32>, vector<16xi1>
            tpu.vector_store_idx %arg9[%sub3A_778], %add3A_772 masked %ge3A_764 : memref<256xi32, #tpu.memory_space<vmem>>[vector<16xi32>], vector<16xi32>, vector<16xi1>
            %reduce_sum3A_779 = arith.constant true
            %reduce_sum3A_780 = vector.broadcast %reduce_sum3A_779 : i1 to vector<16xi1>
            %reduce_sum3A_781 = tpu.scan <sum>, %convert_element_type3A_765 masked %reduce_sum3A_780 : vector<16xi32>, vector<16xi1> -> vector<16xi32>
            %reduce_sum3A_782 = vector.extract %reduce_sum3A_781[15] : i32 from vector<16xi32>
            %add3A_783 = arith.addi %cond3A_759#2, %reduce_sum3A_782 : i32
            %gt3A_784 = arith.constant 240 : i32
            %gt3A_785 = arith.cmpi sgt, %add3A_783, %gt3A_784 : i32
            %convert_element_type3A_786 = arith.extui %gt3A_785 : i1 to i32
            %cond3A_787 = arith.constant 0 : i32
            %cond3A_788 = arith.cmpi ne, %convert_element_type3A_786, %cond3A_787 : i32
            %cond3A_789:3 = scf.if %cond3A_788 -> (vector<16xf32>, f32, i32) {
              %add3A_820 = arith.constant 15 : i32
              %add3A_821 = arith.addi %add3A_783, %add3A_820 : i32
              %jit3A_822 = arith.constant 16 : i32
              %div3A_823 = arith.divsi %add3A_821, %jit3A_822 : i32
              %sign3A_824 = arith.constant 0 : i32
              %sign3A_825 = arith.cmpi sgt, %add3A_821, %sign3A_824 : i32
              %sign3A_826 = arith.extui %sign3A_825 : i1 to i32
              %sign3A_827 = arith.constant 0 : i32
              %sign3A_828 = arith.cmpi slt, %add3A_821, %sign3A_827 : i32
              %sign3A_829 = arith.extui %sign3A_828 : i1 to i32
              %sign3A_830 = arith.subi %sign3A_826, %sign3A_829 : i32
              %sign3A_831 = arith.constant 0 : i32
              %sign3A_832 = arith.cmpi sgt, %jit3A_822, %sign3A_831 : i32
              %sign3A_833 = arith.extui %sign3A_832 : i1 to i32
              %sign3A_834 = arith.constant 0 : i32
              %sign3A_835 = arith.cmpi slt, %jit3A_822, %sign3A_834 : i32
              %sign3A_836 = arith.extui %sign3A_835 : i1 to i32
              %sign3A_837 = arith.subi %sign3A_833, %sign3A_836 : i32
              %ne3A_838 = arith.cmpi ne, %sign3A_830, %sign3A_837 : i32
              %rem3A_839 = arith.remsi %add3A_821, %jit3A_822 : i32
              %ne3A_840 = arith.constant 0 : i32
              %ne3A_841 = arith.cmpi ne, %rem3A_839, %ne3A_840 : i32
              %and3A_842 = arith.andi %ne3A_838, %ne3A_841 : i1
              %sub3A_843 = arith.constant 1 : i32
              %sub3A_844 = arith.subi %div3A_823, %sub3A_843 : i32
              %select_n3A_845 = arith.select %and3A_842, %sub3A_844, %div3A_823 : i32
              %scan3A_846 = arith.constant 0xFF800000 : f32
              %scan3A_847 = arith.constant 0 : i32
              %scan3A_848 = arith.constant 20 : i32
              %scan3A_849 = arith.addi %scan3A_847, %scan3A_848 : i32
              %scan3A_850 = arith.constant 1 : i32
              %scan3A_851:5 = scf.for %scan3A_863 = %scan3A_847 to %scan3A_849 step %scan3A_850 iter_args(%scan3A_864 = %broadcast_in_dim3A_3, %scan3A_865 = %broadcast_in_dim3A_3, %scan3A_866 = %broadcast_in_dim3A_5, %scan3A_867 = %broadcast_in_dim3A_5, %scan3A_868 = %scan3A_846) -> (vector<16xf32>, vector<16xf32>, vector<16xi32>, vector<16xi32>, f32)  : i32 {
                %while3A = arith.constant 0 : i32
                %while3A_869 = arith.subi %select_n3A_845, %while3A : i32
                %while3A_870 = arith.addi %while3A, %while3A_869 : i32
                %while3A_871 = arith.constant 1 : i32
                %while3A_872 = arith.divsi %while3A_869, %while3A_871 : i32
                %while3A_873 = arith.muli %while3A_872, %while3A_871 : i32
                %while3A_874 = arith.addi %while3A, %while3A_873 : i32
                %while3A_875 = arith.constant 1 : i32
                %while3A_876:2 = scf.for %while3A_925 = %while3A to %while3A_874 step %while3A_875 iter_args(%while3A_926 = %broadcast_in_dim3A_3, %while3A_927 = %broadcast_in_dim3A_5) -> (vector<16xf32>, vector<16xi32>)  : i32 {
                  %mul3A_928 = arith.constant 16 : i32
                  %mul3A_929 = arith.muli %while3A_925, %mul3A_928 : i32
                  %add3A_930 = vector.broadcast %mul3A_929 : i32 to vector<16xi32>
                  %add3A_931 = arith.addi %add3A_930, %iota3A : vector<16xi32>
                  %mul3A_932 = arith.constant 16 : i32
                  %mul3A_933 = arith.muli %while3A_925, %mul3A_932 : i32
                  %get3A_934 = arith.index_cast %mul3A_933 : i32 to index
                  %get3A_935 = tpu.vector_load %arg8[%get3A_934] {strides = array<i32>} : memref<256xf32, #tpu.memory_space<vmem>>, vector<16xf32>,
                  %mul3A_936 = arith.constant 16 : i32
                  %mul3A_937 = arith.muli %while3A_925, %mul3A_936 : i32
                  %get3A_938 = arith.index_cast %mul3A_937 : i32 to index
                  %get3A_939 = tpu.vector_load %arg9[%get3A_938] {strides = array<i32>} : memref<256xi32, #tpu.memory_space<vmem>>, vector<16xi32>,
                  %lt3A_940 = vector.broadcast %add3A_783 : i32 to vector<16xi32>
                  %lt3A_941 = arith.cmpi slt, %add3A_931, %lt3A_940 : vector<16xi32>
                  %select_n3A_942 = arith.select %lt3A_941, %get3A_935, %broadcast_in_dim3A_3 : vector<16xi1>, vector<16xf32>
                  %select_n3A_943 = arith.select %lt3A_941, %get3A_939, %broadcast_in_dim3A_5 : vector<16xi1>, vector<16xi32>
                  %gt3A_944 = arith.cmpf ogt, %select_n3A_942, %while3A_926 : vector<16xf32>
                  %eq3A_945 = arith.cmpf oeq, %select_n3A_942, %while3A_926 : vector<16xf32>
                  %lt3A_946 = arith.cmpi slt, %select_n3A_943, %while3A_927 : vector<16xi32>
                  %and3A_947 = arith.andi %eq3A_945, %lt3A_946 : vector<16xi1>
                  %or3A = arith.ori %gt3A_944, %and3A_947 : vector<16xi1>
                  %select_n3A_948 = arith.select %or3A, %select_n3A_942, %while3A_926 : vector<16xi1>, vector<16xf32>
                  %select_n3A_949 = arith.select %or3A, %select_n3A_943, %while3A_927 : vector<16xi1>, vector<16xi32>
                  scf.yield %select_n3A_948, %select_n3A_949 : vector<16xf32>, vector<16xi32>
                }
                %while3A_877 = arith.constant 1 : i32
                %while3A_878:2 = scf.for %while3A_925 = %while3A_874 to %while3A_870 step %while3A_877 iter_args(%while3A_926 = %while3A_876#0, %while3A_927 = %while3A_876#1) -> (vector<16xf32>, vector<16xi32>)  : i32 {
                  %mul3A_928 = arith.constant 16 : i32
                  %mul3A_929 = arith.muli %while3A_925, %mul3A_928 : i32
                  %add3A_930 = vector.broadcast %mul3A_929 : i32 to vector<16xi32>
                  %add3A_931 = arith.addi %add3A_930, %iota3A : vector<16xi32>
                  %mul3A_932 = arith.constant 16 : i32
                  %mul3A_933 = arith.muli %while3A_925, %mul3A_932 : i32
                  %get3A_934 = arith.index_cast %mul3A_933 : i32 to index
                  %get3A_935 = tpu.vector_load %arg8[%get3A_934] {strides = array<i32>} : memref<256xf32, #tpu.memory_space<vmem>>, vector<16xf32>,
                  %mul3A_936 = arith.constant 16 : i32
                  %mul3A_937 = arith.muli %while3A_925, %mul3A_936 : i32
                  %get3A_938 = arith.index_cast %mul3A_937 : i32 to index
                  %get3A_939 = tpu.vector_load %arg9[%get3A_938] {strides = array<i32>} : memref<256xi32, #tpu.memory_space<vmem>>, vector<16xi32>,
                  %lt3A_940 = vector.broadcast %add3A_783 : i32 to vector<16xi32>
                  %lt3A_941 = arith.cmpi slt, %add3A_931, %lt3A_940 : vector<16xi32>
                  %select_n3A_942 = arith.select %lt3A_941, %get3A_935, %broadcast_in_dim3A_3 : vector<16xi1>, vector<16xf32>
                  %select_n3A_943 = arith.select %lt3A_941, %get3A_939, %broadcast_in_dim3A_5 : vector<16xi1>, vector<16xi32>
                  %gt3A_944 = arith.cmpf ogt, %select_n3A_942, %while3A_926 : vector<16xf32>
                  %eq3A_945 = arith.cmpf oeq, %select_n3A_942, %while3A_926 : vector<16xf32>
                  %lt3A_946 = arith.cmpi slt, %select_n3A_943, %while3A_927 : vector<16xi32>
                  %and3A_947 = arith.andi %eq3A_945, %lt3A_946 : vector<16xi1>
                  %or3A = arith.ori %gt3A_944, %and3A_947 : vector<16xi1>
                  %select_n3A_948 = arith.select %or3A, %select_n3A_942, %while3A_926 : vector<16xi1>, vector<16xf32>
                  %select_n3A_949 = arith.select %or3A, %select_n3A_943, %while3A_927 : vector<16xi1>, vector<16xi32>
                  scf.yield %select_n3A_948, %select_n3A_949 : vector<16xf32>, vector<16xi32>
                }
                %reduce_max3A_879 = arith.constant true
                %reduce_max3A_880 = vector.broadcast %reduce_max3A_879 : i1 to vector<16xi1>
                %reduce_max3A_881 = tpu.scan <max>, %while3A_878#0 masked %reduce_max3A_880 : vector<16xf32>, vector<16xi1> -> vector<16xf32>
                %reduce_max3A_882 = vector.extract %reduce_max3A_881[15] : f32 from vector<16xf32>
                %eq3A = vector.broadcast %reduce_max3A_882 : f32 to vector<16xf32>
                %eq3A_883 = arith.cmpf oeq, %while3A_878#0, %eq3A : vector<16xf32>
                %select_n3A_884 = arith.select %eq3A_883, %while3A_878#1, %broadcast_in_dim3A_5 : vector<16xi1>, vector<16xi32>
                %reduce_min3A = arith.constant true
                %reduce_min3A_885 = vector.broadcast %reduce_min3A : i1 to vector<16xi1>
                %reduce_min3A_886 = arith.constant -2147483648 : i32
                %reduce_min3A_887 = vector.broadcast %reduce_min3A_886 : i32 to vector<16xi32>
                %reduce_min3A_888 = arith.xori %select_n3A_884, %reduce_min3A_887 : vector<16xi32>
                %reduce_min3A_889 = tpu.scan <min>, %reduce_min3A_888 masked %reduce_min3A_885 : vector<16xi32>, vector<16xi1> -> vector<16xi32>
                %reduce_min3A_890 = arith.xori %reduce_min3A_889, %reduce_min3A_887 : vector<16xi32>
                %reduce_min3A_891 = vector.extract %reduce_min3A_890[15] : i32 from vector<16xi32>
                %while3A_892 = arith.constant 0 : i32
                %while3A_893 = arith.constant 0 : i32
                %while3A_894 = arith.subi %select_n3A_845, %while3A_893 : i32
                %while3A_895 = arith.addi %while3A_893, %while3A_894 : i32
                %while3A_896 = arith.constant 1 : i32
                %while3A_897 = arith.divsi %while3A_894, %while3A_896 : i32
                %while3A_898 = arith.muli %while3A_897, %while3A_896 : i32
                %while3A_899 = arith.addi %while3A_893, %while3A_898 : i32
                %while3A_900 = arith.constant 1 : i32
                scf.for %while3A_925 = %while3A_893 to %while3A_899 step %while3A_900  : i32 {
                  %mul3A_926 = arith.constant 16 : i32
                  %mul3A_927 = arith.muli %while3A_925, %mul3A_926 : i32
                  %get3A_928 = arith.index_cast %mul3A_927 : i32 to index
                  %get3A_929 = tpu.vector_load %arg8[%get3A_928] {strides = array<i32>} : memref<256xf32, #tpu.memory_space<vmem>>, vector<16xf32>,
                  %mul3A_930 = arith.constant 16 : i32
                  %mul3A_931 = arith.muli %while3A_925, %mul3A_930 : i32
                  %get3A_932 = arith.index_cast %mul3A_931 : i32 to index
                  %get3A_933 = tpu.vector_load %arg9[%get3A_932] {strides = array<i32>} : memref<256xi32, #tpu.memory_space<vmem>>, vector<16xi32>,
                  %eq3A_934 = vector.broadcast %reduce_max3A_882 : f32 to vector<16xf32>
                  %eq3A_935 = arith.cmpf oeq, %get3A_929, %eq3A_934 : vector<16xf32>
                  %eq3A_936 = vector.broadcast %reduce_min3A_891 : i32 to vector<16xi32>
                  %eq3A_937 = arith.cmpi eq, %get3A_933, %eq3A_936 : vector<16xi32>
                  %and3A_938 = arith.andi %eq3A_935, %eq3A_937 : vector<16xi1>
                  %select_n3A_939 = arith.select %and3A_938, %broadcast_in_dim3A_3, %get3A_929 : vector<16xi1>, vector<16xf32>
                  %mul3A_940 = arith.constant 16 : i32
                  %mul3A_941 = arith.muli %while3A_925, %mul3A_940 : i32
                  %swap3A_942 = arith.index_cast %mul3A_941 : i32 to index
                  %swap3A_943 = tpu.vector_load %arg8[%swap3A_942] {strides = array<i32>} : memref<256xf32, #tpu.memory_space<vmem>>, vector<16xf32>,
                  tpu.vector_store %arg8[%swap3A_942], %select_n3A_939 {strides = array<i32>} : memref<256xf32, #tpu.memory_space<vmem>>, vector<16xf32>,
                }
                %while3A_901 = arith.constant 1 : i32
                scf.for %while3A_925 = %while3A_899 to %while3A_895 step %while3A_901  : i32 {
                  %mul3A_926 = arith.constant 16 : i32
                  %mul3A_927 = arith.muli %while3A_925, %mul3A_926 : i32
                  %get3A_928 = arith.index_cast %mul3A_927 : i32 to index
                  %get3A_929 = tpu.vector_load %arg8[%get3A_928] {strides = array<i32>} : memref<256xf32, #tpu.memory_space<vmem>>, vector<16xf32>,
                  %mul3A_930 = arith.constant 16 : i32
                  %mul3A_931 = arith.muli %while3A_925, %mul3A_930 : i32
                  %get3A_932 = arith.index_cast %mul3A_931 : i32 to index
                  %get3A_933 = tpu.vector_load %arg9[%get3A_932] {strides = array<i32>} : memref<256xi32, #tpu.memory_space<vmem>>, vector<16xi32>,
                  %eq3A_934 = vector.broadcast %reduce_max3A_882 : f32 to vector<16xf32>
                  %eq3A_935 = arith.cmpf oeq, %get3A_929, %eq3A_934 : vector<16xf32>
                  %eq3A_936 = vector.broadcast %reduce_min3A_891 : i32 to vector<16xi32>
                  %eq3A_937 = arith.cmpi eq, %get3A_933, %eq3A_936 : vector<16xi32>
                  %and3A_938 = arith.andi %eq3A_935, %eq3A_937 : vector<16xi1>
                  %select_n3A_939 = arith.select %and3A_938, %broadcast_in_dim3A_3, %get3A_929 : vector<16xi1>, vector<16xf32>
                  %mul3A_940 = arith.constant 16 : i32
                  %mul3A_941 = arith.muli %while3A_925, %mul3A_940 : i32
                  %swap3A_942 = arith.index_cast %mul3A_941 : i32 to index
                  %swap3A_943 = tpu.vector_load %arg8[%swap3A_942] {strides = array<i32>} : memref<256xf32, #tpu.memory_space<vmem>>, vector<16xf32>,
                  tpu.vector_store %arg8[%swap3A_942], %select_n3A_939 {strides = array<i32>} : memref<256xf32, #tpu.memory_space<vmem>>, vector<16xf32>,
                }
                %broadcast_in_dim3A_902 = vector.broadcast %reduce_max3A_882 : f32 to vector<16xf32>
                %broadcast_in_dim3A_903 = vector.broadcast %reduce_min3A_891 : i32 to vector<16xi32>
                %rem3A_904 = arith.constant 16 : i32
                %rem3A_905 = arith.remsi %scan3A_863, %rem3A_904 : i32
                %eq3A_906 = vector.broadcast %rem3A_905 : i32 to vector<16xi32>
                %eq3A_907 = arith.cmpi eq, %iota3A, %eq3A_906 : vector<16xi32>
                %lt3A_908 = arith.constant 16 : i32
                %lt3A_909 = arith.cmpi slt, %scan3A_863, %lt3A_908 : i32
                %and3A_910 = vector.broadcast %lt3A_909 : i1 to vector<16xi1>
                %and3A_911 = arith.andi %eq3A_907, %and3A_910 : vector<16xi1>
                %select_n3A_912 = arith.select %and3A_911, %broadcast_in_dim3A_902, %scan3A_864 : vector<16xi1>, vector<16xf32>
                %and3A_913 = vector.broadcast %lt3A_909 : i1 to vector<16xi1>
                %and3A_914 = arith.andi %eq3A_907, %and3A_913 : vector<16xi1>
                %select_n3A_915 = arith.select %and3A_914, %broadcast_in_dim3A_903, %scan3A_866 : vector<16xi1>, vector<16xi32>
                %not3A = arith.constant true
                %not3A_916 = arith.xori %lt3A_909, %not3A : i1
                %and3A_917 = vector.broadcast %not3A_916 : i1 to vector<16xi1>
                %and3A_918 = arith.andi %eq3A_907, %and3A_917 : vector<16xi1>
                %select_n3A_919 = arith.select %and3A_918, %broadcast_in_dim3A_902, %scan3A_865 : vector<16xi1>, vector<16xf32>
                %not3A_920 = arith.constant true
                %not3A_921 = arith.xori %lt3A_909, %not3A_920 : i1
                %and3A_922 = vector.broadcast %not3A_921 : i1 to vector<16xi1>
                %and3A_923 = arith.andi %eq3A_907, %and3A_922 : vector<16xi1>
                %select_n3A_924 = arith.select %and3A_923, %broadcast_in_dim3A_903, %scan3A_867 : vector<16xi1>, vector<16xi32>
                scf.yield %select_n3A_912, %select_n3A_919, %select_n3A_915, %select_n3A_924, %reduce_max3A_882 : vector<16xf32>, vector<16xf32>, vector<16xi32>, vector<16xi32>, f32
              }
              %scan3A_852 = arith.constant 20 : i32
              %swap3A_853 = arith.constant 0 : index
              %swap3A_854 = tpu.vector_load %arg8[%swap3A_853] {strides = array<i32>} : memref<256xf32, #tpu.memory_space<vmem>>, vector<16xf32>,
              tpu.vector_store %arg8[%swap3A_853], %scan3A_851#0 {strides = array<i32>} : memref<256xf32, #tpu.memory_space<vmem>>, vector<16xf32>,
              %swap3A_855 = arith.constant 16 : index
              %swap3A_856 = tpu.vector_load %arg8[%swap3A_855] {strides = array<i32>} : memref<256xf32, #tpu.memory_space<vmem>>, vector<16xf32>,
              tpu.vector_store %arg8[%swap3A_855], %scan3A_851#1 {strides = array<i32>} : memref<256xf32, #tpu.memory_space<vmem>>, vector<16xf32>,
              %swap3A_857 = arith.constant 0 : index
              %swap3A_858 = tpu.vector_load %arg9[%swap3A_857] {strides = array<i32>} : memref<256xi32, #tpu.memory_space<vmem>>, vector<16xi32>,
              tpu.vector_store %arg9[%swap3A_857], %scan3A_851#2 {strides = array<i32>} : memref<256xi32, #tpu.memory_space<vmem>>, vector<16xi32>,
              %swap3A_859 = arith.constant 16 : index
              %swap3A_860 = tpu.vector_load %arg9[%swap3A_859] {strides = array<i32>} : memref<256xi32, #tpu.memory_space<vmem>>, vector<16xi32>,
              tpu.vector_store %arg9[%swap3A_859], %scan3A_851#3 {strides = array<i32>} : memref<256xi32, #tpu.memory_space<vmem>>, vector<16xi32>,
              %broadcast_in_dim3A_861 = vector.broadcast %scan3A_851#4 : f32 to vector<16xf32>
              %cond3A_862 = arith.constant 32 : i32
              scf.yield %broadcast_in_dim3A_861, %scan3A_851#4, %cond3A_862 : vector<16xf32>, f32, i32
            } else {
              scf.yield %cond3A_759#0, %cond3A_759#1, %add3A_783 : vector<16xf32>, f32, i32
            }
            %add3A_790 = arith.constant 144 : i32
            %add3A_791 = arith.addi %add3A_465, %add3A_790 : i32
            %get3A_792 = arith.index_cast %add3A_791 : i32 to index
            %get3A_793 = tpu.vector_load %arg6[%get3A_792] {strides = array<i32>} : memref<40000xf32, #tpu.memory_space<vmem>>, vector<16xf32>,
            %ge3A_794 = arith.cmpf oge, %get3A_793, %cond3A_789#0 : vector<16xf32>
            %convert_element_type3A_795 = arith.extui %ge3A_794 : vector<16xi1> to vector<16xi32>
            %mul3A_796 = arith.constant 160 : i32
            %mul3A_797 = arith.muli %scan3A_457, %mul3A_796 : i32
            %add3A_798 = arith.addi %mul3A_115, %mul3A_797 : i32
            %add3A_799 = arith.constant 144 : i32
            %add3A_800 = arith.addi %add3A_798, %add3A_799 : i32
            %add3A_801 = vector.broadcast %add3A_800 : i32 to vector<16xi32>
            %add3A_802 = arith.addi %add3A_801, %iota3A : vector<16xi32>
            %cumsum3A_803 = arith.constant true
            %cumsum3A_804 = vector.broadcast %cumsum3A_803 : i1 to vector<16xi1>
            %cumsum3A_805 = tpu.scan <sum>, %convert_element_type3A_795 masked %cumsum3A_804 : vector<16xi32>, vector<16xi1> -> vector<16xi32>
            %add3A_806 = vector.broadcast %cond3A_789#2 : i32 to vector<16xi32>
            %add3A_807 = arith.addi %add3A_806, %cumsum3A_805 : vector<16xi32>
            %sub3A_808 = arith.subi %add3A_807, %convert_element_type3A_795 : vector<16xi32>
            tpu.vector_store_idx %arg8[%sub3A_808], %get3A_793 masked %ge3A_794 : memref<256xf32, #tpu.memory_space<vmem>>[vector<16xi32>], vector<16xf32>, vector<16xi1>
            tpu.vector_store_idx %arg9[%sub3A_808], %add3A_802 masked %ge3A_794 : memref<256xi32, #tpu.memory_space<vmem>>[vector<16xi32>], vector<16xi32>, vector<16xi1>
            %reduce_sum3A_809 = arith.constant true
            %reduce_sum3A_810 = vector.broadcast %reduce_sum3A_809 : i1 to vector<16xi1>
            %reduce_sum3A_811 = tpu.scan <sum>, %convert_element_type3A_795 masked %reduce_sum3A_810 : vector<16xi32>, vector<16xi1> -> vector<16xi32>
            %reduce_sum3A_812 = vector.extract %reduce_sum3A_811[15] : i32 from vector<16xi32>
            %add3A_813 = arith.addi %cond3A_789#2, %reduce_sum3A_812 : i32
            %gt3A_814 = arith.constant 240 : i32
            %gt3A_815 = arith.cmpi sgt, %add3A_813, %gt3A_814 : i32
            %convert_element_type3A_816 = arith.extui %gt3A_815 : i1 to i32
            %cond3A_817 = arith.constant 0 : i32
            %cond3A_818 = arith.cmpi ne, %convert_element_type3A_816, %cond3A_817 : i32
            %cond3A_819:3 = scf.if %cond3A_818 -> (vector<16xf32>, f32, i32) {
              %add3A_820 = arith.constant 15 : i32
              %add3A_821 = arith.addi %add3A_813, %add3A_820 : i32
              %jit3A_822 = arith.constant 16 : i32
              %div3A_823 = arith.divsi %add3A_821, %jit3A_822 : i32
              %sign3A_824 = arith.constant 0 : i32
              %sign3A_825 = arith.cmpi sgt, %add3A_821, %sign3A_824 : i32
              %sign3A_826 = arith.extui %sign3A_825 : i1 to i32
              %sign3A_827 = arith.constant 0 : i32
              %sign3A_828 = arith.cmpi slt, %add3A_821, %sign3A_827 : i32
              %sign3A_829 = arith.extui %sign3A_828 : i1 to i32
              %sign3A_830 = arith.subi %sign3A_826, %sign3A_829 : i32
              %sign3A_831 = arith.constant 0 : i32
              %sign3A_832 = arith.cmpi sgt, %jit3A_822, %sign3A_831 : i32
              %sign3A_833 = arith.extui %sign3A_832 : i1 to i32
              %sign3A_834 = arith.constant 0 : i32
              %sign3A_835 = arith.cmpi slt, %jit3A_822, %sign3A_834 : i32
              %sign3A_836 = arith.extui %sign3A_835 : i1 to i32
              %sign3A_837 = arith.subi %sign3A_833, %sign3A_836 : i32
              %ne3A_838 = arith.cmpi ne, %sign3A_830, %sign3A_837 : i32
              %rem3A_839 = arith.remsi %add3A_821, %jit3A_822 : i32
              %ne3A_840 = arith.constant 0 : i32
              %ne3A_841 = arith.cmpi ne, %rem3A_839, %ne3A_840 : i32
              %and3A_842 = arith.andi %ne3A_838, %ne3A_841 : i1
              %sub3A_843 = arith.constant 1 : i32
              %sub3A_844 = arith.subi %div3A_823, %sub3A_843 : i32
              %select_n3A_845 = arith.select %and3A_842, %sub3A_844, %div3A_823 : i32
              %scan3A_846 = arith.constant 0xFF800000 : f32
              %scan3A_847 = arith.constant 0 : i32
              %scan3A_848 = arith.constant 20 : i32
              %scan3A_849 = arith.addi %scan3A_847, %scan3A_848 : i32
              %scan3A_850 = arith.constant 1 : i32
              %scan3A_851:5 = scf.for %scan3A_863 = %scan3A_847 to %scan3A_849 step %scan3A_850 iter_args(%scan3A_864 = %broadcast_in_dim3A_3, %scan3A_865 = %broadcast_in_dim3A_3, %scan3A_866 = %broadcast_in_dim3A_5, %scan3A_867 = %broadcast_in_dim3A_5, %scan3A_868 = %scan3A_846) -> (vector<16xf32>, vector<16xf32>, vector<16xi32>, vector<16xi32>, f32)  : i32 {
                %while3A = arith.constant 0 : i32
                %while3A_869 = arith.subi %select_n3A_845, %while3A : i32
                %while3A_870 = arith.addi %while3A, %while3A_869 : i32
                %while3A_871 = arith.constant 1 : i32
                %while3A_872 = arith.divsi %while3A_869, %while3A_871 : i32
                %while3A_873 = arith.muli %while3A_872, %while3A_871 : i32
                %while3A_874 = arith.addi %while3A, %while3A_873 : i32
                %while3A_875 = arith.constant 1 : i32
                %while3A_876:2 = scf.for %while3A_925 = %while3A to %while3A_874 step %while3A_875 iter_args(%while3A_926 = %broadcast_in_dim3A_3, %while3A_927 = %broadcast_in_dim3A_5) -> (vector<16xf32>, vector<16xi32>)  : i32 {
                  %mul3A_928 = arith.constant 16 : i32
                  %mul3A_929 = arith.muli %while3A_925, %mul3A_928 : i32
                  %add3A_930 = vector.broadcast %mul3A_929 : i32 to vector<16xi32>
                  %add3A_931 = arith.addi %add3A_930, %iota3A : vector<16xi32>
                  %mul3A_932 = arith.constant 16 : i32
                  %mul3A_933 = arith.muli %while3A_925, %mul3A_932 : i32
                  %get3A_934 = arith.index_cast %mul3A_933 : i32 to index
                  %get3A_935 = tpu.vector_load %arg8[%get3A_934] {strides = array<i32>} : memref<256xf32, #tpu.memory_space<vmem>>, vector<16xf32>,
                  %mul3A_936 = arith.constant 16 : i32
                  %mul3A_937 = arith.muli %while3A_925, %mul3A_936 : i32
                  %get3A_938 = arith.index_cast %mul3A_937 : i32 to index
                  %get3A_939 = tpu.vector_load %arg9[%get3A_938] {strides = array<i32>} : memref<256xi32, #tpu.memory_space<vmem>>, vector<16xi32>,
                  %lt3A_940 = vector.broadcast %add3A_813 : i32 to vector<16xi32>
                  %lt3A_941 = arith.cmpi slt, %add3A_931, %lt3A_940 : vector<16xi32>
                  %select_n3A_942 = arith.select %lt3A_941, %get3A_935, %broadcast_in_dim3A_3 : vector<16xi1>, vector<16xf32>
                  %select_n3A_943 = arith.select %lt3A_941, %get3A_939, %broadcast_in_dim3A_5 : vector<16xi1>, vector<16xi32>
                  %gt3A_944 = arith.cmpf ogt, %select_n3A_942, %while3A_926 : vector<16xf32>
                  %eq3A_945 = arith.cmpf oeq, %select_n3A_942, %while3A_926 : vector<16xf32>
                  %lt3A_946 = arith.cmpi slt, %select_n3A_943, %while3A_927 : vector<16xi32>
                  %and3A_947 = arith.andi %eq3A_945, %lt3A_946 : vector<16xi1>
                  %or3A = arith.ori %gt3A_944, %and3A_947 : vector<16xi1>
                  %select_n3A_948 = arith.select %or3A, %select_n3A_942, %while3A_926 : vector<16xi1>, vector<16xf32>
                  %select_n3A_949 = arith.select %or3A, %select_n3A_943, %while3A_927 : vector<16xi1>, vector<16xi32>
                  scf.yield %select_n3A_948, %select_n3A_949 : vector<16xf32>, vector<16xi32>
                }
                %while3A_877 = arith.constant 1 : i32
                %while3A_878:2 = scf.for %while3A_925 = %while3A_874 to %while3A_870 step %while3A_877 iter_args(%while3A_926 = %while3A_876#0, %while3A_927 = %while3A_876#1) -> (vector<16xf32>, vector<16xi32>)  : i32 {
                  %mul3A_928 = arith.constant 16 : i32
                  %mul3A_929 = arith.muli %while3A_925, %mul3A_928 : i32
                  %add3A_930 = vector.broadcast %mul3A_929 : i32 to vector<16xi32>
                  %add3A_931 = arith.addi %add3A_930, %iota3A : vector<16xi32>
                  %mul3A_932 = arith.constant 16 : i32
                  %mul3A_933 = arith.muli %while3A_925, %mul3A_932 : i32
                  %get3A_934 = arith.index_cast %mul3A_933 : i32 to index
                  %get3A_935 = tpu.vector_load %arg8[%get3A_934] {strides = array<i32>} : memref<256xf32, #tpu.memory_space<vmem>>, vector<16xf32>,
                  %mul3A_936 = arith.constant 16 : i32
                  %mul3A_937 = arith.muli %while3A_925, %mul3A_936 : i32
                  %get3A_938 = arith.index_cast %mul3A_937 : i32 to index
                  %get3A_939 = tpu.vector_load %arg9[%get3A_938] {strides = array<i32>} : memref<256xi32, #tpu.memory_space<vmem>>, vector<16xi32>,
                  %lt3A_940 = vector.broadcast %add3A_813 : i32 to vector<16xi32>
                  %lt3A_941 = arith.cmpi slt, %add3A_931, %lt3A_940 : vector<16xi32>
                  %select_n3A_942 = arith.select %lt3A_941, %get3A_935, %broadcast_in_dim3A_3 : vector<16xi1>, vector<16xf32>
                  %select_n3A_943 = arith.select %lt3A_941, %get3A_939, %broadcast_in_dim3A_5 : vector<16xi1>, vector<16xi32>
                  %gt3A_944 = arith.cmpf ogt, %select_n3A_942, %while3A_926 : vector<16xf32>
                  %eq3A_945 = arith.cmpf oeq, %select_n3A_942, %while3A_926 : vector<16xf32>
                  %lt3A_946 = arith.cmpi slt, %select_n3A_943, %while3A_927 : vector<16xi32>
                  %and3A_947 = arith.andi %eq3A_945, %lt3A_946 : vector<16xi1>
                  %or3A = arith.ori %gt3A_944, %and3A_947 : vector<16xi1>
                  %select_n3A_948 = arith.select %or3A, %select_n3A_942, %while3A_926 : vector<16xi1>, vector<16xf32>
                  %select_n3A_949 = arith.select %or3A, %select_n3A_943, %while3A_927 : vector<16xi1>, vector<16xi32>
                  scf.yield %select_n3A_948, %select_n3A_949 : vector<16xf32>, vector<16xi32>
                }
                %reduce_max3A_879 = arith.constant true
                %reduce_max3A_880 = vector.broadcast %reduce_max3A_879 : i1 to vector<16xi1>
                %reduce_max3A_881 = tpu.scan <max>, %while3A_878#0 masked %reduce_max3A_880 : vector<16xf32>, vector<16xi1> -> vector<16xf32>
                %reduce_max3A_882 = vector.extract %reduce_max3A_881[15] : f32 from vector<16xf32>
                %eq3A = vector.broadcast %reduce_max3A_882 : f32 to vector<16xf32>
                %eq3A_883 = arith.cmpf oeq, %while3A_878#0, %eq3A : vector<16xf32>
                %select_n3A_884 = arith.select %eq3A_883, %while3A_878#1, %broadcast_in_dim3A_5 : vector<16xi1>, vector<16xi32>
                %reduce_min3A = arith.constant true
                %reduce_min3A_885 = vector.broadcast %reduce_min3A : i1 to vector<16xi1>
                %reduce_min3A_886 = arith.constant -2147483648 : i32
                %reduce_min3A_887 = vector.broadcast %reduce_min3A_886 : i32 to vector<16xi32>
                %reduce_min3A_888 = arith.xori %select_n3A_884, %reduce_min3A_887 : vector<16xi32>
                %reduce_min3A_889 = tpu.scan <min>, %reduce_min3A_888 masked %reduce_min3A_885 : vector<16xi32>, vector<16xi1> -> vector<16xi32>
                %reduce_min3A_890 = arith.xori %reduce_min3A_889, %reduce_min3A_887 : vector<16xi32>
                %reduce_min3A_891 = vector.extract %reduce_min3A_890[15] : i32 from vector<16xi32>
                %while3A_892 = arith.constant 0 : i32
                %while3A_893 = arith.constant 0 : i32
                %while3A_894 = arith.subi %select_n3A_845, %while3A_893 : i32
                %while3A_895 = arith.addi %while3A_893, %while3A_894 : i32
                %while3A_896 = arith.constant 1 : i32
                %while3A_897 = arith.divsi %while3A_894, %while3A_896 : i32
                %while3A_898 = arith.muli %while3A_897, %while3A_896 : i32
                %while3A_899 = arith.addi %while3A_893, %while3A_898 : i32
                %while3A_900 = arith.constant 1 : i32
                scf.for %while3A_925 = %while3A_893 to %while3A_899 step %while3A_900  : i32 {
                  %mul3A_926 = arith.constant 16 : i32
                  %mul3A_927 = arith.muli %while3A_925, %mul3A_926 : i32
                  %get3A_928 = arith.index_cast %mul3A_927 : i32 to index
                  %get3A_929 = tpu.vector_load %arg8[%get3A_928] {strides = array<i32>} : memref<256xf32, #tpu.memory_space<vmem>>, vector<16xf32>,
                  %mul3A_930 = arith.constant 16 : i32
                  %mul3A_931 = arith.muli %while3A_925, %mul3A_930 : i32
                  %get3A_932 = arith.index_cast %mul3A_931 : i32 to index
                  %get3A_933 = tpu.vector_load %arg9[%get3A_932] {strides = array<i32>} : memref<256xi32, #tpu.memory_space<vmem>>, vector<16xi32>,
                  %eq3A_934 = vector.broadcast %reduce_max3A_882 : f32 to vector<16xf32>
                  %eq3A_935 = arith.cmpf oeq, %get3A_929, %eq3A_934 : vector<16xf32>
                  %eq3A_936 = vector.broadcast %reduce_min3A_891 : i32 to vector<16xi32>
                  %eq3A_937 = arith.cmpi eq, %get3A_933, %eq3A_936 : vector<16xi32>
                  %and3A_938 = arith.andi %eq3A_935, %eq3A_937 : vector<16xi1>
                  %select_n3A_939 = arith.select %and3A_938, %broadcast_in_dim3A_3, %get3A_929 : vector<16xi1>, vector<16xf32>
                  %mul3A_940 = arith.constant 16 : i32
                  %mul3A_941 = arith.muli %while3A_925, %mul3A_940 : i32
                  %swap3A_942 = arith.index_cast %mul3A_941 : i32 to index
                  %swap3A_943 = tpu.vector_load %arg8[%swap3A_942] {strides = array<i32>} : memref<256xf32, #tpu.memory_space<vmem>>, vector<16xf32>,
                  tpu.vector_store %arg8[%swap3A_942], %select_n3A_939 {strides = array<i32>} : memref<256xf32, #tpu.memory_space<vmem>>, vector<16xf32>,
                }
                %while3A_901 = arith.constant 1 : i32
                scf.for %while3A_925 = %while3A_899 to %while3A_895 step %while3A_901  : i32 {
                  %mul3A_926 = arith.constant 16 : i32
                  %mul3A_927 = arith.muli %while3A_925, %mul3A_926 : i32
                  %get3A_928 = arith.index_cast %mul3A_927 : i32 to index
                  %get3A_929 = tpu.vector_load %arg8[%get3A_928] {strides = array<i32>} : memref<256xf32, #tpu.memory_space<vmem>>, vector<16xf32>,
                  %mul3A_930 = arith.constant 16 : i32
                  %mul3A_931 = arith.muli %while3A_925, %mul3A_930 : i32
                  %get3A_932 = arith.index_cast %mul3A_931 : i32 to index
                  %get3A_933 = tpu.vector_load %arg9[%get3A_932] {strides = array<i32>} : memref<256xi32, #tpu.memory_space<vmem>>, vector<16xi32>,
                  %eq3A_934 = vector.broadcast %reduce_max3A_882 : f32 to vector<16xf32>
                  %eq3A_935 = arith.cmpf oeq, %get3A_929, %eq3A_934 : vector<16xf32>
                  %eq3A_936 = vector.broadcast %reduce_min3A_891 : i32 to vector<16xi32>
                  %eq3A_937 = arith.cmpi eq, %get3A_933, %eq3A_936 : vector<16xi32>
                  %and3A_938 = arith.andi %eq3A_935, %eq3A_937 : vector<16xi1>
                  %select_n3A_939 = arith.select %and3A_938, %broadcast_in_dim3A_3, %get3A_929 : vector<16xi1>, vector<16xf32>
                  %mul3A_940 = arith.constant 16 : i32
                  %mul3A_941 = arith.muli %while3A_925, %mul3A_940 : i32
                  %swap3A_942 = arith.index_cast %mul3A_941 : i32 to index
                  %swap3A_943 = tpu.vector_load %arg8[%swap3A_942] {strides = array<i32>} : memref<256xf32, #tpu.memory_space<vmem>>, vector<16xf32>,
                  tpu.vector_store %arg8[%swap3A_942], %select_n3A_939 {strides = array<i32>} : memref<256xf32, #tpu.memory_space<vmem>>, vector<16xf32>,
                }
                %broadcast_in_dim3A_902 = vector.broadcast %reduce_max3A_882 : f32 to vector<16xf32>
                %broadcast_in_dim3A_903 = vector.broadcast %reduce_min3A_891 : i32 to vector<16xi32>
                %rem3A_904 = arith.constant 16 : i32
                %rem3A_905 = arith.remsi %scan3A_863, %rem3A_904 : i32
                %eq3A_906 = vector.broadcast %rem3A_905 : i32 to vector<16xi32>
                %eq3A_907 = arith.cmpi eq, %iota3A, %eq3A_906 : vector<16xi32>
                %lt3A_908 = arith.constant 16 : i32
                %lt3A_909 = arith.cmpi slt, %scan3A_863, %lt3A_908 : i32
                %and3A_910 = vector.broadcast %lt3A_909 : i1 to vector<16xi1>
                %and3A_911 = arith.andi %eq3A_907, %and3A_910 : vector<16xi1>
                %select_n3A_912 = arith.select %and3A_911, %broadcast_in_dim3A_902, %scan3A_864 : vector<16xi1>, vector<16xf32>
                %and3A_913 = vector.broadcast %lt3A_909 : i1 to vector<16xi1>
                %and3A_914 = arith.andi %eq3A_907, %and3A_913 : vector<16xi1>
                %select_n3A_915 = arith.select %and3A_914, %broadcast_in_dim3A_903, %scan3A_866 : vector<16xi1>, vector<16xi32>
                %not3A = arith.constant true
                %not3A_916 = arith.xori %lt3A_909, %not3A : i1
                %and3A_917 = vector.broadcast %not3A_916 : i1 to vector<16xi1>
                %and3A_918 = arith.andi %eq3A_907, %and3A_917 : vector<16xi1>
                %select_n3A_919 = arith.select %and3A_918, %broadcast_in_dim3A_902, %scan3A_865 : vector<16xi1>, vector<16xf32>
                %not3A_920 = arith.constant true
                %not3A_921 = arith.xori %lt3A_909, %not3A_920 : i1
                %and3A_922 = vector.broadcast %not3A_921 : i1 to vector<16xi1>
                %and3A_923 = arith.andi %eq3A_907, %and3A_922 : vector<16xi1>
                %select_n3A_924 = arith.select %and3A_923, %broadcast_in_dim3A_903, %scan3A_867 : vector<16xi1>, vector<16xi32>
                scf.yield %select_n3A_912, %select_n3A_919, %select_n3A_915, %select_n3A_924, %reduce_max3A_882 : vector<16xf32>, vector<16xf32>, vector<16xi32>, vector<16xi32>, f32
              }
              %scan3A_852 = arith.constant 20 : i32
              %swap3A_853 = arith.constant 0 : index
              %swap3A_854 = tpu.vector_load %arg8[%swap3A_853] {strides = array<i32>} : memref<256xf32, #tpu.memory_space<vmem>>, vector<16xf32>,
              tpu.vector_store %arg8[%swap3A_853], %scan3A_851#0 {strides = array<i32>} : memref<256xf32, #tpu.memory_space<vmem>>, vector<16xf32>,
              %swap3A_855 = arith.constant 16 : index
              %swap3A_856 = tpu.vector_load %arg8[%swap3A_855] {strides = array<i32>} : memref<256xf32, #tpu.memory_space<vmem>>, vector<16xf32>,
              tpu.vector_store %arg8[%swap3A_855], %scan3A_851#1 {strides = array<i32>} : memref<256xf32, #tpu.memory_space<vmem>>, vector<16xf32>,
              %swap3A_857 = arith.constant 0 : index
              %swap3A_858 = tpu.vector_load %arg9[%swap3A_857] {strides = array<i32>} : memref<256xi32, #tpu.memory_space<vmem>>, vector<16xi32>,
              tpu.vector_store %arg9[%swap3A_857], %scan3A_851#2 {strides = array<i32>} : memref<256xi32, #tpu.memory_space<vmem>>, vector<16xi32>,
              %swap3A_859 = arith.constant 16 : index
              %swap3A_860 = tpu.vector_load %arg9[%swap3A_859] {strides = array<i32>} : memref<256xi32, #tpu.memory_space<vmem>>, vector<16xi32>,
              tpu.vector_store %arg9[%swap3A_859], %scan3A_851#3 {strides = array<i32>} : memref<256xi32, #tpu.memory_space<vmem>>, vector<16xi32>,
              %broadcast_in_dim3A_861 = vector.broadcast %scan3A_851#4 : f32 to vector<16xf32>
              %cond3A_862 = arith.constant 32 : i32
              scf.yield %broadcast_in_dim3A_861, %scan3A_851#4, %cond3A_862 : vector<16xf32>, f32, i32
            } else {
              scf.yield %cond3A_789#0, %cond3A_789#1, %add3A_813 : vector<16xf32>, f32, i32
            }
            scf.yield %cond3A_819#0, %cond3A_819#1, %cond3A_819#2 : vector<16xf32>, f32, i32
          } else {
            scf.yield %scan3A_458, %scan3A_459, %scan3A_460 : vector<16xf32>, f32, i32
          }
          scf.yield %cond3A_521#0, %cond3A_521#1, %cond3A_521#2 : vector<16xf32>, f32, i32
        }
        %scan3A_456 = arith.constant 125 : i32
        scf.yield %scan3A_455#0, %scan3A_455#1, %scan3A_455#2 : vector<16xf32>, f32, i32
      }
      %scan3A_41 = arith.constant 5 : i32
      %add3A_42 = arith.constant 15 : i32
      %add3A_43 = arith.addi %scan3A_40#2, %add3A_42 : i32
      %jit3A = arith.constant 16 : i32
      %div3A = arith.divsi %add3A_43, %jit3A : i32
      %sign3A = arith.constant 0 : i32
      %sign3A_44 = arith.cmpi sgt, %add3A_43, %sign3A : i32
      %sign3A_45 = arith.extui %sign3A_44 : i1 to i32
      %sign3A_46 = arith.constant 0 : i32
      %sign3A_47 = arith.cmpi slt, %add3A_43, %sign3A_46 : i32
      %sign3A_48 = arith.extui %sign3A_47 : i1 to i32
      %sign3A_49 = arith.subi %sign3A_45, %sign3A_48 : i32
      %sign3A_50 = arith.constant 0 : i32
      %sign3A_51 = arith.cmpi sgt, %jit3A, %sign3A_50 : i32
      %sign3A_52 = arith.extui %sign3A_51 : i1 to i32
      %sign3A_53 = arith.constant 0 : i32
      %sign3A_54 = arith.cmpi slt, %jit3A, %sign3A_53 : i32
      %sign3A_55 = arith.extui %sign3A_54 : i1 to i32
      %sign3A_56 = arith.subi %sign3A_52, %sign3A_55 : i32
      %ne3A = arith.cmpi ne, %sign3A_49, %sign3A_56 : i32
      %rem3A_57 = arith.remsi %add3A_43, %jit3A : i32
      %ne3A_58 = arith.constant 0 : i32
      %ne3A_59 = arith.cmpi ne, %rem3A_57, %ne3A_58 : i32
      %and3A = arith.andi %ne3A, %ne3A_59 : i1
      %sub3A = arith.constant 1 : i32
      %sub3A_60 = arith.subi %div3A, %sub3A : i32
      %select_n3A = arith.select %and3A, %sub3A_60, %div3A : i32
      %scan3A_61 = arith.constant 0xFF800000 : f32
      %scan3A_62 = arith.constant 0 : i32
      %scan3A_63 = arith.constant 20 : i32
      %scan3A_64 = arith.addi %scan3A_62, %scan3A_63 : i32
      %scan3A_65 = arith.constant 1 : i32
      %scan3A_66:5 = scf.for %scan3A_93 = %scan3A_62 to %scan3A_64 step %scan3A_65 iter_args(%scan3A_94 = %broadcast_in_dim3A_3, %scan3A_95 = %broadcast_in_dim3A_3, %scan3A_96 = %broadcast_in_dim3A_5, %scan3A_97 = %broadcast_in_dim3A_5, %scan3A_98 = %scan3A_61) -> (vector<16xf32>, vector<16xf32>, vector<16xi32>, vector<16xi32>, f32)  : i32 {
        %while3A = arith.constant 0 : i32
        %while3A_99 = arith.subi %select_n3A, %while3A : i32
        %while3A_100 = arith.addi %while3A, %while3A_99 : i32
        %while3A_101 = arith.constant 1 : i32
        %while3A_102 = arith.divsi %while3A_99, %while3A_101 : i32
        %while3A_103 = arith.muli %while3A_102, %while3A_101 : i32
        %while3A_104 = arith.addi %while3A, %while3A_103 : i32
        %while3A_105 = arith.constant 1 : i32
        %while3A_106:2 = scf.for %while3A_153 = %while3A to %while3A_104 step %while3A_105 iter_args(%while3A_154 = %broadcast_in_dim3A_3, %while3A_155 = %broadcast_in_dim3A_5) -> (vector<16xf32>, vector<16xi32>)  : i32 {
          %mul3A_156 = arith.constant 16 : i32
          %mul3A_157 = arith.muli %while3A_153, %mul3A_156 : i32
          %add3A_158 = vector.broadcast %mul3A_157 : i32 to vector<16xi32>
          %add3A_159 = arith.addi %add3A_158, %iota3A : vector<16xi32>
          %mul3A_160 = arith.constant 16 : i32
          %mul3A_161 = arith.muli %while3A_153, %mul3A_160 : i32
          %get3A = arith.index_cast %mul3A_161 : i32 to index
          %get3A_162 = tpu.vector_load %arg8[%get3A] {strides = array<i32>} : memref<256xf32, #tpu.memory_space<vmem>>, vector<16xf32>,
          %mul3A_163 = arith.constant 16 : i32
          %mul3A_164 = arith.muli %while3A_153, %mul3A_163 : i32
          %get3A_165 = arith.index_cast %mul3A_164 : i32 to index
          %get3A_166 = tpu.vector_load %arg9[%get3A_165] {strides = array<i32>} : memref<256xi32, #tpu.memory_space<vmem>>, vector<16xi32>,
          %lt3A_167 = vector.broadcast %scan3A_40#2 : i32 to vector<16xi32>
          %lt3A_168 = arith.cmpi slt, %add3A_159, %lt3A_167 : vector<16xi32>
          %select_n3A_169 = arith.select %lt3A_168, %get3A_162, %broadcast_in_dim3A_3 : vector<16xi1>, vector<16xf32>
          %select_n3A_170 = arith.select %lt3A_168, %get3A_166, %broadcast_in_dim3A_5 : vector<16xi1>, vector<16xi32>
          %gt3A = arith.cmpf ogt, %select_n3A_169, %while3A_154 : vector<16xf32>
          %eq3A_171 = arith.cmpf oeq, %select_n3A_169, %while3A_154 : vector<16xf32>
          %lt3A_172 = arith.cmpi slt, %select_n3A_170, %while3A_155 : vector<16xi32>
          %and3A_173 = arith.andi %eq3A_171, %lt3A_172 : vector<16xi1>
          %or3A = arith.ori %gt3A, %and3A_173 : vector<16xi1>
          %select_n3A_174 = arith.select %or3A, %select_n3A_169, %while3A_154 : vector<16xi1>, vector<16xf32>
          %select_n3A_175 = arith.select %or3A, %select_n3A_170, %while3A_155 : vector<16xi1>, vector<16xi32>
          scf.yield %select_n3A_174, %select_n3A_175 : vector<16xf32>, vector<16xi32>
        }
        %while3A_107 = arith.constant 1 : i32
        %while3A_108:2 = scf.for %while3A_153 = %while3A_104 to %while3A_100 step %while3A_107 iter_args(%while3A_154 = %while3A_106#0, %while3A_155 = %while3A_106#1) -> (vector<16xf32>, vector<16xi32>)  : i32 {
          %mul3A_156 = arith.constant 16 : i32
          %mul3A_157 = arith.muli %while3A_153, %mul3A_156 : i32
          %add3A_158 = vector.broadcast %mul3A_157 : i32 to vector<16xi32>
          %add3A_159 = arith.addi %add3A_158, %iota3A : vector<16xi32>
          %mul3A_160 = arith.constant 16 : i32
          %mul3A_161 = arith.muli %while3A_153, %mul3A_160 : i32
          %get3A = arith.index_cast %mul3A_161 : i32 to index
          %get3A_162 = tpu.vector_load %arg8[%get3A] {strides = array<i32>} : memref<256xf32, #tpu.memory_space<vmem>>, vector<16xf32>,
          %mul3A_163 = arith.constant 16 : i32
          %mul3A_164 = arith.muli %while3A_153, %mul3A_163 : i32
          %get3A_165 = arith.index_cast %mul3A_164 : i32 to index
          %get3A_166 = tpu.vector_load %arg9[%get3A_165] {strides = array<i32>} : memref<256xi32, #tpu.memory_space<vmem>>, vector<16xi32>,
          %lt3A_167 = vector.broadcast %scan3A_40#2 : i32 to vector<16xi32>
          %lt3A_168 = arith.cmpi slt, %add3A_159, %lt3A_167 : vector<16xi32>
          %select_n3A_169 = arith.select %lt3A_168, %get3A_162, %broadcast_in_dim3A_3 : vector<16xi1>, vector<16xf32>
          %select_n3A_170 = arith.select %lt3A_168, %get3A_166, %broadcast_in_dim3A_5 : vector<16xi1>, vector<16xi32>
          %gt3A = arith.cmpf ogt, %select_n3A_169, %while3A_154 : vector<16xf32>
          %eq3A_171 = arith.cmpf oeq, %select_n3A_169, %while3A_154 : vector<16xf32>
          %lt3A_172 = arith.cmpi slt, %select_n3A_170, %while3A_155 : vector<16xi32>
          %and3A_173 = arith.andi %eq3A_171, %lt3A_172 : vector<16xi1>
          %or3A = arith.ori %gt3A, %and3A_173 : vector<16xi1>
          %select_n3A_174 = arith.select %or3A, %select_n3A_169, %while3A_154 : vector<16xi1>, vector<16xf32>
          %select_n3A_175 = arith.select %or3A, %select_n3A_170, %while3A_155 : vector<16xi1>, vector<16xi32>
          scf.yield %select_n3A_174, %select_n3A_175 : vector<16xf32>, vector<16xi32>
        }
        %reduce_max3A = arith.constant true
        %reduce_max3A_109 = vector.broadcast %reduce_max3A : i1 to vector<16xi1>
        %reduce_max3A_110 = tpu.scan <max>, %while3A_108#0 masked %reduce_max3A_109 : vector<16xf32>, vector<16xi1> -> vector<16xf32>
        %reduce_max3A_111 = vector.extract %reduce_max3A_110[15] : f32 from vector<16xf32>
        %eq3A = vector.broadcast %reduce_max3A_111 : f32 to vector<16xf32>
        %eq3A_112 = arith.cmpf oeq, %while3A_108#0, %eq3A : vector<16xf32>
        %select_n3A_113 = arith.select %eq3A_112, %while3A_108#1, %broadcast_in_dim3A_5 : vector<16xi1>, vector<16xi32>
        %reduce_min3A = arith.constant true
        %reduce_min3A_114 = vector.broadcast %reduce_min3A : i1 to vector<16xi1>
        %reduce_min3A_115 = arith.constant -2147483648 : i32
        %reduce_min3A_116 = vector.broadcast %reduce_min3A_115 : i32 to vector<16xi32>
        %reduce_min3A_117 = arith.xori %select_n3A_113, %reduce_min3A_116 : vector<16xi32>
        %reduce_min3A_118 = tpu.scan <min>, %reduce_min3A_117 masked %reduce_min3A_114 : vector<16xi32>, vector<16xi1> -> vector<16xi32>
        %reduce_min3A_119 = arith.xori %reduce_min3A_118, %reduce_min3A_116 : vector<16xi32>
        %reduce_min3A_120 = vector.extract %reduce_min3A_119[15] : i32 from vector<16xi32>
        %while3A_121 = arith.constant 0 : i32
        %while3A_122 = arith.constant 0 : i32
        %while3A_123 = arith.subi %select_n3A, %while3A_122 : i32
        %while3A_124 = arith.addi %while3A_122, %while3A_123 : i32
        %while3A_125 = arith.constant 1 : i32
        %while3A_126 = arith.divsi %while3A_123, %while3A_125 : i32
        %while3A_127 = arith.muli %while3A_126, %while3A_125 : i32
        %while3A_128 = arith.addi %while3A_122, %while3A_127 : i32
        %while3A_129 = arith.constant 1 : i32
        scf.for %while3A_153 = %while3A_122 to %while3A_128 step %while3A_129  : i32 {
          %mul3A_154 = arith.constant 16 : i32
          %mul3A_155 = arith.muli %while3A_153, %mul3A_154 : i32
          %get3A = arith.index_cast %mul3A_155 : i32 to index
          %get3A_156 = tpu.vector_load %arg8[%get3A] {strides = array<i32>} : memref<256xf32, #tpu.memory_space<vmem>>, vector<16xf32>,
          %mul3A_157 = arith.constant 16 : i32
          %mul3A_158 = arith.muli %while3A_153, %mul3A_157 : i32
          %get3A_159 = arith.index_cast %mul3A_158 : i32 to index
          %get3A_160 = tpu.vector_load %arg9[%get3A_159] {strides = array<i32>} : memref<256xi32, #tpu.memory_space<vmem>>, vector<16xi32>,
          %eq3A_161 = vector.broadcast %reduce_max3A_111 : f32 to vector<16xf32>
          %eq3A_162 = arith.cmpf oeq, %get3A_156, %eq3A_161 : vector<16xf32>
          %eq3A_163 = vector.broadcast %reduce_min3A_120 : i32 to vector<16xi32>
          %eq3A_164 = arith.cmpi eq, %get3A_160, %eq3A_163 : vector<16xi32>
          %and3A_165 = arith.andi %eq3A_162, %eq3A_164 : vector<16xi1>
          %select_n3A_166 = arith.select %and3A_165, %broadcast_in_dim3A_3, %get3A_156 : vector<16xi1>, vector<16xf32>
          %mul3A_167 = arith.constant 16 : i32
          %mul3A_168 = arith.muli %while3A_153, %mul3A_167 : i32
          %swap3A_169 = arith.index_cast %mul3A_168 : i32 to index
          %swap3A_170 = tpu.vector_load %arg8[%swap3A_169] {strides = array<i32>} : memref<256xf32, #tpu.memory_space<vmem>>, vector<16xf32>,
          tpu.vector_store %arg8[%swap3A_169], %select_n3A_166 {strides = array<i32>} : memref<256xf32, #tpu.memory_space<vmem>>, vector<16xf32>,
        }
        %while3A_130 = arith.constant 1 : i32
        scf.for %while3A_153 = %while3A_128 to %while3A_124 step %while3A_130  : i32 {
          %mul3A_154 = arith.constant 16 : i32
          %mul3A_155 = arith.muli %while3A_153, %mul3A_154 : i32
          %get3A = arith.index_cast %mul3A_155 : i32 to index
          %get3A_156 = tpu.vector_load %arg8[%get3A] {strides = array<i32>} : memref<256xf32, #tpu.memory_space<vmem>>, vector<16xf32>,
          %mul3A_157 = arith.constant 16 : i32
          %mul3A_158 = arith.muli %while3A_153, %mul3A_157 : i32
          %get3A_159 = arith.index_cast %mul3A_158 : i32 to index
          %get3A_160 = tpu.vector_load %arg9[%get3A_159] {strides = array<i32>} : memref<256xi32, #tpu.memory_space<vmem>>, vector<16xi32>,
          %eq3A_161 = vector.broadcast %reduce_max3A_111 : f32 to vector<16xf32>
          %eq3A_162 = arith.cmpf oeq, %get3A_156, %eq3A_161 : vector<16xf32>
          %eq3A_163 = vector.broadcast %reduce_min3A_120 : i32 to vector<16xi32>
          %eq3A_164 = arith.cmpi eq, %get3A_160, %eq3A_163 : vector<16xi32>
          %and3A_165 = arith.andi %eq3A_162, %eq3A_164 : vector<16xi1>
          %select_n3A_166 = arith.select %and3A_165, %broadcast_in_dim3A_3, %get3A_156 : vector<16xi1>, vector<16xf32>
          %mul3A_167 = arith.constant 16 : i32
          %mul3A_168 = arith.muli %while3A_153, %mul3A_167 : i32
          %swap3A_169 = arith.index_cast %mul3A_168 : i32 to index
          %swap3A_170 = tpu.vector_load %arg8[%swap3A_169] {strides = array<i32>} : memref<256xf32, #tpu.memory_space<vmem>>, vector<16xf32>,
          tpu.vector_store %arg8[%swap3A_169], %select_n3A_166 {strides = array<i32>} : memref<256xf32, #tpu.memory_space<vmem>>, vector<16xf32>,
        }
        %broadcast_in_dim3A_131 = vector.broadcast %reduce_max3A_111 : f32 to vector<16xf32>
        %broadcast_in_dim3A_132 = vector.broadcast %reduce_min3A_120 : i32 to vector<16xi32>
        %rem3A_133 = arith.constant 16 : i32
        %rem3A_134 = arith.remsi %scan3A_93, %rem3A_133 : i32
        %eq3A_135 = vector.broadcast %rem3A_134 : i32 to vector<16xi32>
        %eq3A_136 = arith.cmpi eq, %iota3A, %eq3A_135 : vector<16xi32>
        %lt3A = arith.constant 16 : i32
        %lt3A_137 = arith.cmpi slt, %scan3A_93, %lt3A : i32
        %and3A_138 = vector.broadcast %lt3A_137 : i1 to vector<16xi1>
        %and3A_139 = arith.andi %eq3A_136, %and3A_138 : vector<16xi1>
        %select_n3A_140 = arith.select %and3A_139, %broadcast_in_dim3A_131, %scan3A_94 : vector<16xi1>, vector<16xf32>
        %and3A_141 = vector.broadcast %lt3A_137 : i1 to vector<16xi1>
        %and3A_142 = arith.andi %eq3A_136, %and3A_141 : vector<16xi1>
        %select_n3A_143 = arith.select %and3A_142, %broadcast_in_dim3A_132, %scan3A_96 : vector<16xi1>, vector<16xi32>
        %not3A = arith.constant true
        %not3A_144 = arith.xori %lt3A_137, %not3A : i1
        %and3A_145 = vector.broadcast %not3A_144 : i1 to vector<16xi1>
        %and3A_146 = arith.andi %eq3A_136, %and3A_145 : vector<16xi1>
        %select_n3A_147 = arith.select %and3A_146, %broadcast_in_dim3A_131, %scan3A_95 : vector<16xi1>, vector<16xf32>
        %not3A_148 = arith.constant true
        %not3A_149 = arith.xori %lt3A_137, %not3A_148 : i1
        %and3A_150 = vector.broadcast %not3A_149 : i1 to vector<16xi1>
        %and3A_151 = arith.andi %eq3A_136, %and3A_150 : vector<16xi1>
        %select_n3A_152 = arith.select %and3A_151, %broadcast_in_dim3A_132, %scan3A_97 : vector<16xi1>, vector<16xi32>
        scf.yield %select_n3A_140, %select_n3A_147, %select_n3A_143, %select_n3A_152, %reduce_max3A_111 : vector<16xf32>, vector<16xf32>, vector<16xi32>, vector<16xi32>, f32
      }
      %scan3A_67 = arith.constant 20 : i32
      %mul3A_68 = arith.constant 32 : i32
      %mul3A_69 = arith.muli %scan3A_26, %mul3A_68 : i32
      %swap3A = arith.index_cast %mul3A_69 : i32 to index
      %swap3A_70 = tpu.vector_load %arg10[%swap3A] {strides = array<i32>} : memref<1024xf32, #tpu.memory_space<vmem>>, vector<16xf32>,
      tpu.vector_store %arg10[%swap3A], %scan3A_66#0 {strides = array<i32>} : memref<1024xf32, #tpu.memory_space<vmem>>, vector<16xf32>,
      %mul3A_71 = arith.constant 32 : i32
      %mul3A_72 = arith.muli %scan3A_26, %mul3A_71 : i32
      %add3A_73 = arith.constant 16 : i32
      %add3A_74 = arith.addi %mul3A_72, %add3A_73 : i32
      %swap3A_75 = arith.index_cast %add3A_74 : i32 to index
      %swap3A_76 = tpu.vector_load %arg10[%swap3A_75] {strides = array<i32>} : memref<1024xf32, #tpu.memory_space<vmem>>, vector<16xf32>,
      tpu.vector_store %arg10[%swap3A_75], %scan3A_66#1 {strides = array<i32>} : memref<1024xf32, #tpu.memory_space<vmem>>, vector<16xf32>,
      %add3A_77 = arith.constant 1 : i32
      %add3A_78 = vector.broadcast %add3A_77 : i32 to vector<16xi32>
      %add3A_79 = arith.addi %scan3A_66#2, %add3A_78 : vector<16xi32>
      %mul3A_80 = arith.constant 32 : i32
      %mul3A_81 = arith.muli %scan3A_26, %mul3A_80 : i32
      %swap3A_82 = arith.index_cast %mul3A_81 : i32 to index
      %swap3A_83 = tpu.vector_load %arg11[%swap3A_82] {strides = array<i32>} : memref<1024xi32, #tpu.memory_space<vmem>>, vector<16xi32>,
      tpu.vector_store %arg11[%swap3A_82], %add3A_79 {strides = array<i32>} : memref<1024xi32, #tpu.memory_space<vmem>>, vector<16xi32>,
      %add3A_84 = arith.constant 1 : i32
      %add3A_85 = vector.broadcast %add3A_84 : i32 to vector<16xi32>
      %add3A_86 = arith.addi %scan3A_66#3, %add3A_85 : vector<16xi32>
      %mul3A_87 = arith.constant 32 : i32
      %mul3A_88 = arith.muli %scan3A_26, %mul3A_87 : i32
      %add3A_89 = arith.constant 16 : i32
      %add3A_90 = arith.addi %mul3A_88, %add3A_89 : i32
      %swap3A_91 = arith.index_cast %add3A_90 : i32 to index
      %swap3A_92 = tpu.vector_load %arg11[%swap3A_91] {strides = array<i32>} : memref<1024xi32, #tpu.memory_space<vmem>>, vector<16xi32>,
      tpu.vector_store %arg11[%swap3A_91], %add3A_86 {strides = array<i32>} : memref<1024xi32, #tpu.memory_space<vmem>>, vector<16xi32>,
    }
    %scan3A_21 = arith.constant 32 : i32
    %mul3A_22 = arith.constant 1024 : i32
    %mul3A_23 = arith.muli %add3A, %mul3A_22 : i32
    "tpu.region"() ({
      %run_scoped3A = tpu.sem_alloc : memref<!tpu.dma_semaphore, #tpu.memory_space<semaphore_mem>>
      %dma_start3A_26 = tpu.memref_slice %arg4[%mul3A_23] : memref<32768xf32, #tpu.memory_space<hbm>> -> memref<1024xf32, #tpu.memory_space<hbm>>
      %dma_start3A_27 = tpu.memref_slice %arg4[%mul3A_23] : memref<32768xf32, #tpu.memory_space<hbm>> -> memref<1024xf32, #tpu.memory_space<hbm>>
      tpu.enqueue_dma source(%arg10 : memref<1024xf32, #tpu.memory_space<vmem>>) target(%dma_start3A_27 : memref<1024xf32, #tpu.memory_space<hbm>>) target_semaphore(%run_scoped3A : memref<!tpu.dma_semaphore, #tpu.memory_space<semaphore_mem>>)
      %dma_wait3A = tpu.memref_slice %arg4[%mul3A_23] : memref<32768xf32, #tpu.memory_space<hbm>> -> memref<1024xf32, #tpu.memory_space<hbm>>
      %dma_wait3A_28 = tpu.memref_slice %arg4[%mul3A_23] : memref<32768xf32, #tpu.memory_space<hbm>> -> memref<1024xf32, #tpu.memory_space<hbm>>
      tpu.wait_dma2 semaphore(%run_scoped3A : memref<!tpu.dma_semaphore, #tpu.memory_space<semaphore_mem>>) src(%arg10 : memref<1024xf32, #tpu.memory_space<vmem>>) dst(%dma_wait3A_28 : memref<1024xf32, #tpu.memory_space<hbm>>)
      tpu.yield
    }) : () -> ()
    %mul3A_24 = arith.constant 1024 : i32
    %mul3A_25 = arith.muli %add3A, %mul3A_24 : i32
    "tpu.region"() ({
      %run_scoped3A = tpu.sem_alloc : memref<!tpu.dma_semaphore, #tpu.memory_space<semaphore_mem>>
      %dma_start3A_26 = tpu.memref_slice %arg5[%mul3A_25] : memref<32768xi32, #tpu.memory_space<hbm>> -> memref<1024xi32, #tpu.memory_space<hbm>>
      %dma_start3A_27 = tpu.memref_slice %arg5[%mul3A_25] : memref<32768xi32, #tpu.memory_space<hbm>> -> memref<1024xi32, #tpu.memory_space<hbm>>
      tpu.enqueue_dma source(%arg11 : memref<1024xi32, #tpu.memory_space<vmem>>) target(%dma_start3A_27 : memref<1024xi32, #tpu.memory_space<hbm>>) target_semaphore(%run_scoped3A : memref<!tpu.dma_semaphore, #tpu.memory_space<semaphore_mem>>)
      %dma_wait3A = tpu.memref_slice %arg5[%mul3A_25] : memref<32768xi32, #tpu.memory_space<hbm>> -> memref<1024xi32, #tpu.memory_space<hbm>>
      %dma_wait3A_28 = tpu.memref_slice %arg5[%mul3A_25] : memref<32768xi32, #tpu.memory_space<hbm>> -> memref<1024xi32, #tpu.memory_space<hbm>>
      tpu.wait_dma2 semaphore(%run_scoped3A : memref<!tpu.dma_semaphore, #tpu.memory_space<semaphore_mem>>) src(%arg11 : memref<1024xi32, #tpu.memory_space<vmem>>) dst(%dma_wait3A_28 : memref<1024xi32, #tpu.memory_space<hbm>>)
      tpu.yield
    }) : () -> ()
    return
  }
}

</mosaic_0001>

<sc_bundles>
// kernel: _sc_topk.3.cloned.1.call-start
scs
__scs_entry_jumppad:
0x0: {  	(pc) =	sbr.rel $0x88, $3  }
0x1: {  	(tag) =	ssettag $0x0;
	lr =	simm.s32 $0x1  }
0x2: {  	[smem:$0x3F9F] =	sst lr;
	_ =	strace $0xD0000000  }
0x3: {  	_ = 	snop  }
0x4: {  	_ = 	snop  }
0x5: {  	_ = 	snop  }
0x6: {  	_ = 	snop  }
0x7: {  	_ = 	snop  }
__scs_overlays_trampoline_lowered:
0x8: {  	[smem:$0x3FAE] =	sst s0  }
0x9: {  	[smem:$0x3FAF] =	sst s1  }
0xa: {  	[smem:$0x3FB0] =	sst s2  }
0xb: {  	[smem:$0x3FB1] =	sst s3  }
0xc: {  	[smem:$0x3FB2] =	sst s4  }
0xd: {  	[smem:$0x3FB3] =	sst s5  }
0xe: {  	[smem:$0x3FB4] =	sst s6  }
0xf: {  	[smem:$0x3FB5] =	sst s7  }
0x10: {  	[smem:$0x3FB6] =	sst s8  }
0x11: {  	[smem:$0x3FB7] =	sst s9;
	s0 =	simm.s32 @!p0 $0x0  }
0x12: {  	s1 =	sld [smem:$0x3F9D];
	s0 =	simm.s32 @p0 $0x1  }
0x13: {  	[smem:$0x3FB8] =	sst s0;
	s0 =	simm.s32 @!p1 $0x0  }
0x14: {  	s2 =	sld [smem:$0x3F9C];
	s0 =	simm.s32 @p1 $0x1  }
0x15: {  	[smem:$0x3FB9] =	sst s0;
	s0 =	simm.s32 @!p2 $0x0  }
0x16: {  	s3 =	sld [smem:$0x3FDB];
	s0 =	simm.s32 @p2 $0x1  }
0x17: {  	s4 =	simm.s32 $0x1BF5;
	[smem:$0x3FBB] =	sst s0  }
0x18: {  	s0 =	sld [smem:$0x3F9E];
	_ =	swait.ge [sflag:s4], $0x0  }
0x19: {  	s7 =	sld [smem:$0x3F9F]  }
0x1a: {  	s8 =	sadd.s32 $0xFFFFE003, lr  }
0x1b: {  	s9 =	sadd.s32 $0xFFFFFEF7, lr;
	s5 =	simm.s32 $0xFFFFFFFF;
	p2 =	slt.u32 s8, $0xFFFFF086  }
0x1c: {  	p1 =	slt.u32 s9, $0xF7A;
	s5 =	simm.s32 @!p2 $0x0  }
0x1d: {  	s5 =	simm.s32 @p1 $0x1;
	p0 =	seq.s32 s7, s2  }
0x1e: {  	s7 =	smul.u32 @!p0 $0xF7A, s2;
	p2 =	seq.s32 @!p0 s5, $0x0  }
0x1f: {  	s9 =	smul.u32 $0xF7A, s1;
	s8 =	simm.s32 @!p0 $0x1BF5;
	p2 =	por !p2, p0  }
0x20: {  	[sflag:s8] =	ssyncset.s32 @!p0 $0xFFFFF086;
	s6 =	sadd.s32 @!p0 s3, s7;
	s7 =	simm.s32 @!p0 $0x108  }
0x21: {  	s3 =	sadd.s32 s3, s9;
	s6 =	sadd.s32 @!p0 $0x88, s6;
	s7 =	simm.s32 @p2 $0x1082  }
0x22: {  	[simem:s7], [sflag:s8] =	dma.local @!p0 [hbm:s6], $0xF7A  }
0x23: {  	s9 =	sor.u32 $0xD0000000, s2;
	s6 =	simm.s32 $0x108;
	_ =	swait.ge @!p0 [sflag:s8], $0x0  }
0x24: {  	s3 =	sadd.s32 $0x88, s3;
	s6 =	simm.s32 @!p1 $0x1082;
	[sflag:s4] =	ssyncset.s32 $0xFFFFF086  }
0x25: {  	[simem:s6], [sflag:s4] =	dma.local [hbm:s3], $0xF7A  }
0x26: {  	[smem:$0x3F9F] =	sst s1;
	(tag) =	ssettag s2;
	_ =	strace s9  }
0x27: {  	s1 =	sld [smem:$0x3FAF]  }
0x28: {  	s2 =	sld [smem:$0x3FB0]  }
0x29: {  	s4 =	sld [smem:$0x3FB2]  }
0x2a: {  	p0 =	seq.s32 s5, $0x0;
	s5 =	sld [smem:$0x3FB3]  }
0x2b: {  	s6 =	sld [smem:$0x3FB4]  }
0x2c: {  	s7 =	sld [smem:$0x3FB5]  }
0x2d: {  	s3 =	simm.s32 $0x108;
	s8 =	sld [smem:$0x3FB6]  }
0x2e: {  	s3 =	simm.s32 @!p0 $0x1082;
	s9 =	sld [smem:$0x3FB7]  }
0x2f: {  	lr =	sadd.s32 s0, s3;
	s0 =	sld [smem:$0x3FAE]  }
0x30: {  	s3 =	sld [smem:$0x3FB1]  }
0x31: {  	[smem:$0x3FBA] =	sst s10  }
0x32: {  	s10 =	sld [smem:$0x3FB8];
	_ =	sdelay $0x3  }
0x33: {  	p0 =	seq.s32 s10, $0x1;
	s10 =	sld [smem:$0x3FBA];
	_ =	sdelay $0x3  }
0x34: {  	[smem:$0x3FBA] =	sst s10  }
0x35: {  	s10 =	sld [smem:$0x3FB9];
	_ =	sdelay $0x3  }
0x36: {  	p1 =	seq.s32 s10, $0x1;
	s10 =	sld [smem:$0x3FBA];
	_ =	sdelay $0x3  }
0x37: {  	[smem:$0x3FBA] =	sst s10  }
0x38: {  	s10 =	sld [smem:$0x3FBB]  }
0x39: {  	_ = 	snop;
	(pc) =	sbr.ind lr, $3  }
0x3a: {  	_ = 	snop  }
0x3b: {  	_ = 	snop  }
0x3c: {  	p2 =	seq.s32 s10, $0x1;
	s10 =	sld [smem:$0x3FBA]  }
0x3d: {  	_ =	shalt  }
0x3e: {  	_ =	shalt  }
0x3f: {  	_ =	shalt  }
0x40: {  	_ =	shalt  }
0x41: {  	_ =	shalt  }
0x42: {  	_ =	shalt  }
0x43: {  	_ =	shalt  }
0x44: {  	_ =	shalt  }
0x45: {  	_ =	shalt  }
0x46: {  	_ =	shalt  }
0x47: {  	_ =	shalt  }
0x48: {  	_ =	shalt  }
0x49: {  	_ =	shalt  }
0x4a: {  	_ =	shalt  }
0x4b: {  	_ =	shalt  }
0x4c: {  	_ =	shalt  }
0x4d: {  	_ =	shalt  }
0x4e: {  	_ =	shalt  }
0x4f: {  	_ =	shalt  }
0x50: {  	_ =	shalt  }
0x51: {  	_ =	shalt  }
0x52: {  	_ =	shalt  }
0x53: {  	_ =	shalt  }
0x54: {  	_ =	shalt  }
0x55: {  	_ =	shalt  }
0x56: {  	_ =	shalt  }
0x57: {  	_ =	shalt  }
0x58: {  	_ =	shalt  }
0x59: {  	_ =	shalt  }
0x5a: {  	_ =	shalt  }
0x5b: {  	_ =	shalt  }
0x5c: {  	_ =	shalt  }
0x5d: {  	_ =	shalt  }
0x5e: {  	_ =	shalt  }
0x5f: {  	_ =	shalt  }
0x60: {  	_ =	shalt  }
0x61: {  	_ =	shalt  }
0x62: {  	_ =	shalt  }
0x63: {  	_ =	shalt  }
0x64: {  	_ =	shalt  }
0x65: {  	_ =	shalt  }
0x66: {  	_ =	shalt  }
0x67: {  	_ =	shalt  }
0x68: {  	_ =	shalt  }
0x69: {  	_ =	shalt  }
0x6a: {  	_ =	shalt  }
0x6b: {  	_ =	shalt  }
0x6c: {  	_ =	shalt  }
0x6d: {  	_ =	shalt  }
0x6e: {  	_ =	shalt  }
0x6f: {  	_ =	shalt  }
0x70: {  	_ =	shalt  }
0x71: {  	_ =	shalt  }
0x72: {  	_ =	shalt  }
0x73: {  	_ =	shalt  }
0x74: {  	_ =	shalt  }
0x75: {  	_ =	shalt  }
0x76: {  	_ =	shalt  }
0x77: {  	_ =	shalt  }
0x78: {  	_ =	shalt  }
0x79: {  	_ =	shalt  }
0x7a: {  	_ =	shalt  }
0x7b: {  	_ =	shalt  }
0x7c: {  	_ =	shalt  }
0x7d: {  	_ =	shalt  }
0x7e: {  	_ =	shalt  }
0x7f: {  	_ =	shalt  }
0x80: {  	_ =	shalt  }
0x81: {  	_ =	shalt  }
0x82: {  	_ =	shalt  }
0x83: {  	_ =	shalt  }
0x84: {  	_ =	shalt  }
0x85: {  	_ =	shalt  }
0x86: {  	_ =	shalt  }
0x87: {  	_ =	shalt  }
.Lfunc_end0:
.L_simem_size_0:
called_computation_lowered:
.L_overlay_start_0:
0x88: {  	s2 =	sld [smem:$0x3FD9]  }
0x89: {  	s3 =	sld [smem:$0x3FFE];
	_ =	sdelay $0x1  }
0x8a: {  	s1 =	srdreg.scid  }
0x8b: {  	s0 =	sand.u32 $0x1, s1  }
0x8c: {  	s15 =	sshll.u32 s0, $0xA;
	s2 =	sadd.s32 s3, s2  }
0x8d: {  	s2 =	sadd.s32 s2, s15  }
0x8e: {  	[smem:$0x3FC6] =	sst s2  }
0x8f: {  	_ = 	snop  }
0x90: {  	s2 =	sld [smem:$0x3FD0];
	_ =	sdelay $0x1  }
0x91: {  	s16 =	sld [smem:$0x3FC9]  }
0x92: {  	s5 =	simm.s32 $0xA;
	s6 =	simm.s32 $0x10;
	s4 =	sld [smem:$0x3FC8]  }
0x93: {  	[smem:s6], [sflag:s5] =	dma.local [hbm:s2], $0x1  }
0x94: {  	_ =	swait.eq [sflag:s5], $0x1  }
0x95: {  	[sflag:s5] =	ssyncset.done $0x0  }
0x96: {  	s17 =	sld [smem:$0x10];
	[sflag:s5] =	ssyncadd.s32 $0xFFFFFFFF  }
0x97: {  	s18 =	sld [smem:$0x11];
	(tm) =	ssettm $0x1  }
0x98: {  	s19 =	sld [smem:$0x3FFB];
	_ =	sdelay $0x3  }
0x99: {  	_ =	strace s19  }
0x9a: {  	s6 =	sld [smem:$0x3FFC];
	_ =	sdelay $0x3  }
0x9b: {  	_ =	strace s6  }
0x9c: {  	s6 =	sld [smem:$0x3FFD];
	_ =	sdelay $0x3  }
0x9d: {  	_ =	strace s6  }
0x9e: {  	_ =	strace $0x8FFFFFFF  }
0x9f: {  	s20 =	sld [smem:$0x3FDB];
	_ =	sdelay $0x1  }
0xa0: {  	s7 =	simm.s32 $_scs_section_size  }
0xa1: {  	s8 =	simm.s32 $_size__tile_overlayer_lowered;
	s9 =	simm.s32 $_tile_overlayer_lowered  }
0xa2: {  	s23 =	simm.s32 $0x1BFF;
	s22 =	sshll.u32 s9, $0x1;
	s6 =	sadd.s32 s7, s20  }
0xa3: {  	s10 =	simm.s32 $0x0;
	s21 =	sshll.u32 s8, $0x1;
	s8 =	sadd.s32 s22, s6  }
0xa4: {  	[timem:s10], [sflag:s23] =	dma.local [hbm:s8], s21  }
0xa5: {  	_ =	swait.ge [sflag:s23], s21  }
0xa6: {  	s7 =	ssub.s32 $0x0, s21;
	[sflag:s23] =	ssyncset.done $0x0  }
0xa7: {  	[sflag:s23] =	ssyncadd.s32 s7;
	_ =	sdelay $0x1  }
0xa8: {  	s24 =	simm.s32 $0x1B8B  }
0xa9: {  	_ =	swait.ge [sflag:s24], $0x1  }
0xaa: {  	[sflag:s24] =	ssyncset.done $0x0  }
0xab: {  	s25 =	simm.s32 $0x1B8E;
	[sflag:s24] =	ssyncadd.s32 $0xFFFFFFFF  }
0xac: {  	s26 =	simm.s32 $execute0_lowered;
	[smem:$0x3FD2] =	sst s25  }
0xad: {  	s7 =	sshll.u32 s26, $0x1;
	_ =	strace $0x80000046;
	[dreg:$0x1] =	wrdreg $0xFFFFFFFF  }
0xae: {  	s28 =	simm.s32 $_size_execute0_lowered;
	s6 =	sadd.s32 s6, s7;
	[dreg:$0x0] =	wrdreg $0x0  }
0xaf: {  	s7 =	sshll.u32 s28, $0x1;
	[dreg:$0x2] =	wrdreg s6  }
0xb0: {  	[dreg:$0x3] =	wrdreg s7  }
0xb1: {  	[dreg:$0x4] =	wrdreg $0xC0  }
0xb2: {  	_ =	task [dreg:s10], $0x5FFFF  }
0xb3: {  	[dreg:$0x1] =	wrdreg $0xFFFFFFFF  }
0xb4: {  	[dreg:$0x0] =	wrdreg $0x60  }
0xb5: {  	[dreg:$0x2] =	wrdreg s16  }
0xb6: {  	[dreg:$0x3] =	wrdreg s4  }
0xb7: {  	[dreg:$0x4] =	wrdreg s17  }
0xb8: {  	[dreg:$0x5] =	wrdreg s18  }
0xb9: {  	[dreg:$0x6] =	wrdreg $0x9  }
0xba: {  	_ =	task.clear_ibuf [dreg:s10], $0x7FFFF;
	_ =	strace $0x90000046  }
0xbb: {  	s29 =	simm.s32 $0x9;
	_ =	strace $0x80000048  }
0xbc: {  	_ =	swait.ge [sflag:s29], $0x1  }
0xbd: {  	[sflag:s29] =	ssyncadd.s32 $0xFFFFFFFF  }
0xbe: {  	_ =	strace $0x90000048  }
0xbf: {  	_ =	sfence  }
0xc0: {  	s30 =	sld [smem:$0x0];
	_ =	sdelay $0x2  }
0xc1: {  	s31 =	sshll.u32 s1, $0xD;
	s1 =	sshrl.u32 s1, $0x2  }
0xc2: {  	s3 =	sand.u32 $0x4000, s31;
	s1 =	sadd.s32 s1, s30  }
0xc3: {  	s0 =	sor.u32 s3, s0;
	s1 =	sshll.u32 s1, $0x11  }
0xc4: {  	s0 =	sor.u32 s1, s0  }
0xc5: {  	s0 =	sadd.s32 $0x8F2B, s0  }
0xc6: {  	[sflag:s0] =	ssyncadd.remote.s32 $0x1  }
0xc7: {  	_ =	sfence.sel $0xFFFF  }
0xc8: {  	[dreg:$0x0] =	wrdreg $0xFFFFFFFF;
	(pc) =	sbr.abs _section_cstart, $3  }
0xc9: {  	[dreg:$0x1] =	wrdreg $0xFFFFFFFF  }
0xca: {  	_ =	task.clear_ibuf [dreg:s10], $0x2FFFF;
	_ =	strace $0x9FFFFFFF  }
0xcb: {  	(tm) =	ssettm $0x7FFFFFFF  }
tec
execute0_lowered:
.L_overlay_start_1:
0x0: {  	(tag) =	ssettag $0x1  }
0x1: {  	s1 =	rddreg [dreg:$0x0]  }
0x2: {  	s2 =	rddreg [dreg:$0x1];
	s0 =	srdreg.scid  }
0x3: {  	s4 =	stileid.u32;
	s3 =	rddreg [dreg:$0x2]  }
0x4: {  	s6 =	rddreg [dreg:$0x3];
	s11 =	simm.s32 $0x9C80;
	s12 =	simm.s32 $0x2  }
0x5: {  	s13 =	simm.s32 $0x1;
	s0 =	sand.u32 $0x1, s0;
	s4 =	sshll.u32 s4, $0x1  }
0x6: {  	s16 =	simm.s32 $0x9D80;
	s17 =	simm.s32 $0x9E80;
	s7 =	sor.u32 s0, s4  }
0x7: {  	s18 =	simm.s32 $0x0;
	s4 =	simm.s32 $0x0;
	s5 =	smul.u32 $0x30D400, s7  }
.Ltmp0:
0x8: {  	s0 =	ssub.s32 $0x2, s0;
	[smem:$0x7FF] =	sst s4;
	(pc) =	sbr.rel .LBB2_1-.Ltmp0, $4  }
0x9: {  	s8 =	sshrl.u32 s0, $0x1;
	s31 =	sshll.u32 s7, $0x7;
	s7 =	sshll.u32 s7, $0x5  }
0xa: {  	_ =	strace $0x80000047;
	s3 =	sadd.s32 s3, s31;
	s9 =	sshrl.u32 s5, $0x3  }
0xb: {  	v0 =	vimm.f32 $-Inf;
	s0 =	ssub.s32 s0, s8;
	[dreg:$0x6] =	wrdreg s3;
	s30 =	sadd.s32 s1, s9  }
0xc: {  	v1 =	vlaneseq.u32;
	vm0 =	vmxor vm0, vm0;
	v2 =	vimm.s32 $0x0;
	s10 =	smax.u32 s0, $0x1;
	s9 =	sadd.s32 s6, s31;
	[dreg:$0x5] =	wrdreg s30  }
.LBB2_150:
0xd: {  	s0 =	rddreg [dreg:$0x6];
	s3 =	simm.s32 $0x9F80  }
0xe: {  	[hbm4b:s0+s4] =	stream.linear.scatter [tilespmem:s3], [sflag:$0x2], $0x400, $0x38;
	[tilespmem:$0xA780] =	vst v63  }
0xf: {  	s18 =	sadd.s32 $0x1, s18;
	_ =	swait.ge [sflag:s12], $0x400  }
0x10: {  	p0 =	sne.s32 s18, s10;
	[sflag:s12] =	ssyncset.done $0x0  }
.Ltmp1:
0x11: {  	s31 =	simm.s32 $0xA380;
	[sflag:s12] =	ssyncadd.s32 $0xFFFFFC00;
	(pc) =	sbr.rel @!p0 .LBB2_151-.Ltmp1, $4  }
0x12: {  	[hbm4b:s9+s4] =	stream.linear.scatter [tilespmem:s31], [sflag:$0x2], $0x400, $0x38;
	[tilespmem:$0xA780] =	vst v63  }
0x13: {  	_ =	swait.ge [sflag:s12], $0x400  }
0x14: {  	[sflag:s12] =	ssyncset.done $0x0  }
0x15: {  	[sflag:s12] =	ssyncadd.s32 $0xFFFFFC00  }
.LBB2_1:
.Ltmp2:
0x16: {  	(pc) =	sbr.rel .LBB2_2-.Ltmp2, $3  }
0x17: {  	_ =	sdelay $0x1  }
0x18: {  	s0 =	rddreg [dreg:$0x5];
	s19 =	simm.s32 $0x0  }
0x19: {  	[tilespmem:s4], [sflag:$0x1] =	stream.linear.gather [hbm4b:s0+s4], $0x4E20, $0x38;
	[tilespmem:$0xA780] =	vst v63  }
.LBB2_149:
0x1a: {  	s0 =	sshll.u32 s19, $0x5;
	s19 =	sadd.s32 $0x1, s19  }
0x1b: {  	p0 =	sne.s32 s19, $0x20  }
.Ltmp3:
0x1c: {  	_ = 	snop;
	(pc) =	sbr.rel @!p0 .LBB2_150-.Ltmp3, $4  }
0x1d: {  	[tilespmem:s0+$0x9F80] =	vst v7  }
0x1e: {  	v63 =	vadd.s32 $0x1, v6;
	[tilespmem:s0+$0x9F90] =	vst v4  }
0x1f: {  	v3 =	vadd.s32 $0x1, v3;
	[tilespmem:s0+$0xA380] =	vst v63  }
0x20: {  	[tilespmem:s0+$0xA390] =	vst v3  }
.LBB2_2:
0x21: {  	s0 =	sadd.s32 s7, s19  }
0x22: {  	s0 =	smul.u32 $0x1A, s0;
	_ =	sdelay $0x1  }
.Ltmp4:
0x23: {  	s20 =	simm.s32 $0x0;
	s0 =	sadd.s32 s2, s0;
	(pc) =	sbr.rel .LBB2_3-.Ltmp4, $4  }
0x24: {  	[tilespmem:s11], [sflag:$0x2] =	stream.linear.gather [hbm4b:s0+s20], $0xD0, $0x38;
	[tilespmem:$0xA780] =	vst v63  }
0x25: {  	_ =	swait.ge [sflag:s12], $0xD0  }
0x26: {  	s21 =	smul.u32 $0x5, s19;
	s30 =	simm.f32 $-Inf;
	[sflag:s12] =	ssyncset.done $0x0  }
0x27: {  	v4 =	vimm.f32 $-Inf;
	s31 =	simm.s32 $0x0;
	s22 =	simm.s32 $0x0;
	[sflag:s12] =	ssyncadd.s32 $0xFFFFFF30  }
.LBB2_137:
0x28: {  	s22 =	sadd.s32 $0x1, s22  }
0x29: {  	p0 =	sne.s32 s22, $0x5  }
.Ltmp5:
0x2a: {  	_ = 	snop;
	(pc) =	sbr.rel @!p0 .LBB2_138-.Ltmp5, $1  }
0x2b: {  	_ =	sdelay $0x3  }
.LBB2_3:
0x2c: {  	s0 =	sadd.s32 s21, s22  }
0x2d: {  	p0 =	sgt.u32 s0, $0x9E  }
0x2e: {  	s3 =	sadd.s32 @!p0 $0x1, s0  }
0x2f: {  	_ =	swait.ge [sflag:s13], $0x4E20;
	s6 =	smul.u32 @!p0 $0x4E20, s3  }
0x30: {  	[sflag:s13] =	ssyncset.done $0x0;
	s3 =	sand.u32 @!p0 $0x1, s3  }
0x31: {  	[sflag:s13] =	ssyncadd.s32 $0xFFFFB1E0;
	p1 =	seq.s32 @!p0 s3, $0x1;
	s3 =	sadd.s32 @!p0 s5, s6  }
0x32: {  	s6 =	simm.s32 @!p0 $0x4E20;
	p1 =	por !p1, p0;
	s3 =	sshrl.u32 @!p0 s3, $0x3  }
0x33: {  	s8 =	simm.s32 @!p0 $0x0;
	s6 =	simm.s32 @p1 $0x0;
	s3 =	sadd.s32 @!p0 s1, s3  }
0x34: {  	[tilespmem:s6], [sflag:$0x1] =	stream.linear.gather @!p0 [hbm4b:s3+s8], $0x4E20, $0x38;
	[tilespmem:$0xA780] =	vst v63  }
0x35: {  	v3 =	vld [tilespmem:$0x9C80];
	_ =	sdelay $0x3  }
0x36: {  	s23 =	smul.u32 $0x4E20, s22  }
0x37: {  	v5 =	vadd.s32 $0xFFFFFFFF, v3  }
0x38: {  	s25 =	sadd.s32 $0x4E20, s23;
	vm1 =	vgt.s32 v3, $0x0;
	vm2 =	vge.s32 v5, s23  }
0x39: {  	s0 =	sand.u32 $0x1, s0;
	v3 =	vmov s23;
	vm1 =	vmand vm1, vm2;
	vm2 =	vlt.s32 v5, s25  }
0x3a: {  	s24 =	simm.s32 $0x4E20;
	p0 =	seq.s32 s0, $0x1;
	v5 =	vsub.s32 v5, v3;
	vm1 =	vmand vm2, vm1  }
0x3b: {  	s24 =	simm.s32 @!p0 $0x0;
	v5 =	vnsel vm1, $0x0, v5  }
0x3c: {  	v5 =	vadd.s32 s24, v5;
	_ =	sdelay $0x4  }
0x3d: {  	[tilespmem:v5+s20+$0x0] =	vst.idx.msk vm1, v0  }
0x3e: {  	v5 =	vld [tilespmem:$0x9C90];
	_ =	sdelay $0x4  }
0x3f: {  	v6 =	vadd.s32 $0xFFFFFFFF, v5  }
0x40: {  	vm1 =	vgt.s32 v5, $0x0;
	vm2 =	vge.s32 v6, s23  }
0x41: {  	vm1 =	vmand vm1, vm2;
	vm2 =	vlt.s32 v6, s25  }
0x42: {  	v5 =	vsub.s32 v6, v3;
	vm1 =	vmand vm2, vm1  }
0x43: {  	v5 =	vnsel vm1, $0x0, v5  }
0x44: {  	v5 =	vadd.s32 s24, v5;
	_ =	sdelay $0x4  }
0x45: {  	[tilespmem:v5+s20+$0x0] =	vst.idx.msk vm1, v0  }
0x46: {  	v5 =	vld [tilespmem:$0x9CA0];
	_ =	sdelay $0x4  }
0x47: {  	v6 =	vadd.s32 $0xFFFFFFFF, v5  }
0x48: {  	vm1 =	vgt.s32 v5, $0x0;
	vm2 =	vge.s32 v6, s23  }
0x49: {  	vm1 =	vmand vm1, vm2;
	vm2 =	vlt.s32 v6, s25  }
0x4a: {  	v5 =	vsub.s32 v6, v3;
	vm1 =	vmand vm2, vm1  }
0x4b: {  	v5 =	vnsel vm1, $0x0, v5  }
0x4c: {  	v5 =	vadd.s32 s24, v5;
	_ =	sdelay $0x4  }
0x4d: {  	[tilespmem:v5+s20+$0x0] =	vst.idx.msk vm1, v0  }
0x4e: {  	v5 =	vld [tilespmem:$0x9CB0];
	_ =	sdelay $0x4  }
0x4f: {  	v6 =	vadd.s32 $0xFFFFFFFF, v5  }
0x50: {  	vm1 =	vgt.s32 v5, $0x0;
	vm2 =	vge.s32 v6, s23  }
0x51: {  	vm1 =	vmand vm1, vm2;
	vm2 =	vlt.s32 v6, s25  }
0x52: {  	v5 =	vsub.s32 v6, v3;
	vm1 =	vmand vm2, vm1  }
0x53: {  	v5 =	vnsel vm1, $0x0, v5  }
0x54: {  	v5 =	vadd.s32 s24, v5;
	_ =	sdelay $0x4  }
0x55: {  	[tilespmem:v5+s20+$0x0] =	vst.idx.msk vm1, v0  }
0x56: {  	v5 =	vld [tilespmem:$0x9CC0];
	_ =	sdelay $0x4  }
0x57: {  	v6 =	vadd.s32 $0xFFFFFFFF, v5  }
0x58: {  	vm1 =	vgt.s32 v5, $0x0;
	vm2 =	vge.s32 v6, s23  }
0x59: {  	vm1 =	vmand vm1, vm2;
	vm2 =	vlt.s32 v6, s25  }
0x5a: {  	v5 =	vsub.s32 v6, v3;
	vm1 =	vmand vm2, vm1  }
0x5b: {  	v5 =	vnsel vm1, $0x0, v5  }
0x5c: {  	v5 =	vadd.s32 s24, v5;
	_ =	sdelay $0x4  }
0x5d: {  	[tilespmem:v5+s20+$0x0] =	vst.idx.msk vm1, v0  }
0x5e: {  	v5 =	vld [tilespmem:$0x9CD0];
	_ =	sdelay $0x4  }
0x5f: {  	v6 =	vadd.s32 $0xFFFFFFFF, v5  }
0x60: {  	vm1 =	vgt.s32 v5, $0x0;
	vm2 =	vge.s32 v6, s23  }
0x61: {  	vm1 =	vmand vm1, vm2;
	vm2 =	vlt.s32 v6, s25  }
0x62: {  	v5 =	vsub.s32 v6, v3;
	vm1 =	vmand vm2, vm1  }
0x63: {  	v5 =	vnsel vm1, $0x0, v5  }
0x64: {  	v5 =	vadd.s32 s24, v5;
	_ =	sdelay $0x4  }
0x65: {  	[tilespmem:v5+s20+$0x0] =	vst.idx.msk vm1, v0  }
0x66: {  	v5 =	vld [tilespmem:$0x9CE0];
	_ =	sdelay $0x4  }
0x67: {  	v6 =	vadd.s32 $0xFFFFFFFF, v5  }
0x68: {  	vm1 =	vgt.s32 v5, $0x0;
	vm2 =	vge.s32 v6, s23  }
0x69: {  	vm1 =	vmand vm1, vm2;
	vm2 =	vlt.s32 v6, s25  }
0x6a: {  	v5 =	vsub.s32 v6, v3;
	vm1 =	vmand vm2, vm1  }
0x6b: {  	v5 =	vnsel vm1, $0x0, v5  }
0x6c: {  	v5 =	vadd.s32 s24, v5;
	_ =	sdelay $0x4  }
0x6d: {  	[tilespmem:v5+s20+$0x0] =	vst.idx.msk vm1, v0  }
0x6e: {  	v5 =	vld [tilespmem:$0x9CF0];
	_ =	sdelay $0x4  }
0x6f: {  	v6 =	vadd.s32 $0xFFFFFFFF, v5  }
0x70: {  	vm1 =	vgt.s32 v5, $0x0;
	vm2 =	vge.s32 v6, s23  }
0x71: {  	vm1 =	vmand vm1, vm2;
	vm2 =	vlt.s32 v6, s25  }
0x72: {  	v5 =	vsub.s32 v6, v3;
	vm1 =	vmand vm2, vm1  }
0x73: {  	v5 =	vnsel vm1, $0x0, v5  }
0x74: {  	v5 =	vadd.s32 s24, v5;
	_ =	sdelay $0x4  }
0x75: {  	[tilespmem:v5+s20+$0x0] =	vst.idx.msk vm1, v0  }
0x76: {  	v5 =	vld [tilespmem:$0x9D00];
	_ =	sdelay $0x4  }
0x77: {  	v6 =	vadd.s32 $0xFFFFFFFF, v5  }
0x78: {  	vm1 =	vgt.s32 v5, $0x0;
	vm2 =	vge.s32 v6, s23  }
0x79: {  	vm1 =	vmand vm1, vm2;
	vm2 =	vlt.s32 v6, s25  }
0x7a: {  	v5 =	vsub.s32 v6, v3;
	vm1 =	vmand vm2, vm1  }
0x7b: {  	v5 =	vnsel vm1, $0x0, v5  }
0x7c: {  	v5 =	vadd.s32 s24, v5;
	_ =	sdelay $0x4  }
0x7d: {  	[tilespmem:v5+s20+$0x0] =	vst.idx.msk vm1, v0  }
0x7e: {  	v5 =	vld [tilespmem:$0x9D10];
	_ =	sdelay $0x4  }
0x7f: {  	v6 =	vadd.s32 $0xFFFFFFFF, v5  }
0x80: {  	vm1 =	vgt.s32 v5, $0x0;
	vm2 =	vge.s32 v6, s23  }
0x81: {  	vm1 =	vmand vm1, vm2;
	vm2 =	vlt.s32 v6, s25  }
0x82: {  	v5 =	vsub.s32 v6, v3;
	vm1 =	vmand vm2, vm1  }
0x83: {  	v5 =	vnsel vm1, $0x0, v5  }
0x84: {  	v5 =	vadd.s32 s24, v5;
	_ =	sdelay $0x4  }
0x85: {  	[tilespmem:v5+s20+$0x0] =	vst.idx.msk vm1, v0  }
0x86: {  	v5 =	vld [tilespmem:$0x9D20];
	_ =	sdelay $0x4  }
0x87: {  	v6 =	vadd.s32 $0xFFFFFFFF, v5  }
0x88: {  	vm1 =	vgt.s32 v5, $0x0;
	vm2 =	vge.s32 v6, s23  }
0x89: {  	vm1 =	vmand vm1, vm2;
	vm2 =	vlt.s32 v6, s25  }
0x8a: {  	v5 =	vsub.s32 v6, v3;
	vm1 =	vmand vm2, vm1  }
0x8b: {  	v5 =	vnsel vm1, $0x0, v5  }
0x8c: {  	v5 =	vadd.s32 s24, v5;
	_ =	sdelay $0x4  }
0x8d: {  	[tilespmem:v5+s20+$0x0] =	vst.idx.msk vm1, v0  }
0x8e: {  	v5 =	vld [tilespmem:$0x9D30];
	_ =	sdelay $0x4  }
0x8f: {  	v6 =	vadd.s32 $0xFFFFFFFF, v5  }
0x90: {  	vm1 =	vgt.s32 v5, $0x0;
	vm2 =	vge.s32 v6, s23  }
0x91: {  	vm1 =	vmand vm1, vm2;
	vm2 =	vlt.s32 v6, s25  }
0x92: {  	v5 =	vsub.s32 v6, v3;
	vm1 =	vmand vm2, vm1  }
0x93: {  	v5 =	vnsel vm1, $0x0, v5  }
0x94: {  	v5 =	vadd.s32 s24, v5;
	_ =	sdelay $0x4  }
0x95: {  	[tilespmem:v5+s20+$0x0] =	vst.idx.msk vm1, v0  }
0x96: {  	v5 =	vld [tilespmem:$0x9D40];
	_ =	sdelay $0x4  }
0x97: {  	v6 =	vadd.s32 $0xFFFFFFFF, v5  }
0x98: {  	vm1 =	vgt.s32 v5, $0x0;
	vm2 =	vge.s32 v6, s23  }
0x99: {  	vm1 =	vmand vm1, vm2;
	vm2 =	vlt.s32 v6, s25  }
0x9a: {  	v3 =	vsub.s32 v6, v3;
	vm1 =	vmand vm2, vm1  }
0x9b: {  	v3 =	vnsel vm1, $0x0, v3  }
0x9c: {  	v3 =	vadd.s32 s24, v3  }
.Ltmp6:
0x9d: {  	_ = 	snop;
	(pc) =	sbr.rel .LBB2_4-.Ltmp6, $2  }
0x9e: {  	_ =	sdelay $0x2  }
0x9f: {  	s25 =	simm.s32 $0x0;
	[tilespmem:v3+s20+$0x0] =	vst.idx.msk vm1, v0;
	v3 =	vmov s24  }
.LBB2_135:
0xa0: {  	(v2sf) =	vpush v10, $0xF;
	_ =	sdelay $0xb  }
0xa1: {  	[tilespmem:$0x9D80] =	vst v9  }
0xa2: {  	[tilespmem:$0x9D90] =	vst v6  }
0xa3: {  	[tilespmem:$0x9E80] =	vst v8  }
0xa4: {  	[tilespmem:$0x9E90] =	vst v5;
	s30 =	spop (v2sf)  }
.LBB2_136:
0xa5: {  	s25 =	sadd.s32 $0x1, s25  }
0xa6: {  	p0 =	sne.s32 s25, $0x7D  }
.Ltmp7:
0xa7: {  	_ = 	snop;
	(pc) =	sbr.rel @!p0 .LBB2_137-.Ltmp7, $1  }
0xa8: {  	_ =	sdelay $0x3  }
.LBB2_4:
0xa9: {  	_ =	sdelay $0x1  }
0xaa: {  	s0 =	smul.u32 $0xA0, s25;
	_ =	sdelay $0x1  }
0xab: {  	v5 =	vld.idx.msk [tilespmem:v3+s0+$0x0 ss:$0x1], $0xffff  }
0xac: {  	v6 =	vld.idx.msk [tilespmem:v3+s0+$0x10 ss:$0x1], $0xffff  }
0xad: {  	v7 =	vld.idx.msk [tilespmem:v3+s0+$0x20 ss:$0x1], $0xffff  }
0xae: {  	v8 =	vld.idx.msk [tilespmem:v3+s0+$0x30 ss:$0x1], $0xffff  }
0xaf: {  	v9 =	vld.idx.msk [tilespmem:v3+s0+$0x40 ss:$0x1], $0xffff  }
0xb0: {  	v10 =	vld.idx.msk [tilespmem:v3+s0+$0x50 ss:$0x1], $0xffff  }
0xb1: {  	v11 =	vld.idx.msk [tilespmem:v3+s0+$0x60 ss:$0x1], $0xffff  }
0xb2: {  	s26 =	sadd.s32 s24, s0;
	v12 =	vld.idx.msk [tilespmem:v3+s0+$0x70 ss:$0x1], $0xffff  }
0xb3: {  	v14 =	vld.idx.msk [tilespmem:v3+s0+$0x90 ss:$0x1], $0xffff;
	s29 =	sand.u32 $0xFFE0, s26  }
0xb4: {  	v13 =	vld [tilespmem:s29+$0x80];
	_ =	sdelay $0x1  }
0xb5: {  	v6 =	vmax.f32 v5, v6  }
0xb6: {  	v7 =	vmax.f32 v7, v8;
	v61 =	vmax.f32 v9, v10;
	v62 =	vmax.f32 v11, v12  }
0xb7: {  	v6 =	vmax.f32 v6, v7;
	v7 =	vmax.f32 v61, v62  }
0xb8: {  	v63 =	vmax.f32 v13, v14;
	v6 =	vmax.f32 v6, v7  }
0xb9: {  	v6 =	vmax.f32 v6, v63  }
0xba: {  	(xrf0) =	vmax.scan.msk.f32 $0xffff, v6;
	_ =	sdelay $0x5  }
0xbb: {  	v6, _, _ =	vpop (xrf0)  }
0xbc: {  	(v2sf) =	vpush v6, $0xF;
	_ =	sdelay $0xe  }
0xbd: {  	s3 =	spop (v2sf)  }
0xbe: {  	p0 =	sge.f32 s3, s30  }
.Ltmp8:
0xbf: {  	_ = 	snop;
	(pc) =	sbr.rel @!p0 .LBB2_136-.Ltmp8, $1  }
0xc0: {  	_ =	sdelay $0x3  }
0xc1: {  	vm1 =	vge.f32 v5, v4  }
0xc2: {  	v6 =	vsel vm1, $0x1, v2  }
0xc3: {  	(xrf0) =	vadd.scan.msk.s32 $0xffff, v6;
	_ =	sdelay $0x5  }
0xc4: {  	v6, _, _ =	vpop (xrf0)  }
0xc5: {  	(v2sf) =	vpush v6, $0xF;
	_ =	sdelay $0xd  }
0xc6: {  	v7 =	vsel vm1, $0xFFFFFFFF, v2  }
0xc7: {  	v7 =	vadd.s32 s31, v7;
	s3 =	spop (v2sf)  }
0xc8: {  	v6 =	vadd.s32 v6, v7;
	s31 =	sadd.s32 s31, s3  }
0xc9: {  	p0 =	slt.s32 s31, $0xF1  }
.Ltmp9:
0xca: {  	_ = 	snop;
	(pc) =	sbr.rel @p0 .LBB2_18-.Ltmp9, $4  }
0xcb: {  	_ = 	snop  }
0xcc: {  	s28 =	sadd.s32 s23, s0  }
0xcd: {  	v7 =	vor.u32 s28, v1;
	[tilespmem:v6+s16+$0x0] =	vst.idx.msk vm1, v5  }
0xce: {  	[tilespmem:v6+s17+$0x0] =	vst.idx.msk vm1, v7  }
0xcf: {  	s0 =	sadd.s32 $0xF, s31  }
0xd0: {  	s3 =	sand.u32 $0xF, s0  }
0xd1: {  	s6 =	sshra.s32 s0, $0x1F;
	p0 =	slt.s32 s0, $0x0;
	p1 =	sne.s32 s3, $0x0  }
.Ltmp10:
0xd2: {  	s15 =	sshrl.u32 s6, $0x1C;
	p0 =	por !p0, !p1;
	(pc) =	sbr.rel .LBB2_7-.Ltmp10, $4  }
0xd3: {  	s3 =	simm.s32 $0x1;
	s0 =	sadd.s32 s15, s0;
	p0 =	por !p0, !p0  }
0xd4: {  	s0 =	sshra.s32 s0, $0x4;
	s3 =	simm.s32 @!p0 $0x0  }
0xd5: {  	v7 =	vmov s31;
	v6 =	vimm.f32 $-Inf;
	s30 =	ssub.s32 s0, s3  }
0xd6: {  	v5 =	vimm.s32 $0x40000000;
	v8 =	vimm.s32 $0x40000000;
	v9 =	vimm.f32 $-Inf;
	s3 =	simm.s32 $0x0;
	s0 =	simm.s32 $0x0;
	p0 =	slt.s32 s30, $0x1  }
.LBB2_15:
0xd7: {  	vm1 =	veq.f32 v12, v4;
	vm2 =	veq.s32 v13, v11  }
0xd8: {  	vm1 =	vmand vm1, vm2  }
0xd9: {  	v63 =	vsel vm1, $0xFF800000, v12  }
0xda: {  	[tilespmem:s14+$0x0] =	vst v63  }
.LBB2_16:
0xdb: {  	p1 =	slt.u32 s0, $0x10;
	vm1 =	vmmov vm0  }
0xdc: {  	s6 =	sand.u32 $0xF, s0;
	vm3 =	vmmov vm0;
	vm1 =	vmneg @p1 vm1;
	p1 =	sgt.u32 s0, $0xF;
	s0 =	sadd.s32 $0x1, s0  }
0xdd: {  	vm3 =	vmneg @p1 vm3;
	p1 =	sne.s32 s0, $0x14  }
.Ltmp11:
0xde: {  	v12 =	vmov s6;
	(pc) =	sbr.rel @!p1 .LBB2_17-.Ltmp11, $4  }
0xdf: {  	vm2 =	veq.s32 v12, v1  }
0xe0: {  	vm1 =	vmand vm1, vm2  }
0xe1: {  	vm2 =	vmand vm3, vm2;
	v9 =	vsel vm1, v4, v9  }
0xe2: {  	v8 =	vsel vm1, v11, v8;
	v6 =	vsel vm2, v4, v6;
	v5 =	vsel vm2, v11, v5  }
.LBB2_7:
.Ltmp12:
0xe3: {  	(pc) =	sbr.rel @p0 .LBB2_8-.Ltmp12, $1  }
0xe4: {  	_ =	sdelay $0x3  }
0xe5: {  	s6 =	simm.s32 $0x9D80  }
0xe6: {  	s14 =	simm.s32 $0x9E80;
	p1 =	sne.s32 s30, $0x1;
	v10 =	vld [tilespmem:s6+$0x0]  }
.Ltmp13:
0xe7: {  	v12 =	vld [tilespmem:s14+$0x0];
	(pc) =	sbr.rel @!p1 .LBB2_11-.Ltmp13, $3  }
0xe8: {  	_ =	sdelay $0x1  }
0xe9: {  	v4 =	vor.u32 s3, v1  }
0xea: {  	s15 =	sadd.s32 $0xFFFFFFFF, s30;
	v11 =	vimm.s32 $0x40000000;
	s8 =	simm.s32 $0x0;
	vm1 =	vlt.s32 v4, v7;
	s6 =	simm.s32 $0x9D90;
	v4 =	vimm.f32 $-Inf  }
.LBB2_10:
0xeb: {  	v13 =	vnsel vm1, $0xFF800000, v10;
	v10 =	vld [tilespmem:s6+$0x0];
	v14 =	vnsel vm1, $0x40000000, v12;
	s14 =	sadd.s32 $0x10, s14;
	p1 =	sne.s32 s15, $0x1  }
.Ltmp14:
0xec: {  	s15 =	sadd.s32 $0xFFFFFFFF, s15;
	v12 =	vld [tilespmem:s14+$0x0];
	vm1 =	veq.f32 v13, v4;
	vm2 =	vlt.s32 v14, v11;
	(pc) =	sbr.rel @p1 .LBB2_10-.Ltmp14, $4  }
0xed: {  	vm3 =	vgt.f32 v13, v4;
	vm1 =	vmand vm1, vm2  }
0xee: {  	s8 =	sadd.s32 $0x10, s8;
	vm1 =	vmor vm3, vm1  }
0xef: {  	v15 =	vor.u32 s8, v1;
	v4 =	vsel vm1, v13, v4;
	v11 =	vsel vm1, v14, v11  }
0xf0: {  	s6 =	sadd.s32 $0x10, s6;
	vm1 =	vlt.s32 v15, v7  }
.LBB2_11:
0xf1: {  	v10 =	vnsel vm1, $0xFF800000, v10;
	v12 =	vnsel vm1, $0x40000000, v12  }
.Ltmp15:
0xf2: {  	vm1 =	veq.f32 v10, v4;
	vm2 =	vlt.s32 v12, v11;
	(pc) =	sbr.rel .LBB2_12-.Ltmp15, $4  }
0xf3: {  	vm3 =	vgt.f32 v10, v4;
	vm1 =	vmand vm1, vm2  }
0xf4: {  	vm1 =	vmor vm3, vm1  }
0xf5: {  	v11 =	vsel vm1, v12, v11  }
0xf6: {  	v12 =	vsel vm1, v10, v4;
	v11 =	vxor.u32 $0x80000000, v11  }
.LBB2_8:
0xf7: {  	v11 =	vimm.s32 $0xC0000000;
	v12 =	vimm.f32 $-Inf  }
.LBB2_12:
0xf8: {  	(xrf0) =	vmax.scan.msk.f32 $0xffff, v12;
	_ =	sdelay $0x5  }
0xf9: {  	v10, _, _ =	vpop (xrf0)  }
0xfa: {  	v4 =	vbroadcast v10, $0xF;
	_ =	sdelay $0x1  }
0xfb: {  	vm1 =	veq.f32 v12, v4  }
0xfc: {  	v11 =	vnsel vm1, $0xC0000000, v11  }
0xfd: {  	(xrf0) =	vmin.scan.msk.u32 $0xffff, v11;
	_ =	sdelay $0x5  }
0xfe: {  	v11, _, _ =	vpop (xrf0)  }
0xff: {  	(v2sf) =	vpush v11, $0xF;
	_ =	sdelay $0xc  }
.Ltmp16:
0x100: {  	_ = 	snop;
	(pc) =	sbr.rel @p0 .LBB2_16-.Ltmp16, $4  }
0x101: {  	_ = 	snop  }
0x102: {  	s6 =	spop (v2sf)  }
0x103: {  	s6 =	sxor.u32 $0x80000000, s6  }
0x104: {  	v11 =	vmov s6  }
0x105: {  	s14 =	simm.s32 $0x9D80  }
0x106: {  	s6 =	simm.s32 $0x9E80;
	p1 =	sne.s32 s30, $0x1;
	v12 =	vld [tilespmem:s14+$0x0]  }
.Ltmp17:
0x107: {  	v13 =	vld [tilespmem:s6+$0x0];
	(pc) =	sbr.rel @!p1 .LBB2_15-.Ltmp17, $2  }
0x108: {  	_ =	sdelay $0x2  }
0x109: {  	s8 =	sadd.s32 $0xFFFFFFFF, s30  }
.LBB2_14:
0x10a: {  	p1 =	sne.s32 s8, $0x1;
	_ =	sdelay $0x3  }
0x10b: {  	vm1 =	veq.f32 v12, v4;
	vm2 =	veq.s32 v13, v11  }
.Ltmp18:
0x10c: {  	vm1 =	vmand vm1, vm2;
	(pc) =	sbr.rel @p1 .LBB2_14-.Ltmp18, $4  }
0x10d: {  	v12 =	vsel vm1, $0xFF800000, v12  }
0x10e: {  	[tilespmem:s14+$0x0] =	vst v12;
	s14 =	sadd.s32 $0x10, s14  }
0x10f: {  	s6 =	sadd.s32 $0x10, s6;
	v12 =	vld [tilespmem:s14+$0x0]  }
0x110: {  	s8 =	sadd.s32 $0xFFFFFFFF, s8;
	v13 =	vld [tilespmem:s6+$0x0]  }
.Ltmp19:
0x111: {  	_ = 	snop;
	(pc) =	sbr.rel .LBB2_15-.Ltmp19, $1  }
0x112: {  	_ =	sdelay $0x3  }
.LBB2_17:
0x113: {  	(v2sf) =	vpush v10, $0xF;
	_ =	sdelay $0xb  }
0x114: {  	[tilespmem:$0x9D80] =	vst v9  }
0x115: {  	[tilespmem:$0x9D90] =	vst v6  }
0x116: {  	[tilespmem:$0x9E80] =	vst v8  }
0x117: {  	[tilespmem:$0x9E90] =	vst v5;
	s30 =	spop (v2sf)  }
.LBB2_18:
0x118: {  	v5 =	vld [tilespmem:s26+$0x10];
	_ =	sdelay $0x4  }
0x119: {  	vm1 =	vge.f32 v5, v4  }
0x11a: {  	v6 =	vsel vm1, $0x1, v2  }
0x11b: {  	(xrf0) =	vadd.scan.msk.s32 $0xffff, v6;
	_ =	sdelay $0x5  }
0x11c: {  	v6, _, _ =	vpop (xrf0)  }
0x11d: {  	(v2sf) =	vpush v6, $0xF;
	_ =	sdelay $0xc  }
0x11e: {  	p0 =	sgt.s32 s31, $0xF0  }
0x11f: {  	s31 =	simm.s32 @p0 $0x20;
	v7 =	vsel vm1, $0xFFFFFFFF, v2  }
0x120: {  	v7 =	vadd.s32 s31, v7;
	s0 =	spop (v2sf)  }
0x121: {  	v6 =	vadd.s32 v6, v7;
	s31 =	sadd.s32 s31, s0  }
0x122: {  	p0 =	slt.s32 s31, $0xF1  }
.Ltmp20:
0x123: {  	_ = 	snop;
	(pc) =	sbr.rel @p0 .LBB2_31-.Ltmp20, $4  }
0x124: {  	_ = 	snop  }
0x125: {  	s15 =	sor.u32 $0x10, s28  }
0x126: {  	v7 =	vor.u32 s15, v1;
	[tilespmem:v6+s16+$0x0] =	vst.idx.msk vm1, v5  }
0x127: {  	[tilespmem:v6+s17+$0x0] =	vst.idx.msk vm1, v7  }
0x128: {  	s0 =	sadd.s32 $0xF, s31  }
0x129: {  	s3 =	sand.u32 $0xF, s0  }
0x12a: {  	s6 =	sshra.s32 s0, $0x1F;
	p0 =	slt.s32 s0, $0x0;
	p1 =	sne.s32 s3, $0x0  }
.Ltmp21:
0x12b: {  	s15 =	sshrl.u32 s6, $0x1C;
	p0 =	por !p0, !p1;
	(pc) =	sbr.rel .LBB2_20-.Ltmp21, $4  }
0x12c: {  	s3 =	simm.s32 $0x1;
	s0 =	sadd.s32 s15, s0;
	p0 =	por !p0, !p0  }
0x12d: {  	s0 =	sshra.s32 s0, $0x4;
	s3 =	simm.s32 @!p0 $0x0  }
0x12e: {  	v7 =	vmov s31;
	v6 =	vimm.f32 $-Inf;
	s30 =	ssub.s32 s0, s3  }
0x12f: {  	v5 =	vimm.s32 $0x40000000;
	v8 =	vimm.s32 $0x40000000;
	v9 =	vimm.f32 $-Inf;
	s3 =	simm.s32 $0x0;
	s0 =	simm.s32 $0x0;
	p0 =	slt.s32 s30, $0x1  }
.LBB2_28:
0x130: {  	vm1 =	veq.f32 v12, v4;
	vm2 =	veq.s32 v13, v11  }
0x131: {  	vm1 =	vmand vm1, vm2  }
0x132: {  	v63 =	vsel vm1, $0xFF800000, v12  }
0x133: {  	[tilespmem:s14+$0x0] =	vst v63  }
.LBB2_29:
0x134: {  	p1 =	slt.u32 s0, $0x10;
	vm1 =	vmmov vm0  }
0x135: {  	s6 =	sand.u32 $0xF, s0;
	vm3 =	vmmov vm0;
	vm1 =	vmneg @p1 vm1;
	p1 =	sgt.u32 s0, $0xF;
	s0 =	sadd.s32 $0x1, s0  }
0x136: {  	vm3 =	vmneg @p1 vm3;
	p1 =	sne.s32 s0, $0x14  }
.Ltmp22:
0x137: {  	v12 =	vmov s6;
	(pc) =	sbr.rel @!p1 .LBB2_30-.Ltmp22, $4  }
0x138: {  	vm2 =	veq.s32 v12, v1  }
0x139: {  	vm1 =	vmand vm1, vm2  }
0x13a: {  	vm2 =	vmand vm3, vm2;
	v9 =	vsel vm1, v4, v9  }
0x13b: {  	v8 =	vsel vm1, v11, v8;
	v6 =	vsel vm2, v4, v6;
	v5 =	vsel vm2, v11, v5  }
.LBB2_20:
.Ltmp23:
0x13c: {  	(pc) =	sbr.rel @p0 .LBB2_21-.Ltmp23, $1  }
0x13d: {  	_ =	sdelay $0x3  }
0x13e: {  	s6 =	simm.s32 $0x9D80  }
0x13f: {  	s14 =	simm.s32 $0x9E80;
	p1 =	sne.s32 s30, $0x1;
	v10 =	vld [tilespmem:s6+$0x0]  }
.Ltmp24:
0x140: {  	v12 =	vld [tilespmem:s14+$0x0];
	(pc) =	sbr.rel @!p1 .LBB2_24-.Ltmp24, $3  }
0x141: {  	_ =	sdelay $0x1  }
0x142: {  	v4 =	vor.u32 s3, v1  }
0x143: {  	s15 =	sadd.s32 $0xFFFFFFFF, s30;
	v11 =	vimm.s32 $0x40000000;
	s8 =	simm.s32 $0x0;
	vm1 =	vlt.s32 v4, v7;
	s6 =	simm.s32 $0x9D90;
	v4 =	vimm.f32 $-Inf  }
.LBB2_23:
0x144: {  	v13 =	vnsel vm1, $0xFF800000, v10;
	v10 =	vld [tilespmem:s6+$0x0];
	v14 =	vnsel vm1, $0x40000000, v12;
	s14 =	sadd.s32 $0x10, s14;
	p1 =	sne.s32 s15, $0x1  }
.Ltmp25:
0x145: {  	s15 =	sadd.s32 $0xFFFFFFFF, s15;
	v12 =	vld [tilespmem:s14+$0x0];
	vm1 =	veq.f32 v13, v4;
	vm2 =	vlt.s32 v14, v11;
	(pc) =	sbr.rel @p1 .LBB2_23-.Ltmp25, $4  }
0x146: {  	vm3 =	vgt.f32 v13, v4;
	vm1 =	vmand vm1, vm2  }
0x147: {  	s8 =	sadd.s32 $0x10, s8;
	vm1 =	vmor vm3, vm1  }
0x148: {  	v15 =	vor.u32 s8, v1;
	v4 =	vsel vm1, v13, v4;
	v11 =	vsel vm1, v14, v11  }
0x149: {  	s6 =	sadd.s32 $0x10, s6;
	vm1 =	vlt.s32 v15, v7  }
.LBB2_24:
0x14a: {  	v10 =	vnsel vm1, $0xFF800000, v10;
	v12 =	vnsel vm1, $0x40000000, v12  }
.Ltmp26:
0x14b: {  	vm1 =	veq.f32 v10, v4;
	vm2 =	vlt.s32 v12, v11;
	(pc) =	sbr.rel .LBB2_25-.Ltmp26, $4  }
0x14c: {  	vm3 =	vgt.f32 v10, v4;
	vm1 =	vmand vm1, vm2  }
0x14d: {  	vm1 =	vmor vm3, vm1  }
0x14e: {  	v11 =	vsel vm1, v12, v11  }
0x14f: {  	v12 =	vsel vm1, v10, v4;
	v11 =	vxor.u32 $0x80000000, v11  }
.LBB2_21:
0x150: {  	v11 =	vimm.s32 $0xC0000000;
	v12 =	vimm.f32 $-Inf  }
.LBB2_25:
0x151: {  	(xrf0) =	vmax.scan.msk.f32 $0xffff, v12;
	_ =	sdelay $0x5  }
0x152: {  	v10, _, _ =	vpop (xrf0)  }
0x153: {  	v4 =	vbroadcast v10, $0xF;
	_ =	sdelay $0x1  }
0x154: {  	vm1 =	veq.f32 v12, v4  }
0x155: {  	v11 =	vnsel vm1, $0xC0000000, v11  }
0x156: {  	(xrf0) =	vmin.scan.msk.u32 $0xffff, v11;
	_ =	sdelay $0x5  }
0x157: {  	v11, _, _ =	vpop (xrf0)  }
0x158: {  	(v2sf) =	vpush v11, $0xF;
	_ =	sdelay $0xc  }
.Ltmp27:
0x159: {  	_ = 	snop;
	(pc) =	sbr.rel @p0 .LBB2_29-.Ltmp27, $4  }
0x15a: {  	_ = 	snop  }
0x15b: {  	s6 =	spop (v2sf)  }
0x15c: {  	s6 =	sxor.u32 $0x80000000, s6  }
0x15d: {  	v11 =	vmov s6  }
0x15e: {  	s14 =	simm.s32 $0x9D80  }
0x15f: {  	s6 =	simm.s32 $0x9E80;
	p1 =	sne.s32 s30, $0x1;
	v12 =	vld [tilespmem:s14+$0x0]  }
.Ltmp28:
0x160: {  	v13 =	vld [tilespmem:s6+$0x0];
	(pc) =	sbr.rel @!p1 .LBB2_28-.Ltmp28, $2  }
0x161: {  	_ =	sdelay $0x2  }
0x162: {  	s8 =	sadd.s32 $0xFFFFFFFF, s30  }
.LBB2_27:
0x163: {  	p1 =	sne.s32 s8, $0x1;
	_ =	sdelay $0x3  }
0x164: {  	vm1 =	veq.f32 v12, v4;
	vm2 =	veq.s32 v13, v11  }
.Ltmp29:
0x165: {  	vm1 =	vmand vm1, vm2;
	(pc) =	sbr.rel @p1 .LBB2_27-.Ltmp29, $4  }
0x166: {  	v12 =	vsel vm1, $0xFF800000, v12  }
0x167: {  	[tilespmem:s14+$0x0] =	vst v12;
	s14 =	sadd.s32 $0x10, s14  }
0x168: {  	s6 =	sadd.s32 $0x10, s6;
	v12 =	vld [tilespmem:s14+$0x0]  }
0x169: {  	s8 =	sadd.s32 $0xFFFFFFFF, s8;
	v13 =	vld [tilespmem:s6+$0x0]  }
.Ltmp30:
0x16a: {  	_ = 	snop;
	(pc) =	sbr.rel .LBB2_28-.Ltmp30, $1  }
0x16b: {  	_ =	sdelay $0x3  }
.LBB2_30:
0x16c: {  	(v2sf) =	vpush v10, $0xF;
	_ =	sdelay $0xb  }
0x16d: {  	[tilespmem:$0x9D80] =	vst v9  }
0x16e: {  	[tilespmem:$0x9D90] =	vst v6  }
0x16f: {  	[tilespmem:$0x9E80] =	vst v8  }
0x170: {  	[tilespmem:$0x9E90] =	vst v5;
	s30 =	spop (v2sf)  }
.LBB2_31:
0x171: {  	v5 =	vld [tilespmem:s26+$0x20];
	_ =	sdelay $0x4  }
0x172: {  	vm1 =	vge.f32 v5, v4  }
0x173: {  	v6 =	vsel vm1, $0x1, v2  }
0x174: {  	(xrf0) =	vadd.scan.msk.s32 $0xffff, v6;
	_ =	sdelay $0x5  }
0x175: {  	v6, _, _ =	vpop (xrf0)  }
0x176: {  	(v2sf) =	vpush v6, $0xF;
	_ =	sdelay $0xc  }
0x177: {  	p0 =	sgt.s32 s31, $0xF0  }
0x178: {  	s31 =	simm.s32 @p0 $0x20;
	v7 =	vsel vm1, $0xFFFFFFFF, v2  }
0x179: {  	v7 =	vadd.s32 s31, v7;
	s0 =	spop (v2sf)  }
0x17a: {  	v6 =	vadd.s32 v6, v7;
	s31 =	sadd.s32 s31, s0  }
0x17b: {  	p0 =	slt.s32 s31, $0xF1  }
.Ltmp31:
0x17c: {  	_ = 	snop;
	(pc) =	sbr.rel @p0 .LBB2_44-.Ltmp31, $4  }
0x17d: {  	_ = 	snop  }
0x17e: {  	s15 =	sadd.s32 $0x20, s28  }
0x17f: {  	v7 =	vor.u32 s15, v1;
	[tilespmem:v6+s16+$0x0] =	vst.idx.msk vm1, v5  }
0x180: {  	[tilespmem:v6+s17+$0x0] =	vst.idx.msk vm1, v7  }
0x181: {  	s0 =	sadd.s32 $0xF, s31  }
0x182: {  	s3 =	sand.u32 $0xF, s0  }
0x183: {  	s6 =	sshra.s32 s0, $0x1F;
	p0 =	slt.s32 s0, $0x0;
	p1 =	sne.s32 s3, $0x0  }
.Ltmp32:
0x184: {  	s15 =	sshrl.u32 s6, $0x1C;
	p0 =	por !p0, !p1;
	(pc) =	sbr.rel .LBB2_33-.Ltmp32, $4  }
0x185: {  	s3 =	simm.s32 $0x1;
	s0 =	sadd.s32 s15, s0;
	p0 =	por !p0, !p0  }
0x186: {  	s0 =	sshra.s32 s0, $0x4;
	s3 =	simm.s32 @!p0 $0x0  }
0x187: {  	v7 =	vmov s31;
	v6 =	vimm.f32 $-Inf;
	s30 =	ssub.s32 s0, s3  }
0x188: {  	v5 =	vimm.s32 $0x40000000;
	v8 =	vimm.s32 $0x40000000;
	v9 =	vimm.f32 $-Inf;
	s3 =	simm.s32 $0x0;
	s0 =	simm.s32 $0x0;
	p0 =	slt.s32 s30, $0x1  }
.LBB2_41:
0x189: {  	vm1 =	veq.f32 v12, v4;
	vm2 =	veq.s32 v13, v11  }
0x18a: {  	vm1 =	vmand vm1, vm2  }
0x18b: {  	v63 =	vsel vm1, $0xFF800000, v12  }
0x18c: {  	[tilespmem:s14+$0x0] =	vst v63  }
.LBB2_42:
0x18d: {  	p1 =	slt.u32 s0, $0x10;
	vm1 =	vmmov vm0  }
0x18e: {  	s6 =	sand.u32 $0xF, s0;
	vm3 =	vmmov vm0;
	vm1 =	vmneg @p1 vm1;
	p1 =	sgt.u32 s0, $0xF;
	s0 =	sadd.s32 $0x1, s0  }
0x18f: {  	vm3 =	vmneg @p1 vm3;
	p1 =	sne.s32 s0, $0x14  }
.Ltmp33:
0x190: {  	v12 =	vmov s6;
	(pc) =	sbr.rel @!p1 .LBB2_43-.Ltmp33, $4  }
0x191: {  	vm2 =	veq.s32 v12, v1  }
0x192: {  	vm1 =	vmand vm1, vm2  }
0x193: {  	vm2 =	vmand vm3, vm2;
	v9 =	vsel vm1, v4, v9  }
0x194: {  	v8 =	vsel vm1, v11, v8;
	v6 =	vsel vm2, v4, v6;
	v5 =	vsel vm2, v11, v5  }
.LBB2_33:
.Ltmp34:
0x195: {  	(pc) =	sbr.rel @p0 .LBB2_34-.Ltmp34, $1  }
0x196: {  	_ =	sdelay $0x3  }
0x197: {  	s6 =	simm.s32 $0x9D80  }
0x198: {  	s14 =	simm.s32 $0x9E80;
	p1 =	sne.s32 s30, $0x1;
	v10 =	vld [tilespmem:s6+$0x0]  }
.Ltmp35:
0x199: {  	v12 =	vld [tilespmem:s14+$0x0];
	(pc) =	sbr.rel @!p1 .LBB2_37-.Ltmp35, $3  }
0x19a: {  	_ =	sdelay $0x1  }
0x19b: {  	v4 =	vor.u32 s3, v1  }
0x19c: {  	s15 =	sadd.s32 $0xFFFFFFFF, s30;
	v11 =	vimm.s32 $0x40000000;
	s8 =	simm.s32 $0x0;
	vm1 =	vlt.s32 v4, v7;
	s6 =	simm.s32 $0x9D90;
	v4 =	vimm.f32 $-Inf  }
.LBB2_36:
0x19d: {  	v13 =	vnsel vm1, $0xFF800000, v10;
	v10 =	vld [tilespmem:s6+$0x0];
	v14 =	vnsel vm1, $0x40000000, v12;
	s14 =	sadd.s32 $0x10, s14;
	p1 =	sne.s32 s15, $0x1  }
.Ltmp36:
0x19e: {  	s15 =	sadd.s32 $0xFFFFFFFF, s15;
	v12 =	vld [tilespmem:s14+$0x0];
	vm1 =	veq.f32 v13, v4;
	vm2 =	vlt.s32 v14, v11;
	(pc) =	sbr.rel @p1 .LBB2_36-.Ltmp36, $4  }
0x19f: {  	vm3 =	vgt.f32 v13, v4;
	vm1 =	vmand vm1, vm2  }
0x1a0: {  	s8 =	sadd.s32 $0x10, s8;
	vm1 =	vmor vm3, vm1  }
0x1a1: {  	v15 =	vor.u32 s8, v1;
	v4 =	vsel vm1, v13, v4;
	v11 =	vsel vm1, v14, v11  }
0x1a2: {  	s6 =	sadd.s32 $0x10, s6;
	vm1 =	vlt.s32 v15, v7  }
.LBB2_37:
0x1a3: {  	v10 =	vnsel vm1, $0xFF800000, v10;
	v12 =	vnsel vm1, $0x40000000, v12  }
.Ltmp37:
0x1a4: {  	vm1 =	veq.f32 v10, v4;
	vm2 =	vlt.s32 v12, v11;
	(pc) =	sbr.rel .LBB2_38-.Ltmp37, $4  }
0x1a5: {  	vm3 =	vgt.f32 v10, v4;
	vm1 =	vmand vm1, vm2  }
0x1a6: {  	vm1 =	vmor vm3, vm1  }
0x1a7: {  	v11 =	vsel vm1, v12, v11  }
0x1a8: {  	v12 =	vsel vm1, v10, v4;
	v11 =	vxor.u32 $0x80000000, v11  }
.LBB2_34:
0x1a9: {  	v11 =	vimm.s32 $0xC0000000;
	v12 =	vimm.f32 $-Inf  }
.LBB2_38:
0x1aa: {  	(xrf0) =	vmax.scan.msk.f32 $0xffff, v12;
	_ =	sdelay $0x5  }
0x1ab: {  	v10, _, _ =	vpop (xrf0)  }
0x1ac: {  	v4 =	vbroadcast v10, $0xF;
	_ =	sdelay $0x1  }
0x1ad: {  	vm1 =	veq.f32 v12, v4  }
0x1ae: {  	v11 =	vnsel vm1, $0xC0000000, v11  }
0x1af: {  	(xrf0) =	vmin.scan.msk.u32 $0xffff, v11;
	_ =	sdelay $0x5  }
0x1b0: {  	v11, _, _ =	vpop (xrf0)  }
0x1b1: {  	(v2sf) =	vpush v11, $0xF;
	_ =	sdelay $0xc  }
.Ltmp38:
0x1b2: {  	_ = 	snop;
	(pc) =	sbr.rel @p0 .LBB2_42-.Ltmp38, $4  }
0x1b3: {  	_ = 	snop  }
0x1b4: {  	s6 =	spop (v2sf)  }
0x1b5: {  	s6 =	sxor.u32 $0x80000000, s6  }
0x1b6: {  	v11 =	vmov s6  }
0x1b7: {  	s14 =	simm.s32 $0x9D80  }
0x1b8: {  	s6 =	simm.s32 $0x9E80;
	p1 =	sne.s32 s30, $0x1;
	v12 =	vld [tilespmem:s14+$0x0]  }
.Ltmp39:
0x1b9: {  	v13 =	vld [tilespmem:s6+$0x0];
	(pc) =	sbr.rel @!p1 .LBB2_41-.Ltmp39, $2  }
0x1ba: {  	_ =	sdelay $0x2  }
0x1bb: {  	s8 =	sadd.s32 $0xFFFFFFFF, s30  }
.LBB2_40:
0x1bc: {  	p1 =	sne.s32 s8, $0x1;
	_ =	sdelay $0x3  }
0x1bd: {  	vm1 =	veq.f32 v12, v4;
	vm2 =	veq.s32 v13, v11  }
.Ltmp40:
0x1be: {  	vm1 =	vmand vm1, vm2;
	(pc) =	sbr.rel @p1 .LBB2_40-.Ltmp40, $4  }
0x1bf: {  	v12 =	vsel vm1, $0xFF800000, v12  }
0x1c0: {  	[tilespmem:s14+$0x0] =	vst v12;
	s14 =	sadd.s32 $0x10, s14  }
0x1c1: {  	s6 =	sadd.s32 $0x10, s6;
	v12 =	vld [tilespmem:s14+$0x0]  }
0x1c2: {  	s8 =	sadd.s32 $0xFFFFFFFF, s8;
	v13 =	vld [tilespmem:s6+$0x0]  }
.Ltmp41:
0x1c3: {  	_ = 	snop;
	(pc) =	sbr.rel .LBB2_41-.Ltmp41, $1  }
0x1c4: {  	_ =	sdelay $0x3  }
.LBB2_43:
0x1c5: {  	(v2sf) =	vpush v10, $0xF;
	_ =	sdelay $0xb  }
0x1c6: {  	[tilespmem:$0x9D80] =	vst v9  }
0x1c7: {  	[tilespmem:$0x9D90] =	vst v6  }
0x1c8: {  	[tilespmem:$0x9E80] =	vst v8  }
0x1c9: {  	[tilespmem:$0x9E90] =	vst v5;
	s30 =	spop (v2sf)  }
.LBB2_44:
0x1ca: {  	v5 =	vld [tilespmem:s26+$0x30];
	_ =	sdelay $0x4  }
0x1cb: {  	vm1 =	vge.f32 v5, v4  }
0x1cc: {  	v6 =	vsel vm1, $0x1, v2  }
0x1cd: {  	(xrf0) =	vadd.scan.msk.s32 $0xffff, v6;
	_ =	sdelay $0x5  }
0x1ce: {  	v6, _, _ =	vpop (xrf0)  }
0x1cf: {  	(v2sf) =	vpush v6, $0xF;
	_ =	sdelay $0xc  }
0x1d0: {  	p0 =	sgt.s32 s31, $0xF0  }
0x1d1: {  	s31 =	simm.s32 @p0 $0x20;
	v7 =	vsel vm1, $0xFFFFFFFF, v2  }
0x1d2: {  	v7 =	vadd.s32 s31, v7;
	s0 =	spop (v2sf)  }
0x1d3: {  	v6 =	vadd.s32 v6, v7;
	s31 =	sadd.s32 s31, s0  }
0x1d4: {  	p0 =	slt.s32 s31, $0xF1  }
.Ltmp42:
0x1d5: {  	_ = 	snop;
	(pc) =	sbr.rel @p0 .LBB2_57-.Ltmp42, $4  }
0x1d6: {  	_ = 	snop  }
0x1d7: {  	s15 =	sadd.s32 $0x30, s28  }
0x1d8: {  	v7 =	vor.u32 s15, v1;
	[tilespmem:v6+s16+$0x0] =	vst.idx.msk vm1, v5  }
0x1d9: {  	[tilespmem:v6+s17+$0x0] =	vst.idx.msk vm1, v7  }
0x1da: {  	s0 =	sadd.s32 $0xF, s31  }
0x1db: {  	s3 =	sand.u32 $0xF, s0  }
0x1dc: {  	s6 =	sshra.s32 s0, $0x1F;
	p0 =	slt.s32 s0, $0x0;
	p1 =	sne.s32 s3, $0x0  }
.Ltmp43:
0x1dd: {  	s15 =	sshrl.u32 s6, $0x1C;
	p0 =	por !p0, !p1;
	(pc) =	sbr.rel .LBB2_46-.Ltmp43, $4  }
0x1de: {  	s3 =	simm.s32 $0x1;
	s0 =	sadd.s32 s15, s0;
	p0 =	por !p0, !p0  }
0x1df: {  	s0 =	sshra.s32 s0, $0x4;
	s3 =	simm.s32 @!p0 $0x0  }
0x1e0: {  	v7 =	vmov s31;
	v6 =	vimm.f32 $-Inf;
	s30 =	ssub.s32 s0, s3  }
0x1e1: {  	v5 =	vimm.s32 $0x40000000;
	v8 =	vimm.s32 $0x40000000;
	v9 =	vimm.f32 $-Inf;
	s3 =	simm.s32 $0x0;
	s0 =	simm.s32 $0x0;
	p0 =	slt.s32 s30, $0x1  }
.LBB2_54:
0x1e2: {  	vm1 =	veq.f32 v12, v4;
	vm2 =	veq.s32 v13, v11  }
0x1e3: {  	vm1 =	vmand vm1, vm2  }
0x1e4: {  	v63 =	vsel vm1, $0xFF800000, v12  }
0x1e5: {  	[tilespmem:s14+$0x0] =	vst v63  }
.LBB2_55:
0x1e6: {  	p1 =	slt.u32 s0, $0x10;
	vm1 =	vmmov vm0  }
0x1e7: {  	s6 =	sand.u32 $0xF, s0;
	vm3 =	vmmov vm0;
	vm1 =	vmneg @p1 vm1;
	p1 =	sgt.u32 s0, $0xF;
	s0 =	sadd.s32 $0x1, s0  }
0x1e8: {  	vm3 =	vmneg @p1 vm3;
	p1 =	sne.s32 s0, $0x14  }
.Ltmp44:
0x1e9: {  	v12 =	vmov s6;
	(pc) =	sbr.rel @!p1 .LBB2_56-.Ltmp44, $4  }
0x1ea: {  	vm2 =	veq.s32 v12, v1  }
0x1eb: {  	vm1 =	vmand vm1, vm2  }
0x1ec: {  	vm2 =	vmand vm3, vm2;
	v9 =	vsel vm1, v4, v9  }
0x1ed: {  	v8 =	vsel vm1, v11, v8;
	v6 =	vsel vm2, v4, v6;
	v5 =	vsel vm2, v11, v5  }
.LBB2_46:
.Ltmp45:
0x1ee: {  	(pc) =	sbr.rel @p0 .LBB2_47-.Ltmp45, $1  }
0x1ef: {  	_ =	sdelay $0x3  }
0x1f0: {  	s6 =	simm.s32 $0x9D80  }
0x1f1: {  	s14 =	simm.s32 $0x9E80;
	p1 =	sne.s32 s30, $0x1;
	v10 =	vld [tilespmem:s6+$0x0]  }
.Ltmp46:
0x1f2: {  	v12 =	vld [tilespmem:s14+$0x0];
	(pc) =	sbr.rel @!p1 .LBB2_50-.Ltmp46, $3  }
0x1f3: {  	_ =	sdelay $0x1  }
0x1f4: {  	v4 =	vor.u32 s3, v1  }
0x1f5: {  	s15 =	sadd.s32 $0xFFFFFFFF, s30;
	v11 =	vimm.s32 $0x40000000;
	s8 =	simm.s32 $0x0;
	vm1 =	vlt.s32 v4, v7;
	s6 =	simm.s32 $0x9D90;
	v4 =	vimm.f32 $-Inf  }
.LBB2_49:
0x1f6: {  	v13 =	vnsel vm1, $0xFF800000, v10;
	v10 =	vld [tilespmem:s6+$0x0];
	v14 =	vnsel vm1, $0x40000000, v12;
	s14 =	sadd.s32 $0x10, s14;
	p1 =	sne.s32 s15, $0x1  }
.Ltmp47:
0x1f7: {  	s15 =	sadd.s32 $0xFFFFFFFF, s15;
	v12 =	vld [tilespmem:s14+$0x0];
	vm1 =	veq.f32 v13, v4;
	vm2 =	vlt.s32 v14, v11;
	(pc) =	sbr.rel @p1 .LBB2_49-.Ltmp47, $4  }
0x1f8: {  	vm3 =	vgt.f32 v13, v4;
	vm1 =	vmand vm1, vm2  }
0x1f9: {  	s8 =	sadd.s32 $0x10, s8;
	vm1 =	vmor vm3, vm1  }
0x1fa: {  	v15 =	vor.u32 s8, v1;
	v4 =	vsel vm1, v13, v4;
	v11 =	vsel vm1, v14, v11  }
0x1fb: {  	s6 =	sadd.s32 $0x10, s6;
	vm1 =	vlt.s32 v15, v7  }
.LBB2_50:
0x1fc: {  	v10 =	vnsel vm1, $0xFF800000, v10;
	v12 =	vnsel vm1, $0x40000000, v12  }
.Ltmp48:
0x1fd: {  	vm1 =	veq.f32 v10, v4;
	vm2 =	vlt.s32 v12, v11;
	(pc) =	sbr.rel .LBB2_51-.Ltmp48, $4  }
0x1fe: {  	vm3 =	vgt.f32 v10, v4;
	vm1 =	vmand vm1, vm2  }
0x1ff: {  	vm1 =	vmor vm3, vm1  }
0x200: {  	v11 =	vsel vm1, v12, v11  }
0x201: {  	v12 =	vsel vm1, v10, v4;
	v11 =	vxor.u32 $0x80000000, v11  }
.LBB2_47:
0x202: {  	v11 =	vimm.s32 $0xC0000000;
	v12 =	vimm.f32 $-Inf  }
.LBB2_51:
0x203: {  	(xrf0) =	vmax.scan.msk.f32 $0xffff, v12;
	_ =	sdelay $0x5  }
0x204: {  	v10, _, _ =	vpop (xrf0)  }
0x205: {  	v4 =	vbroadcast v10, $0xF;
	_ =	sdelay $0x1  }
0x206: {  	vm1 =	veq.f32 v12, v4  }
0x207: {  	v11 =	vnsel vm1, $0xC0000000, v11  }
0x208: {  	(xrf0) =	vmin.scan.msk.u32 $0xffff, v11;
	_ =	sdelay $0x5  }
0x209: {  	v11, _, _ =	vpop (xrf0)  }
0x20a: {  	(v2sf) =	vpush v11, $0xF;
	_ =	sdelay $0xc  }
.Ltmp49:
0x20b: {  	_ = 	snop;
	(pc) =	sbr.rel @p0 .LBB2_55-.Ltmp49, $4  }
0x20c: {  	_ = 	snop  }
0x20d: {  	s6 =	spop (v2sf)  }
0x20e: {  	s6 =	sxor.u32 $0x80000000, s6  }
0x20f: {  	v11 =	vmov s6  }
0x210: {  	s14 =	simm.s32 $0x9D80  }
0x211: {  	s6 =	simm.s32 $0x9E80;
	p1 =	sne.s32 s30, $0x1;
	v12 =	vld [tilespmem:s14+$0x0]  }
.Ltmp50:
0x212: {  	v13 =	vld [tilespmem:s6+$0x0];
	(pc) =	sbr.rel @!p1 .LBB2_54-.Ltmp50, $2  }
0x213: {  	_ =	sdelay $0x2  }
0x214: {  	s8 =	sadd.s32 $0xFFFFFFFF, s30  }
.LBB2_53:
0x215: {  	p1 =	sne.s32 s8, $0x1;
	_ =	sdelay $0x3  }
0x216: {  	vm1 =	veq.f32 v12, v4;
	vm2 =	veq.s32 v13, v11  }
.Ltmp51:
0x217: {  	vm1 =	vmand vm1, vm2;
	(pc) =	sbr.rel @p1 .LBB2_53-.Ltmp51, $4  }
0x218: {  	v12 =	vsel vm1, $0xFF800000, v12  }
0x219: {  	[tilespmem:s14+$0x0] =	vst v12;
	s14 =	sadd.s32 $0x10, s14  }
0x21a: {  	s6 =	sadd.s32 $0x10, s6;
	v12 =	vld [tilespmem:s14+$0x0]  }
0x21b: {  	s8 =	sadd.s32 $0xFFFFFFFF, s8;
	v13 =	vld [tilespmem:s6+$0x0]  }
.Ltmp52:
0x21c: {  	_ = 	snop;
	(pc) =	sbr.rel .LBB2_54-.Ltmp52, $1  }
0x21d: {  	_ =	sdelay $0x3  }
.LBB2_56:
0x21e: {  	(v2sf) =	vpush v10, $0xF;
	_ =	sdelay $0xb  }
0x21f: {  	[tilespmem:$0x9D80] =	vst v9  }
0x220: {  	[tilespmem:$0x9D90] =	vst v6  }
0x221: {  	[tilespmem:$0x9E80] =	vst v8  }
0x222: {  	[tilespmem:$0x9E90] =	vst v5;
	s30 =	spop (v2sf)  }
.LBB2_57:
0x223: {  	v5 =	vld [tilespmem:s26+$0x40];
	_ =	sdelay $0x4  }
0x224: {  	vm1 =	vge.f32 v5, v4  }
0x225: {  	v6 =	vsel vm1, $0x1, v2  }
0x226: {  	(xrf0) =	vadd.scan.msk.s32 $0xffff, v6;
	_ =	sdelay $0x5  }
0x227: {  	v6, _, _ =	vpop (xrf0)  }
0x228: {  	(v2sf) =	vpush v6, $0xF;
	_ =	sdelay $0xc  }
0x229: {  	p0 =	sgt.s32 s31, $0xF0  }
0x22a: {  	s31 =	simm.s32 @p0 $0x20;
	v7 =	vsel vm1, $0xFFFFFFFF, v2  }
0x22b: {  	v7 =	vadd.s32 s31, v7;
	s0 =	spop (v2sf)  }
0x22c: {  	v6 =	vadd.s32 v6, v7;
	s31 =	sadd.s32 s31, s0  }
0x22d: {  	p0 =	slt.s32 s31, $0xF1  }
.Ltmp53:
0x22e: {  	_ = 	snop;
	(pc) =	sbr.rel @p0 .LBB2_70-.Ltmp53, $4  }
0x22f: {  	_ = 	snop  }
0x230: {  	s15 =	sadd.s32 $0x40, s28  }
0x231: {  	v7 =	vor.u32 s15, v1;
	[tilespmem:v6+s16+$0x0] =	vst.idx.msk vm1, v5  }
0x232: {  	[tilespmem:v6+s17+$0x0] =	vst.idx.msk vm1, v7  }
0x233: {  	s0 =	sadd.s32 $0xF, s31  }
0x234: {  	s3 =	sand.u32 $0xF, s0  }
0x235: {  	s6 =	sshra.s32 s0, $0x1F;
	p0 =	slt.s32 s0, $0x0;
	p1 =	sne.s32 s3, $0x0  }
.Ltmp54:
0x236: {  	s15 =	sshrl.u32 s6, $0x1C;
	p0 =	por !p0, !p1;
	(pc) =	sbr.rel .LBB2_59-.Ltmp54, $4  }
0x237: {  	s3 =	simm.s32 $0x1;
	s0 =	sadd.s32 s15, s0;
	p0 =	por !p0, !p0  }
0x238: {  	s0 =	sshra.s32 s0, $0x4;
	s3 =	simm.s32 @!p0 $0x0  }
0x239: {  	v7 =	vmov s31;
	v6 =	vimm.f32 $-Inf;
	s30 =	ssub.s32 s0, s3  }
0x23a: {  	v5 =	vimm.s32 $0x40000000;
	v8 =	vimm.s32 $0x40000000;
	v9 =	vimm.f32 $-Inf;
	s3 =	simm.s32 $0x0;
	s0 =	simm.s32 $0x0;
	p0 =	slt.s32 s30, $0x1  }
.LBB2_67:
0x23b: {  	vm1 =	veq.f32 v12, v4;
	vm2 =	veq.s32 v13, v11  }
0x23c: {  	vm1 =	vmand vm1, vm2  }
0x23d: {  	v63 =	vsel vm1, $0xFF800000, v12  }
0x23e: {  	[tilespmem:s14+$0x0] =	vst v63  }
.LBB2_68:
0x23f: {  	p1 =	slt.u32 s0, $0x10;
	vm1 =	vmmov vm0  }
0x240: {  	s6 =	sand.u32 $0xF, s0;
	vm3 =	vmmov vm0;
	vm1 =	vmneg @p1 vm1;
	p1 =	sgt.u32 s0, $0xF;
	s0 =	sadd.s32 $0x1, s0  }
0x241: {  	vm3 =	vmneg @p1 vm3;
	p1 =	sne.s32 s0, $0x14  }
.Ltmp55:
0x242: {  	v12 =	vmov s6;
	(pc) =	sbr.rel @!p1 .LBB2_69-.Ltmp55, $4  }
0x243: {  	vm2 =	veq.s32 v12, v1  }
0x244: {  	vm1 =	vmand vm1, vm2  }
0x245: {  	vm2 =	vmand vm3, vm2;
	v9 =	vsel vm1, v4, v9  }
0x246: {  	v8 =	vsel vm1, v11, v8;
	v6 =	vsel vm2, v4, v6;
	v5 =	vsel vm2, v11, v5  }
.LBB2_59:
.Ltmp56:
0x247: {  	(pc) =	sbr.rel @p0 .LBB2_60-.Ltmp56, $1  }
0x248: {  	_ =	sdelay $0x3  }
0x249: {  	s6 =	simm.s32 $0x9D80  }
0x24a: {  	s14 =	simm.s32 $0x9E80;
	p1 =	sne.s32 s30, $0x1;
	v10 =	vld [tilespmem:s6+$0x0]  }
.Ltmp57:
0x24b: {  	v12 =	vld [tilespmem:s14+$0x0];
	(pc) =	sbr.rel @!p1 .LBB2_63-.Ltmp57, $3  }
0x24c: {  	_ =	sdelay $0x1  }
0x24d: {  	v4 =	vor.u32 s3, v1  }
0x24e: {  	s15 =	sadd.s32 $0xFFFFFFFF, s30;
	v11 =	vimm.s32 $0x40000000;
	s8 =	simm.s32 $0x0;
	vm1 =	vlt.s32 v4, v7;
	s6 =	simm.s32 $0x9D90;
	v4 =	vimm.f32 $-Inf  }
.LBB2_62:
0x24f: {  	v13 =	vnsel vm1, $0xFF800000, v10;
	v10 =	vld [tilespmem:s6+$0x0];
	v14 =	vnsel vm1, $0x40000000, v12;
	s14 =	sadd.s32 $0x10, s14;
	p1 =	sne.s32 s15, $0x1  }
.Ltmp58:
0x250: {  	s15 =	sadd.s32 $0xFFFFFFFF, s15;
	v12 =	vld [tilespmem:s14+$0x0];
	vm1 =	veq.f32 v13, v4;
	vm2 =	vlt.s32 v14, v11;
	(pc) =	sbr.rel @p1 .LBB2_62-.Ltmp58, $4  }
0x251: {  	vm3 =	vgt.f32 v13, v4;
	vm1 =	vmand vm1, vm2  }
0x252: {  	s8 =	sadd.s32 $0x10, s8;
	vm1 =	vmor vm3, vm1  }
0x253: {  	v15 =	vor.u32 s8, v1;
	v4 =	vsel vm1, v13, v4;
	v11 =	vsel vm1, v14, v11  }
0x254: {  	s6 =	sadd.s32 $0x10, s6;
	vm1 =	vlt.s32 v15, v7  }
.LBB2_63:
0x255: {  	v10 =	vnsel vm1, $0xFF800000, v10;
	v12 =	vnsel vm1, $0x40000000, v12  }
.Ltmp59:
0x256: {  	vm1 =	veq.f32 v10, v4;
	vm2 =	vlt.s32 v12, v11;
	(pc) =	sbr.rel .LBB2_64-.Ltmp59, $4  }
0x257: {  	vm3 =	vgt.f32 v10, v4;
	vm1 =	vmand vm1, vm2  }
0x258: {  	vm1 =	vmor vm3, vm1  }
0x259: {  	v11 =	vsel vm1, v12, v11  }
0x25a: {  	v12 =	vsel vm1, v10, v4;
	v11 =	vxor.u32 $0x80000000, v11  }
.LBB2_60:
0x25b: {  	v11 =	vimm.s32 $0xC0000000;
	v12 =	vimm.f32 $-Inf  }
.LBB2_64:
0x25c: {  	(xrf0) =	vmax.scan.msk.f32 $0xffff, v12;
	_ =	sdelay $0x5  }
0x25d: {  	v10, _, _ =	vpop (xrf0)  }
0x25e: {  	v4 =	vbroadcast v10, $0xF;
	_ =	sdelay $0x1  }
0x25f: {  	vm1 =	veq.f32 v12, v4  }
0x260: {  	v11 =	vnsel vm1, $0xC0000000, v11  }
0x261: {  	(xrf0) =	vmin.scan.msk.u32 $0xffff, v11;
	_ =	sdelay $0x5  }
0x262: {  	v11, _, _ =	vpop (xrf0)  }
0x263: {  	(v2sf) =	vpush v11, $0xF;
	_ =	sdelay $0xc  }
.Ltmp60:
0x264: {  	_ = 	snop;
	(pc) =	sbr.rel @p0 .LBB2_68-.Ltmp60, $4  }
0x265: {  	_ = 	snop  }
0x266: {  	s6 =	spop (v2sf)  }
0x267: {  	s6 =	sxor.u32 $0x80000000, s6  }
0x268: {  	v11 =	vmov s6  }
0x269: {  	s14 =	simm.s32 $0x9D80  }
0x26a: {  	s6 =	simm.s32 $0x9E80;
	p1 =	sne.s32 s30, $0x1;
	v12 =	vld [tilespmem:s14+$0x0]  }
.Ltmp61:
0x26b: {  	v13 =	vld [tilespmem:s6+$0x0];
	(pc) =	sbr.rel @!p1 .LBB2_67-.Ltmp61, $2  }
0x26c: {  	_ =	sdelay $0x2  }
0x26d: {  	s8 =	sadd.s32 $0xFFFFFFFF, s30  }
.LBB2_66:
0x26e: {  	p1 =	sne.s32 s8, $0x1;
	_ =	sdelay $0x3  }
0x26f: {  	vm1 =	veq.f32 v12, v4;
	vm2 =	veq.s32 v13, v11  }
.Ltmp62:
0x270: {  	vm1 =	vmand vm1, vm2;
	(pc) =	sbr.rel @p1 .LBB2_66-.Ltmp62, $4  }
0x271: {  	v12 =	vsel vm1, $0xFF800000, v12  }
0x272: {  	[tilespmem:s14+$0x0] =	vst v12;
	s14 =	sadd.s32 $0x10, s14  }
0x273: {  	s6 =	sadd.s32 $0x10, s6;
	v12 =	vld [tilespmem:s14+$0x0]  }
0x274: {  	s8 =	sadd.s32 $0xFFFFFFFF, s8;
	v13 =	vld [tilespmem:s6+$0x0]  }
.Ltmp63:
0x275: {  	_ = 	snop;
	(pc) =	sbr.rel .LBB2_67-.Ltmp63, $1  }
0x276: {  	_ =	sdelay $0x3  }
.LBB2_69:
0x277: {  	(v2sf) =	vpush v10, $0xF;
	_ =	sdelay $0xb  }
0x278: {  	[tilespmem:$0x9D80] =	vst v9  }
0x279: {  	[tilespmem:$0x9D90] =	vst v6  }
0x27a: {  	[tilespmem:$0x9E80] =	vst v8  }
0x27b: {  	[tilespmem:$0x9E90] =	vst v5;
	s30 =	spop (v2sf)  }
.LBB2_70:
0x27c: {  	v5 =	vld [tilespmem:s26+$0x50];
	_ =	sdelay $0x4  }
0x27d: {  	vm1 =	vge.f32 v5, v4  }
0x27e: {  	v6 =	vsel vm1, $0x1, v2  }
0x27f: {  	(xrf0) =	vadd.scan.msk.s32 $0xffff, v6;
	_ =	sdelay $0x5  }
0x280: {  	v6, _, _ =	vpop (xrf0)  }
0x281: {  	(v2sf) =	vpush v6, $0xF;
	_ =	sdelay $0xc  }
0x282: {  	p0 =	sgt.s32 s31, $0xF0  }
0x283: {  	s31 =	simm.s32 @p0 $0x20;
	v7 =	vsel vm1, $0xFFFFFFFF, v2  }
0x284: {  	v7 =	vadd.s32 s31, v7;
	s0 =	spop (v2sf)  }
0x285: {  	v6 =	vadd.s32 v6, v7;
	s31 =	sadd.s32 s31, s0  }
0x286: {  	p0 =	slt.s32 s31, $0xF1  }
.Ltmp64:
0x287: {  	_ = 	snop;
	(pc) =	sbr.rel @p0 .LBB2_83-.Ltmp64, $4  }
0x288: {  	_ = 	snop  }
0x289: {  	s15 =	sadd.s32 $0x50, s28  }
0x28a: {  	v7 =	vor.u32 s15, v1;
	[tilespmem:v6+s16+$0x0] =	vst.idx.msk vm1, v5  }
0x28b: {  	[tilespmem:v6+s17+$0x0] =	vst.idx.msk vm1, v7  }
0x28c: {  	s0 =	sadd.s32 $0xF, s31  }
0x28d: {  	s3 =	sand.u32 $0xF, s0  }
0x28e: {  	s6 =	sshra.s32 s0, $0x1F;
	p0 =	slt.s32 s0, $0x0;
	p1 =	sne.s32 s3, $0x0  }
.Ltmp65:
0x28f: {  	s15 =	sshrl.u32 s6, $0x1C;
	p0 =	por !p0, !p1;
	(pc) =	sbr.rel .LBB2_72-.Ltmp65, $4  }
0x290: {  	s3 =	simm.s32 $0x1;
	s0 =	sadd.s32 s15, s0;
	p0 =	por !p0, !p0  }
0x291: {  	s0 =	sshra.s32 s0, $0x4;
	s3 =	simm.s32 @!p0 $0x0  }
0x292: {  	v7 =	vmov s31;
	v6 =	vimm.f32 $-Inf;
	s30 =	ssub.s32 s0, s3  }
0x293: {  	v5 =	vimm.s32 $0x40000000;
	v8 =	vimm.s32 $0x40000000;
	v9 =	vimm.f32 $-Inf;
	s3 =	simm.s32 $0x0;
	s0 =	simm.s32 $0x0;
	p0 =	slt.s32 s30, $0x1  }
.LBB2_80:
0x294: {  	vm1 =	veq.f32 v12, v4;
	vm2 =	veq.s32 v13, v11  }
0x295: {  	vm1 =	vmand vm1, vm2  }
0x296: {  	v63 =	vsel vm1, $0xFF800000, v12  }
0x297: {  	[tilespmem:s14+$0x0] =	vst v63  }
.LBB2_81:
0x298: {  	p1 =	slt.u32 s0, $0x10;
	vm1 =	vmmov vm0  }
0x299: {  	s6 =	sand.u32 $0xF, s0;
	vm3 =	vmmov vm0;
	vm1 =	vmneg @p1 vm1;
	p1 =	sgt.u32 s0, $0xF;
	s0 =	sadd.s32 $0x1, s0  }
0x29a: {  	vm3 =	vmneg @p1 vm3;
	p1 =	sne.s32 s0, $0x14  }
.Ltmp66:
0x29b: {  	v12 =	vmov s6;
	(pc) =	sbr.rel @!p1 .LBB2_82-.Ltmp66, $4  }
0x29c: {  	vm2 =	veq.s32 v12, v1  }
0x29d: {  	vm1 =	vmand vm1, vm2  }
0x29e: {  	vm2 =	vmand vm3, vm2;
	v9 =	vsel vm1, v4, v9  }
0x29f: {  	v8 =	vsel vm1, v11, v8;
	v6 =	vsel vm2, v4, v6;
	v5 =	vsel vm2, v11, v5  }
.LBB2_72:
.Ltmp67:
0x2a0: {  	(pc) =	sbr.rel @p0 .LBB2_73-.Ltmp67, $1  }
0x2a1: {  	_ =	sdelay $0x3  }
0x2a2: {  	s6 =	simm.s32 $0x9D80  }
0x2a3: {  	s14 =	simm.s32 $0x9E80;
	p1 =	sne.s32 s30, $0x1;
	v10 =	vld [tilespmem:s6+$0x0]  }
.Ltmp68:
0x2a4: {  	v12 =	vld [tilespmem:s14+$0x0];
	(pc) =	sbr.rel @!p1 .LBB2_76-.Ltmp68, $3  }
0x2a5: {  	_ =	sdelay $0x1  }
0x2a6: {  	v4 =	vor.u32 s3, v1  }
0x2a7: {  	s15 =	sadd.s32 $0xFFFFFFFF, s30;
	v11 =	vimm.s32 $0x40000000;
	s8 =	simm.s32 $0x0;
	vm1 =	vlt.s32 v4, v7;
	s6 =	simm.s32 $0x9D90;
	v4 =	vimm.f32 $-Inf  }
.LBB2_75:
0x2a8: {  	v13 =	vnsel vm1, $0xFF800000, v10;
	v10 =	vld [tilespmem:s6+$0x0];
	v14 =	vnsel vm1, $0x40000000, v12;
	s14 =	sadd.s32 $0x10, s14;
	p1 =	sne.s32 s15, $0x1  }
.Ltmp69:
0x2a9: {  	s15 =	sadd.s32 $0xFFFFFFFF, s15;
	v12 =	vld [tilespmem:s14+$0x0];
	vm1 =	veq.f32 v13, v4;
	vm2 =	vlt.s32 v14, v11;
	(pc) =	sbr.rel @p1 .LBB2_75-.Ltmp69, $4  }
0x2aa: {  	vm3 =	vgt.f32 v13, v4;
	vm1 =	vmand vm1, vm2  }
0x2ab: {  	s8 =	sadd.s32 $0x10, s8;
	vm1 =	vmor vm3, vm1  }
0x2ac: {  	v15 =	vor.u32 s8, v1;
	v4 =	vsel vm1, v13, v4;
	v11 =	vsel vm1, v14, v11  }
0x2ad: {  	s6 =	sadd.s32 $0x10, s6;
	vm1 =	vlt.s32 v15, v7  }
.LBB2_76:
0x2ae: {  	v10 =	vnsel vm1, $0xFF800000, v10;
	v12 =	vnsel vm1, $0x40000000, v12  }
.Ltmp70:
0x2af: {  	vm1 =	veq.f32 v10, v4;
	vm2 =	vlt.s32 v12, v11;
	(pc) =	sbr.rel .LBB2_77-.Ltmp70, $4  }
0x2b0: {  	vm3 =	vgt.f32 v10, v4;
	vm1 =	vmand vm1, vm2  }
0x2b1: {  	vm1 =	vmor vm3, vm1  }
0x2b2: {  	v11 =	vsel vm1, v12, v11  }
0x2b3: {  	v12 =	vsel vm1, v10, v4;
	v11 =	vxor.u32 $0x80000000, v11  }
.LBB2_73:
0x2b4: {  	v11 =	vimm.s32 $0xC0000000;
	v12 =	vimm.f32 $-Inf  }
.LBB2_77:
0x2b5: {  	(xrf0) =	vmax.scan.msk.f32 $0xffff, v12;
	_ =	sdelay $0x5  }
0x2b6: {  	v10, _, _ =	vpop (xrf0)  }
0x2b7: {  	v4 =	vbroadcast v10, $0xF;
	_ =	sdelay $0x1  }
0x2b8: {  	vm1 =	veq.f32 v12, v4  }
0x2b9: {  	v11 =	vnsel vm1, $0xC0000000, v11  }
0x2ba: {  	(xrf0) =	vmin.scan.msk.u32 $0xffff, v11;
	_ =	sdelay $0x5  }
0x2bb: {  	v11, _, _ =	vpop (xrf0)  }
0x2bc: {  	(v2sf) =	vpush v11, $0xF;
	_ =	sdelay $0xc  }
.Ltmp71:
0x2bd: {  	_ = 	snop;
	(pc) =	sbr.rel @p0 .LBB2_81-.Ltmp71, $4  }
0x2be: {  	_ = 	snop  }
0x2bf: {  	s6 =	spop (v2sf)  }
0x2c0: {  	s6 =	sxor.u32 $0x80000000, s6  }
0x2c1: {  	v11 =	vmov s6  }
0x2c2: {  	s14 =	simm.s32 $0x9D80  }
0x2c3: {  	s6 =	simm.s32 $0x9E80;
	p1 =	sne.s32 s30, $0x1;
	v12 =	vld [tilespmem:s14+$0x0]  }
.Ltmp72:
0x2c4: {  	v13 =	vld [tilespmem:s6+$0x0];
	(pc) =	sbr.rel @!p1 .LBB2_80-.Ltmp72, $2  }
0x2c5: {  	_ =	sdelay $0x2  }
0x2c6: {  	s8 =	sadd.s32 $0xFFFFFFFF, s30  }
.LBB2_79:
0x2c7: {  	p1 =	sne.s32 s8, $0x1;
	_ =	sdelay $0x3  }
0x2c8: {  	vm1 =	veq.f32 v12, v4;
	vm2 =	veq.s32 v13, v11  }
.Ltmp73:
0x2c9: {  	vm1 =	vmand vm1, vm2;
	(pc) =	sbr.rel @p1 .LBB2_79-.Ltmp73, $4  }
0x2ca: {  	v12 =	vsel vm1, $0xFF800000, v12  }
0x2cb: {  	[tilespmem:s14+$0x0] =	vst v12;
	s14 =	sadd.s32 $0x10, s14  }
0x2cc: {  	s6 =	sadd.s32 $0x10, s6;
	v12 =	vld [tilespmem:s14+$0x0]  }
0x2cd: {  	s8 =	sadd.s32 $0xFFFFFFFF, s8;
	v13 =	vld [tilespmem:s6+$0x0]  }
.Ltmp74:
0x2ce: {  	_ = 	snop;
	(pc) =	sbr.rel .LBB2_80-.Ltmp74, $1  }
0x2cf: {  	_ =	sdelay $0x3  }
.LBB2_82:
0x2d0: {  	(v2sf) =	vpush v10, $0xF;
	_ =	sdelay $0xb  }
0x2d1: {  	[tilespmem:$0x9D80] =	vst v9  }
0x2d2: {  	[tilespmem:$0x9D90] =	vst v6  }
0x2d3: {  	[tilespmem:$0x9E80] =	vst v8  }
0x2d4: {  	[tilespmem:$0x9E90] =	vst v5;
	s30 =	spop (v2sf)  }
.LBB2_83:
0x2d5: {  	v5 =	vld [tilespmem:s26+$0x60];
	_ =	sdelay $0x4  }
0x2d6: {  	vm1 =	vge.f32 v5, v4  }
0x2d7: {  	v6 =	vsel vm1, $0x1, v2  }
0x2d8: {  	(xrf0) =	vadd.scan.msk.s32 $0xffff, v6;
	_ =	sdelay $0x5  }
0x2d9: {  	v6, _, _ =	vpop (xrf0)  }
0x2da: {  	(v2sf) =	vpush v6, $0xF;
	_ =	sdelay $0xc  }
0x2db: {  	p0 =	sgt.s32 s31, $0xF0  }
0x2dc: {  	s31 =	simm.s32 @p0 $0x20;
	v7 =	vsel vm1, $0xFFFFFFFF, v2  }
0x2dd: {  	v7 =	vadd.s32 s31, v7;
	s0 =	spop (v2sf)  }
0x2de: {  	v6 =	vadd.s32 v6, v7;
	s31 =	sadd.s32 s31, s0  }
0x2df: {  	p0 =	slt.s32 s31, $0xF1  }
.Ltmp75:
0x2e0: {  	_ = 	snop;
	(pc) =	sbr.rel @p0 .LBB2_96-.Ltmp75, $4  }
0x2e1: {  	_ = 	snop  }
0x2e2: {  	s15 =	sadd.s32 $0x60, s28  }
0x2e3: {  	v7 =	vor.u32 s15, v1;
	[tilespmem:v6+s16+$0x0] =	vst.idx.msk vm1, v5  }
0x2e4: {  	[tilespmem:v6+s17+$0x0] =	vst.idx.msk vm1, v7  }
0x2e5: {  	s0 =	sadd.s32 $0xF, s31  }
0x2e6: {  	s3 =	sand.u32 $0xF, s0  }
0x2e7: {  	s6 =	sshra.s32 s0, $0x1F;
	p0 =	slt.s32 s0, $0x0;
	p1 =	sne.s32 s3, $0x0  }
.Ltmp76:
0x2e8: {  	s15 =	sshrl.u32 s6, $0x1C;
	p0 =	por !p0, !p1;
	(pc) =	sbr.rel .LBB2_85-.Ltmp76, $4  }
0x2e9: {  	s3 =	simm.s32 $0x1;
	s0 =	sadd.s32 s15, s0;
	p0 =	por !p0, !p0  }
0x2ea: {  	s0 =	sshra.s32 s0, $0x4;
	s3 =	simm.s32 @!p0 $0x0  }
0x2eb: {  	v7 =	vmov s31;
	v6 =	vimm.f32 $-Inf;
	s30 =	ssub.s32 s0, s3  }
0x2ec: {  	v5 =	vimm.s32 $0x40000000;
	v8 =	vimm.s32 $0x40000000;
	v9 =	vimm.f32 $-Inf;
	s3 =	simm.s32 $0x0;
	s0 =	simm.s32 $0x0;
	p0 =	slt.s32 s30, $0x1  }
.LBB2_93:
0x2ed: {  	vm1 =	veq.f32 v12, v4;
	vm2 =	veq.s32 v13, v11  }
0x2ee: {  	vm1 =	vmand vm1, vm2  }
0x2ef: {  	v63 =	vsel vm1, $0xFF800000, v12  }
0x2f0: {  	[tilespmem:s14+$0x0] =	vst v63  }
.LBB2_94:
0x2f1: {  	p1 =	slt.u32 s0, $0x10;
	vm1 =	vmmov vm0  }
0x2f2: {  	s6 =	sand.u32 $0xF, s0;
	vm3 =	vmmov vm0;
	vm1 =	vmneg @p1 vm1;
	p1 =	sgt.u32 s0, $0xF;
	s0 =	sadd.s32 $0x1, s0  }
0x2f3: {  	vm3 =	vmneg @p1 vm3;
	p1 =	sne.s32 s0, $0x14  }
.Ltmp77:
0x2f4: {  	v12 =	vmov s6;
	(pc) =	sbr.rel @!p1 .LBB2_95-.Ltmp77, $4  }
0x2f5: {  	vm2 =	veq.s32 v12, v1  }
0x2f6: {  	vm1 =	vmand vm1, vm2  }
0x2f7: {  	vm2 =	vmand vm3, vm2;
	v9 =	vsel vm1, v4, v9  }
0x2f8: {  	v8 =	vsel vm1, v11, v8;
	v6 =	vsel vm2, v4, v6;
	v5 =	vsel vm2, v11, v5  }
.LBB2_85:
.Ltmp78:
0x2f9: {  	(pc) =	sbr.rel @p0 .LBB2_86-.Ltmp78, $1  }
0x2fa: {  	_ =	sdelay $0x3  }
0x2fb: {  	s6 =	simm.s32 $0x9D80  }
0x2fc: {  	s14 =	simm.s32 $0x9E80;
	p1 =	sne.s32 s30, $0x1;
	v10 =	vld [tilespmem:s6+$0x0]  }
.Ltmp79:
0x2fd: {  	v12 =	vld [tilespmem:s14+$0x0];
	(pc) =	sbr.rel @!p1 .LBB2_89-.Ltmp79, $3  }
0x2fe: {  	_ =	sdelay $0x1  }
0x2ff: {  	v4 =	vor.u32 s3, v1  }
0x300: {  	s15 =	sadd.s32 $0xFFFFFFFF, s30;
	v11 =	vimm.s32 $0x40000000;
	s8 =	simm.s32 $0x0;
	vm1 =	vlt.s32 v4, v7;
	s6 =	simm.s32 $0x9D90;
	v4 =	vimm.f32 $-Inf  }
.LBB2_88:
0x301: {  	v13 =	vnsel vm1, $0xFF800000, v10;
	v10 =	vld [tilespmem:s6+$0x0];
	v14 =	vnsel vm1, $0x40000000, v12;
	s14 =	sadd.s32 $0x10, s14;
	p1 =	sne.s32 s15, $0x1  }
.Ltmp80:
0x302: {  	s15 =	sadd.s32 $0xFFFFFFFF, s15;
	v12 =	vld [tilespmem:s14+$0x0];
	vm1 =	veq.f32 v13, v4;
	vm2 =	vlt.s32 v14, v11;
	(pc) =	sbr.rel @p1 .LBB2_88-.Ltmp80, $4  }
0x303: {  	vm3 =	vgt.f32 v13, v4;
	vm1 =	vmand vm1, vm2  }
0x304: {  	s8 =	sadd.s32 $0x10, s8;
	vm1 =	vmor vm3, vm1  }
0x305: {  	v15 =	vor.u32 s8, v1;
	v4 =	vsel vm1, v13, v4;
	v11 =	vsel vm1, v14, v11  }
0x306: {  	s6 =	sadd.s32 $0x10, s6;
	vm1 =	vlt.s32 v15, v7  }
.LBB2_89:
0x307: {  	v10 =	vnsel vm1, $0xFF800000, v10;
	v12 =	vnsel vm1, $0x40000000, v12  }
.Ltmp81:
0x308: {  	vm1 =	veq.f32 v10, v4;
	vm2 =	vlt.s32 v12, v11;
	(pc) =	sbr.rel .LBB2_90-.Ltmp81, $4  }
0x309: {  	vm3 =	vgt.f32 v10, v4;
	vm1 =	vmand vm1, vm2  }
0x30a: {  	vm1 =	vmor vm3, vm1  }
0x30b: {  	v11 =	vsel vm1, v12, v11  }
0x30c: {  	v12 =	vsel vm1, v10, v4;
	v11 =	vxor.u32 $0x80000000, v11  }
.LBB2_86:
0x30d: {  	v11 =	vimm.s32 $0xC0000000;
	v12 =	vimm.f32 $-Inf  }
.LBB2_90:
0x30e: {  	(xrf0) =	vmax.scan.msk.f32 $0xffff, v12;
	_ =	sdelay $0x5  }
0x30f: {  	v10, _, _ =	vpop (xrf0)  }
0x310: {  	v4 =	vbroadcast v10, $0xF;
	_ =	sdelay $0x1  }
0x311: {  	vm1 =	veq.f32 v12, v4  }
0x312: {  	v11 =	vnsel vm1, $0xC0000000, v11  }
0x313: {  	(xrf0) =	vmin.scan.msk.u32 $0xffff, v11;
	_ =	sdelay $0x5  }
0x314: {  	v11, _, _ =	vpop (xrf0)  }
0x315: {  	(v2sf) =	vpush v11, $0xF;
	_ =	sdelay $0xc  }
.Ltmp82:
0x316: {  	_ = 	snop;
	(pc) =	sbr.rel @p0 .LBB2_94-.Ltmp82, $4  }
0x317: {  	_ = 	snop  }
0x318: {  	s6 =	spop (v2sf)  }
0x319: {  	s6 =	sxor.u32 $0x80000000, s6  }
0x31a: {  	v11 =	vmov s6  }
0x31b: {  	s14 =	simm.s32 $0x9D80  }
0x31c: {  	s6 =	simm.s32 $0x9E80;
	p1 =	sne.s32 s30, $0x1;
	v12 =	vld [tilespmem:s14+$0x0]  }
.Ltmp83:
0x31d: {  	v13 =	vld [tilespmem:s6+$0x0];
	(pc) =	sbr.rel @!p1 .LBB2_93-.Ltmp83, $2  }
0x31e: {  	_ =	sdelay $0x2  }
0x31f: {  	s8 =	sadd.s32 $0xFFFFFFFF, s30  }
.LBB2_92:
0x320: {  	p1 =	sne.s32 s8, $0x1;
	_ =	sdelay $0x3  }
0x321: {  	vm1 =	veq.f32 v12, v4;
	vm2 =	veq.s32 v13, v11  }
.Ltmp84:
0x322: {  	vm1 =	vmand vm1, vm2;
	(pc) =	sbr.rel @p1 .LBB2_92-.Ltmp84, $4  }
0x323: {  	v12 =	vsel vm1, $0xFF800000, v12  }
0x324: {  	[tilespmem:s14+$0x0] =	vst v12;
	s14 =	sadd.s32 $0x10, s14  }
0x325: {  	s6 =	sadd.s32 $0x10, s6;
	v12 =	vld [tilespmem:s14+$0x0]  }
0x326: {  	s8 =	sadd.s32 $0xFFFFFFFF, s8;
	v13 =	vld [tilespmem:s6+$0x0]  }
.Ltmp85:
0x327: {  	_ = 	snop;
	(pc) =	sbr.rel .LBB2_93-.Ltmp85, $1  }
0x328: {  	_ =	sdelay $0x3  }
.LBB2_95:
0x329: {  	(v2sf) =	vpush v10, $0xF;
	_ =	sdelay $0xb  }
0x32a: {  	[tilespmem:$0x9D80] =	vst v9  }
0x32b: {  	[tilespmem:$0x9D90] =	vst v6  }
0x32c: {  	[tilespmem:$0x9E80] =	vst v8  }
0x32d: {  	[tilespmem:$0x9E90] =	vst v5;
	s30 =	spop (v2sf)  }
.LBB2_96:
0x32e: {  	v5 =	vld [tilespmem:s26+$0x70];
	_ =	sdelay $0x4  }
0x32f: {  	vm1 =	vge.f32 v5, v4  }
0x330: {  	v6 =	vsel vm1, $0x1, v2  }
0x331: {  	(xrf0) =	vadd.scan.msk.s32 $0xffff, v6;
	_ =	sdelay $0x5  }
0x332: {  	v6, _, _ =	vpop (xrf0)  }
0x333: {  	(v2sf) =	vpush v6, $0xF;
	_ =	sdelay $0xc  }
0x334: {  	p0 =	sgt.s32 s31, $0xF0  }
0x335: {  	s31 =	simm.s32 @p0 $0x20;
	v7 =	vsel vm1, $0xFFFFFFFF, v2  }
0x336: {  	v7 =	vadd.s32 s31, v7;
	s0 =	spop (v2sf)  }
0x337: {  	v6 =	vadd.s32 v6, v7;
	s31 =	sadd.s32 s31, s0  }
0x338: {  	p0 =	slt.s32 s31, $0xF1  }
.Ltmp86:
0x339: {  	_ = 	snop;
	(pc) =	sbr.rel @p0 .LBB2_109-.Ltmp86, $4  }
0x33a: {  	_ = 	snop  }
0x33b: {  	s15 =	sadd.s32 $0x70, s28  }
0x33c: {  	v7 =	vor.u32 s15, v1;
	[tilespmem:v6+s16+$0x0] =	vst.idx.msk vm1, v5  }
0x33d: {  	[tilespmem:v6+s17+$0x0] =	vst.idx.msk vm1, v7  }
0x33e: {  	s0 =	sadd.s32 $0xF, s31  }
0x33f: {  	s3 =	sand.u32 $0xF, s0  }
0x340: {  	s6 =	sshra.s32 s0, $0x1F;
	p0 =	slt.s32 s0, $0x0;
	p1 =	sne.s32 s3, $0x0  }
.Ltmp87:
0x341: {  	s15 =	sshrl.u32 s6, $0x1C;
	p0 =	por !p0, !p1;
	(pc) =	sbr.rel .LBB2_98-.Ltmp87, $4  }
0x342: {  	s3 =	simm.s32 $0x1;
	s0 =	sadd.s32 s15, s0;
	p0 =	por !p0, !p0  }
0x343: {  	s0 =	sshra.s32 s0, $0x4;
	s3 =	simm.s32 @!p0 $0x0  }
0x344: {  	v7 =	vmov s31;
	v6 =	vimm.f32 $-Inf;
	s30 =	ssub.s32 s0, s3  }
0x345: {  	v5 =	vimm.s32 $0x40000000;
	v8 =	vimm.s32 $0x40000000;
	v9 =	vimm.f32 $-Inf;
	s3 =	simm.s32 $0x0;
	s0 =	simm.s32 $0x0;
	p0 =	slt.s32 s30, $0x1  }
.LBB2_106:
0x346: {  	vm1 =	veq.f32 v12, v4;
	vm2 =	veq.s32 v13, v11  }
0x347: {  	vm1 =	vmand vm1, vm2  }
0x348: {  	v63 =	vsel vm1, $0xFF800000, v12  }
0x349: {  	[tilespmem:s14+$0x0] =	vst v63  }
.LBB2_107:
0x34a: {  	p1 =	slt.u32 s0, $0x10;
	vm1 =	vmmov vm0  }
0x34b: {  	s6 =	sand.u32 $0xF, s0;
	vm3 =	vmmov vm0;
	vm1 =	vmneg @p1 vm1;
	p1 =	sgt.u32 s0, $0xF;
	s0 =	sadd.s32 $0x1, s0  }
0x34c: {  	vm3 =	vmneg @p1 vm3;
	p1 =	sne.s32 s0, $0x14  }
.Ltmp88:
0x34d: {  	v12 =	vmov s6;
	(pc) =	sbr.rel @!p1 .LBB2_108-.Ltmp88, $4  }
0x34e: {  	vm2 =	veq.s32 v12, v1  }
0x34f: {  	vm1 =	vmand vm1, vm2  }
0x350: {  	vm2 =	vmand vm3, vm2;
	v9 =	vsel vm1, v4, v9  }
0x351: {  	v8 =	vsel vm1, v11, v8;
	v6 =	vsel vm2, v4, v6;
	v5 =	vsel vm2, v11, v5  }
.LBB2_98:
.Ltmp89:
0x352: {  	(pc) =	sbr.rel @p0 .LBB2_99-.Ltmp89, $1  }
0x353: {  	_ =	sdelay $0x3  }
0x354: {  	s6 =	simm.s32 $0x9D80  }
0x355: {  	s14 =	simm.s32 $0x9E80;
	p1 =	sne.s32 s30, $0x1;
	v10 =	vld [tilespmem:s6+$0x0]  }
.Ltmp90:
0x356: {  	v12 =	vld [tilespmem:s14+$0x0];
	(pc) =	sbr.rel @!p1 .LBB2_102-.Ltmp90, $3  }
0x357: {  	_ =	sdelay $0x1  }
0x358: {  	v4 =	vor.u32 s3, v1  }
0x359: {  	s15 =	sadd.s32 $0xFFFFFFFF, s30;
	v11 =	vimm.s32 $0x40000000;
	s8 =	simm.s32 $0x0;
	vm1 =	vlt.s32 v4, v7;
	s6 =	simm.s32 $0x9D90;
	v4 =	vimm.f32 $-Inf  }
.LBB2_101:
0x35a: {  	v13 =	vnsel vm1, $0xFF800000, v10;
	v10 =	vld [tilespmem:s6+$0x0];
	v14 =	vnsel vm1, $0x40000000, v12;
	s14 =	sadd.s32 $0x10, s14;
	p1 =	sne.s32 s15, $0x1  }
.Ltmp91:
0x35b: {  	s15 =	sadd.s32 $0xFFFFFFFF, s15;
	v12 =	vld [tilespmem:s14+$0x0];
	vm1 =	veq.f32 v13, v4;
	vm2 =	vlt.s32 v14, v11;
	(pc) =	sbr.rel @p1 .LBB2_101-.Ltmp91, $4  }
0x35c: {  	vm3 =	vgt.f32 v13, v4;
	vm1 =	vmand vm1, vm2  }
0x35d: {  	s8 =	sadd.s32 $0x10, s8;
	vm1 =	vmor vm3, vm1  }
0x35e: {  	v15 =	vor.u32 s8, v1;
	v4 =	vsel vm1, v13, v4;
	v11 =	vsel vm1, v14, v11  }
0x35f: {  	s6 =	sadd.s32 $0x10, s6;
	vm1 =	vlt.s32 v15, v7  }
.LBB2_102:
0x360: {  	v10 =	vnsel vm1, $0xFF800000, v10;
	v12 =	vnsel vm1, $0x40000000, v12  }
.Ltmp92:
0x361: {  	vm1 =	veq.f32 v10, v4;
	vm2 =	vlt.s32 v12, v11;
	(pc) =	sbr.rel .LBB2_103-.Ltmp92, $4  }
0x362: {  	vm3 =	vgt.f32 v10, v4;
	vm1 =	vmand vm1, vm2  }
0x363: {  	vm1 =	vmor vm3, vm1  }
0x364: {  	v11 =	vsel vm1, v12, v11  }
0x365: {  	v12 =	vsel vm1, v10, v4;
	v11 =	vxor.u32 $0x80000000, v11  }
.LBB2_99:
0x366: {  	v11 =	vimm.s32 $0xC0000000;
	v12 =	vimm.f32 $-Inf  }
.LBB2_103:
0x367: {  	(xrf0) =	vmax.scan.msk.f32 $0xffff, v12;
	_ =	sdelay $0x5  }
0x368: {  	v10, _, _ =	vpop (xrf0)  }
0x369: {  	v4 =	vbroadcast v10, $0xF;
	_ =	sdelay $0x1  }
0x36a: {  	vm1 =	veq.f32 v12, v4  }
0x36b: {  	v11 =	vnsel vm1, $0xC0000000, v11  }
0x36c: {  	(xrf0) =	vmin.scan.msk.u32 $0xffff, v11;
	_ =	sdelay $0x5  }
0x36d: {  	v11, _, _ =	vpop (xrf0)  }
0x36e: {  	(v2sf) =	vpush v11, $0xF;
	_ =	sdelay $0xc  }
.Ltmp93:
0x36f: {  	_ = 	snop;
	(pc) =	sbr.rel @p0 .LBB2_107-.Ltmp93, $4  }
0x370: {  	_ = 	snop  }
0x371: {  	s6 =	spop (v2sf)  }
0x372: {  	s6 =	sxor.u32 $0x80000000, s6  }
0x373: {  	v11 =	vmov s6  }
0x374: {  	s14 =	simm.s32 $0x9D80  }
0x375: {  	s6 =	simm.s32 $0x9E80;
	p1 =	sne.s32 s30, $0x1;
	v12 =	vld [tilespmem:s14+$0x0]  }
.Ltmp94:
0x376: {  	v13 =	vld [tilespmem:s6+$0x0];
	(pc) =	sbr.rel @!p1 .LBB2_106-.Ltmp94, $2  }
0x377: {  	_ =	sdelay $0x2  }
0x378: {  	s8 =	sadd.s32 $0xFFFFFFFF, s30  }
.LBB2_105:
0x379: {  	p1 =	sne.s32 s8, $0x1;
	_ =	sdelay $0x3  }
0x37a: {  	vm1 =	veq.f32 v12, v4;
	vm2 =	veq.s32 v13, v11  }
.Ltmp95:
0x37b: {  	vm1 =	vmand vm1, vm2;
	(pc) =	sbr.rel @p1 .LBB2_105-.Ltmp95, $4  }
0x37c: {  	v12 =	vsel vm1, $0xFF800000, v12  }
0x37d: {  	[tilespmem:s14+$0x0] =	vst v12;
	s14 =	sadd.s32 $0x10, s14  }
0x37e: {  	s6 =	sadd.s32 $0x10, s6;
	v12 =	vld [tilespmem:s14+$0x0]  }
0x37f: {  	s8 =	sadd.s32 $0xFFFFFFFF, s8;
	v13 =	vld [tilespmem:s6+$0x0]  }
.Ltmp96:
0x380: {  	_ = 	snop;
	(pc) =	sbr.rel .LBB2_106-.Ltmp96, $1  }
0x381: {  	_ =	sdelay $0x3  }
.LBB2_108:
0x382: {  	(v2sf) =	vpush v10, $0xF;
	_ =	sdelay $0xb  }
0x383: {  	[tilespmem:$0x9D80] =	vst v9  }
0x384: {  	[tilespmem:$0x9D90] =	vst v6  }
0x385: {  	[tilespmem:$0x9E80] =	vst v8  }
0x386: {  	[tilespmem:$0x9E90] =	vst v5;
	s30 =	spop (v2sf)  }
.LBB2_109:
0x387: {  	v5 =	vld [tilespmem:s29+$0x80];
	_ =	sdelay $0x4  }
0x388: {  	vm1 =	vge.f32 v5, v4  }
0x389: {  	v6 =	vsel vm1, $0x1, v2  }
0x38a: {  	(xrf0) =	vadd.scan.msk.s32 $0xffff, v6;
	_ =	sdelay $0x5  }
0x38b: {  	v6, _, _ =	vpop (xrf0)  }
0x38c: {  	(v2sf) =	vpush v6, $0xF;
	_ =	sdelay $0xc  }
0x38d: {  	p0 =	sgt.s32 s31, $0xF0  }
0x38e: {  	s31 =	simm.s32 @p0 $0x20;
	v7 =	vsel vm1, $0xFFFFFFFF, v2  }
0x38f: {  	v7 =	vadd.s32 s31, v7;
	s0 =	spop (v2sf)  }
0x390: {  	v6 =	vadd.s32 v6, v7;
	s29 =	sadd.s32 s31, s0  }
0x391: {  	p0 =	slt.s32 s29, $0xF1  }
.Ltmp97:
0x392: {  	_ = 	snop;
	(pc) =	sbr.rel @p0 .LBB2_122-.Ltmp97, $4  }
0x393: {  	_ = 	snop  }
0x394: {  	s31 =	sadd.s32 $0x80, s28  }
0x395: {  	[tilespmem:v6+s16+$0x0] =	vst.idx.msk vm1, v5;
	v7 =	vor.u32 s31, v1  }
0x396: {  	[tilespmem:v6+s17+$0x0] =	vst.idx.msk vm1, v7  }
0x397: {  	s0 =	sadd.s32 $0xF, s29  }
0x398: {  	s3 =	sand.u32 $0xF, s0  }
0x399: {  	s6 =	sshra.s32 s0, $0x1F;
	p0 =	slt.s32 s0, $0x0;
	p1 =	sne.s32 s3, $0x0  }
.Ltmp98:
0x39a: {  	s31 =	sshrl.u32 s6, $0x1C;
	p0 =	por !p0, !p1;
	(pc) =	sbr.rel .LBB2_111-.Ltmp98, $4  }
0x39b: {  	s3 =	simm.s32 $0x1;
	s0 =	sadd.s32 s31, s0;
	p0 =	por !p0, !p0  }
0x39c: {  	s0 =	sshra.s32 s0, $0x4;
	s3 =	simm.s32 @!p0 $0x0  }
0x39d: {  	v7 =	vmov s29;
	v6 =	vimm.f32 $-Inf;
	s30 =	ssub.s32 s0, s3  }
0x39e: {  	v5 =	vimm.s32 $0x40000000;
	v8 =	vimm.s32 $0x40000000;
	v9 =	vimm.f32 $-Inf;
	s3 =	simm.s32 $0x0;
	s0 =	simm.s32 $0x0;
	p0 =	slt.s32 s30, $0x1  }
.LBB2_119:
0x39f: {  	vm1 =	veq.f32 v12, v4;
	vm2 =	veq.s32 v13, v11  }
0x3a0: {  	vm1 =	vmand vm1, vm2  }
0x3a1: {  	v63 =	vsel vm1, $0xFF800000, v12  }
0x3a2: {  	[tilespmem:s14+$0x0] =	vst v63  }
.LBB2_120:
0x3a3: {  	p1 =	slt.u32 s0, $0x10;
	vm1 =	vmmov vm0  }
0x3a4: {  	s6 =	sand.u32 $0xF, s0;
	vm3 =	vmmov vm0;
	vm1 =	vmneg @p1 vm1;
	p1 =	sgt.u32 s0, $0xF;
	s0 =	sadd.s32 $0x1, s0  }
0x3a5: {  	vm3 =	vmneg @p1 vm3;
	p1 =	sne.s32 s0, $0x14  }
.Ltmp99:
0x3a6: {  	v12 =	vmov s6;
	(pc) =	sbr.rel @!p1 .LBB2_121-.Ltmp99, $4  }
0x3a7: {  	vm2 =	veq.s32 v12, v1  }
0x3a8: {  	vm1 =	vmand vm1, vm2  }
0x3a9: {  	vm2 =	vmand vm3, vm2;
	v9 =	vsel vm1, v4, v9  }
0x3aa: {  	v8 =	vsel vm1, v11, v8;
	v6 =	vsel vm2, v4, v6;
	v5 =	vsel vm2, v11, v5  }
.LBB2_111:
.Ltmp100:
0x3ab: {  	(pc) =	sbr.rel @p0 .LBB2_112-.Ltmp100, $1  }
0x3ac: {  	_ =	sdelay $0x3  }
0x3ad: {  	s6 =	simm.s32 $0x9D80  }
0x3ae: {  	s14 =	simm.s32 $0x9E80;
	p1 =	sne.s32 s30, $0x1;
	v10 =	vld [tilespmem:s6+$0x0]  }
.Ltmp101:
0x3af: {  	v12 =	vld [tilespmem:s14+$0x0];
	(pc) =	sbr.rel @!p1 .LBB2_115-.Ltmp101, $3  }
0x3b0: {  	_ =	sdelay $0x1  }
0x3b1: {  	v4 =	vor.u32 s3, v1  }
0x3b2: {  	s15 =	sadd.s32 $0xFFFFFFFF, s30;
	v11 =	vimm.s32 $0x40000000;
	s8 =	simm.s32 $0x0;
	vm1 =	vlt.s32 v4, v7;
	s6 =	simm.s32 $0x9D90;
	v4 =	vimm.f32 $-Inf  }
.LBB2_114:
0x3b3: {  	v13 =	vnsel vm1, $0xFF800000, v10;
	v10 =	vld [tilespmem:s6+$0x0];
	v14 =	vnsel vm1, $0x40000000, v12;
	s14 =	sadd.s32 $0x10, s14;
	p1 =	sne.s32 s15, $0x1  }
.Ltmp102:
0x3b4: {  	s15 =	sadd.s32 $0xFFFFFFFF, s15;
	v12 =	vld [tilespmem:s14+$0x0];
	vm1 =	veq.f32 v13, v4;
	vm2 =	vlt.s32 v14, v11;
	(pc) =	sbr.rel @p1 .LBB2_114-.Ltmp102, $4  }
0x3b5: {  	vm3 =	vgt.f32 v13, v4;
	vm1 =	vmand vm1, vm2  }
0x3b6: {  	s8 =	sadd.s32 $0x10, s8;
	vm1 =	vmor vm3, vm1  }
0x3b7: {  	v15 =	vor.u32 s8, v1;
	v4 =	vsel vm1, v13, v4;
	v11 =	vsel vm1, v14, v11  }
0x3b8: {  	s6 =	sadd.s32 $0x10, s6;
	vm1 =	vlt.s32 v15, v7  }
.LBB2_115:
0x3b9: {  	v10 =	vnsel vm1, $0xFF800000, v10;
	v12 =	vnsel vm1, $0x40000000, v12  }
.Ltmp103:
0x3ba: {  	vm1 =	veq.f32 v10, v4;
	vm2 =	vlt.s32 v12, v11;
	(pc) =	sbr.rel .LBB2_116-.Ltmp103, $4  }
0x3bb: {  	vm3 =	vgt.f32 v10, v4;
	vm1 =	vmand vm1, vm2  }
0x3bc: {  	vm1 =	vmor vm3, vm1  }
0x3bd: {  	v11 =	vsel vm1, v12, v11  }
0x3be: {  	v12 =	vsel vm1, v10, v4;
	v11 =	vxor.u32 $0x80000000, v11  }
.LBB2_112:
0x3bf: {  	v11 =	vimm.s32 $0xC0000000;
	v12 =	vimm.f32 $-Inf  }
.LBB2_116:
0x3c0: {  	(xrf0) =	vmax.scan.msk.f32 $0xffff, v12;
	_ =	sdelay $0x5  }
0x3c1: {  	v10, _, _ =	vpop (xrf0)  }
0x3c2: {  	v4 =	vbroadcast v10, $0xF;
	_ =	sdelay $0x1  }
0x3c3: {  	vm1 =	veq.f32 v12, v4  }
0x3c4: {  	v11 =	vnsel vm1, $0xC0000000, v11  }
0x3c5: {  	(xrf0) =	vmin.scan.msk.u32 $0xffff, v11;
	_ =	sdelay $0x5  }
0x3c6: {  	v11, _, _ =	vpop (xrf0)  }
0x3c7: {  	(v2sf) =	vpush v11, $0xF;
	_ =	sdelay $0xc  }
.Ltmp104:
0x3c8: {  	_ = 	snop;
	(pc) =	sbr.rel @p0 .LBB2_120-.Ltmp104, $4  }
0x3c9: {  	_ = 	snop  }
0x3ca: {  	s6 =	spop (v2sf)  }
0x3cb: {  	s6 =	sxor.u32 $0x80000000, s6  }
0x3cc: {  	v11 =	vmov s6  }
0x3cd: {  	s14 =	simm.s32 $0x9D80  }
0x3ce: {  	s6 =	simm.s32 $0x9E80;
	p1 =	sne.s32 s30, $0x1;
	v12 =	vld [tilespmem:s14+$0x0]  }
.Ltmp105:
0x3cf: {  	v13 =	vld [tilespmem:s6+$0x0];
	(pc) =	sbr.rel @!p1 .LBB2_119-.Ltmp105, $2  }
0x3d0: {  	_ =	sdelay $0x2  }
0x3d1: {  	s8 =	sadd.s32 $0xFFFFFFFF, s30  }
.LBB2_118:
0x3d2: {  	p1 =	sne.s32 s8, $0x1;
	_ =	sdelay $0x3  }
0x3d3: {  	vm1 =	veq.f32 v12, v4;
	vm2 =	veq.s32 v13, v11  }
.Ltmp106:
0x3d4: {  	vm1 =	vmand vm1, vm2;
	(pc) =	sbr.rel @p1 .LBB2_118-.Ltmp106, $4  }
0x3d5: {  	v12 =	vsel vm1, $0xFF800000, v12  }
0x3d6: {  	[tilespmem:s14+$0x0] =	vst v12;
	s14 =	sadd.s32 $0x10, s14  }
0x3d7: {  	s6 =	sadd.s32 $0x10, s6;
	v12 =	vld [tilespmem:s14+$0x0]  }
0x3d8: {  	s8 =	sadd.s32 $0xFFFFFFFF, s8;
	v13 =	vld [tilespmem:s6+$0x0]  }
.Ltmp107:
0x3d9: {  	_ = 	snop;
	(pc) =	sbr.rel .LBB2_119-.Ltmp107, $1  }
0x3da: {  	_ =	sdelay $0x3  }
.LBB2_121:
0x3db: {  	(v2sf) =	vpush v10, $0xF;
	_ =	sdelay $0xb  }
0x3dc: {  	[tilespmem:$0x9D80] =	vst v9  }
0x3dd: {  	[tilespmem:$0x9D90] =	vst v6  }
0x3de: {  	[tilespmem:$0x9E80] =	vst v8  }
0x3df: {  	[tilespmem:$0x9E90] =	vst v5;
	s30 =	spop (v2sf)  }
.LBB2_122:
0x3e0: {  	v5 =	vld [tilespmem:s26+$0x90];
	_ =	sdelay $0x4  }
0x3e1: {  	vm1 =	vge.f32 v5, v4  }
0x3e2: {  	v6 =	vsel vm1, $0x1, v2  }
0x3e3: {  	(xrf0) =	vadd.scan.msk.s32 $0xffff, v6;
	_ =	sdelay $0x5  }
0x3e4: {  	v6, _, _ =	vpop (xrf0)  }
0x3e5: {  	(v2sf) =	vpush v6, $0xF;
	_ =	sdelay $0xc  }
0x3e6: {  	p0 =	sgt.s32 s29, $0xF0  }
0x3e7: {  	s29 =	simm.s32 @p0 $0x20;
	v7 =	vsel vm1, $0xFFFFFFFF, v2  }
0x3e8: {  	v7 =	vadd.s32 s29, v7;
	s0 =	spop (v2sf)  }
0x3e9: {  	v6 =	vadd.s32 v6, v7;
	s0 =	sadd.s32 s29, s0  }
0x3ea: {  	p0 =	slt.s32 s0, $0xF1  }
.Ltmp108:
0x3eb: {  	_ = 	snop;
	(pc) =	sbr.rel @p0 .LBB2_123-.Ltmp108, $4  }
0x3ec: {  	_ = 	snop  }
0x3ed: {  	s3 =	sadd.s32 $0x90, s28  }
0x3ee: {  	v7 =	vor.u32 s3, v1;
	[tilespmem:v6+s16+$0x0] =	vst.idx.msk vm1, v5  }
0x3ef: {  	[tilespmem:v6+s17+$0x0] =	vst.idx.msk vm1, v7  }
0x3f0: {  	s3 =	sadd.s32 $0xF, s0  }
0x3f1: {  	s6 =	sand.u32 $0xF, s3  }
0x3f2: {  	s8 =	sshra.s32 s3, $0x1F;
	p0 =	slt.s32 s3, $0x0;
	p1 =	sne.s32 s6, $0x0  }
.Ltmp109:
0x3f3: {  	s30 =	sshrl.u32 s8, $0x1C;
	p0 =	por !p0, !p1;
	(pc) =	sbr.rel .LBB2_125-.Ltmp109, $4  }
0x3f4: {  	s6 =	simm.s32 $0x1;
	s3 =	sadd.s32 s30, s3;
	p0 =	por !p0, !p0  }
0x3f5: {  	s31 =	smov.u32 s0;
	s3 =	sshra.s32 s3, $0x4;
	s6 =	simm.s32 @!p0 $0x0  }
0x3f6: {  	v7 =	vmov s0;
	v6 =	vimm.f32 $-Inf;
	p1 =	sgt.s32 s0, $0xF0;
	s0 =	simm.s32 $0x0;
	s26 =	ssub.s32 s3, s6  }
0x3f7: {  	v5 =	vimm.s32 $0x40000000;
	v8 =	vimm.s32 $0x40000000;
	v9 =	vimm.f32 $-Inf;
	s31 =	simm.s32 @p1 $0x20;
	s3 =	simm.s32 $0x0;
	p0 =	slt.s32 s26, $0x1  }
.LBB2_133:
0x3f8: {  	vm1 =	veq.f32 v12, v4;
	vm2 =	veq.s32 v13, v11  }
0x3f9: {  	vm1 =	vmand vm1, vm2  }
0x3fa: {  	v63 =	vsel vm1, $0xFF800000, v12  }
0x3fb: {  	[tilespmem:s14+$0x0] =	vst v63  }
.LBB2_134:
0x3fc: {  	p1 =	slt.u32 s0, $0x10;
	vm1 =	vmmov vm0  }
0x3fd: {  	s6 =	sand.u32 $0xF, s0;
	vm3 =	vmmov vm0;
	vm1 =	vmneg @p1 vm1;
	p1 =	sgt.u32 s0, $0xF;
	s0 =	sadd.s32 $0x1, s0  }
0x3fe: {  	vm3 =	vmneg @p1 vm3;
	p1 =	sne.s32 s0, $0x14  }
.Ltmp110:
0x3ff: {  	v12 =	vmov s6;
	(pc) =	sbr.rel @!p1 .LBB2_135-.Ltmp110, $4  }
0x400: {  	vm2 =	veq.s32 v12, v1  }
0x401: {  	vm1 =	vmand vm1, vm2  }
0x402: {  	vm2 =	vmand vm3, vm2;
	v9 =	vsel vm1, v4, v9  }
0x403: {  	v8 =	vsel vm1, v11, v8;
	v6 =	vsel vm2, v4, v6;
	v5 =	vsel vm2, v11, v5  }
.LBB2_125:
.Ltmp111:
0x404: {  	(pc) =	sbr.rel @p0 .LBB2_126-.Ltmp111, $1  }
0x405: {  	_ =	sdelay $0x3  }
0x406: {  	s6 =	simm.s32 $0x9D80  }
0x407: {  	s14 =	simm.s32 $0x9E80;
	p1 =	sne.s32 s26, $0x1;
	v10 =	vld [tilespmem:s6+$0x0]  }
.Ltmp112:
0x408: {  	v12 =	vld [tilespmem:s14+$0x0];
	(pc) =	sbr.rel @!p1 .LBB2_129-.Ltmp112, $3  }
0x409: {  	_ =	sdelay $0x1  }
0x40a: {  	v4 =	vor.u32 s3, v1  }
0x40b: {  	s15 =	sadd.s32 $0xFFFFFFFF, s26;
	v11 =	vimm.s32 $0x40000000;
	s8 =	simm.s32 $0x0;
	vm1 =	vlt.s32 v4, v7;
	s6 =	simm.s32 $0x9D90;
	v4 =	vimm.f32 $-Inf  }
.LBB2_128:
0x40c: {  	v13 =	vnsel vm1, $0xFF800000, v10;
	v10 =	vld [tilespmem:s6+$0x0];
	v14 =	vnsel vm1, $0x40000000, v12;
	s14 =	sadd.s32 $0x10, s14;
	p1 =	sne.s32 s15, $0x1  }
.Ltmp113:
0x40d: {  	s15 =	sadd.s32 $0xFFFFFFFF, s15;
	v12 =	vld [tilespmem:s14+$0x0];
	vm1 =	veq.f32 v13, v4;
	vm2 =	vlt.s32 v14, v11;
	(pc) =	sbr.rel @p1 .LBB2_128-.Ltmp113, $4  }
0x40e: {  	vm3 =	vgt.f32 v13, v4;
	vm1 =	vmand vm1, vm2  }
0x40f: {  	s8 =	sadd.s32 $0x10, s8;
	vm1 =	vmor vm3, vm1  }
0x410: {  	v15 =	vor.u32 s8, v1;
	v4 =	vsel vm1, v13, v4;
	v11 =	vsel vm1, v14, v11  }
0x411: {  	s6 =	sadd.s32 $0x10, s6;
	vm1 =	vlt.s32 v15, v7  }
.LBB2_129:
0x412: {  	v10 =	vnsel vm1, $0xFF800000, v10;
	v12 =	vnsel vm1, $0x40000000, v12  }
.Ltmp114:
0x413: {  	vm1 =	veq.f32 v10, v4;
	vm2 =	vlt.s32 v12, v11;
	(pc) =	sbr.rel .LBB2_130-.Ltmp114, $4  }
0x414: {  	vm3 =	vgt.f32 v10, v4;
	vm1 =	vmand vm1, vm2  }
0x415: {  	vm1 =	vmor vm3, vm1  }
0x416: {  	v11 =	vsel vm1, v12, v11  }
0x417: {  	v12 =	vsel vm1, v10, v4;
	v11 =	vxor.u32 $0x80000000, v11  }
.LBB2_126:
0x418: {  	v11 =	vimm.s32 $0xC0000000;
	v12 =	vimm.f32 $-Inf  }
.LBB2_130:
0x419: {  	(xrf0) =	vmax.scan.msk.f32 $0xffff, v12;
	_ =	sdelay $0x5  }
0x41a: {  	v10, _, _ =	vpop (xrf0)  }
0x41b: {  	v4 =	vbroadcast v10, $0xF;
	_ =	sdelay $0x1  }
0x41c: {  	vm1 =	veq.f32 v12, v4  }
0x41d: {  	v11 =	vnsel vm1, $0xC0000000, v11  }
0x41e: {  	(xrf0) =	vmin.scan.msk.u32 $0xffff, v11;
	_ =	sdelay $0x5  }
0x41f: {  	v11, _, _ =	vpop (xrf0)  }
0x420: {  	(v2sf) =	vpush v11, $0xF;
	_ =	sdelay $0xc  }
.Ltmp115:
0x421: {  	_ = 	snop;
	(pc) =	sbr.rel @p0 .LBB2_134-.Ltmp115, $4  }
0x422: {  	_ = 	snop  }
0x423: {  	s6 =	spop (v2sf)  }
0x424: {  	s6 =	sxor.u32 $0x80000000, s6  }
0x425: {  	v11 =	vmov s6  }
0x426: {  	s14 =	simm.s32 $0x9D80  }
0x427: {  	s6 =	simm.s32 $0x9E80;
	p1 =	sne.s32 s26, $0x1;
	v12 =	vld [tilespmem:s14+$0x0]  }
.Ltmp116:
0x428: {  	v13 =	vld [tilespmem:s6+$0x0];
	(pc) =	sbr.rel @!p1 .LBB2_133-.Ltmp116, $2  }
0x429: {  	_ =	sdelay $0x2  }
0x42a: {  	s8 =	sadd.s32 $0xFFFFFFFF, s26  }
.LBB2_132:
0x42b: {  	p1 =	sne.s32 s8, $0x1;
	_ =	sdelay $0x3  }
0x42c: {  	vm1 =	veq.f32 v12, v4;
	vm2 =	veq.s32 v13, v11  }
.Ltmp117:
0x42d: {  	vm1 =	vmand vm1, vm2;
	(pc) =	sbr.rel @p1 .LBB2_132-.Ltmp117, $4  }
0x42e: {  	v12 =	vsel vm1, $0xFF800000, v12  }
0x42f: {  	[tilespmem:s14+$0x0] =	vst v12;
	s14 =	sadd.s32 $0x10, s14  }
0x430: {  	s6 =	sadd.s32 $0x10, s6;
	v12 =	vld [tilespmem:s14+$0x0]  }
0x431: {  	s8 =	sadd.s32 $0xFFFFFFFF, s8;
	v13 =	vld [tilespmem:s6+$0x0]  }
.Ltmp118:
0x432: {  	_ = 	snop;
	(pc) =	sbr.rel .LBB2_133-.Ltmp118, $1  }
0x433: {  	_ =	sdelay $0x3  }
.LBB2_123:
.Ltmp119:
0x434: {  	(pc) =	sbr.rel .LBB2_136-.Ltmp119, $2  }
0x435: {  	_ =	sdelay $0x2  }
0x436: {  	s31 =	smov.u32 s0  }
.LBB2_138:
0x437: {  	s0 =	sadd.s32 $0xF, s31  }
0x438: {  	s3 =	sand.u32 $0xF, s0  }
0x439: {  	s30 =	sshra.s32 s0, $0x1F;
	p1 =	slt.s32 s0, $0x1;
	p0 =	sne.s32 s3, $0x0  }
.Ltmp120:
0x43a: {  	s3 =	sshrl.u32 s30, $0x1C;
	p0 =	por !p1, !p0;
	(pc) =	sbr.rel .LBB2_139-.Ltmp120, $4  }
0x43b: {  	s0 =	sadd.s32 s3, s0;
	s3 =	simm.s32 $0x1;
	p0 =	por !p0, !p0  }
0x43c: {  	s0 =	sshra.s32 s0, $0x4;
	s3 =	simm.s32 @!p0 $0x0  }
0x43d: {  	v5 =	vmov s31;
	v4 =	vimm.f32 $-Inf;
	s20 =	ssub.s32 s0, s3  }
0x43e: {  	v3 =	vimm.s32 $0x40000000;
	v6 =	vimm.s32 $0x40000000;
	v7 =	vimm.f32 $-Inf;
	s3 =	simm.s32 $0x0;
	s0 =	simm.s32 $0x0;
	p0 =	slt.s32 s20, $0x1  }
.LBB2_147:
0x43f: {  	vm1 =	veq.f32 v10, v8;
	vm2 =	veq.s32 v11, v9  }
0x440: {  	vm1 =	vmand vm1, vm2  }
0x441: {  	v10 =	vsel vm1, $0xFF800000, v10  }
0x442: {  	[tilespmem:s14+$0x0] =	vst v10  }
.LBB2_148:
0x443: {  	p1 =	slt.u32 s0, $0x10;
	vm1 =	vmmov vm0  }
0x444: {  	s6 =	sand.u32 $0xF, s0;
	vm3 =	vmmov vm0;
	vm1 =	vmneg @p1 vm1;
	p1 =	sgt.u32 s0, $0xF;
	s0 =	sadd.s32 $0x1, s0  }
0x445: {  	vm3 =	vmneg @p1 vm3;
	p1 =	sne.s32 s0, $0x14  }
.Ltmp121:
0x446: {  	v10 =	vmov s6;
	(pc) =	sbr.rel @!p1 .LBB2_149-.Ltmp121, $4  }
0x447: {  	vm2 =	veq.s32 v10, v1  }
0x448: {  	vm1 =	vmand vm1, vm2  }
0x449: {  	vm2 =	vmand vm3, vm2;
	v7 =	vsel vm1, v8, v7  }
0x44a: {  	v6 =	vsel vm1, v9, v6;
	v4 =	vsel vm2, v8, v4;
	v3 =	vsel vm2, v9, v3  }
.LBB2_139:
.Ltmp122:
0x44b: {  	(pc) =	sbr.rel @p0 .LBB2_140-.Ltmp122, $1  }
0x44c: {  	_ =	sdelay $0x3  }
0x44d: {  	s6 =	simm.s32 $0x9D80  }
0x44e: {  	s14 =	simm.s32 $0x9E80;
	p1 =	sne.s32 s20, $0x1;
	v9 =	vld [tilespmem:s6+$0x0]  }
.Ltmp123:
0x44f: {  	v11 =	vld [tilespmem:s14+$0x0];
	(pc) =	sbr.rel @!p1 .LBB2_143-.Ltmp123, $3  }
0x450: {  	_ =	sdelay $0x1  }
0x451: {  	v8 =	vor.u32 s3, v1  }
0x452: {  	s15 =	sadd.s32 $0xFFFFFFFF, s20;
	v10 =	vimm.s32 $0x40000000;
	s8 =	simm.s32 $0x0;
	vm1 =	vlt.s32 v8, v5;
	s6 =	simm.s32 $0x9D90;
	v8 =	vimm.f32 $-Inf  }
.LBB2_142:
0x453: {  	v12 =	vnsel vm1, $0xFF800000, v9;
	v9 =	vld [tilespmem:s6+$0x0];
	v13 =	vnsel vm1, $0x40000000, v11;
	s14 =	sadd.s32 $0x10, s14;
	p1 =	sne.s32 s15, $0x1  }
.Ltmp124:
0x454: {  	s15 =	sadd.s32 $0xFFFFFFFF, s15;
	v11 =	vld [tilespmem:s14+$0x0];
	vm1 =	veq.f32 v12, v8;
	vm2 =	vlt.s32 v13, v10;
	(pc) =	sbr.rel @p1 .LBB2_142-.Ltmp124, $4  }
0x455: {  	vm3 =	vgt.f32 v12, v8;
	vm1 =	vmand vm1, vm2  }
0x456: {  	s8 =	sadd.s32 $0x10, s8;
	vm1 =	vmor vm3, vm1  }
0x457: {  	v14 =	vor.u32 s8, v1;
	v8 =	vsel vm1, v12, v8;
	v10 =	vsel vm1, v13, v10  }
0x458: {  	s6 =	sadd.s32 $0x10, s6;
	vm1 =	vlt.s32 v14, v5  }
.LBB2_143:
0x459: {  	v9 =	vnsel vm1, $0xFF800000, v9;
	v11 =	vnsel vm1, $0x40000000, v11  }
.Ltmp125:
0x45a: {  	vm1 =	veq.f32 v9, v8;
	vm2 =	vlt.s32 v11, v10;
	(pc) =	sbr.rel .LBB2_144-.Ltmp125, $4  }
0x45b: {  	vm3 =	vgt.f32 v9, v8;
	vm1 =	vmand vm1, vm2  }
0x45c: {  	vm1 =	vmor vm3, vm1  }
0x45d: {  	v11 =	vsel vm1, v11, v10  }
0x45e: {  	v10 =	vsel vm1, v9, v8;
	v9 =	vxor.u32 $0x80000000, v11  }
.LBB2_140:
0x45f: {  	v9 =	vimm.s32 $0xC0000000;
	v10 =	vimm.f32 $-Inf  }
.LBB2_144:
0x460: {  	(xrf0) =	vmax.scan.msk.f32 $0xffff, v10;
	_ =	sdelay $0x5  }
0x461: {  	v8, _, _ =	vpop (xrf0)  }
0x462: {  	v8 =	vbroadcast v8, $0xF;
	_ =	sdelay $0x1  }
0x463: {  	vm1 =	veq.f32 v10, v8  }
0x464: {  	v9 =	vnsel vm1, $0xC0000000, v9  }
0x465: {  	(xrf0) =	vmin.scan.msk.u32 $0xffff, v9;
	_ =	sdelay $0x5  }
0x466: {  	v9, _, _ =	vpop (xrf0)  }
0x467: {  	(v2sf) =	vpush v9, $0xF;
	_ =	sdelay $0xc  }
.Ltmp126:
0x468: {  	_ = 	snop;
	(pc) =	sbr.rel @p0 .LBB2_148-.Ltmp126, $4  }
0x469: {  	_ = 	snop  }
0x46a: {  	s6 =	spop (v2sf)  }
0x46b: {  	s6 =	sxor.u32 $0x80000000, s6  }
0x46c: {  	v9 =	vmov s6  }
0x46d: {  	s14 =	simm.s32 $0x9D80  }
0x46e: {  	s6 =	simm.s32 $0x9E80;
	p1 =	sne.s32 s20, $0x1;
	v10 =	vld [tilespmem:s14+$0x0]  }
.Ltmp127:
0x46f: {  	v11 =	vld [tilespmem:s6+$0x0];
	(pc) =	sbr.rel @!p1 .LBB2_147-.Ltmp127, $2  }
0x470: {  	_ =	sdelay $0x2  }
0x471: {  	s8 =	sadd.s32 $0xFFFFFFFF, s20  }
.LBB2_146:
0x472: {  	p1 =	sne.s32 s8, $0x1;
	_ =	sdelay $0x3  }
0x473: {  	vm1 =	veq.f32 v10, v8;
	vm2 =	veq.s32 v11, v9  }
.Ltmp128:
0x474: {  	vm1 =	vmand vm1, vm2;
	(pc) =	sbr.rel @p1 .LBB2_146-.Ltmp128, $4  }
0x475: {  	v10 =	vsel vm1, $0xFF800000, v10  }
0x476: {  	[tilespmem:s14+$0x0] =	vst v10;
	s14 =	sadd.s32 $0x10, s14  }
0x477: {  	s6 =	sadd.s32 $0x10, s6;
	v10 =	vld [tilespmem:s14+$0x0]  }
0x478: {  	s8 =	sadd.s32 $0xFFFFFFFF, s8;
	v11 =	vld [tilespmem:s6+$0x0]  }
.Ltmp129:
0x479: {  	_ = 	snop;
	(pc) =	sbr.rel .LBB2_147-.Ltmp129, $1  }
0x47a: {  	_ =	sdelay $0x3  }
.LBB2_151:
0x47b: {  	_ =	sfence.sel $0x180000  }
0x47c: {  	[bflag:$0x0] =	sbarrier.arrive $0xFFFF  }
0x47d: {  	_ =	strace $0x90000047  }
0x47e: {  	s0 =	stileid.u32;
	[bflag:$0x2] =	sbarrier.arrive $0xFFFF  }
0x47f: {  	p0 =	sne.s32 s0, $0x0;
	s0 =	rddreg [dreg:$0x4]  }
0x480: {  	s0 =	sadd.s32 @!p0 $0x100000, s0  }
0x481: {  	[sflag:s0] =	ssyncadd.tile.s32 @!p0 $0x1;
	_ =	shalt  }
.Lfunc_end2:
_tile_overlayer_lowered:
.L_overlay_start_2:
0x482: {  	(tag) =	ssettag $0x2  }
0x483: {  	s0 =	rddreg [dreg:$0x0];
	s2 =	stileid.u32  }
0x484: {  	s1 =	rddreg [dreg:$0x1];
	p0 =	sne.s32 s2, $0x0  }
0x485: {  	s3 =	rddreg [dreg:$0x2];
	[bflag:$0x3] =	sbarrier.arrive $0xFFFF;
	s2 =	simm.s32 @!p0 $0x1C02  }
0x486: {  	[timem:s3], [sflag:s2] =	dma.local @!p0 [hbm:s0], s1  }
0x487: {  	s0 =	simm.s32 @!p0 $0x2  }
0x488: {  	_ =	swait.ge @!p0 [sflag:s0], s1  }
0x489: {  	s1 =	ssub.s32 @!p0 $0x0, s1;
	[sflag:s0] =	ssyncset.done @!p0 $0x0  }
0x48a: {  	[sflag:s0] =	ssyncadd.s32 @!p0 s1  }
0x48b: {  	[bflag:$0x3] =	sbarrier.arrive $0xFFFF  }
0x48c: {  	_ =	shalt  }

</sc_bundles>
